<compile_context>
chip_gen: v7x
topology: tpu7x:2x2x1
jax: 0.10.2.dev20260603
libtpu: 0.0.44.dev20260713+nightly
codegen_flags: <defaults>
</compile_context>

<pallas_src>
import functools

import jax
import jax.numpy as jnp
from jax import lax
from jax.experimental import pallas as pl
from jax.experimental.pallas import tpu as pltpu
from jax.experimental.pallas import tpu_sc as plsc

D_EMBED = 64
NUM_CORES = 2
NUM_SUBCORES = 16
NUM_WORKERS = NUM_CORES * NUM_SUBCORES
NB = 8
NBUF = 4
SKEW = 2
HIST_PAD = 56
LANE_PAD = 128


@functools.partial(jax.jit, static_argnums=(2, 3))
def _gather(inp, table, batch, hist):
    rows_per_w = batch // NUM_WORKERS
    n_chunks = rows_per_w // NB
    n_groups = n_chunks // NBUF
    mesh = plsc.VectorSubcoreMesh(core_axis_name="c", subcore_axis_name="s")

    @functools.partial(
        pl.kernel,
        mesh=mesh,
        compiler_params=pltpu.CompilerParams(use_tc_tiling_on_sc=False),
        out_type=jax.ShapeDtypeStruct((batch, HIST_PAD, LANE_PAD), jnp.float32),
        scratch_types=(
            [pltpu.VMEM((NB, hist), jnp.int32) for _ in range(NBUF)]
            + [pltpu.VMEM((NB, hist, D_EMBED), jnp.float32) for _ in range(NBUF)]
            + [pltpu.SemaphoreType.DMA for _ in range(3 * NBUF)]
        ),
    )
    def k(idx_hbm, table_hbm, out_hbm, *bufs):
        idx_v = bufs[:NBUF]
        rows_v = bufs[NBUF : 2 * NBUF]
        si = bufs[2 * NBUF : 3 * NBUF]
        sg = bufs[3 * NBUF : 4 * NBUF]
        ss = bufs[4 * NBUF : 5 * NBUF]
        wid = lax.axis_index("s") * NUM_CORES + lax.axis_index("c")
        base = wid * rows_per_w

        def idx_copy(i, b):
            return pltpu.make_async_copy(
                idx_hbm.at[pl.ds(base + i * NB, NB)], idx_v[b], si[b]
            )

        def gather_copies(i, b):
            return [
                pltpu.make_async_copy(
                    table_hbm.at[idx_v[b].at[j]], rows_v[b].at[j], sg[b]
                )
                for j in range(NB)
            ]

        def store_copy(i, b):
            return pltpu.make_async_copy(
                rows_v[b],
                out_hbm.at[
                    pl.ds(base + i * NB, NB), pl.ds(0, hist), pl.ds(0, D_EMBED)
                ],
                ss[b],
            )

        def step(i, b, *, wait_store, prefetch, drain):
            if wait_store:
                store_copy(i - NBUF, b).wait()
            idx_copy(i, b).wait()
            for c in gather_copies(i, b):
                c.start()
            if drain:
                pb = (b - SKEW) % NBUF
                for c in gather_copies(i - SKEW, pb):
                    c.wait()
                store_copy(i - SKEW, pb).start()
                if prefetch:
                    idx_copy(i - SKEW + NBUF, pb).start()

        for b in range(NBUF):
            idx_copy(b, b).start()

        for b in range(NBUF):
            step(b, b, wait_store=False, prefetch=True, drain=(b >= SKEW))

        def body(g, _):
            i0 = g * NBUF
            for b in range(NBUF):
                step(i0 + b, b, wait_store=True, prefetch=True, drain=True)
            return 0

        lax.fori_loop(1, n_groups - 1, body, 0)

        i0 = (n_groups - 1) * NBUF
        for b in range(NBUF):
            step(i0 + b, b, wait_store=True, drain=True,
                 prefetch=(i0 + b - SKEW + NBUF < n_chunks))

        for i in range(n_chunks - SKEW, n_chunks):
            b = i % NBUF
            for c in gather_copies(i, b):
                c.wait()
            store_copy(i, b).start()
        for i in range(n_chunks - NBUF, n_chunks):
            store_copy(i, i % NBUF).wait()

    return k(inp, table)


def kernel(inp, table):
    batch, hist = inp.shape
    vocab = table.shape[0]
    t2 = jnp.pad(table, ((0, 0), (0, LANE_PAD - D_EMBED))).reshape(
        2 * vocab, D_EMBED
    )
    out_full = _gather(inp * 2, t2, batch, hist)
    return jax.lax.slice(out_full, (0, 0, 0), (batch, hist, D_EMBED))

# --- scband reference (transcript-rebuilt; emitter-appended) ---
"""Pipeline reference for scband-adaptive-embedding-8770323218941 (READ-ONLY COPY).

The authoritative reference and input builder live on the scoring server;
editing this copy changes nothing except your own understanding.
"""

import jax, jax.numpy as jnp
import numpy as np

VOCAB = 1000000
D_EMBED = 64
BATCH = 16384
HIST = 50

def setup_inputs(seed: int = 0) -> dict:
    key = jax.random.key(seed)
    k_idx, k_tab = jax.random.split(key)
    inp = jax.random.randint(k_idx, (BATCH, HIST), 0, VOCAB, dtype=jnp.int64 if jax.config.read('jax_enable_x64') else jnp.int32)
    table = jax.random.normal(k_tab, (VOCAB, D_EMBED), dtype=jnp.float32) * 0.02
    return {"inp": inp, "table": table}

def reference(inp, table):
    # AdaptiveEmbedding with div_val=1 is a plain embedding lookup
    embed = jnp.take(table, inp, axis=0)
    return embed

if __name__ == "__main__":
    import jax
    _d = setup_inputs()
    print(jax.jit(kernel)(*tuple(_d.values())))

</pallas_src>

<mosaic_0001>
#map = affine_map<(d0, d1) -> (0, 0)>
#map1 = affine_map<(d0, d1) -> (0, 0, 0)>
module attributes {stable_mosaic.version = 14 : i64} {
  func.func @k(%arg0: i32, %arg1: i32, %arg2: memref<16384x50xi32, #tpu.memory_space<hbm>>, %arg3: memref<2000000x64xf32, #tpu.memory_space<hbm>>, %arg4: memref<16384x56x128xf32, #tpu.memory_space<hbm>>, %arg5: memref<8x50xi32, #tpu.memory_space<vmem>>, %arg6: memref<8x50xi32, #tpu.memory_space<vmem>>, %arg7: memref<8x50xi32, #tpu.memory_space<vmem>>, %arg8: memref<8x50xi32, #tpu.memory_space<vmem>>, %arg9: memref<8x50x64xf32, #tpu.memory_space<vmem>>, %arg10: memref<8x50x64xf32, #tpu.memory_space<vmem>>, %arg11: memref<8x50x64xf32, #tpu.memory_space<vmem>>, %arg12: memref<8x50x64xf32, #tpu.memory_space<vmem>>, %arg13: memref<!tpu.dma_semaphore, #tpu.memory_space<semaphore_mem>>, %arg14: memref<!tpu.dma_semaphore, #tpu.memory_space<semaphore_mem>>, %arg15: memref<!tpu.dma_semaphore, #tpu.memory_space<semaphore_mem>>, %arg16: memref<!tpu.dma_semaphore, #tpu.memory_space<semaphore_mem>>, %arg17: memref<!tpu.dma_semaphore, #tpu.memory_space<semaphore_mem>>, %arg18: memref<!tpu.dma_semaphore, #tpu.memory_space<semaphore_mem>>, %arg19: memref<!tpu.dma_semaphore, #tpu.memory_space<semaphore_mem>>, %arg20: memref<!tpu.dma_semaphore, #tpu.memory_space<semaphore_mem>>, %arg21: memref<!tpu.dma_semaphore, #tpu.memory_space<semaphore_mem>>, %arg22: memref<!tpu.dma_semaphore, #tpu.memory_space<semaphore_mem>>, %arg23: memref<!tpu.dma_semaphore, #tpu.memory_space<semaphore_mem>>, %arg24: memref<!tpu.dma_semaphore, #tpu.memory_space<semaphore_mem>>) attributes {dimension_semantics = [#tpu.dimension_semantics<core_parallel>, #tpu.dimension_semantics<subcore_parallel>], iteration_bounds = array<i64: 2, 16>, scalar_prefetch = 0 : i64, scratch_operands = 20 : i64, tpu.core_type = #tpu.core_type<sc_vector_subcore>, window_params = [{transform_indices = #map}, {transform_indices = #map}, {transform_indices = #map1}]} {
    %mul3A = arith.constant 2 : i32
    %mul3A_0 = arith.muli %arg1, %mul3A : i32
    %add3A = arith.addi %mul3A_0, %arg0 : i32
    %mul3A_1 = arith.constant 512 : i32
    %mul3A_2 = arith.muli %add3A, %mul3A_1 : i32
    %add3A_3 = arith.constant 0 : i32
    %add3A_4 = arith.addi %mul3A_2, %add3A_3 : i32
    %dma_start3A = arith.constant 0 : i32
    %dma_start3A_5 = tpu.memref_slice %arg2[%add3A_4, %dma_start3A] : memref<16384x50xi32, #tpu.memory_space<hbm>> -> memref<8x50xi32, #tpu.memory_space<hbm>>
    %dma_start3A_6 = arith.constant 0 : i32
    %dma_start3A_7 = tpu.memref_slice %arg2[%add3A_4, %dma_start3A_6] : memref<16384x50xi32, #tpu.memory_space<hbm>> -> memref<8x50xi32, #tpu.memory_space<hbm>>
    tpu.enqueue_dma source(%dma_start3A_7 : memref<8x50xi32, #tpu.memory_space<hbm>>) target(%arg5 : memref<8x50xi32, #tpu.memory_space<vmem>>) target_semaphore(%arg13 : memref<!tpu.dma_semaphore, #tpu.memory_space<semaphore_mem>>)
    %add3A_8 = arith.constant 8 : i32
    %add3A_9 = arith.addi %mul3A_2, %add3A_8 : i32
    %dma_start3A_10 = arith.constant 0 : i32
    %dma_start3A_11 = tpu.memref_slice %arg2[%add3A_9, %dma_start3A_10] : memref<16384x50xi32, #tpu.memory_space<hbm>> -> memref<8x50xi32, #tpu.memory_space<hbm>>
    %dma_start3A_12 = arith.constant 0 : i32
    %dma_start3A_13 = tpu.memref_slice %arg2[%add3A_9, %dma_start3A_12] : memref<16384x50xi32, #tpu.memory_space<hbm>> -> memref<8x50xi32, #tpu.memory_space<hbm>>
    tpu.enqueue_dma source(%dma_start3A_13 : memref<8x50xi32, #tpu.memory_space<hbm>>) target(%arg6 : memref<8x50xi32, #tpu.memory_space<vmem>>) target_semaphore(%arg14 : memref<!tpu.dma_semaphore, #tpu.memory_space<semaphore_mem>>)
    %add3A_14 = arith.constant 16 : i32
    %add3A_15 = arith.addi %mul3A_2, %add3A_14 : i32
    %dma_start3A_16 = arith.constant 0 : i32
    %dma_start3A_17 = tpu.memref_slice %arg2[%add3A_15, %dma_start3A_16] : memref<16384x50xi32, #tpu.memory_space<hbm>> -> memref<8x50xi32, #tpu.memory_space<hbm>>
    %dma_start3A_18 = arith.constant 0 : i32
    %dma_start3A_19 = tpu.memref_slice %arg2[%add3A_15, %dma_start3A_18] : memref<16384x50xi32, #tpu.memory_space<hbm>> -> memref<8x50xi32, #tpu.memory_space<hbm>>
    tpu.enqueue_dma source(%dma_start3A_19 : memref<8x50xi32, #tpu.memory_space<hbm>>) target(%arg7 : memref<8x50xi32, #tpu.memory_space<vmem>>) target_semaphore(%arg15 : memref<!tpu.dma_semaphore, #tpu.memory_space<semaphore_mem>>)
    %add3A_20 = arith.constant 24 : i32
    %add3A_21 = arith.addi %mul3A_2, %add3A_20 : i32
    %dma_start3A_22 = arith.constant 0 : i32
    %dma_start3A_23 = tpu.memref_slice %arg2[%add3A_21, %dma_start3A_22] : memref<16384x50xi32, #tpu.memory_space<hbm>> -> memref<8x50xi32, #tpu.memory_space<hbm>>
    %dma_start3A_24 = arith.constant 0 : i32
    %dma_start3A_25 = tpu.memref_slice %arg2[%add3A_21, %dma_start3A_24] : memref<16384x50xi32, #tpu.memory_space<hbm>> -> memref<8x50xi32, #tpu.memory_space<hbm>>
    tpu.enqueue_dma source(%dma_start3A_25 : memref<8x50xi32, #tpu.memory_space<hbm>>) target(%arg8 : memref<8x50xi32, #tpu.memory_space<vmem>>) target_semaphore(%arg16 : memref<!tpu.dma_semaphore, #tpu.memory_space<semaphore_mem>>)
    %add3A_26 = arith.constant 0 : i32
    %add3A_27 = arith.addi %mul3A_2, %add3A_26 : i32
    %dma_wait3A = arith.constant 0 : i32
    %dma_wait3A_28 = tpu.memref_slice %arg2[%add3A_27, %dma_wait3A] : memref<16384x50xi32, #tpu.memory_space<hbm>> -> memref<8x50xi32, #tpu.memory_space<hbm>>
    %dma_wait3A_29 = arith.constant 0 : i32
    %dma_wait3A_30 = tpu.memref_slice %arg2[%add3A_27, %dma_wait3A_29] : memref<16384x50xi32, #tpu.memory_space<hbm>> -> memref<8x50xi32, #tpu.memory_space<hbm>>
    tpu.wait_dma2 semaphore(%arg13 : memref<!tpu.dma_semaphore, #tpu.memory_space<semaphore_mem>>) src(%dma_wait3A_30 : memref<8x50xi32, #tpu.memory_space<hbm>>) dst(%arg5 : memref<8x50xi32, #tpu.memory_space<vmem>>)
    %dma_start3A_31 = arith.constant 0 : i32
    %dma_start3A_32 = arith.constant 0 : i32
    %dma_start3A_33 = arith.constant 0 : i32
    %dma_start3A_34 = arith.constant 0 : i32
    %dma_start3A_35 = tpu.memref_slice %arg9[%dma_start3A_32, %dma_start3A_33, %dma_start3A_34] : memref<8x50x64xf32, #tpu.memory_space<vmem>> -> memref<1x50x64xf32, #tpu.memory_space<vmem>>
    %dma_start3A_36 = tpu.memref_squeeze %dma_start3A_35 : memref<1x50x64xf32, #tpu.memory_space<vmem>> -> memref<50x64xf32, #tpu.memory_space<vmem>>
    %dma_start3A_37 = arith.constant 0 : i32
    %dma_start3A_38 = tpu.memref_slice %arg5[%dma_start3A_31, %dma_start3A_37] : memref<8x50xi32, #tpu.memory_space<vmem>> -> memref<1x50xi32, #tpu.memory_space<vmem>>
    %dma_start3A_39 = tpu.memref_squeeze %dma_start3A_38 : memref<1x50xi32, #tpu.memory_space<vmem>> -> memref<50xi32, #tpu.memory_space<vmem>>
    %dma_start3A_40 = arith.constant 0 : i32
    %dma_start3A_41 = arith.constant 0 : i32
    %dma_start3A_42 = tpu.memref_slice %arg3[%dma_start3A_40, %dma_start3A_41] : memref<2000000x64xf32, #tpu.memory_space<hbm>> -> memref<2000000x64xf32, #tpu.memory_space<hbm>>
    tpu.enqueue_indirect_dma source(%dma_start3A_42 : memref<2000000x64xf32, #tpu.memory_space<hbm>>) target(%dma_start3A_36 : memref<50x64xf32, #tpu.memory_space<vmem>>) offsets(%dma_start3A_39 : memref<50xi32, #tpu.memory_space<vmem>>) semaphore(%arg17 : memref<!tpu.dma_semaphore, #tpu.memory_space<semaphore_mem>>)
    %dma_start3A_43 = arith.constant 1 : i32
    %dma_start3A_44 = arith.constant 1 : i32
    %dma_start3A_45 = arith.constant 0 : i32
    %dma_start3A_46 = arith.constant 0 : i32
    %dma_start3A_47 = tpu.memref_slice %arg9[%dma_start3A_44, %dma_start3A_45, %dma_start3A_46] : memref<8x50x64xf32, #tpu.memory_space<vmem>> -> memref<1x50x64xf32, #tpu.memory_space<vmem>>
    %dma_start3A_48 = tpu.memref_squeeze %dma_start3A_47 : memref<1x50x64xf32, #tpu.memory_space<vmem>> -> memref<50x64xf32, #tpu.memory_space<vmem>>
    %dma_start3A_49 = arith.constant 0 : i32
    %dma_start3A_50 = tpu.memref_slice %arg5[%dma_start3A_43, %dma_start3A_49] : memref<8x50xi32, #tpu.memory_space<vmem>> -> memref<1x50xi32, #tpu.memory_space<vmem>>
    %dma_start3A_51 = tpu.memref_squeeze %dma_start3A_50 : memref<1x50xi32, #tpu.memory_space<vmem>> -> memref<50xi32, #tpu.memory_space<vmem>>
    %dma_start3A_52 = arith.constant 0 : i32
    %dma_start3A_53 = arith.constant 0 : i32
    %dma_start3A_54 = tpu.memref_slice %arg3[%dma_start3A_52, %dma_start3A_53] : memref<2000000x64xf32, #tpu.memory_space<hbm>> -> memref<2000000x64xf32, #tpu.memory_space<hbm>>
    tpu.enqueue_indirect_dma source(%dma_start3A_54 : memref<2000000x64xf32, #tpu.memory_space<hbm>>) target(%dma_start3A_48 : memref<50x64xf32, #tpu.memory_space<vmem>>) offsets(%dma_start3A_51 : memref<50xi32, #tpu.memory_space<vmem>>) semaphore(%arg17 : memref<!tpu.dma_semaphore, #tpu.memory_space<semaphore_mem>>)
    %dma_start3A_55 = arith.constant 2 : i32
    %dma_start3A_56 = arith.constant 2 : i32
    %dma_start3A_57 = arith.constant 0 : i32
    %dma_start3A_58 = arith.constant 0 : i32
    %dma_start3A_59 = tpu.memref_slice %arg9[%dma_start3A_56, %dma_start3A_57, %dma_start3A_58] : memref<8x50x64xf32, #tpu.memory_space<vmem>> -> memref<1x50x64xf32, #tpu.memory_space<vmem>>
    %dma_start3A_60 = tpu.memref_squeeze %dma_start3A_59 : memref<1x50x64xf32, #tpu.memory_space<vmem>> -> memref<50x64xf32, #tpu.memory_space<vmem>>
    %dma_start3A_61 = arith.constant 0 : i32
    %dma_start3A_62 = tpu.memref_slice %arg5[%dma_start3A_55, %dma_start3A_61] : memref<8x50xi32, #tpu.memory_space<vmem>> -> memref<1x50xi32, #tpu.memory_space<vmem>>
    %dma_start3A_63 = tpu.memref_squeeze %dma_start3A_62 : memref<1x50xi32, #tpu.memory_space<vmem>> -> memref<50xi32, #tpu.memory_space<vmem>>
    %dma_start3A_64 = arith.constant 0 : i32
    %dma_start3A_65 = arith.constant 0 : i32
    %dma_start3A_66 = tpu.memref_slice %arg3[%dma_start3A_64, %dma_start3A_65] : memref<2000000x64xf32, #tpu.memory_space<hbm>> -> memref<2000000x64xf32, #tpu.memory_space<hbm>>
    tpu.enqueue_indirect_dma source(%dma_start3A_66 : memref<2000000x64xf32, #tpu.memory_space<hbm>>) target(%dma_start3A_60 : memref<50x64xf32, #tpu.memory_space<vmem>>) offsets(%dma_start3A_63 : memref<50xi32, #tpu.memory_space<vmem>>) semaphore(%arg17 : memref<!tpu.dma_semaphore, #tpu.memory_space<semaphore_mem>>)
    %dma_start3A_67 = arith.constant 3 : i32
    %dma_start3A_68 = arith.constant 3 : i32
    %dma_start3A_69 = arith.constant 0 : i32
    %dma_start3A_70 = arith.constant 0 : i32
    %dma_start3A_71 = tpu.memref_slice %arg9[%dma_start3A_68, %dma_start3A_69, %dma_start3A_70] : memref<8x50x64xf32, #tpu.memory_space<vmem>> -> memref<1x50x64xf32, #tpu.memory_space<vmem>>
    %dma_start3A_72 = tpu.memref_squeeze %dma_start3A_71 : memref<1x50x64xf32, #tpu.memory_space<vmem>> -> memref<50x64xf32, #tpu.memory_space<vmem>>
    %dma_start3A_73 = arith.constant 0 : i32
    %dma_start3A_74 = tpu.memref_slice %arg5[%dma_start3A_67, %dma_start3A_73] : memref<8x50xi32, #tpu.memory_space<vmem>> -> memref<1x50xi32, #tpu.memory_space<vmem>>
    %dma_start3A_75 = tpu.memref_squeeze %dma_start3A_74 : memref<1x50xi32, #tpu.memory_space<vmem>> -> memref<50xi32, #tpu.memory_space<vmem>>
    %dma_start3A_76 = arith.constant 0 : i32
    %dma_start3A_77 = arith.constant 0 : i32
    %dma_start3A_78 = tpu.memref_slice %arg3[%dma_start3A_76, %dma_start3A_77] : memref<2000000x64xf32, #tpu.memory_space<hbm>> -> memref<2000000x64xf32, #tpu.memory_space<hbm>>
    tpu.enqueue_indirect_dma source(%dma_start3A_78 : memref<2000000x64xf32, #tpu.memory_space<hbm>>) target(%dma_start3A_72 : memref<50x64xf32, #tpu.memory_space<vmem>>) offsets(%dma_start3A_75 : memref<50xi32, #tpu.memory_space<vmem>>) semaphore(%arg17 : memref<!tpu.dma_semaphore, #tpu.memory_space<semaphore_mem>>)
    %dma_start3A_79 = arith.constant 4 : i32
    %dma_start3A_80 = arith.constant 4 : i32
    %dma_start3A_81 = arith.constant 0 : i32
    %dma_start3A_82 = arith.constant 0 : i32
    %dma_start3A_83 = tpu.memref_slice %arg9[%dma_start3A_80, %dma_start3A_81, %dma_start3A_82] : memref<8x50x64xf32, #tpu.memory_space<vmem>> -> memref<1x50x64xf32, #tpu.memory_space<vmem>>
    %dma_start3A_84 = tpu.memref_squeeze %dma_start3A_83 : memref<1x50x64xf32, #tpu.memory_space<vmem>> -> memref<50x64xf32, #tpu.memory_space<vmem>>
    %dma_start3A_85 = arith.constant 0 : i32
    %dma_start3A_86 = tpu.memref_slice %arg5[%dma_start3A_79, %dma_start3A_85] : memref<8x50xi32, #tpu.memory_space<vmem>> -> memref<1x50xi32, #tpu.memory_space<vmem>>
    %dma_start3A_87 = tpu.memref_squeeze %dma_start3A_86 : memref<1x50xi32, #tpu.memory_space<vmem>> -> memref<50xi32, #tpu.memory_space<vmem>>
    %dma_start3A_88 = arith.constant 0 : i32
    %dma_start3A_89 = arith.constant 0 : i32
    %dma_start3A_90 = tpu.memref_slice %arg3[%dma_start3A_88, %dma_start3A_89] : memref<2000000x64xf32, #tpu.memory_space<hbm>> -> memref<2000000x64xf32, #tpu.memory_space<hbm>>
    tpu.enqueue_indirect_dma source(%dma_start3A_90 : memref<2000000x64xf32, #tpu.memory_space<hbm>>) target(%dma_start3A_84 : memref<50x64xf32, #tpu.memory_space<vmem>>) offsets(%dma_start3A_87 : memref<50xi32, #tpu.memory_space<vmem>>) semaphore(%arg17 : memref<!tpu.dma_semaphore, #tpu.memory_space<semaphore_mem>>)
    %dma_start3A_91 = arith.constant 5 : i32
    %dma_start3A_92 = arith.constant 5 : i32
    %dma_start3A_93 = arith.constant 0 : i32
    %dma_start3A_94 = arith.constant 0 : i32
    %dma_start3A_95 = tpu.memref_slice %arg9[%dma_start3A_92, %dma_start3A_93, %dma_start3A_94] : memref<8x50x64xf32, #tpu.memory_space<vmem>> -> memref<1x50x64xf32, #tpu.memory_space<vmem>>
    %dma_start3A_96 = tpu.memref_squeeze %dma_start3A_95 : memref<1x50x64xf32, #tpu.memory_space<vmem>> -> memref<50x64xf32, #tpu.memory_space<vmem>>
    %dma_start3A_97 = arith.constant 0 : i32
    %dma_start3A_98 = tpu.memref_slice %arg5[%dma_start3A_91, %dma_start3A_97] : memref<8x50xi32, #tpu.memory_space<vmem>> -> memref<1x50xi32, #tpu.memory_space<vmem>>
    %dma_start3A_99 = tpu.memref_squeeze %dma_start3A_98 : memref<1x50xi32, #tpu.memory_space<vmem>> -> memref<50xi32, #tpu.memory_space<vmem>>
    %dma_start3A_100 = arith.constant 0 : i32
    %dma_start3A_101 = arith.constant 0 : i32
    %dma_start3A_102 = tpu.memref_slice %arg3[%dma_start3A_100, %dma_start3A_101] : memref<2000000x64xf32, #tpu.memory_space<hbm>> -> memref<2000000x64xf32, #tpu.memory_space<hbm>>
    tpu.enqueue_indirect_dma source(%dma_start3A_102 : memref<2000000x64xf32, #tpu.memory_space<hbm>>) target(%dma_start3A_96 : memref<50x64xf32, #tpu.memory_space<vmem>>) offsets(%dma_start3A_99 : memref<50xi32, #tpu.memory_space<vmem>>) semaphore(%arg17 : memref<!tpu.dma_semaphore, #tpu.memory_space<semaphore_mem>>)
    %dma_start3A_103 = arith.constant 6 : i32
    %dma_start3A_104 = arith.constant 6 : i32
    %dma_start3A_105 = arith.constant 0 : i32
    %dma_start3A_106 = arith.constant 0 : i32
    %dma_start3A_107 = tpu.memref_slice %arg9[%dma_start3A_104, %dma_start3A_105, %dma_start3A_106] : memref<8x50x64xf32, #tpu.memory_space<vmem>> -> memref<1x50x64xf32, #tpu.memory_space<vmem>>
    %dma_start3A_108 = tpu.memref_squeeze %dma_start3A_107 : memref<1x50x64xf32, #tpu.memory_space<vmem>> -> memref<50x64xf32, #tpu.memory_space<vmem>>
    %dma_start3A_109 = arith.constant 0 : i32
    %dma_start3A_110 = tpu.memref_slice %arg5[%dma_start3A_103, %dma_start3A_109] : memref<8x50xi32, #tpu.memory_space<vmem>> -> memref<1x50xi32, #tpu.memory_space<vmem>>
    %dma_start3A_111 = tpu.memref_squeeze %dma_start3A_110 : memref<1x50xi32, #tpu.memory_space<vmem>> -> memref<50xi32, #tpu.memory_space<vmem>>
    %dma_start3A_112 = arith.constant 0 : i32
    %dma_start3A_113 = arith.constant 0 : i32
    %dma_start3A_114 = tpu.memref_slice %arg3[%dma_start3A_112, %dma_start3A_113] : memref<2000000x64xf32, #tpu.memory_space<hbm>> -> memref<2000000x64xf32, #tpu.memory_space<hbm>>
    tpu.enqueue_indirect_dma source(%dma_start3A_114 : memref<2000000x64xf32, #tpu.memory_space<hbm>>) target(%dma_start3A_108 : memref<50x64xf32, #tpu.memory_space<vmem>>) offsets(%dma_start3A_111 : memref<50xi32, #tpu.memory_space<vmem>>) semaphore(%arg17 : memref<!tpu.dma_semaphore, #tpu.memory_space<semaphore_mem>>)
    %dma_start3A_115 = arith.constant 7 : i32
    %dma_start3A_116 = arith.constant 7 : i32
    %dma_start3A_117 = arith.constant 0 : i32
    %dma_start3A_118 = arith.constant 0 : i32
    %dma_start3A_119 = tpu.memref_slice %arg9[%dma_start3A_116, %dma_start3A_117, %dma_start3A_118] : memref<8x50x64xf32, #tpu.memory_space<vmem>> -> memref<1x50x64xf32, #tpu.memory_space<vmem>>
    %dma_start3A_120 = tpu.memref_squeeze %dma_start3A_119 : memref<1x50x64xf32, #tpu.memory_space<vmem>> -> memref<50x64xf32, #tpu.memory_space<vmem>>
    %dma_start3A_121 = arith.constant 0 : i32
    %dma_start3A_122 = tpu.memref_slice %arg5[%dma_start3A_115, %dma_start3A_121] : memref<8x50xi32, #tpu.memory_space<vmem>> -> memref<1x50xi32, #tpu.memory_space<vmem>>
    %dma_start3A_123 = tpu.memref_squeeze %dma_start3A_122 : memref<1x50xi32, #tpu.memory_space<vmem>> -> memref<50xi32, #tpu.memory_space<vmem>>
    %dma_start3A_124 = arith.constant 0 : i32
    %dma_start3A_125 = arith.constant 0 : i32
    %dma_start3A_126 = tpu.memref_slice %arg3[%dma_start3A_124, %dma_start3A_125] : memref<2000000x64xf32, #tpu.memory_space<hbm>> -> memref<2000000x64xf32, #tpu.memory_space<hbm>>
    tpu.enqueue_indirect_dma source(%dma_start3A_126 : memref<2000000x64xf32, #tpu.memory_space<hbm>>) target(%dma_start3A_120 : memref<50x64xf32, #tpu.memory_space<vmem>>) offsets(%dma_start3A_123 : memref<50xi32, #tpu.memory_space<vmem>>) semaphore(%arg17 : memref<!tpu.dma_semaphore, #tpu.memory_space<semaphore_mem>>)
    %add3A_127 = arith.constant 8 : i32
    %add3A_128 = arith.addi %mul3A_2, %add3A_127 : i32
    %dma_wait3A_129 = arith.constant 0 : i32
    %dma_wait3A_130 = tpu.memref_slice %arg2[%add3A_128, %dma_wait3A_129] : memref<16384x50xi32, #tpu.memory_space<hbm>> -> memref<8x50xi32, #tpu.memory_space<hbm>>
    %dma_wait3A_131 = arith.constant 0 : i32
    %dma_wait3A_132 = tpu.memref_slice %arg2[%add3A_128, %dma_wait3A_131] : memref<16384x50xi32, #tpu.memory_space<hbm>> -> memref<8x50xi32, #tpu.memory_space<hbm>>
    tpu.wait_dma2 semaphore(%arg14 : memref<!tpu.dma_semaphore, #tpu.memory_space<semaphore_mem>>) src(%dma_wait3A_132 : memref<8x50xi32, #tpu.memory_space<hbm>>) dst(%arg6 : memref<8x50xi32, #tpu.memory_space<vmem>>)
    %dma_start3A_133 = arith.constant 0 : i32
    %dma_start3A_134 = arith.constant 0 : i32
    %dma_start3A_135 = arith.constant 0 : i32
    %dma_start3A_136 = arith.constant 0 : i32
    %dma_start3A_137 = tpu.memref_slice %arg10[%dma_start3A_134, %dma_start3A_135, %dma_start3A_136] : memref<8x50x64xf32, #tpu.memory_space<vmem>> -> memref<1x50x64xf32, #tpu.memory_space<vmem>>
    %dma_start3A_138 = tpu.memref_squeeze %dma_start3A_137 : memref<1x50x64xf32, #tpu.memory_space<vmem>> -> memref<50x64xf32, #tpu.memory_space<vmem>>
    %dma_start3A_139 = arith.constant 0 : i32
    %dma_start3A_140 = tpu.memref_slice %arg6[%dma_start3A_133, %dma_start3A_139] : memref<8x50xi32, #tpu.memory_space<vmem>> -> memref<1x50xi32, #tpu.memory_space<vmem>>
    %dma_start3A_141 = tpu.memref_squeeze %dma_start3A_140 : memref<1x50xi32, #tpu.memory_space<vmem>> -> memref<50xi32, #tpu.memory_space<vmem>>
    %dma_start3A_142 = arith.constant 0 : i32
    %dma_start3A_143 = arith.constant 0 : i32
    %dma_start3A_144 = tpu.memref_slice %arg3[%dma_start3A_142, %dma_start3A_143] : memref<2000000x64xf32, #tpu.memory_space<hbm>> -> memref<2000000x64xf32, #tpu.memory_space<hbm>>
    tpu.enqueue_indirect_dma source(%dma_start3A_144 : memref<2000000x64xf32, #tpu.memory_space<hbm>>) target(%dma_start3A_138 : memref<50x64xf32, #tpu.memory_space<vmem>>) offsets(%dma_start3A_141 : memref<50xi32, #tpu.memory_space<vmem>>) semaphore(%arg18 : memref<!tpu.dma_semaphore, #tpu.memory_space<semaphore_mem>>)
    %dma_start3A_145 = arith.constant 1 : i32
    %dma_start3A_146 = arith.constant 1 : i32
    %dma_start3A_147 = arith.constant 0 : i32
    %dma_start3A_148 = arith.constant 0 : i32
    %dma_start3A_149 = tpu.memref_slice %arg10[%dma_start3A_146, %dma_start3A_147, %dma_start3A_148] : memref<8x50x64xf32, #tpu.memory_space<vmem>> -> memref<1x50x64xf32, #tpu.memory_space<vmem>>
    %dma_start3A_150 = tpu.memref_squeeze %dma_start3A_149 : memref<1x50x64xf32, #tpu.memory_space<vmem>> -> memref<50x64xf32, #tpu.memory_space<vmem>>
    %dma_start3A_151 = arith.constant 0 : i32
    %dma_start3A_152 = tpu.memref_slice %arg6[%dma_start3A_145, %dma_start3A_151] : memref<8x50xi32, #tpu.memory_space<vmem>> -> memref<1x50xi32, #tpu.memory_space<vmem>>
    %dma_start3A_153 = tpu.memref_squeeze %dma_start3A_152 : memref<1x50xi32, #tpu.memory_space<vmem>> -> memref<50xi32, #tpu.memory_space<vmem>>
    %dma_start3A_154 = arith.constant 0 : i32
    %dma_start3A_155 = arith.constant 0 : i32
    %dma_start3A_156 = tpu.memref_slice %arg3[%dma_start3A_154, %dma_start3A_155] : memref<2000000x64xf32, #tpu.memory_space<hbm>> -> memref<2000000x64xf32, #tpu.memory_space<hbm>>
    tpu.enqueue_indirect_dma source(%dma_start3A_156 : memref<2000000x64xf32, #tpu.memory_space<hbm>>) target(%dma_start3A_150 : memref<50x64xf32, #tpu.memory_space<vmem>>) offsets(%dma_start3A_153 : memref<50xi32, #tpu.memory_space<vmem>>) semaphore(%arg18 : memref<!tpu.dma_semaphore, #tpu.memory_space<semaphore_mem>>)
    %dma_start3A_157 = arith.constant 2 : i32
    %dma_start3A_158 = arith.constant 2 : i32
    %dma_start3A_159 = arith.constant 0 : i32
    %dma_start3A_160 = arith.constant 0 : i32
    %dma_start3A_161 = tpu.memref_slice %arg10[%dma_start3A_158, %dma_start3A_159, %dma_start3A_160] : memref<8x50x64xf32, #tpu.memory_space<vmem>> -> memref<1x50x64xf32, #tpu.memory_space<vmem>>
    %dma_start3A_162 = tpu.memref_squeeze %dma_start3A_161 : memref<1x50x64xf32, #tpu.memory_space<vmem>> -> memref<50x64xf32, #tpu.memory_space<vmem>>
    %dma_start3A_163 = arith.constant 0 : i32
    %dma_start3A_164 = tpu.memref_slice %arg6[%dma_start3A_157, %dma_start3A_163] : memref<8x50xi32, #tpu.memory_space<vmem>> -> memref<1x50xi32, #tpu.memory_space<vmem>>
    %dma_start3A_165 = tpu.memref_squeeze %dma_start3A_164 : memref<1x50xi32, #tpu.memory_space<vmem>> -> memref<50xi32, #tpu.memory_space<vmem>>
    %dma_start3A_166 = arith.constant 0 : i32
    %dma_start3A_167 = arith.constant 0 : i32
    %dma_start3A_168 = tpu.memref_slice %arg3[%dma_start3A_166, %dma_start3A_167] : memref<2000000x64xf32, #tpu.memory_space<hbm>> -> memref<2000000x64xf32, #tpu.memory_space<hbm>>
    tpu.enqueue_indirect_dma source(%dma_start3A_168 : memref<2000000x64xf32, #tpu.memory_space<hbm>>) target(%dma_start3A_162 : memref<50x64xf32, #tpu.memory_space<vmem>>) offsets(%dma_start3A_165 : memref<50xi32, #tpu.memory_space<vmem>>) semaphore(%arg18 : memref<!tpu.dma_semaphore, #tpu.memory_space<semaphore_mem>>)
    %dma_start3A_169 = arith.constant 3 : i32
    %dma_start3A_170 = arith.constant 3 : i32
    %dma_start3A_171 = arith.constant 0 : i32
    %dma_start3A_172 = arith.constant 0 : i32
    %dma_start3A_173 = tpu.memref_slice %arg10[%dma_start3A_170, %dma_start3A_171, %dma_start3A_172] : memref<8x50x64xf32, #tpu.memory_space<vmem>> -> memref<1x50x64xf32, #tpu.memory_space<vmem>>
    %dma_start3A_174 = tpu.memref_squeeze %dma_start3A_173 : memref<1x50x64xf32, #tpu.memory_space<vmem>> -> memref<50x64xf32, #tpu.memory_space<vmem>>
    %dma_start3A_175 = arith.constant 0 : i32
    %dma_start3A_176 = tpu.memref_slice %arg6[%dma_start3A_169, %dma_start3A_175] : memref<8x50xi32, #tpu.memory_space<vmem>> -> memref<1x50xi32, #tpu.memory_space<vmem>>
    %dma_start3A_177 = tpu.memref_squeeze %dma_start3A_176 : memref<1x50xi32, #tpu.memory_space<vmem>> -> memref<50xi32, #tpu.memory_space<vmem>>
    %dma_start3A_178 = arith.constant 0 : i32
    %dma_start3A_179 = arith.constant 0 : i32
    %dma_start3A_180 = tpu.memref_slice %arg3[%dma_start3A_178, %dma_start3A_179] : memref<2000000x64xf32, #tpu.memory_space<hbm>> -> memref<2000000x64xf32, #tpu.memory_space<hbm>>
    tpu.enqueue_indirect_dma source(%dma_start3A_180 : memref<2000000x64xf32, #tpu.memory_space<hbm>>) target(%dma_start3A_174 : memref<50x64xf32, #tpu.memory_space<vmem>>) offsets(%dma_start3A_177 : memref<50xi32, #tpu.memory_space<vmem>>) semaphore(%arg18 : memref<!tpu.dma_semaphore, #tpu.memory_space<semaphore_mem>>)
    %dma_start3A_181 = arith.constant 4 : i32
    %dma_start3A_182 = arith.constant 4 : i32
    %dma_start3A_183 = arith.constant 0 : i32
    %dma_start3A_184 = arith.constant 0 : i32
    %dma_start3A_185 = tpu.memref_slice %arg10[%dma_start3A_182, %dma_start3A_183, %dma_start3A_184] : memref<8x50x64xf32, #tpu.memory_space<vmem>> -> memref<1x50x64xf32, #tpu.memory_space<vmem>>
    %dma_start3A_186 = tpu.memref_squeeze %dma_start3A_185 : memref<1x50x64xf32, #tpu.memory_space<vmem>> -> memref<50x64xf32, #tpu.memory_space<vmem>>
    %dma_start3A_187 = arith.constant 0 : i32
    %dma_start3A_188 = tpu.memref_slice %arg6[%dma_start3A_181, %dma_start3A_187] : memref<8x50xi32, #tpu.memory_space<vmem>> -> memref<1x50xi32, #tpu.memory_space<vmem>>
    %dma_start3A_189 = tpu.memref_squeeze %dma_start3A_188 : memref<1x50xi32, #tpu.memory_space<vmem>> -> memref<50xi32, #tpu.memory_space<vmem>>
    %dma_start3A_190 = arith.constant 0 : i32
    %dma_start3A_191 = arith.constant 0 : i32
    %dma_start3A_192 = tpu.memref_slice %arg3[%dma_start3A_190, %dma_start3A_191] : memref<2000000x64xf32, #tpu.memory_space<hbm>> -> memref<2000000x64xf32, #tpu.memory_space<hbm>>
    tpu.enqueue_indirect_dma source(%dma_start3A_192 : memref<2000000x64xf32, #tpu.memory_space<hbm>>) target(%dma_start3A_186 : memref<50x64xf32, #tpu.memory_space<vmem>>) offsets(%dma_start3A_189 : memref<50xi32, #tpu.memory_space<vmem>>) semaphore(%arg18 : memref<!tpu.dma_semaphore, #tpu.memory_space<semaphore_mem>>)
    %dma_start3A_193 = arith.constant 5 : i32
    %dma_start3A_194 = arith.constant 5 : i32
    %dma_start3A_195 = arith.constant 0 : i32
    %dma_start3A_196 = arith.constant 0 : i32
    %dma_start3A_197 = tpu.memref_slice %arg10[%dma_start3A_194, %dma_start3A_195, %dma_start3A_196] : memref<8x50x64xf32, #tpu.memory_space<vmem>> -> memref<1x50x64xf32, #tpu.memory_space<vmem>>
    %dma_start3A_198 = tpu.memref_squeeze %dma_start3A_197 : memref<1x50x64xf32, #tpu.memory_space<vmem>> -> memref<50x64xf32, #tpu.memory_space<vmem>>
    %dma_start3A_199 = arith.constant 0 : i32
    %dma_start3A_200 = tpu.memref_slice %arg6[%dma_start3A_193, %dma_start3A_199] : memref<8x50xi32, #tpu.memory_space<vmem>> -> memref<1x50xi32, #tpu.memory_space<vmem>>
    %dma_start3A_201 = tpu.memref_squeeze %dma_start3A_200 : memref<1x50xi32, #tpu.memory_space<vmem>> -> memref<50xi32, #tpu.memory_space<vmem>>
    %dma_start3A_202 = arith.constant 0 : i32
    %dma_start3A_203 = arith.constant 0 : i32
    %dma_start3A_204 = tpu.memref_slice %arg3[%dma_start3A_202, %dma_start3A_203] : memref<2000000x64xf32, #tpu.memory_space<hbm>> -> memref<2000000x64xf32, #tpu.memory_space<hbm>>
    tpu.enqueue_indirect_dma source(%dma_start3A_204 : memref<2000000x64xf32, #tpu.memory_space<hbm>>) target(%dma_start3A_198 : memref<50x64xf32, #tpu.memory_space<vmem>>) offsets(%dma_start3A_201 : memref<50xi32, #tpu.memory_space<vmem>>) semaphore(%arg18 : memref<!tpu.dma_semaphore, #tpu.memory_space<semaphore_mem>>)
    %dma_start3A_205 = arith.constant 6 : i32
    %dma_start3A_206 = arith.constant 6 : i32
    %dma_start3A_207 = arith.constant 0 : i32
    %dma_start3A_208 = arith.constant 0 : i32
    %dma_start3A_209 = tpu.memref_slice %arg10[%dma_start3A_206, %dma_start3A_207, %dma_start3A_208] : memref<8x50x64xf32, #tpu.memory_space<vmem>> -> memref<1x50x64xf32, #tpu.memory_space<vmem>>
    %dma_start3A_210 = tpu.memref_squeeze %dma_start3A_209 : memref<1x50x64xf32, #tpu.memory_space<vmem>> -> memref<50x64xf32, #tpu.memory_space<vmem>>
    %dma_start3A_211 = arith.constant 0 : i32
    %dma_start3A_212 = tpu.memref_slice %arg6[%dma_start3A_205, %dma_start3A_211] : memref<8x50xi32, #tpu.memory_space<vmem>> -> memref<1x50xi32, #tpu.memory_space<vmem>>
    %dma_start3A_213 = tpu.memref_squeeze %dma_start3A_212 : memref<1x50xi32, #tpu.memory_space<vmem>> -> memref<50xi32, #tpu.memory_space<vmem>>
    %dma_start3A_214 = arith.constant 0 : i32
    %dma_start3A_215 = arith.constant 0 : i32
    %dma_start3A_216 = tpu.memref_slice %arg3[%dma_start3A_214, %dma_start3A_215] : memref<2000000x64xf32, #tpu.memory_space<hbm>> -> memref<2000000x64xf32, #tpu.memory_space<hbm>>
    tpu.enqueue_indirect_dma source(%dma_start3A_216 : memref<2000000x64xf32, #tpu.memory_space<hbm>>) target(%dma_start3A_210 : memref<50x64xf32, #tpu.memory_space<vmem>>) offsets(%dma_start3A_213 : memref<50xi32, #tpu.memory_space<vmem>>) semaphore(%arg18 : memref<!tpu.dma_semaphore, #tpu.memory_space<semaphore_mem>>)
    %dma_start3A_217 = arith.constant 7 : i32
    %dma_start3A_218 = arith.constant 7 : i32
    %dma_start3A_219 = arith.constant 0 : i32
    %dma_start3A_220 = arith.constant 0 : i32
    %dma_start3A_221 = tpu.memref_slice %arg10[%dma_start3A_218, %dma_start3A_219, %dma_start3A_220] : memref<8x50x64xf32, #tpu.memory_space<vmem>> -> memref<1x50x64xf32, #tpu.memory_space<vmem>>
    %dma_start3A_222 = tpu.memref_squeeze %dma_start3A_221 : memref<1x50x64xf32, #tpu.memory_space<vmem>> -> memref<50x64xf32, #tpu.memory_space<vmem>>
    %dma_start3A_223 = arith.constant 0 : i32
    %dma_start3A_224 = tpu.memref_slice %arg6[%dma_start3A_217, %dma_start3A_223] : memref<8x50xi32, #tpu.memory_space<vmem>> -> memref<1x50xi32, #tpu.memory_space<vmem>>
    %dma_start3A_225 = tpu.memref_squeeze %dma_start3A_224 : memref<1x50xi32, #tpu.memory_space<vmem>> -> memref<50xi32, #tpu.memory_space<vmem>>
    %dma_start3A_226 = arith.constant 0 : i32
    %dma_start3A_227 = arith.constant 0 : i32
    %dma_start3A_228 = tpu.memref_slice %arg3[%dma_start3A_226, %dma_start3A_227] : memref<2000000x64xf32, #tpu.memory_space<hbm>> -> memref<2000000x64xf32, #tpu.memory_space<hbm>>
    tpu.enqueue_indirect_dma source(%dma_start3A_228 : memref<2000000x64xf32, #tpu.memory_space<hbm>>) target(%dma_start3A_222 : memref<50x64xf32, #tpu.memory_space<vmem>>) offsets(%dma_start3A_225 : memref<50xi32, #tpu.memory_space<vmem>>) semaphore(%arg18 : memref<!tpu.dma_semaphore, #tpu.memory_space<semaphore_mem>>)
    %add3A_229 = arith.constant 16 : i32
    %add3A_230 = arith.addi %mul3A_2, %add3A_229 : i32
    %dma_wait3A_231 = arith.constant 0 : i32
    %dma_wait3A_232 = tpu.memref_slice %arg2[%add3A_230, %dma_wait3A_231] : memref<16384x50xi32, #tpu.memory_space<hbm>> -> memref<8x50xi32, #tpu.memory_space<hbm>>
    %dma_wait3A_233 = arith.constant 0 : i32
    %dma_wait3A_234 = tpu.memref_slice %arg2[%add3A_230, %dma_wait3A_233] : memref<16384x50xi32, #tpu.memory_space<hbm>> -> memref<8x50xi32, #tpu.memory_space<hbm>>
    tpu.wait_dma2 semaphore(%arg15 : memref<!tpu.dma_semaphore, #tpu.memory_space<semaphore_mem>>) src(%dma_wait3A_234 : memref<8x50xi32, #tpu.memory_space<hbm>>) dst(%arg7 : memref<8x50xi32, #tpu.memory_space<vmem>>)
    %dma_start3A_235 = arith.constant 0 : i32
    %dma_start3A_236 = arith.constant 0 : i32
    %dma_start3A_237 = arith.constant 0 : i32
    %dma_start3A_238 = arith.constant 0 : i32
    %dma_start3A_239 = tpu.memref_slice %arg11[%dma_start3A_236, %dma_start3A_237, %dma_start3A_238] : memref<8x50x64xf32, #tpu.memory_space<vmem>> -> memref<1x50x64xf32, #tpu.memory_space<vmem>>
    %dma_start3A_240 = tpu.memref_squeeze %dma_start3A_239 : memref<1x50x64xf32, #tpu.memory_space<vmem>> -> memref<50x64xf32, #tpu.memory_space<vmem>>
    %dma_start3A_241 = arith.constant 0 : i32
    %dma_start3A_242 = tpu.memref_slice %arg7[%dma_start3A_235, %dma_start3A_241] : memref<8x50xi32, #tpu.memory_space<vmem>> -> memref<1x50xi32, #tpu.memory_space<vmem>>
    %dma_start3A_243 = tpu.memref_squeeze %dma_start3A_242 : memref<1x50xi32, #tpu.memory_space<vmem>> -> memref<50xi32, #tpu.memory_space<vmem>>
    %dma_start3A_244 = arith.constant 0 : i32
    %dma_start3A_245 = arith.constant 0 : i32
    %dma_start3A_246 = tpu.memref_slice %arg3[%dma_start3A_244, %dma_start3A_245] : memref<2000000x64xf32, #tpu.memory_space<hbm>> -> memref<2000000x64xf32, #tpu.memory_space<hbm>>
    tpu.enqueue_indirect_dma source(%dma_start3A_246 : memref<2000000x64xf32, #tpu.memory_space<hbm>>) target(%dma_start3A_240 : memref<50x64xf32, #tpu.memory_space<vmem>>) offsets(%dma_start3A_243 : memref<50xi32, #tpu.memory_space<vmem>>) semaphore(%arg19 : memref<!tpu.dma_semaphore, #tpu.memory_space<semaphore_mem>>)
    %dma_start3A_247 = arith.constant 1 : i32
    %dma_start3A_248 = arith.constant 1 : i32
    %dma_start3A_249 = arith.constant 0 : i32
    %dma_start3A_250 = arith.constant 0 : i32
    %dma_start3A_251 = tpu.memref_slice %arg11[%dma_start3A_248, %dma_start3A_249, %dma_start3A_250] : memref<8x50x64xf32, #tpu.memory_space<vmem>> -> memref<1x50x64xf32, #tpu.memory_space<vmem>>
    %dma_start3A_252 = tpu.memref_squeeze %dma_start3A_251 : memref<1x50x64xf32, #tpu.memory_space<vmem>> -> memref<50x64xf32, #tpu.memory_space<vmem>>
    %dma_start3A_253 = arith.constant 0 : i32
    %dma_start3A_254 = tpu.memref_slice %arg7[%dma_start3A_247, %dma_start3A_253] : memref<8x50xi32, #tpu.memory_space<vmem>> -> memref<1x50xi32, #tpu.memory_space<vmem>>
    %dma_start3A_255 = tpu.memref_squeeze %dma_start3A_254 : memref<1x50xi32, #tpu.memory_space<vmem>> -> memref<50xi32, #tpu.memory_space<vmem>>
    %dma_start3A_256 = arith.constant 0 : i32
    %dma_start3A_257 = arith.constant 0 : i32
    %dma_start3A_258 = tpu.memref_slice %arg3[%dma_start3A_256, %dma_start3A_257] : memref<2000000x64xf32, #tpu.memory_space<hbm>> -> memref<2000000x64xf32, #tpu.memory_space<hbm>>
    tpu.enqueue_indirect_dma source(%dma_start3A_258 : memref<2000000x64xf32, #tpu.memory_space<hbm>>) target(%dma_start3A_252 : memref<50x64xf32, #tpu.memory_space<vmem>>) offsets(%dma_start3A_255 : memref<50xi32, #tpu.memory_space<vmem>>) semaphore(%arg19 : memref<!tpu.dma_semaphore, #tpu.memory_space<semaphore_mem>>)
    %dma_start3A_259 = arith.constant 2 : i32
    %dma_start3A_260 = arith.constant 2 : i32
    %dma_start3A_261 = arith.constant 0 : i32
    %dma_start3A_262 = arith.constant 0 : i32
    %dma_start3A_263 = tpu.memref_slice %arg11[%dma_start3A_260, %dma_start3A_261, %dma_start3A_262] : memref<8x50x64xf32, #tpu.memory_space<vmem>> -> memref<1x50x64xf32, #tpu.memory_space<vmem>>
    %dma_start3A_264 = tpu.memref_squeeze %dma_start3A_263 : memref<1x50x64xf32, #tpu.memory_space<vmem>> -> memref<50x64xf32, #tpu.memory_space<vmem>>
    %dma_start3A_265 = arith.constant 0 : i32
    %dma_start3A_266 = tpu.memref_slice %arg7[%dma_start3A_259, %dma_start3A_265] : memref<8x50xi32, #tpu.memory_space<vmem>> -> memref<1x50xi32, #tpu.memory_space<vmem>>
    %dma_start3A_267 = tpu.memref_squeeze %dma_start3A_266 : memref<1x50xi32, #tpu.memory_space<vmem>> -> memref<50xi32, #tpu.memory_space<vmem>>
    %dma_start3A_268 = arith.constant 0 : i32
    %dma_start3A_269 = arith.constant 0 : i32
    %dma_start3A_270 = tpu.memref_slice %arg3[%dma_start3A_268, %dma_start3A_269] : memref<2000000x64xf32, #tpu.memory_space<hbm>> -> memref<2000000x64xf32, #tpu.memory_space<hbm>>
    tpu.enqueue_indirect_dma source(%dma_start3A_270 : memref<2000000x64xf32, #tpu.memory_space<hbm>>) target(%dma_start3A_264 : memref<50x64xf32, #tpu.memory_space<vmem>>) offsets(%dma_start3A_267 : memref<50xi32, #tpu.memory_space<vmem>>) semaphore(%arg19 : memref<!tpu.dma_semaphore, #tpu.memory_space<semaphore_mem>>)
    %dma_start3A_271 = arith.constant 3 : i32
    %dma_start3A_272 = arith.constant 3 : i32
    %dma_start3A_273 = arith.constant 0 : i32
    %dma_start3A_274 = arith.constant 0 : i32
    %dma_start3A_275 = tpu.memref_slice %arg11[%dma_start3A_272, %dma_start3A_273, %dma_start3A_274] : memref<8x50x64xf32, #tpu.memory_space<vmem>> -> memref<1x50x64xf32, #tpu.memory_space<vmem>>
    %dma_start3A_276 = tpu.memref_squeeze %dma_start3A_275 : memref<1x50x64xf32, #tpu.memory_space<vmem>> -> memref<50x64xf32, #tpu.memory_space<vmem>>
    %dma_start3A_277 = arith.constant 0 : i32
    %dma_start3A_278 = tpu.memref_slice %arg7[%dma_start3A_271, %dma_start3A_277] : memref<8x50xi32, #tpu.memory_space<vmem>> -> memref<1x50xi32, #tpu.memory_space<vmem>>
    %dma_start3A_279 = tpu.memref_squeeze %dma_start3A_278 : memref<1x50xi32, #tpu.memory_space<vmem>> -> memref<50xi32, #tpu.memory_space<vmem>>
    %dma_start3A_280 = arith.constant 0 : i32
    %dma_start3A_281 = arith.constant 0 : i32
    %dma_start3A_282 = tpu.memref_slice %arg3[%dma_start3A_280, %dma_start3A_281] : memref<2000000x64xf32, #tpu.memory_space<hbm>> -> memref<2000000x64xf32, #tpu.memory_space<hbm>>
    tpu.enqueue_indirect_dma source(%dma_start3A_282 : memref<2000000x64xf32, #tpu.memory_space<hbm>>) target(%dma_start3A_276 : memref<50x64xf32, #tpu.memory_space<vmem>>) offsets(%dma_start3A_279 : memref<50xi32, #tpu.memory_space<vmem>>) semaphore(%arg19 : memref<!tpu.dma_semaphore, #tpu.memory_space<semaphore_mem>>)
    %dma_start3A_283 = arith.constant 4 : i32
    %dma_start3A_284 = arith.constant 4 : i32
    %dma_start3A_285 = arith.constant 0 : i32
    %dma_start3A_286 = arith.constant 0 : i32
    %dma_start3A_287 = tpu.memref_slice %arg11[%dma_start3A_284, %dma_start3A_285, %dma_start3A_286] : memref<8x50x64xf32, #tpu.memory_space<vmem>> -> memref<1x50x64xf32, #tpu.memory_space<vmem>>
    %dma_start3A_288 = tpu.memref_squeeze %dma_start3A_287 : memref<1x50x64xf32, #tpu.memory_space<vmem>> -> memref<50x64xf32, #tpu.memory_space<vmem>>
    %dma_start3A_289 = arith.constant 0 : i32
    %dma_start3A_290 = tpu.memref_slice %arg7[%dma_start3A_283, %dma_start3A_289] : memref<8x50xi32, #tpu.memory_space<vmem>> -> memref<1x50xi32, #tpu.memory_space<vmem>>
    %dma_start3A_291 = tpu.memref_squeeze %dma_start3A_290 : memref<1x50xi32, #tpu.memory_space<vmem>> -> memref<50xi32, #tpu.memory_space<vmem>>
    %dma_start3A_292 = arith.constant 0 : i32
    %dma_start3A_293 = arith.constant 0 : i32
    %dma_start3A_294 = tpu.memref_slice %arg3[%dma_start3A_292, %dma_start3A_293] : memref<2000000x64xf32, #tpu.memory_space<hbm>> -> memref<2000000x64xf32, #tpu.memory_space<hbm>>
    tpu.enqueue_indirect_dma source(%dma_start3A_294 : memref<2000000x64xf32, #tpu.memory_space<hbm>>) target(%dma_start3A_288 : memref<50x64xf32, #tpu.memory_space<vmem>>) offsets(%dma_start3A_291 : memref<50xi32, #tpu.memory_space<vmem>>) semaphore(%arg19 : memref<!tpu.dma_semaphore, #tpu.memory_space<semaphore_mem>>)
    %dma_start3A_295 = arith.constant 5 : i32
    %dma_start3A_296 = arith.constant 5 : i32
    %dma_start3A_297 = arith.constant 0 : i32
    %dma_start3A_298 = arith.constant 0 : i32
    %dma_start3A_299 = tpu.memref_slice %arg11[%dma_start3A_296, %dma_start3A_297, %dma_start3A_298] : memref<8x50x64xf32, #tpu.memory_space<vmem>> -> memref<1x50x64xf32, #tpu.memory_space<vmem>>
    %dma_start3A_300 = tpu.memref_squeeze %dma_start3A_299 : memref<1x50x64xf32, #tpu.memory_space<vmem>> -> memref<50x64xf32, #tpu.memory_space<vmem>>
    %dma_start3A_301 = arith.constant 0 : i32
    %dma_start3A_302 = tpu.memref_slice %arg7[%dma_start3A_295, %dma_start3A_301] : memref<8x50xi32, #tpu.memory_space<vmem>> -> memref<1x50xi32, #tpu.memory_space<vmem>>
    %dma_start3A_303 = tpu.memref_squeeze %dma_start3A_302 : memref<1x50xi32, #tpu.memory_space<vmem>> -> memref<50xi32, #tpu.memory_space<vmem>>
    %dma_start3A_304 = arith.constant 0 : i32
    %dma_start3A_305 = arith.constant 0 : i32
    %dma_start3A_306 = tpu.memref_slice %arg3[%dma_start3A_304, %dma_start3A_305] : memref<2000000x64xf32, #tpu.memory_space<hbm>> -> memref<2000000x64xf32, #tpu.memory_space<hbm>>
    tpu.enqueue_indirect_dma source(%dma_start3A_306 : memref<2000000x64xf32, #tpu.memory_space<hbm>>) target(%dma_start3A_300 : memref<50x64xf32, #tpu.memory_space<vmem>>) offsets(%dma_start3A_303 : memref<50xi32, #tpu.memory_space<vmem>>) semaphore(%arg19 : memref<!tpu.dma_semaphore, #tpu.memory_space<semaphore_mem>>)
    %dma_start3A_307 = arith.constant 6 : i32
    %dma_start3A_308 = arith.constant 6 : i32
    %dma_start3A_309 = arith.constant 0 : i32
    %dma_start3A_310 = arith.constant 0 : i32
    %dma_start3A_311 = tpu.memref_slice %arg11[%dma_start3A_308, %dma_start3A_309, %dma_start3A_310] : memref<8x50x64xf32, #tpu.memory_space<vmem>> -> memref<1x50x64xf32, #tpu.memory_space<vmem>>
    %dma_start3A_312 = tpu.memref_squeeze %dma_start3A_311 : memref<1x50x64xf32, #tpu.memory_space<vmem>> -> memref<50x64xf32, #tpu.memory_space<vmem>>
    %dma_start3A_313 = arith.constant 0 : i32
    %dma_start3A_314 = tpu.memref_slice %arg7[%dma_start3A_307, %dma_start3A_313] : memref<8x50xi32, #tpu.memory_space<vmem>> -> memref<1x50xi32, #tpu.memory_space<vmem>>
    %dma_start3A_315 = tpu.memref_squeeze %dma_start3A_314 : memref<1x50xi32, #tpu.memory_space<vmem>> -> memref<50xi32, #tpu.memory_space<vmem>>
    %dma_start3A_316 = arith.constant 0 : i32
    %dma_start3A_317 = arith.constant 0 : i32
    %dma_start3A_318 = tpu.memref_slice %arg3[%dma_start3A_316, %dma_start3A_317] : memref<2000000x64xf32, #tpu.memory_space<hbm>> -> memref<2000000x64xf32, #tpu.memory_space<hbm>>
    tpu.enqueue_indirect_dma source(%dma_start3A_318 : memref<2000000x64xf32, #tpu.memory_space<hbm>>) target(%dma_start3A_312 : memref<50x64xf32, #tpu.memory_space<vmem>>) offsets(%dma_start3A_315 : memref<50xi32, #tpu.memory_space<vmem>>) semaphore(%arg19 : memref<!tpu.dma_semaphore, #tpu.memory_space<semaphore_mem>>)
    %dma_start3A_319 = arith.constant 7 : i32
    %dma_start3A_320 = arith.constant 7 : i32
    %dma_start3A_321 = arith.constant 0 : i32
    %dma_start3A_322 = arith.constant 0 : i32
    %dma_start3A_323 = tpu.memref_slice %arg11[%dma_start3A_320, %dma_start3A_321, %dma_start3A_322] : memref<8x50x64xf32, #tpu.memory_space<vmem>> -> memref<1x50x64xf32, #tpu.memory_space<vmem>>
    %dma_start3A_324 = tpu.memref_squeeze %dma_start3A_323 : memref<1x50x64xf32, #tpu.memory_space<vmem>> -> memref<50x64xf32, #tpu.memory_space<vmem>>
    %dma_start3A_325 = arith.constant 0 : i32
    %dma_start3A_326 = tpu.memref_slice %arg7[%dma_start3A_319, %dma_start3A_325] : memref<8x50xi32, #tpu.memory_space<vmem>> -> memref<1x50xi32, #tpu.memory_space<vmem>>
    %dma_start3A_327 = tpu.memref_squeeze %dma_start3A_326 : memref<1x50xi32, #tpu.memory_space<vmem>> -> memref<50xi32, #tpu.memory_space<vmem>>
    %dma_start3A_328 = arith.constant 0 : i32
    %dma_start3A_329 = arith.constant 0 : i32
    %dma_start3A_330 = tpu.memref_slice %arg3[%dma_start3A_328, %dma_start3A_329] : memref<2000000x64xf32, #tpu.memory_space<hbm>> -> memref<2000000x64xf32, #tpu.memory_space<hbm>>
    tpu.enqueue_indirect_dma source(%dma_start3A_330 : memref<2000000x64xf32, #tpu.memory_space<hbm>>) target(%dma_start3A_324 : memref<50x64xf32, #tpu.memory_space<vmem>>) offsets(%dma_start3A_327 : memref<50xi32, #tpu.memory_space<vmem>>) semaphore(%arg19 : memref<!tpu.dma_semaphore, #tpu.memory_space<semaphore_mem>>)
    %dma_wait3A_331 = arith.constant 0 : i32
    %dma_wait3A_332 = arith.constant 0 : i32
    %dma_wait3A_333 = arith.constant 0 : i32
    %dma_wait3A_334 = arith.constant 0 : i32
    %dma_wait3A_335 = tpu.memref_slice %arg9[%dma_wait3A_332, %dma_wait3A_333, %dma_wait3A_334] : memref<8x50x64xf32, #tpu.memory_space<vmem>> -> memref<1x50x64xf32, #tpu.memory_space<vmem>>
    %dma_wait3A_336 = tpu.memref_squeeze %dma_wait3A_335 : memref<1x50x64xf32, #tpu.memory_space<vmem>> -> memref<50x64xf32, #tpu.memory_space<vmem>>
    %dma_wait3A_337 = arith.constant 0 : i32
    %dma_wait3A_338 = tpu.memref_slice %arg5[%dma_wait3A_331, %dma_wait3A_337] : memref<8x50xi32, #tpu.memory_space<vmem>> -> memref<1x50xi32, #tpu.memory_space<vmem>>
    %dma_wait3A_339 = tpu.memref_squeeze %dma_wait3A_338 : memref<1x50xi32, #tpu.memory_space<vmem>> -> memref<50xi32, #tpu.memory_space<vmem>>
    %dma_wait3A_340 = arith.constant 0 : i32
    %dma_wait3A_341 = arith.constant 0 : i32
    %dma_wait3A_342 = tpu.memref_slice %arg3[%dma_wait3A_340, %dma_wait3A_341] : memref<2000000x64xf32, #tpu.memory_space<hbm>> -> memref<2000000x64xf32, #tpu.memory_space<hbm>>
    tpu.wait_indirect_dma semaphore(%arg17 : memref<!tpu.dma_semaphore, #tpu.memory_space<semaphore_mem>>) src(%dma_wait3A_342 : memref<2000000x64xf32, #tpu.memory_space<hbm>>) dst(%dma_wait3A_336 : memref<50x64xf32, #tpu.memory_space<vmem>>)
    %dma_wait3A_343 = arith.constant 1 : i32
    %dma_wait3A_344 = arith.constant 1 : i32
    %dma_wait3A_345 = arith.constant 0 : i32
    %dma_wait3A_346 = arith.constant 0 : i32
    %dma_wait3A_347 = tpu.memref_slice %arg9[%dma_wait3A_344, %dma_wait3A_345, %dma_wait3A_346] : memref<8x50x64xf32, #tpu.memory_space<vmem>> -> memref<1x50x64xf32, #tpu.memory_space<vmem>>
    %dma_wait3A_348 = tpu.memref_squeeze %dma_wait3A_347 : memref<1x50x64xf32, #tpu.memory_space<vmem>> -> memref<50x64xf32, #tpu.memory_space<vmem>>
    %dma_wait3A_349 = arith.constant 0 : i32
    %dma_wait3A_350 = tpu.memref_slice %arg5[%dma_wait3A_343, %dma_wait3A_349] : memref<8x50xi32, #tpu.memory_space<vmem>> -> memref<1x50xi32, #tpu.memory_space<vmem>>
    %dma_wait3A_351 = tpu.memref_squeeze %dma_wait3A_350 : memref<1x50xi32, #tpu.memory_space<vmem>> -> memref<50xi32, #tpu.memory_space<vmem>>
    %dma_wait3A_352 = arith.constant 0 : i32
    %dma_wait3A_353 = arith.constant 0 : i32
    %dma_wait3A_354 = tpu.memref_slice %arg3[%dma_wait3A_352, %dma_wait3A_353] : memref<2000000x64xf32, #tpu.memory_space<hbm>> -> memref<2000000x64xf32, #tpu.memory_space<hbm>>
    tpu.wait_indirect_dma semaphore(%arg17 : memref<!tpu.dma_semaphore, #tpu.memory_space<semaphore_mem>>) src(%dma_wait3A_354 : memref<2000000x64xf32, #tpu.memory_space<hbm>>) dst(%dma_wait3A_348 : memref<50x64xf32, #tpu.memory_space<vmem>>)
    %dma_wait3A_355 = arith.constant 2 : i32
    %dma_wait3A_356 = arith.constant 2 : i32
    %dma_wait3A_357 = arith.constant 0 : i32
    %dma_wait3A_358 = arith.constant 0 : i32
    %dma_wait3A_359 = tpu.memref_slice %arg9[%dma_wait3A_356, %dma_wait3A_357, %dma_wait3A_358] : memref<8x50x64xf32, #tpu.memory_space<vmem>> -> memref<1x50x64xf32, #tpu.memory_space<vmem>>
    %dma_wait3A_360 = tpu.memref_squeeze %dma_wait3A_359 : memref<1x50x64xf32, #tpu.memory_space<vmem>> -> memref<50x64xf32, #tpu.memory_space<vmem>>
    %dma_wait3A_361 = arith.constant 0 : i32
    %dma_wait3A_362 = tpu.memref_slice %arg5[%dma_wait3A_355, %dma_wait3A_361] : memref<8x50xi32, #tpu.memory_space<vmem>> -> memref<1x50xi32, #tpu.memory_space<vmem>>
    %dma_wait3A_363 = tpu.memref_squeeze %dma_wait3A_362 : memref<1x50xi32, #tpu.memory_space<vmem>> -> memref<50xi32, #tpu.memory_space<vmem>>
    %dma_wait3A_364 = arith.constant 0 : i32
    %dma_wait3A_365 = arith.constant 0 : i32
    %dma_wait3A_366 = tpu.memref_slice %arg3[%dma_wait3A_364, %dma_wait3A_365] : memref<2000000x64xf32, #tpu.memory_space<hbm>> -> memref<2000000x64xf32, #tpu.memory_space<hbm>>
    tpu.wait_indirect_dma semaphore(%arg17 : memref<!tpu.dma_semaphore, #tpu.memory_space<semaphore_mem>>) src(%dma_wait3A_366 : memref<2000000x64xf32, #tpu.memory_space<hbm>>) dst(%dma_wait3A_360 : memref<50x64xf32, #tpu.memory_space<vmem>>)
    %dma_wait3A_367 = arith.constant 3 : i32
    %dma_wait3A_368 = arith.constant 3 : i32
    %dma_wait3A_369 = arith.constant 0 : i32
    %dma_wait3A_370 = arith.constant 0 : i32
    %dma_wait3A_371 = tpu.memref_slice %arg9[%dma_wait3A_368, %dma_wait3A_369, %dma_wait3A_370] : memref<8x50x64xf32, #tpu.memory_space<vmem>> -> memref<1x50x64xf32, #tpu.memory_space<vmem>>
    %dma_wait3A_372 = tpu.memref_squeeze %dma_wait3A_371 : memref<1x50x64xf32, #tpu.memory_space<vmem>> -> memref<50x64xf32, #tpu.memory_space<vmem>>
    %dma_wait3A_373 = arith.constant 0 : i32
    %dma_wait3A_374 = tpu.memref_slice %arg5[%dma_wait3A_367, %dma_wait3A_373] : memref<8x50xi32, #tpu.memory_space<vmem>> -> memref<1x50xi32, #tpu.memory_space<vmem>>
    %dma_wait3A_375 = tpu.memref_squeeze %dma_wait3A_374 : memref<1x50xi32, #tpu.memory_space<vmem>> -> memref<50xi32, #tpu.memory_space<vmem>>
    %dma_wait3A_376 = arith.constant 0 : i32
    %dma_wait3A_377 = arith.constant 0 : i32
    %dma_wait3A_378 = tpu.memref_slice %arg3[%dma_wait3A_376, %dma_wait3A_377] : memref<2000000x64xf32, #tpu.memory_space<hbm>> -> memref<2000000x64xf32, #tpu.memory_space<hbm>>
    tpu.wait_indirect_dma semaphore(%arg17 : memref<!tpu.dma_semaphore, #tpu.memory_space<semaphore_mem>>) src(%dma_wait3A_378 : memref<2000000x64xf32, #tpu.memory_space<hbm>>) dst(%dma_wait3A_372 : memref<50x64xf32, #tpu.memory_space<vmem>>)
    %dma_wait3A_379 = arith.constant 4 : i32
    %dma_wait3A_380 = arith.constant 4 : i32
    %dma_wait3A_381 = arith.constant 0 : i32
    %dma_wait3A_382 = arith.constant 0 : i32
    %dma_wait3A_383 = tpu.memref_slice %arg9[%dma_wait3A_380, %dma_wait3A_381, %dma_wait3A_382] : memref<8x50x64xf32, #tpu.memory_space<vmem>> -> memref<1x50x64xf32, #tpu.memory_space<vmem>>
    %dma_wait3A_384 = tpu.memref_squeeze %dma_wait3A_383 : memref<1x50x64xf32, #tpu.memory_space<vmem>> -> memref<50x64xf32, #tpu.memory_space<vmem>>
    %dma_wait3A_385 = arith.constant 0 : i32
    %dma_wait3A_386 = tpu.memref_slice %arg5[%dma_wait3A_379, %dma_wait3A_385] : memref<8x50xi32, #tpu.memory_space<vmem>> -> memref<1x50xi32, #tpu.memory_space<vmem>>
    %dma_wait3A_387 = tpu.memref_squeeze %dma_wait3A_386 : memref<1x50xi32, #tpu.memory_space<vmem>> -> memref<50xi32, #tpu.memory_space<vmem>>
    %dma_wait3A_388 = arith.constant 0 : i32
    %dma_wait3A_389 = arith.constant 0 : i32
    %dma_wait3A_390 = tpu.memref_slice %arg3[%dma_wait3A_388, %dma_wait3A_389] : memref<2000000x64xf32, #tpu.memory_space<hbm>> -> memref<2000000x64xf32, #tpu.memory_space<hbm>>
    tpu.wait_indirect_dma semaphore(%arg17 : memref<!tpu.dma_semaphore, #tpu.memory_space<semaphore_mem>>) src(%dma_wait3A_390 : memref<2000000x64xf32, #tpu.memory_space<hbm>>) dst(%dma_wait3A_384 : memref<50x64xf32, #tpu.memory_space<vmem>>)
    %dma_wait3A_391 = arith.constant 5 : i32
    %dma_wait3A_392 = arith.constant 5 : i32
    %dma_wait3A_393 = arith.constant 0 : i32
    %dma_wait3A_394 = arith.constant 0 : i32
    %dma_wait3A_395 = tpu.memref_slice %arg9[%dma_wait3A_392, %dma_wait3A_393, %dma_wait3A_394] : memref<8x50x64xf32, #tpu.memory_space<vmem>> -> memref<1x50x64xf32, #tpu.memory_space<vmem>>
    %dma_wait3A_396 = tpu.memref_squeeze %dma_wait3A_395 : memref<1x50x64xf32, #tpu.memory_space<vmem>> -> memref<50x64xf32, #tpu.memory_space<vmem>>
    %dma_wait3A_397 = arith.constant 0 : i32
    %dma_wait3A_398 = tpu.memref_slice %arg5[%dma_wait3A_391, %dma_wait3A_397] : memref<8x50xi32, #tpu.memory_space<vmem>> -> memref<1x50xi32, #tpu.memory_space<vmem>>
    %dma_wait3A_399 = tpu.memref_squeeze %dma_wait3A_398 : memref<1x50xi32, #tpu.memory_space<vmem>> -> memref<50xi32, #tpu.memory_space<vmem>>
    %dma_wait3A_400 = arith.constant 0 : i32
    %dma_wait3A_401 = arith.constant 0 : i32
    %dma_wait3A_402 = tpu.memref_slice %arg3[%dma_wait3A_400, %dma_wait3A_401] : memref<2000000x64xf32, #tpu.memory_space<hbm>> -> memref<2000000x64xf32, #tpu.memory_space<hbm>>
    tpu.wait_indirect_dma semaphore(%arg17 : memref<!tpu.dma_semaphore, #tpu.memory_space<semaphore_mem>>) src(%dma_wait3A_402 : memref<2000000x64xf32, #tpu.memory_space<hbm>>) dst(%dma_wait3A_396 : memref<50x64xf32, #tpu.memory_space<vmem>>)
    %dma_wait3A_403 = arith.constant 6 : i32
    %dma_wait3A_404 = arith.constant 6 : i32
    %dma_wait3A_405 = arith.constant 0 : i32
    %dma_wait3A_406 = arith.constant 0 : i32
    %dma_wait3A_407 = tpu.memref_slice %arg9[%dma_wait3A_404, %dma_wait3A_405, %dma_wait3A_406] : memref<8x50x64xf32, #tpu.memory_space<vmem>> -> memref<1x50x64xf32, #tpu.memory_space<vmem>>
    %dma_wait3A_408 = tpu.memref_squeeze %dma_wait3A_407 : memref<1x50x64xf32, #tpu.memory_space<vmem>> -> memref<50x64xf32, #tpu.memory_space<vmem>>
    %dma_wait3A_409 = arith.constant 0 : i32
    %dma_wait3A_410 = tpu.memref_slice %arg5[%dma_wait3A_403, %dma_wait3A_409] : memref<8x50xi32, #tpu.memory_space<vmem>> -> memref<1x50xi32, #tpu.memory_space<vmem>>
    %dma_wait3A_411 = tpu.memref_squeeze %dma_wait3A_410 : memref<1x50xi32, #tpu.memory_space<vmem>> -> memref<50xi32, #tpu.memory_space<vmem>>
    %dma_wait3A_412 = arith.constant 0 : i32
    %dma_wait3A_413 = arith.constant 0 : i32
    %dma_wait3A_414 = tpu.memref_slice %arg3[%dma_wait3A_412, %dma_wait3A_413] : memref<2000000x64xf32, #tpu.memory_space<hbm>> -> memref<2000000x64xf32, #tpu.memory_space<hbm>>
    tpu.wait_indirect_dma semaphore(%arg17 : memref<!tpu.dma_semaphore, #tpu.memory_space<semaphore_mem>>) src(%dma_wait3A_414 : memref<2000000x64xf32, #tpu.memory_space<hbm>>) dst(%dma_wait3A_408 : memref<50x64xf32, #tpu.memory_space<vmem>>)
    %dma_wait3A_415 = arith.constant 7 : i32
    %dma_wait3A_416 = arith.constant 7 : i32
    %dma_wait3A_417 = arith.constant 0 : i32
    %dma_wait3A_418 = arith.constant 0 : i32
    %dma_wait3A_419 = tpu.memref_slice %arg9[%dma_wait3A_416, %dma_wait3A_417, %dma_wait3A_418] : memref<8x50x64xf32, #tpu.memory_space<vmem>> -> memref<1x50x64xf32, #tpu.memory_space<vmem>>
    %dma_wait3A_420 = tpu.memref_squeeze %dma_wait3A_419 : memref<1x50x64xf32, #tpu.memory_space<vmem>> -> memref<50x64xf32, #tpu.memory_space<vmem>>
    %dma_wait3A_421 = arith.constant 0 : i32
    %dma_wait3A_422 = tpu.memref_slice %arg5[%dma_wait3A_415, %dma_wait3A_421] : memref<8x50xi32, #tpu.memory_space<vmem>> -> memref<1x50xi32, #tpu.memory_space<vmem>>
    %dma_wait3A_423 = tpu.memref_squeeze %dma_wait3A_422 : memref<1x50xi32, #tpu.memory_space<vmem>> -> memref<50xi32, #tpu.memory_space<vmem>>
    %dma_wait3A_424 = arith.constant 0 : i32
    %dma_wait3A_425 = arith.constant 0 : i32
    %dma_wait3A_426 = tpu.memref_slice %arg3[%dma_wait3A_424, %dma_wait3A_425] : memref<2000000x64xf32, #tpu.memory_space<hbm>> -> memref<2000000x64xf32, #tpu.memory_space<hbm>>
    tpu.wait_indirect_dma semaphore(%arg17 : memref<!tpu.dma_semaphore, #tpu.memory_space<semaphore_mem>>) src(%dma_wait3A_426 : memref<2000000x64xf32, #tpu.memory_space<hbm>>) dst(%dma_wait3A_420 : memref<50x64xf32, #tpu.memory_space<vmem>>)
    %add3A_427 = arith.constant 0 : i32
    %add3A_428 = arith.addi %mul3A_2, %add3A_427 : i32
    %dma_start3A_429 = arith.constant 0 : i32
    %dma_start3A_430 = arith.constant 0 : i32
    %dma_start3A_431 = tpu.memref_slice %arg4[%add3A_428, %dma_start3A_429, %dma_start3A_430] : memref<16384x56x128xf32, #tpu.memory_space<hbm>> -> memref<8x50x64xf32, #tpu.memory_space<hbm>>
    %dma_start3A_432 = arith.constant 0 : i32
    %dma_start3A_433 = arith.constant 0 : i32
    %dma_start3A_434 = tpu.memref_slice %arg4[%add3A_428, %dma_start3A_432, %dma_start3A_433] : memref<16384x56x128xf32, #tpu.memory_space<hbm>> -> memref<8x50x64xf32, #tpu.memory_space<hbm>>
    tpu.enqueue_dma source(%arg9 : memref<8x50x64xf32, #tpu.memory_space<vmem>>) target(%dma_start3A_434 : memref<8x50x64xf32, #tpu.memory_space<hbm>>) target_semaphore(%arg21 : memref<!tpu.dma_semaphore, #tpu.memory_space<semaphore_mem>>)
    %add3A_435 = arith.constant 32 : i32
    %add3A_436 = arith.addi %mul3A_2, %add3A_435 : i32
    %dma_start3A_437 = arith.constant 0 : i32
    %dma_start3A_438 = tpu.memref_slice %arg2[%add3A_436, %dma_start3A_437] : memref<16384x50xi32, #tpu.memory_space<hbm>> -> memref<8x50xi32, #tpu.memory_space<hbm>>
    %dma_start3A_439 = arith.constant 0 : i32
    %dma_start3A_440 = tpu.memref_slice %arg2[%add3A_436, %dma_start3A_439] : memref<16384x50xi32, #tpu.memory_space<hbm>> -> memref<8x50xi32, #tpu.memory_space<hbm>>
    tpu.enqueue_dma source(%dma_start3A_440 : memref<8x50xi32, #tpu.memory_space<hbm>>) target(%arg5 : memref<8x50xi32, #tpu.memory_space<vmem>>) target_semaphore(%arg13 : memref<!tpu.dma_semaphore, #tpu.memory_space<semaphore_mem>>)
    %add3A_441 = arith.constant 24 : i32
    %add3A_442 = arith.addi %mul3A_2, %add3A_441 : i32
    %dma_wait3A_443 = arith.constant 0 : i32
    %dma_wait3A_444 = tpu.memref_slice %arg2[%add3A_442, %dma_wait3A_443] : memref<16384x50xi32, #tpu.memory_space<hbm>> -> memref<8x50xi32, #tpu.memory_space<hbm>>
    %dma_wait3A_445 = arith.constant 0 : i32
    %dma_wait3A_446 = tpu.memref_slice %arg2[%add3A_442, %dma_wait3A_445] : memref<16384x50xi32, #tpu.memory_space<hbm>> -> memref<8x50xi32, #tpu.memory_space<hbm>>
    tpu.wait_dma2 semaphore(%arg16 : memref<!tpu.dma_semaphore, #tpu.memory_space<semaphore_mem>>) src(%dma_wait3A_446 : memref<8x50xi32, #tpu.memory_space<hbm>>) dst(%arg8 : memref<8x50xi32, #tpu.memory_space<vmem>>)
    %dma_start3A_447 = arith.constant 0 : i32
    %dma_start3A_448 = arith.constant 0 : i32
    %dma_start3A_449 = arith.constant 0 : i32
    %dma_start3A_450 = arith.constant 0 : i32
    %dma_start3A_451 = tpu.memref_slice %arg12[%dma_start3A_448, %dma_start3A_449, %dma_start3A_450] : memref<8x50x64xf32, #tpu.memory_space<vmem>> -> memref<1x50x64xf32, #tpu.memory_space<vmem>>
    %dma_start3A_452 = tpu.memref_squeeze %dma_start3A_451 : memref<1x50x64xf32, #tpu.memory_space<vmem>> -> memref<50x64xf32, #tpu.memory_space<vmem>>
    %dma_start3A_453 = arith.constant 0 : i32
    %dma_start3A_454 = tpu.memref_slice %arg8[%dma_start3A_447, %dma_start3A_453] : memref<8x50xi32, #tpu.memory_space<vmem>> -> memref<1x50xi32, #tpu.memory_space<vmem>>
    %dma_start3A_455 = tpu.memref_squeeze %dma_start3A_454 : memref<1x50xi32, #tpu.memory_space<vmem>> -> memref<50xi32, #tpu.memory_space<vmem>>
    %dma_start3A_456 = arith.constant 0 : i32
    %dma_start3A_457 = arith.constant 0 : i32
    %dma_start3A_458 = tpu.memref_slice %arg3[%dma_start3A_456, %dma_start3A_457] : memref<2000000x64xf32, #tpu.memory_space<hbm>> -> memref<2000000x64xf32, #tpu.memory_space<hbm>>
    tpu.enqueue_indirect_dma source(%dma_start3A_458 : memref<2000000x64xf32, #tpu.memory_space<hbm>>) target(%dma_start3A_452 : memref<50x64xf32, #tpu.memory_space<vmem>>) offsets(%dma_start3A_455 : memref<50xi32, #tpu.memory_space<vmem>>) semaphore(%arg20 : memref<!tpu.dma_semaphore, #tpu.memory_space<semaphore_mem>>)
    %dma_start3A_459 = arith.constant 1 : i32
    %dma_start3A_460 = arith.constant 1 : i32
    %dma_start3A_461 = arith.constant 0 : i32
    %dma_start3A_462 = arith.constant 0 : i32
    %dma_start3A_463 = tpu.memref_slice %arg12[%dma_start3A_460, %dma_start3A_461, %dma_start3A_462] : memref<8x50x64xf32, #tpu.memory_space<vmem>> -> memref<1x50x64xf32, #tpu.memory_space<vmem>>
    %dma_start3A_464 = tpu.memref_squeeze %dma_start3A_463 : memref<1x50x64xf32, #tpu.memory_space<vmem>> -> memref<50x64xf32, #tpu.memory_space<vmem>>
    %dma_start3A_465 = arith.constant 0 : i32
    %dma_start3A_466 = tpu.memref_slice %arg8[%dma_start3A_459, %dma_start3A_465] : memref<8x50xi32, #tpu.memory_space<vmem>> -> memref<1x50xi32, #tpu.memory_space<vmem>>
    %dma_start3A_467 = tpu.memref_squeeze %dma_start3A_466 : memref<1x50xi32, #tpu.memory_space<vmem>> -> memref<50xi32, #tpu.memory_space<vmem>>
    %dma_start3A_468 = arith.constant 0 : i32
    %dma_start3A_469 = arith.constant 0 : i32
    %dma_start3A_470 = tpu.memref_slice %arg3[%dma_start3A_468, %dma_start3A_469] : memref<2000000x64xf32, #tpu.memory_space<hbm>> -> memref<2000000x64xf32, #tpu.memory_space<hbm>>
    tpu.enqueue_indirect_dma source(%dma_start3A_470 : memref<2000000x64xf32, #tpu.memory_space<hbm>>) target(%dma_start3A_464 : memref<50x64xf32, #tpu.memory_space<vmem>>) offsets(%dma_start3A_467 : memref<50xi32, #tpu.memory_space<vmem>>) semaphore(%arg20 : memref<!tpu.dma_semaphore, #tpu.memory_space<semaphore_mem>>)
    %dma_start3A_471 = arith.constant 2 : i32
    %dma_start3A_472 = arith.constant 2 : i32
    %dma_start3A_473 = arith.constant 0 : i32
    %dma_start3A_474 = arith.constant 0 : i32
    %dma_start3A_475 = tpu.memref_slice %arg12[%dma_start3A_472, %dma_start3A_473, %dma_start3A_474] : memref<8x50x64xf32, #tpu.memory_space<vmem>> -> memref<1x50x64xf32, #tpu.memory_space<vmem>>
    %dma_start3A_476 = tpu.memref_squeeze %dma_start3A_475 : memref<1x50x64xf32, #tpu.memory_space<vmem>> -> memref<50x64xf32, #tpu.memory_space<vmem>>
    %dma_start3A_477 = arith.constant 0 : i32
    %dma_start3A_478 = tpu.memref_slice %arg8[%dma_start3A_471, %dma_start3A_477] : memref<8x50xi32, #tpu.memory_space<vmem>> -> memref<1x50xi32, #tpu.memory_space<vmem>>
    %dma_start3A_479 = tpu.memref_squeeze %dma_start3A_478 : memref<1x50xi32, #tpu.memory_space<vmem>> -> memref<50xi32, #tpu.memory_space<vmem>>
    %dma_start3A_480 = arith.constant 0 : i32
    %dma_start3A_481 = arith.constant 0 : i32
    %dma_start3A_482 = tpu.memref_slice %arg3[%dma_start3A_480, %dma_start3A_481] : memref<2000000x64xf32, #tpu.memory_space<hbm>> -> memref<2000000x64xf32, #tpu.memory_space<hbm>>
    tpu.enqueue_indirect_dma source(%dma_start3A_482 : memref<2000000x64xf32, #tpu.memory_space<hbm>>) target(%dma_start3A_476 : memref<50x64xf32, #tpu.memory_space<vmem>>) offsets(%dma_start3A_479 : memref<50xi32, #tpu.memory_space<vmem>>) semaphore(%arg20 : memref<!tpu.dma_semaphore, #tpu.memory_space<semaphore_mem>>)
    %dma_start3A_483 = arith.constant 3 : i32
    %dma_start3A_484 = arith.constant 3 : i32
    %dma_start3A_485 = arith.constant 0 : i32
    %dma_start3A_486 = arith.constant 0 : i32
    %dma_start3A_487 = tpu.memref_slice %arg12[%dma_start3A_484, %dma_start3A_485, %dma_start3A_486] : memref<8x50x64xf32, #tpu.memory_space<vmem>> -> memref<1x50x64xf32, #tpu.memory_space<vmem>>
    %dma_start3A_488 = tpu.memref_squeeze %dma_start3A_487 : memref<1x50x64xf32, #tpu.memory_space<vmem>> -> memref<50x64xf32, #tpu.memory_space<vmem>>
    %dma_start3A_489 = arith.constant 0 : i32
    %dma_start3A_490 = tpu.memref_slice %arg8[%dma_start3A_483, %dma_start3A_489] : memref<8x50xi32, #tpu.memory_space<vmem>> -> memref<1x50xi32, #tpu.memory_space<vmem>>
    %dma_start3A_491 = tpu.memref_squeeze %dma_start3A_490 : memref<1x50xi32, #tpu.memory_space<vmem>> -> memref<50xi32, #tpu.memory_space<vmem>>
    %dma_start3A_492 = arith.constant 0 : i32
    %dma_start3A_493 = arith.constant 0 : i32
    %dma_start3A_494 = tpu.memref_slice %arg3[%dma_start3A_492, %dma_start3A_493] : memref<2000000x64xf32, #tpu.memory_space<hbm>> -> memref<2000000x64xf32, #tpu.memory_space<hbm>>
    tpu.enqueue_indirect_dma source(%dma_start3A_494 : memref<2000000x64xf32, #tpu.memory_space<hbm>>) target(%dma_start3A_488 : memref<50x64xf32, #tpu.memory_space<vmem>>) offsets(%dma_start3A_491 : memref<50xi32, #tpu.memory_space<vmem>>) semaphore(%arg20 : memref<!tpu.dma_semaphore, #tpu.memory_space<semaphore_mem>>)
    %dma_start3A_495 = arith.constant 4 : i32
    %dma_start3A_496 = arith.constant 4 : i32
    %dma_start3A_497 = arith.constant 0 : i32
    %dma_start3A_498 = arith.constant 0 : i32
    %dma_start3A_499 = tpu.memref_slice %arg12[%dma_start3A_496, %dma_start3A_497, %dma_start3A_498] : memref<8x50x64xf32, #tpu.memory_space<vmem>> -> memref<1x50x64xf32, #tpu.memory_space<vmem>>
    %dma_start3A_500 = tpu.memref_squeeze %dma_start3A_499 : memref<1x50x64xf32, #tpu.memory_space<vmem>> -> memref<50x64xf32, #tpu.memory_space<vmem>>
    %dma_start3A_501 = arith.constant 0 : i32
    %dma_start3A_502 = tpu.memref_slice %arg8[%dma_start3A_495, %dma_start3A_501] : memref<8x50xi32, #tpu.memory_space<vmem>> -> memref<1x50xi32, #tpu.memory_space<vmem>>
    %dma_start3A_503 = tpu.memref_squeeze %dma_start3A_502 : memref<1x50xi32, #tpu.memory_space<vmem>> -> memref<50xi32, #tpu.memory_space<vmem>>
    %dma_start3A_504 = arith.constant 0 : i32
    %dma_start3A_505 = arith.constant 0 : i32
    %dma_start3A_506 = tpu.memref_slice %arg3[%dma_start3A_504, %dma_start3A_505] : memref<2000000x64xf32, #tpu.memory_space<hbm>> -> memref<2000000x64xf32, #tpu.memory_space<hbm>>
    tpu.enqueue_indirect_dma source(%dma_start3A_506 : memref<2000000x64xf32, #tpu.memory_space<hbm>>) target(%dma_start3A_500 : memref<50x64xf32, #tpu.memory_space<vmem>>) offsets(%dma_start3A_503 : memref<50xi32, #tpu.memory_space<vmem>>) semaphore(%arg20 : memref<!tpu.dma_semaphore, #tpu.memory_space<semaphore_mem>>)
    %dma_start3A_507 = arith.constant 5 : i32
    %dma_start3A_508 = arith.constant 5 : i32
    %dma_start3A_509 = arith.constant 0 : i32
    %dma_start3A_510 = arith.constant 0 : i32
    %dma_start3A_511 = tpu.memref_slice %arg12[%dma_start3A_508, %dma_start3A_509, %dma_start3A_510] : memref<8x50x64xf32, #tpu.memory_space<vmem>> -> memref<1x50x64xf32, #tpu.memory_space<vmem>>
    %dma_start3A_512 = tpu.memref_squeeze %dma_start3A_511 : memref<1x50x64xf32, #tpu.memory_space<vmem>> -> memref<50x64xf32, #tpu.memory_space<vmem>>
    %dma_start3A_513 = arith.constant 0 : i32
    %dma_start3A_514 = tpu.memref_slice %arg8[%dma_start3A_507, %dma_start3A_513] : memref<8x50xi32, #tpu.memory_space<vmem>> -> memref<1x50xi32, #tpu.memory_space<vmem>>
    %dma_start3A_515 = tpu.memref_squeeze %dma_start3A_514 : memref<1x50xi32, #tpu.memory_space<vmem>> -> memref<50xi32, #tpu.memory_space<vmem>>
    %dma_start3A_516 = arith.constant 0 : i32
    %dma_start3A_517 = arith.constant 0 : i32
    %dma_start3A_518 = tpu.memref_slice %arg3[%dma_start3A_516, %dma_start3A_517] : memref<2000000x64xf32, #tpu.memory_space<hbm>> -> memref<2000000x64xf32, #tpu.memory_space<hbm>>
    tpu.enqueue_indirect_dma source(%dma_start3A_518 : memref<2000000x64xf32, #tpu.memory_space<hbm>>) target(%dma_start3A_512 : memref<50x64xf32, #tpu.memory_space<vmem>>) offsets(%dma_start3A_515 : memref<50xi32, #tpu.memory_space<vmem>>) semaphore(%arg20 : memref<!tpu.dma_semaphore, #tpu.memory_space<semaphore_mem>>)
    %dma_start3A_519 = arith.constant 6 : i32
    %dma_start3A_520 = arith.constant 6 : i32
    %dma_start3A_521 = arith.constant 0 : i32
    %dma_start3A_522 = arith.constant 0 : i32
    %dma_start3A_523 = tpu.memref_slice %arg12[%dma_start3A_520, %dma_start3A_521, %dma_start3A_522] : memref<8x50x64xf32, #tpu.memory_space<vmem>> -> memref<1x50x64xf32, #tpu.memory_space<vmem>>
    %dma_start3A_524 = tpu.memref_squeeze %dma_start3A_523 : memref<1x50x64xf32, #tpu.memory_space<vmem>> -> memref<50x64xf32, #tpu.memory_space<vmem>>
    %dma_start3A_525 = arith.constant 0 : i32
    %dma_start3A_526 = tpu.memref_slice %arg8[%dma_start3A_519, %dma_start3A_525] : memref<8x50xi32, #tpu.memory_space<vmem>> -> memref<1x50xi32, #tpu.memory_space<vmem>>
    %dma_start3A_527 = tpu.memref_squeeze %dma_start3A_526 : memref<1x50xi32, #tpu.memory_space<vmem>> -> memref<50xi32, #tpu.memory_space<vmem>>
    %dma_start3A_528 = arith.constant 0 : i32
    %dma_start3A_529 = arith.constant 0 : i32
    %dma_start3A_530 = tpu.memref_slice %arg3[%dma_start3A_528, %dma_start3A_529] : memref<2000000x64xf32, #tpu.memory_space<hbm>> -> memref<2000000x64xf32, #tpu.memory_space<hbm>>
    tpu.enqueue_indirect_dma source(%dma_start3A_530 : memref<2000000x64xf32, #tpu.memory_space<hbm>>) target(%dma_start3A_524 : memref<50x64xf32, #tpu.memory_space<vmem>>) offsets(%dma_start3A_527 : memref<50xi32, #tpu.memory_space<vmem>>) semaphore(%arg20 : memref<!tpu.dma_semaphore, #tpu.memory_space<semaphore_mem>>)
    %dma_start3A_531 = arith.constant 7 : i32
    %dma_start3A_532 = arith.constant 7 : i32
    %dma_start3A_533 = arith.constant 0 : i32
    %dma_start3A_534 = arith.constant 0 : i32
    %dma_start3A_535 = tpu.memref_slice %arg12[%dma_start3A_532, %dma_start3A_533, %dma_start3A_534] : memref<8x50x64xf32, #tpu.memory_space<vmem>> -> memref<1x50x64xf32, #tpu.memory_space<vmem>>
    %dma_start3A_536 = tpu.memref_squeeze %dma_start3A_535 : memref<1x50x64xf32, #tpu.memory_space<vmem>> -> memref<50x64xf32, #tpu.memory_space<vmem>>
    %dma_start3A_537 = arith.constant 0 : i32
    %dma_start3A_538 = tpu.memref_slice %arg8[%dma_start3A_531, %dma_start3A_537] : memref<8x50xi32, #tpu.memory_space<vmem>> -> memref<1x50xi32, #tpu.memory_space<vmem>>
    %dma_start3A_539 = tpu.memref_squeeze %dma_start3A_538 : memref<1x50xi32, #tpu.memory_space<vmem>> -> memref<50xi32, #tpu.memory_space<vmem>>
    %dma_start3A_540 = arith.constant 0 : i32
    %dma_start3A_541 = arith.constant 0 : i32
    %dma_start3A_542 = tpu.memref_slice %arg3[%dma_start3A_540, %dma_start3A_541] : memref<2000000x64xf32, #tpu.memory_space<hbm>> -> memref<2000000x64xf32, #tpu.memory_space<hbm>>
    tpu.enqueue_indirect_dma source(%dma_start3A_542 : memref<2000000x64xf32, #tpu.memory_space<hbm>>) target(%dma_start3A_536 : memref<50x64xf32, #tpu.memory_space<vmem>>) offsets(%dma_start3A_539 : memref<50xi32, #tpu.memory_space<vmem>>) semaphore(%arg20 : memref<!tpu.dma_semaphore, #tpu.memory_space<semaphore_mem>>)
    %dma_wait3A_543 = arith.constant 0 : i32
    %dma_wait3A_544 = arith.constant 0 : i32
    %dma_wait3A_545 = arith.constant 0 : i32
    %dma_wait3A_546 = arith.constant 0 : i32
    %dma_wait3A_547 = tpu.memref_slice %arg10[%dma_wait3A_544, %dma_wait3A_545, %dma_wait3A_546] : memref<8x50x64xf32, #tpu.memory_space<vmem>> -> memref<1x50x64xf32, #tpu.memory_space<vmem>>
    %dma_wait3A_548 = tpu.memref_squeeze %dma_wait3A_547 : memref<1x50x64xf32, #tpu.memory_space<vmem>> -> memref<50x64xf32, #tpu.memory_space<vmem>>
    %dma_wait3A_549 = arith.constant 0 : i32
    %dma_wait3A_550 = tpu.memref_slice %arg6[%dma_wait3A_543, %dma_wait3A_549] : memref<8x50xi32, #tpu.memory_space<vmem>> -> memref<1x50xi32, #tpu.memory_space<vmem>>
    %dma_wait3A_551 = tpu.memref_squeeze %dma_wait3A_550 : memref<1x50xi32, #tpu.memory_space<vmem>> -> memref<50xi32, #tpu.memory_space<vmem>>
    %dma_wait3A_552 = arith.constant 0 : i32
    %dma_wait3A_553 = arith.constant 0 : i32
    %dma_wait3A_554 = tpu.memref_slice %arg3[%dma_wait3A_552, %dma_wait3A_553] : memref<2000000x64xf32, #tpu.memory_space<hbm>> -> memref<2000000x64xf32, #tpu.memory_space<hbm>>
    tpu.wait_indirect_dma semaphore(%arg18 : memref<!tpu.dma_semaphore, #tpu.memory_space<semaphore_mem>>) src(%dma_wait3A_554 : memref<2000000x64xf32, #tpu.memory_space<hbm>>) dst(%dma_wait3A_548 : memref<50x64xf32, #tpu.memory_space<vmem>>)
    %dma_wait3A_555 = arith.constant 1 : i32
    %dma_wait3A_556 = arith.constant 1 : i32
    %dma_wait3A_557 = arith.constant 0 : i32
    %dma_wait3A_558 = arith.constant 0 : i32
    %dma_wait3A_559 = tpu.memref_slice %arg10[%dma_wait3A_556, %dma_wait3A_557, %dma_wait3A_558] : memref<8x50x64xf32, #tpu.memory_space<vmem>> -> memref<1x50x64xf32, #tpu.memory_space<vmem>>
    %dma_wait3A_560 = tpu.memref_squeeze %dma_wait3A_559 : memref<1x50x64xf32, #tpu.memory_space<vmem>> -> memref<50x64xf32, #tpu.memory_space<vmem>>
    %dma_wait3A_561 = arith.constant 0 : i32
    %dma_wait3A_562 = tpu.memref_slice %arg6[%dma_wait3A_555, %dma_wait3A_561] : memref<8x50xi32, #tpu.memory_space<vmem>> -> memref<1x50xi32, #tpu.memory_space<vmem>>
    %dma_wait3A_563 = tpu.memref_squeeze %dma_wait3A_562 : memref<1x50xi32, #tpu.memory_space<vmem>> -> memref<50xi32, #tpu.memory_space<vmem>>
    %dma_wait3A_564 = arith.constant 0 : i32
    %dma_wait3A_565 = arith.constant 0 : i32
    %dma_wait3A_566 = tpu.memref_slice %arg3[%dma_wait3A_564, %dma_wait3A_565] : memref<2000000x64xf32, #tpu.memory_space<hbm>> -> memref<2000000x64xf32, #tpu.memory_space<hbm>>
    tpu.wait_indirect_dma semaphore(%arg18 : memref<!tpu.dma_semaphore, #tpu.memory_space<semaphore_mem>>) src(%dma_wait3A_566 : memref<2000000x64xf32, #tpu.memory_space<hbm>>) dst(%dma_wait3A_560 : memref<50x64xf32, #tpu.memory_space<vmem>>)
    %dma_wait3A_567 = arith.constant 2 : i32
    %dma_wait3A_568 = arith.constant 2 : i32
    %dma_wait3A_569 = arith.constant 0 : i32
    %dma_wait3A_570 = arith.constant 0 : i32
    %dma_wait3A_571 = tpu.memref_slice %arg10[%dma_wait3A_568, %dma_wait3A_569, %dma_wait3A_570] : memref<8x50x64xf32, #tpu.memory_space<vmem>> -> memref<1x50x64xf32, #tpu.memory_space<vmem>>
    %dma_wait3A_572 = tpu.memref_squeeze %dma_wait3A_571 : memref<1x50x64xf32, #tpu.memory_space<vmem>> -> memref<50x64xf32, #tpu.memory_space<vmem>>
    %dma_wait3A_573 = arith.constant 0 : i32
    %dma_wait3A_574 = tpu.memref_slice %arg6[%dma_wait3A_567, %dma_wait3A_573] : memref<8x50xi32, #tpu.memory_space<vmem>> -> memref<1x50xi32, #tpu.memory_space<vmem>>
    %dma_wait3A_575 = tpu.memref_squeeze %dma_wait3A_574 : memref<1x50xi32, #tpu.memory_space<vmem>> -> memref<50xi32, #tpu.memory_space<vmem>>
    %dma_wait3A_576 = arith.constant 0 : i32
    %dma_wait3A_577 = arith.constant 0 : i32
    %dma_wait3A_578 = tpu.memref_slice %arg3[%dma_wait3A_576, %dma_wait3A_577] : memref<2000000x64xf32, #tpu.memory_space<hbm>> -> memref<2000000x64xf32, #tpu.memory_space<hbm>>
    tpu.wait_indirect_dma semaphore(%arg18 : memref<!tpu.dma_semaphore, #tpu.memory_space<semaphore_mem>>) src(%dma_wait3A_578 : memref<2000000x64xf32, #tpu.memory_space<hbm>>) dst(%dma_wait3A_572 : memref<50x64xf32, #tpu.memory_space<vmem>>)
    %dma_wait3A_579 = arith.constant 3 : i32
    %dma_wait3A_580 = arith.constant 3 : i32
    %dma_wait3A_581 = arith.constant 0 : i32
    %dma_wait3A_582 = arith.constant 0 : i32
    %dma_wait3A_583 = tpu.memref_slice %arg10[%dma_wait3A_580, %dma_wait3A_581, %dma_wait3A_582] : memref<8x50x64xf32, #tpu.memory_space<vmem>> -> memref<1x50x64xf32, #tpu.memory_space<vmem>>
    %dma_wait3A_584 = tpu.memref_squeeze %dma_wait3A_583 : memref<1x50x64xf32, #tpu.memory_space<vmem>> -> memref<50x64xf32, #tpu.memory_space<vmem>>
    %dma_wait3A_585 = arith.constant 0 : i32
    %dma_wait3A_586 = tpu.memref_slice %arg6[%dma_wait3A_579, %dma_wait3A_585] : memref<8x50xi32, #tpu.memory_space<vmem>> -> memref<1x50xi32, #tpu.memory_space<vmem>>
    %dma_wait3A_587 = tpu.memref_squeeze %dma_wait3A_586 : memref<1x50xi32, #tpu.memory_space<vmem>> -> memref<50xi32, #tpu.memory_space<vmem>>
    %dma_wait3A_588 = arith.constant 0 : i32
    %dma_wait3A_589 = arith.constant 0 : i32
    %dma_wait3A_590 = tpu.memref_slice %arg3[%dma_wait3A_588, %dma_wait3A_589] : memref<2000000x64xf32, #tpu.memory_space<hbm>> -> memref<2000000x64xf32, #tpu.memory_space<hbm>>
    tpu.wait_indirect_dma semaphore(%arg18 : memref<!tpu.dma_semaphore, #tpu.memory_space<semaphore_mem>>) src(%dma_wait3A_590 : memref<2000000x64xf32, #tpu.memory_space<hbm>>) dst(%dma_wait3A_584 : memref<50x64xf32, #tpu.memory_space<vmem>>)
    %dma_wait3A_591 = arith.constant 4 : i32
    %dma_wait3A_592 = arith.constant 4 : i32
    %dma_wait3A_593 = arith.constant 0 : i32
    %dma_wait3A_594 = arith.constant 0 : i32
    %dma_wait3A_595 = tpu.memref_slice %arg10[%dma_wait3A_592, %dma_wait3A_593, %dma_wait3A_594] : memref<8x50x64xf32, #tpu.memory_space<vmem>> -> memref<1x50x64xf32, #tpu.memory_space<vmem>>
    %dma_wait3A_596 = tpu.memref_squeeze %dma_wait3A_595 : memref<1x50x64xf32, #tpu.memory_space<vmem>> -> memref<50x64xf32, #tpu.memory_space<vmem>>
    %dma_wait3A_597 = arith.constant 0 : i32
    %dma_wait3A_598 = tpu.memref_slice %arg6[%dma_wait3A_591, %dma_wait3A_597] : memref<8x50xi32, #tpu.memory_space<vmem>> -> memref<1x50xi32, #tpu.memory_space<vmem>>
    %dma_wait3A_599 = tpu.memref_squeeze %dma_wait3A_598 : memref<1x50xi32, #tpu.memory_space<vmem>> -> memref<50xi32, #tpu.memory_space<vmem>>
    %dma_wait3A_600 = arith.constant 0 : i32
    %dma_wait3A_601 = arith.constant 0 : i32
    %dma_wait3A_602 = tpu.memref_slice %arg3[%dma_wait3A_600, %dma_wait3A_601] : memref<2000000x64xf32, #tpu.memory_space<hbm>> -> memref<2000000x64xf32, #tpu.memory_space<hbm>>
    tpu.wait_indirect_dma semaphore(%arg18 : memref<!tpu.dma_semaphore, #tpu.memory_space<semaphore_mem>>) src(%dma_wait3A_602 : memref<2000000x64xf32, #tpu.memory_space<hbm>>) dst(%dma_wait3A_596 : memref<50x64xf32, #tpu.memory_space<vmem>>)
    %dma_wait3A_603 = arith.constant 5 : i32
    %dma_wait3A_604 = arith.constant 5 : i32
    %dma_wait3A_605 = arith.constant 0 : i32
    %dma_wait3A_606 = arith.constant 0 : i32
    %dma_wait3A_607 = tpu.memref_slice %arg10[%dma_wait3A_604, %dma_wait3A_605, %dma_wait3A_606] : memref<8x50x64xf32, #tpu.memory_space<vmem>> -> memref<1x50x64xf32, #tpu.memory_space<vmem>>
    %dma_wait3A_608 = tpu.memref_squeeze %dma_wait3A_607 : memref<1x50x64xf32, #tpu.memory_space<vmem>> -> memref<50x64xf32, #tpu.memory_space<vmem>>
    %dma_wait3A_609 = arith.constant 0 : i32
    %dma_wait3A_610 = tpu.memref_slice %arg6[%dma_wait3A_603, %dma_wait3A_609] : memref<8x50xi32, #tpu.memory_space<vmem>> -> memref<1x50xi32, #tpu.memory_space<vmem>>
    %dma_wait3A_611 = tpu.memref_squeeze %dma_wait3A_610 : memref<1x50xi32, #tpu.memory_space<vmem>> -> memref<50xi32, #tpu.memory_space<vmem>>
    %dma_wait3A_612 = arith.constant 0 : i32
    %dma_wait3A_613 = arith.constant 0 : i32
    %dma_wait3A_614 = tpu.memref_slice %arg3[%dma_wait3A_612, %dma_wait3A_613] : memref<2000000x64xf32, #tpu.memory_space<hbm>> -> memref<2000000x64xf32, #tpu.memory_space<hbm>>
    tpu.wait_indirect_dma semaphore(%arg18 : memref<!tpu.dma_semaphore, #tpu.memory_space<semaphore_mem>>) src(%dma_wait3A_614 : memref<2000000x64xf32, #tpu.memory_space<hbm>>) dst(%dma_wait3A_608 : memref<50x64xf32, #tpu.memory_space<vmem>>)
    %dma_wait3A_615 = arith.constant 6 : i32
    %dma_wait3A_616 = arith.constant 6 : i32
    %dma_wait3A_617 = arith.constant 0 : i32
    %dma_wait3A_618 = arith.constant 0 : i32
    %dma_wait3A_619 = tpu.memref_slice %arg10[%dma_wait3A_616, %dma_wait3A_617, %dma_wait3A_618] : memref<8x50x64xf32, #tpu.memory_space<vmem>> -> memref<1x50x64xf32, #tpu.memory_space<vmem>>
    %dma_wait3A_620 = tpu.memref_squeeze %dma_wait3A_619 : memref<1x50x64xf32, #tpu.memory_space<vmem>> -> memref<50x64xf32, #tpu.memory_space<vmem>>
    %dma_wait3A_621 = arith.constant 0 : i32
    %dma_wait3A_622 = tpu.memref_slice %arg6[%dma_wait3A_615, %dma_wait3A_621] : memref<8x50xi32, #tpu.memory_space<vmem>> -> memref<1x50xi32, #tpu.memory_space<vmem>>
    %dma_wait3A_623 = tpu.memref_squeeze %dma_wait3A_622 : memref<1x50xi32, #tpu.memory_space<vmem>> -> memref<50xi32, #tpu.memory_space<vmem>>
    %dma_wait3A_624 = arith.constant 0 : i32
    %dma_wait3A_625 = arith.constant 0 : i32
    %dma_wait3A_626 = tpu.memref_slice %arg3[%dma_wait3A_624, %dma_wait3A_625] : memref<2000000x64xf32, #tpu.memory_space<hbm>> -> memref<2000000x64xf32, #tpu.memory_space<hbm>>
    tpu.wait_indirect_dma semaphore(%arg18 : memref<!tpu.dma_semaphore, #tpu.memory_space<semaphore_mem>>) src(%dma_wait3A_626 : memref<2000000x64xf32, #tpu.memory_space<hbm>>) dst(%dma_wait3A_620 : memref<50x64xf32, #tpu.memory_space<vmem>>)
    %dma_wait3A_627 = arith.constant 7 : i32
    %dma_wait3A_628 = arith.constant 7 : i32
    %dma_wait3A_629 = arith.constant 0 : i32
    %dma_wait3A_630 = arith.constant 0 : i32
    %dma_wait3A_631 = tpu.memref_slice %arg10[%dma_wait3A_628, %dma_wait3A_629, %dma_wait3A_630] : memref<8x50x64xf32, #tpu.memory_space<vmem>> -> memref<1x50x64xf32, #tpu.memory_space<vmem>>
    %dma_wait3A_632 = tpu.memref_squeeze %dma_wait3A_631 : memref<1x50x64xf32, #tpu.memory_space<vmem>> -> memref<50x64xf32, #tpu.memory_space<vmem>>
    %dma_wait3A_633 = arith.constant 0 : i32
    %dma_wait3A_634 = tpu.memref_slice %arg6[%dma_wait3A_627, %dma_wait3A_633] : memref<8x50xi32, #tpu.memory_space<vmem>> -> memref<1x50xi32, #tpu.memory_space<vmem>>
    %dma_wait3A_635 = tpu.memref_squeeze %dma_wait3A_634 : memref<1x50xi32, #tpu.memory_space<vmem>> -> memref<50xi32, #tpu.memory_space<vmem>>
    %dma_wait3A_636 = arith.constant 0 : i32
    %dma_wait3A_637 = arith.constant 0 : i32
    %dma_wait3A_638 = tpu.memref_slice %arg3[%dma_wait3A_636, %dma_wait3A_637] : memref<2000000x64xf32, #tpu.memory_space<hbm>> -> memref<2000000x64xf32, #tpu.memory_space<hbm>>
    tpu.wait_indirect_dma semaphore(%arg18 : memref<!tpu.dma_semaphore, #tpu.memory_space<semaphore_mem>>) src(%dma_wait3A_638 : memref<2000000x64xf32, #tpu.memory_space<hbm>>) dst(%dma_wait3A_632 : memref<50x64xf32, #tpu.memory_space<vmem>>)
    %add3A_639 = arith.constant 8 : i32
    %add3A_640 = arith.addi %mul3A_2, %add3A_639 : i32
    %dma_start3A_641 = arith.constant 0 : i32
    %dma_start3A_642 = arith.constant 0 : i32
    %dma_start3A_643 = tpu.memref_slice %arg4[%add3A_640, %dma_start3A_641, %dma_start3A_642] : memref<16384x56x128xf32, #tpu.memory_space<hbm>> -> memref<8x50x64xf32, #tpu.memory_space<hbm>>
    %dma_start3A_644 = arith.constant 0 : i32
    %dma_start3A_645 = arith.constant 0 : i32
    %dma_start3A_646 = tpu.memref_slice %arg4[%add3A_640, %dma_start3A_644, %dma_start3A_645] : memref<16384x56x128xf32, #tpu.memory_space<hbm>> -> memref<8x50x64xf32, #tpu.memory_space<hbm>>
    tpu.enqueue_dma source(%arg10 : memref<8x50x64xf32, #tpu.memory_space<vmem>>) target(%dma_start3A_646 : memref<8x50x64xf32, #tpu.memory_space<hbm>>) target_semaphore(%arg22 : memref<!tpu.dma_semaphore, #tpu.memory_space<semaphore_mem>>)
    %add3A_647 = arith.constant 40 : i32
    %add3A_648 = arith.addi %mul3A_2, %add3A_647 : i32
    %dma_start3A_649 = arith.constant 0 : i32
    %dma_start3A_650 = tpu.memref_slice %arg2[%add3A_648, %dma_start3A_649] : memref<16384x50xi32, #tpu.memory_space<hbm>> -> memref<8x50xi32, #tpu.memory_space<hbm>>
    %dma_start3A_651 = arith.constant 0 : i32
    %dma_start3A_652 = tpu.memref_slice %arg2[%add3A_648, %dma_start3A_651] : memref<16384x50xi32, #tpu.memory_space<hbm>> -> memref<8x50xi32, #tpu.memory_space<hbm>>
    tpu.enqueue_dma source(%dma_start3A_652 : memref<8x50xi32, #tpu.memory_space<hbm>>) target(%arg6 : memref<8x50xi32, #tpu.memory_space<vmem>>) target_semaphore(%arg14 : memref<!tpu.dma_semaphore, #tpu.memory_space<semaphore_mem>>)
    %scan3A = arith.constant 0 : i32
    %scan3A_653 = arith.constant 1 : i32
    %scan3A_654 = arith.constant 14 : i32
    %scan3A_655 = arith.addi %scan3A_653, %scan3A_654 : i32
    %scan3A_656 = arith.constant 1 : i32
    %scan3A_657 = scf.for %scan3A_1767 = %scan3A_653 to %scan3A_655 step %scan3A_656 iter_args(%scan3A_1768 = %scan3A) -> (i32)  : i32 {
      %mul3A_1769 = arith.constant 4 : i32
      %mul3A_1770 = arith.muli %scan3A_1767, %mul3A_1769 : i32
      %add3A_1771 = arith.constant 0 : i32
      %add3A_1772 = arith.addi %mul3A_1770, %add3A_1771 : i32
      %sub3A = arith.constant 4 : i32
      %sub3A_1773 = arith.subi %add3A_1772, %sub3A : i32
      %mul3A_1774 = arith.constant 8 : i32
      %mul3A_1775 = arith.muli %sub3A_1773, %mul3A_1774 : i32
      %add3A_1776 = arith.addi %mul3A_2, %mul3A_1775 : i32
      %dma_wait3A_1777 = arith.constant 0 : i32
      %dma_wait3A_1778 = arith.constant 0 : i32
      %dma_wait3A_1779 = tpu.memref_slice %arg4[%add3A_1776, %dma_wait3A_1777, %dma_wait3A_1778] : memref<16384x56x128xf32, #tpu.memory_space<hbm>> -> memref<8x50x64xf32, #tpu.memory_space<hbm>>
      %dma_wait3A_1780 = arith.constant 0 : i32
      %dma_wait3A_1781 = arith.constant 0 : i32
      %dma_wait3A_1782 = tpu.memref_slice %arg4[%add3A_1776, %dma_wait3A_1780, %dma_wait3A_1781] : memref<16384x56x128xf32, #tpu.memory_space<hbm>> -> memref<8x50x64xf32, #tpu.memory_space<hbm>>
      tpu.wait_dma2 semaphore(%arg21 : memref<!tpu.dma_semaphore, #tpu.memory_space<semaphore_mem>>) src(%arg9 : memref<8x50x64xf32, #tpu.memory_space<vmem>>) dst(%dma_wait3A_1782 : memref<8x50x64xf32, #tpu.memory_space<hbm>>)
      %mul3A_1783 = arith.constant 8 : i32
      %mul3A_1784 = arith.muli %add3A_1772, %mul3A_1783 : i32
      %add3A_1785 = arith.addi %mul3A_2, %mul3A_1784 : i32
      %dma_wait3A_1786 = arith.constant 0 : i32
      %dma_wait3A_1787 = tpu.memref_slice %arg2[%add3A_1785, %dma_wait3A_1786] : memref<16384x50xi32, #tpu.memory_space<hbm>> -> memref<8x50xi32, #tpu.memory_space<hbm>>
      %dma_wait3A_1788 = arith.constant 0 : i32
      %dma_wait3A_1789 = tpu.memref_slice %arg2[%add3A_1785, %dma_wait3A_1788] : memref<16384x50xi32, #tpu.memory_space<hbm>> -> memref<8x50xi32, #tpu.memory_space<hbm>>
      tpu.wait_dma2 semaphore(%arg13 : memref<!tpu.dma_semaphore, #tpu.memory_space<semaphore_mem>>) src(%dma_wait3A_1789 : memref<8x50xi32, #tpu.memory_space<hbm>>) dst(%arg5 : memref<8x50xi32, #tpu.memory_space<vmem>>)
      %dma_start3A_1790 = arith.constant 0 : i32
      %dma_start3A_1791 = arith.constant 0 : i32
      %dma_start3A_1792 = arith.constant 0 : i32
      %dma_start3A_1793 = arith.constant 0 : i32
      %dma_start3A_1794 = tpu.memref_slice %arg9[%dma_start3A_1791, %dma_start3A_1792, %dma_start3A_1793] : memref<8x50x64xf32, #tpu.memory_space<vmem>> -> memref<1x50x64xf32, #tpu.memory_space<vmem>>
      %dma_start3A_1795 = tpu.memref_squeeze %dma_start3A_1794 : memref<1x50x64xf32, #tpu.memory_space<vmem>> -> memref<50x64xf32, #tpu.memory_space<vmem>>
      %dma_start3A_1796 = arith.constant 0 : i32
      %dma_start3A_1797 = tpu.memref_slice %arg5[%dma_start3A_1790, %dma_start3A_1796] : memref<8x50xi32, #tpu.memory_space<vmem>> -> memref<1x50xi32, #tpu.memory_space<vmem>>
      %dma_start3A_1798 = tpu.memref_squeeze %dma_start3A_1797 : memref<1x50xi32, #tpu.memory_space<vmem>> -> memref<50xi32, #tpu.memory_space<vmem>>
      %dma_start3A_1799 = arith.constant 0 : i32
      %dma_start3A_1800 = arith.constant 0 : i32
      %dma_start3A_1801 = tpu.memref_slice %arg3[%dma_start3A_1799, %dma_start3A_1800] : memref<2000000x64xf32, #tpu.memory_space<hbm>> -> memref<2000000x64xf32, #tpu.memory_space<hbm>>
      tpu.enqueue_indirect_dma source(%dma_start3A_1801 : memref<2000000x64xf32, #tpu.memory_space<hbm>>) target(%dma_start3A_1795 : memref<50x64xf32, #tpu.memory_space<vmem>>) offsets(%dma_start3A_1798 : memref<50xi32, #tpu.memory_space<vmem>>) semaphore(%arg17 : memref<!tpu.dma_semaphore, #tpu.memory_space<semaphore_mem>>)
      %dma_start3A_1802 = arith.constant 1 : i32
      %dma_start3A_1803 = arith.constant 1 : i32
      %dma_start3A_1804 = arith.constant 0 : i32
      %dma_start3A_1805 = arith.constant 0 : i32
      %dma_start3A_1806 = tpu.memref_slice %arg9[%dma_start3A_1803, %dma_start3A_1804, %dma_start3A_1805] : memref<8x50x64xf32, #tpu.memory_space<vmem>> -> memref<1x50x64xf32, #tpu.memory_space<vmem>>
      %dma_start3A_1807 = tpu.memref_squeeze %dma_start3A_1806 : memref<1x50x64xf32, #tpu.memory_space<vmem>> -> memref<50x64xf32, #tpu.memory_space<vmem>>
      %dma_start3A_1808 = arith.constant 0 : i32
      %dma_start3A_1809 = tpu.memref_slice %arg5[%dma_start3A_1802, %dma_start3A_1808] : memref<8x50xi32, #tpu.memory_space<vmem>> -> memref<1x50xi32, #tpu.memory_space<vmem>>
      %dma_start3A_1810 = tpu.memref_squeeze %dma_start3A_1809 : memref<1x50xi32, #tpu.memory_space<vmem>> -> memref<50xi32, #tpu.memory_space<vmem>>
      %dma_start3A_1811 = arith.constant 0 : i32
      %dma_start3A_1812 = arith.constant 0 : i32
      %dma_start3A_1813 = tpu.memref_slice %arg3[%dma_start3A_1811, %dma_start3A_1812] : memref<2000000x64xf32, #tpu.memory_space<hbm>> -> memref<2000000x64xf32, #tpu.memory_space<hbm>>
      tpu.enqueue_indirect_dma source(%dma_start3A_1813 : memref<2000000x64xf32, #tpu.memory_space<hbm>>) target(%dma_start3A_1807 : memref<50x64xf32, #tpu.memory_space<vmem>>) offsets(%dma_start3A_1810 : memref<50xi32, #tpu.memory_space<vmem>>) semaphore(%arg17 : memref<!tpu.dma_semaphore, #tpu.memory_space<semaphore_mem>>)
      %dma_start3A_1814 = arith.constant 2 : i32
      %dma_start3A_1815 = arith.constant 2 : i32
      %dma_start3A_1816 = arith.constant 0 : i32
      %dma_start3A_1817 = arith.constant 0 : i32
      %dma_start3A_1818 = tpu.memref_slice %arg9[%dma_start3A_1815, %dma_start3A_1816, %dma_start3A_1817] : memref<8x50x64xf32, #tpu.memory_space<vmem>> -> memref<1x50x64xf32, #tpu.memory_space<vmem>>
      %dma_start3A_1819 = tpu.memref_squeeze %dma_start3A_1818 : memref<1x50x64xf32, #tpu.memory_space<vmem>> -> memref<50x64xf32, #tpu.memory_space<vmem>>
      %dma_start3A_1820 = arith.constant 0 : i32
      %dma_start3A_1821 = tpu.memref_slice %arg5[%dma_start3A_1814, %dma_start3A_1820] : memref<8x50xi32, #tpu.memory_space<vmem>> -> memref<1x50xi32, #tpu.memory_space<vmem>>
      %dma_start3A_1822 = tpu.memref_squeeze %dma_start3A_1821 : memref<1x50xi32, #tpu.memory_space<vmem>> -> memref<50xi32, #tpu.memory_space<vmem>>
      %dma_start3A_1823 = arith.constant 0 : i32
      %dma_start3A_1824 = arith.constant 0 : i32
      %dma_start3A_1825 = tpu.memref_slice %arg3[%dma_start3A_1823, %dma_start3A_1824] : memref<2000000x64xf32, #tpu.memory_space<hbm>> -> memref<2000000x64xf32, #tpu.memory_space<hbm>>
      tpu.enqueue_indirect_dma source(%dma_start3A_1825 : memref<2000000x64xf32, #tpu.memory_space<hbm>>) target(%dma_start3A_1819 : memref<50x64xf32, #tpu.memory_space<vmem>>) offsets(%dma_start3A_1822 : memref<50xi32, #tpu.memory_space<vmem>>) semaphore(%arg17 : memref<!tpu.dma_semaphore, #tpu.memory_space<semaphore_mem>>)
      %dma_start3A_1826 = arith.constant 3 : i32
      %dma_start3A_1827 = arith.constant 3 : i32
      %dma_start3A_1828 = arith.constant 0 : i32
      %dma_start3A_1829 = arith.constant 0 : i32
      %dma_start3A_1830 = tpu.memref_slice %arg9[%dma_start3A_1827, %dma_start3A_1828, %dma_start3A_1829] : memref<8x50x64xf32, #tpu.memory_space<vmem>> -> memref<1x50x64xf32, #tpu.memory_space<vmem>>
      %dma_start3A_1831 = tpu.memref_squeeze %dma_start3A_1830 : memref<1x50x64xf32, #tpu.memory_space<vmem>> -> memref<50x64xf32, #tpu.memory_space<vmem>>
      %dma_start3A_1832 = arith.constant 0 : i32
      %dma_start3A_1833 = tpu.memref_slice %arg5[%dma_start3A_1826, %dma_start3A_1832] : memref<8x50xi32, #tpu.memory_space<vmem>> -> memref<1x50xi32, #tpu.memory_space<vmem>>
      %dma_start3A_1834 = tpu.memref_squeeze %dma_start3A_1833 : memref<1x50xi32, #tpu.memory_space<vmem>> -> memref<50xi32, #tpu.memory_space<vmem>>
      %dma_start3A_1835 = arith.constant 0 : i32
      %dma_start3A_1836 = arith.constant 0 : i32
      %dma_start3A_1837 = tpu.memref_slice %arg3[%dma_start3A_1835, %dma_start3A_1836] : memref<2000000x64xf32, #tpu.memory_space<hbm>> -> memref<2000000x64xf32, #tpu.memory_space<hbm>>
      tpu.enqueue_indirect_dma source(%dma_start3A_1837 : memref<2000000x64xf32, #tpu.memory_space<hbm>>) target(%dma_start3A_1831 : memref<50x64xf32, #tpu.memory_space<vmem>>) offsets(%dma_start3A_1834 : memref<50xi32, #tpu.memory_space<vmem>>) semaphore(%arg17 : memref<!tpu.dma_semaphore, #tpu.memory_space<semaphore_mem>>)
      %dma_start3A_1838 = arith.constant 4 : i32
      %dma_start3A_1839 = arith.constant 4 : i32
      %dma_start3A_1840 = arith.constant 0 : i32
      %dma_start3A_1841 = arith.constant 0 : i32
      %dma_start3A_1842 = tpu.memref_slice %arg9[%dma_start3A_1839, %dma_start3A_1840, %dma_start3A_1841] : memref<8x50x64xf32, #tpu.memory_space<vmem>> -> memref<1x50x64xf32, #tpu.memory_space<vmem>>
      %dma_start3A_1843 = tpu.memref_squeeze %dma_start3A_1842 : memref<1x50x64xf32, #tpu.memory_space<vmem>> -> memref<50x64xf32, #tpu.memory_space<vmem>>
      %dma_start3A_1844 = arith.constant 0 : i32
      %dma_start3A_1845 = tpu.memref_slice %arg5[%dma_start3A_1838, %dma_start3A_1844] : memref<8x50xi32, #tpu.memory_space<vmem>> -> memref<1x50xi32, #tpu.memory_space<vmem>>
      %dma_start3A_1846 = tpu.memref_squeeze %dma_start3A_1845 : memref<1x50xi32, #tpu.memory_space<vmem>> -> memref<50xi32, #tpu.memory_space<vmem>>
      %dma_start3A_1847 = arith.constant 0 : i32
      %dma_start3A_1848 = arith.constant 0 : i32
      %dma_start3A_1849 = tpu.memref_slice %arg3[%dma_start3A_1847, %dma_start3A_1848] : memref<2000000x64xf32, #tpu.memory_space<hbm>> -> memref<2000000x64xf32, #tpu.memory_space<hbm>>
      tpu.enqueue_indirect_dma source(%dma_start3A_1849 : memref<2000000x64xf32, #tpu.memory_space<hbm>>) target(%dma_start3A_1843 : memref<50x64xf32, #tpu.memory_space<vmem>>) offsets(%dma_start3A_1846 : memref<50xi32, #tpu.memory_space<vmem>>) semaphore(%arg17 : memref<!tpu.dma_semaphore, #tpu.memory_space<semaphore_mem>>)
      %dma_start3A_1850 = arith.constant 5 : i32
      %dma_start3A_1851 = arith.constant 5 : i32
      %dma_start3A_1852 = arith.constant 0 : i32
      %dma_start3A_1853 = arith.constant 0 : i32
      %dma_start3A_1854 = tpu.memref_slice %arg9[%dma_start3A_1851, %dma_start3A_1852, %dma_start3A_1853] : memref<8x50x64xf32, #tpu.memory_space<vmem>> -> memref<1x50x64xf32, #tpu.memory_space<vmem>>
      %dma_start3A_1855 = tpu.memref_squeeze %dma_start3A_1854 : memref<1x50x64xf32, #tpu.memory_space<vmem>> -> memref<50x64xf32, #tpu.memory_space<vmem>>
      %dma_start3A_1856 = arith.constant 0 : i32
      %dma_start3A_1857 = tpu.memref_slice %arg5[%dma_start3A_1850, %dma_start3A_1856] : memref<8x50xi32, #tpu.memory_space<vmem>> -> memref<1x50xi32, #tpu.memory_space<vmem>>
      %dma_start3A_1858 = tpu.memref_squeeze %dma_start3A_1857 : memref<1x50xi32, #tpu.memory_space<vmem>> -> memref<50xi32, #tpu.memory_space<vmem>>
      %dma_start3A_1859 = arith.constant 0 : i32
      %dma_start3A_1860 = arith.constant 0 : i32
      %dma_start3A_1861 = tpu.memref_slice %arg3[%dma_start3A_1859, %dma_start3A_1860] : memref<2000000x64xf32, #tpu.memory_space<hbm>> -> memref<2000000x64xf32, #tpu.memory_space<hbm>>
      tpu.enqueue_indirect_dma source(%dma_start3A_1861 : memref<2000000x64xf32, #tpu.memory_space<hbm>>) target(%dma_start3A_1855 : memref<50x64xf32, #tpu.memory_space<vmem>>) offsets(%dma_start3A_1858 : memref<50xi32, #tpu.memory_space<vmem>>) semaphore(%arg17 : memref<!tpu.dma_semaphore, #tpu.memory_space<semaphore_mem>>)
      %dma_start3A_1862 = arith.constant 6 : i32
      %dma_start3A_1863 = arith.constant 6 : i32
      %dma_start3A_1864 = arith.constant 0 : i32
      %dma_start3A_1865 = arith.constant 0 : i32
      %dma_start3A_1866 = tpu.memref_slice %arg9[%dma_start3A_1863, %dma_start3A_1864, %dma_start3A_1865] : memref<8x50x64xf32, #tpu.memory_space<vmem>> -> memref<1x50x64xf32, #tpu.memory_space<vmem>>
      %dma_start3A_1867 = tpu.memref_squeeze %dma_start3A_1866 : memref<1x50x64xf32, #tpu.memory_space<vmem>> -> memref<50x64xf32, #tpu.memory_space<vmem>>
      %dma_start3A_1868 = arith.constant 0 : i32
      %dma_start3A_1869 = tpu.memref_slice %arg5[%dma_start3A_1862, %dma_start3A_1868] : memref<8x50xi32, #tpu.memory_space<vmem>> -> memref<1x50xi32, #tpu.memory_space<vmem>>
      %dma_start3A_1870 = tpu.memref_squeeze %dma_start3A_1869 : memref<1x50xi32, #tpu.memory_space<vmem>> -> memref<50xi32, #tpu.memory_space<vmem>>
      %dma_start3A_1871 = arith.constant 0 : i32
      %dma_start3A_1872 = arith.constant 0 : i32
      %dma_start3A_1873 = tpu.memref_slice %arg3[%dma_start3A_1871, %dma_start3A_1872] : memref<2000000x64xf32, #tpu.memory_space<hbm>> -> memref<2000000x64xf32, #tpu.memory_space<hbm>>
      tpu.enqueue_indirect_dma source(%dma_start3A_1873 : memref<2000000x64xf32, #tpu.memory_space<hbm>>) target(%dma_start3A_1867 : memref<50x64xf32, #tpu.memory_space<vmem>>) offsets(%dma_start3A_1870 : memref<50xi32, #tpu.memory_space<vmem>>) semaphore(%arg17 : memref<!tpu.dma_semaphore, #tpu.memory_space<semaphore_mem>>)
      %dma_start3A_1874 = arith.constant 7 : i32
      %dma_start3A_1875 = arith.constant 7 : i32
      %dma_start3A_1876 = arith.constant 0 : i32
      %dma_start3A_1877 = arith.constant 0 : i32
      %dma_start3A_1878 = tpu.memref_slice %arg9[%dma_start3A_1875, %dma_start3A_1876, %dma_start3A_1877] : memref<8x50x64xf32, #tpu.memory_space<vmem>> -> memref<1x50x64xf32, #tpu.memory_space<vmem>>
      %dma_start3A_1879 = tpu.memref_squeeze %dma_start3A_1878 : memref<1x50x64xf32, #tpu.memory_space<vmem>> -> memref<50x64xf32, #tpu.memory_space<vmem>>
      %dma_start3A_1880 = arith.constant 0 : i32
      %dma_start3A_1881 = tpu.memref_slice %arg5[%dma_start3A_1874, %dma_start3A_1880] : memref<8x50xi32, #tpu.memory_space<vmem>> -> memref<1x50xi32, #tpu.memory_space<vmem>>
      %dma_start3A_1882 = tpu.memref_squeeze %dma_start3A_1881 : memref<1x50xi32, #tpu.memory_space<vmem>> -> memref<50xi32, #tpu.memory_space<vmem>>
      %dma_start3A_1883 = arith.constant 0 : i32
      %dma_start3A_1884 = arith.constant 0 : i32
      %dma_start3A_1885 = tpu.memref_slice %arg3[%dma_start3A_1883, %dma_start3A_1884] : memref<2000000x64xf32, #tpu.memory_space<hbm>> -> memref<2000000x64xf32, #tpu.memory_space<hbm>>
      tpu.enqueue_indirect_dma source(%dma_start3A_1885 : memref<2000000x64xf32, #tpu.memory_space<hbm>>) target(%dma_start3A_1879 : memref<50x64xf32, #tpu.memory_space<vmem>>) offsets(%dma_start3A_1882 : memref<50xi32, #tpu.memory_space<vmem>>) semaphore(%arg17 : memref<!tpu.dma_semaphore, #tpu.memory_space<semaphore_mem>>)
      %sub3A_1886 = arith.constant 2 : i32
      %sub3A_1887 = arith.subi %add3A_1772, %sub3A_1886 : i32
      %dma_wait3A_1888 = arith.constant 0 : i32
      %dma_wait3A_1889 = arith.constant 0 : i32
      %dma_wait3A_1890 = arith.constant 0 : i32
      %dma_wait3A_1891 = arith.constant 0 : i32
      %dma_wait3A_1892 = tpu.memref_slice %arg11[%dma_wait3A_1889, %dma_wait3A_1890, %dma_wait3A_1891] : memref<8x50x64xf32, #tpu.memory_space<vmem>> -> memref<1x50x64xf32, #tpu.memory_space<vmem>>
      %dma_wait3A_1893 = tpu.memref_squeeze %dma_wait3A_1892 : memref<1x50x64xf32, #tpu.memory_space<vmem>> -> memref<50x64xf32, #tpu.memory_space<vmem>>
      %dma_wait3A_1894 = arith.constant 0 : i32
      %dma_wait3A_1895 = tpu.memref_slice %arg7[%dma_wait3A_1888, %dma_wait3A_1894] : memref<8x50xi32, #tpu.memory_space<vmem>> -> memref<1x50xi32, #tpu.memory_space<vmem>>
      %dma_wait3A_1896 = tpu.memref_squeeze %dma_wait3A_1895 : memref<1x50xi32, #tpu.memory_space<vmem>> -> memref<50xi32, #tpu.memory_space<vmem>>
      %dma_wait3A_1897 = arith.constant 0 : i32
      %dma_wait3A_1898 = arith.constant 0 : i32
      %dma_wait3A_1899 = tpu.memref_slice %arg3[%dma_wait3A_1897, %dma_wait3A_1898] : memref<2000000x64xf32, #tpu.memory_space<hbm>> -> memref<2000000x64xf32, #tpu.memory_space<hbm>>
      tpu.wait_indirect_dma semaphore(%arg19 : memref<!tpu.dma_semaphore, #tpu.memory_space<semaphore_mem>>) src(%dma_wait3A_1899 : memref<2000000x64xf32, #tpu.memory_space<hbm>>) dst(%dma_wait3A_1893 : memref<50x64xf32, #tpu.memory_space<vmem>>)
      %dma_wait3A_1900 = arith.constant 1 : i32
      %dma_wait3A_1901 = arith.constant 1 : i32
      %dma_wait3A_1902 = arith.constant 0 : i32
      %dma_wait3A_1903 = arith.constant 0 : i32
      %dma_wait3A_1904 = tpu.memref_slice %arg11[%dma_wait3A_1901, %dma_wait3A_1902, %dma_wait3A_1903] : memref<8x50x64xf32, #tpu.memory_space<vmem>> -> memref<1x50x64xf32, #tpu.memory_space<vmem>>
      %dma_wait3A_1905 = tpu.memref_squeeze %dma_wait3A_1904 : memref<1x50x64xf32, #tpu.memory_space<vmem>> -> memref<50x64xf32, #tpu.memory_space<vmem>>
      %dma_wait3A_1906 = arith.constant 0 : i32
      %dma_wait3A_1907 = tpu.memref_slice %arg7[%dma_wait3A_1900, %dma_wait3A_1906] : memref<8x50xi32, #tpu.memory_space<vmem>> -> memref<1x50xi32, #tpu.memory_space<vmem>>
      %dma_wait3A_1908 = tpu.memref_squeeze %dma_wait3A_1907 : memref<1x50xi32, #tpu.memory_space<vmem>> -> memref<50xi32, #tpu.memory_space<vmem>>
      %dma_wait3A_1909 = arith.constant 0 : i32
      %dma_wait3A_1910 = arith.constant 0 : i32
      %dma_wait3A_1911 = tpu.memref_slice %arg3[%dma_wait3A_1909, %dma_wait3A_1910] : memref<2000000x64xf32, #tpu.memory_space<hbm>> -> memref<2000000x64xf32, #tpu.memory_space<hbm>>
      tpu.wait_indirect_dma semaphore(%arg19 : memref<!tpu.dma_semaphore, #tpu.memory_space<semaphore_mem>>) src(%dma_wait3A_1911 : memref<2000000x64xf32, #tpu.memory_space<hbm>>) dst(%dma_wait3A_1905 : memref<50x64xf32, #tpu.memory_space<vmem>>)
      %dma_wait3A_1912 = arith.constant 2 : i32
      %dma_wait3A_1913 = arith.constant 2 : i32
      %dma_wait3A_1914 = arith.constant 0 : i32
      %dma_wait3A_1915 = arith.constant 0 : i32
      %dma_wait3A_1916 = tpu.memref_slice %arg11[%dma_wait3A_1913, %dma_wait3A_1914, %dma_wait3A_1915] : memref<8x50x64xf32, #tpu.memory_space<vmem>> -> memref<1x50x64xf32, #tpu.memory_space<vmem>>
      %dma_wait3A_1917 = tpu.memref_squeeze %dma_wait3A_1916 : memref<1x50x64xf32, #tpu.memory_space<vmem>> -> memref<50x64xf32, #tpu.memory_space<vmem>>
      %dma_wait3A_1918 = arith.constant 0 : i32
      %dma_wait3A_1919 = tpu.memref_slice %arg7[%dma_wait3A_1912, %dma_wait3A_1918] : memref<8x50xi32, #tpu.memory_space<vmem>> -> memref<1x50xi32, #tpu.memory_space<vmem>>
      %dma_wait3A_1920 = tpu.memref_squeeze %dma_wait3A_1919 : memref<1x50xi32, #tpu.memory_space<vmem>> -> memref<50xi32, #tpu.memory_space<vmem>>
      %dma_wait3A_1921 = arith.constant 0 : i32
      %dma_wait3A_1922 = arith.constant 0 : i32
      %dma_wait3A_1923 = tpu.memref_slice %arg3[%dma_wait3A_1921, %dma_wait3A_1922] : memref<2000000x64xf32, #tpu.memory_space<hbm>> -> memref<2000000x64xf32, #tpu.memory_space<hbm>>
      tpu.wait_indirect_dma semaphore(%arg19 : memref<!tpu.dma_semaphore, #tpu.memory_space<semaphore_mem>>) src(%dma_wait3A_1923 : memref<2000000x64xf32, #tpu.memory_space<hbm>>) dst(%dma_wait3A_1917 : memref<50x64xf32, #tpu.memory_space<vmem>>)
      %dma_wait3A_1924 = arith.constant 3 : i32
      %dma_wait3A_1925 = arith.constant 3 : i32
      %dma_wait3A_1926 = arith.constant 0 : i32
      %dma_wait3A_1927 = arith.constant 0 : i32
      %dma_wait3A_1928 = tpu.memref_slice %arg11[%dma_wait3A_1925, %dma_wait3A_1926, %dma_wait3A_1927] : memref<8x50x64xf32, #tpu.memory_space<vmem>> -> memref<1x50x64xf32, #tpu.memory_space<vmem>>
      %dma_wait3A_1929 = tpu.memref_squeeze %dma_wait3A_1928 : memref<1x50x64xf32, #tpu.memory_space<vmem>> -> memref<50x64xf32, #tpu.memory_space<vmem>>
      %dma_wait3A_1930 = arith.constant 0 : i32
      %dma_wait3A_1931 = tpu.memref_slice %arg7[%dma_wait3A_1924, %dma_wait3A_1930] : memref<8x50xi32, #tpu.memory_space<vmem>> -> memref<1x50xi32, #tpu.memory_space<vmem>>
      %dma_wait3A_1932 = tpu.memref_squeeze %dma_wait3A_1931 : memref<1x50xi32, #tpu.memory_space<vmem>> -> memref<50xi32, #tpu.memory_space<vmem>>
      %dma_wait3A_1933 = arith.constant 0 : i32
      %dma_wait3A_1934 = arith.constant 0 : i32
      %dma_wait3A_1935 = tpu.memref_slice %arg3[%dma_wait3A_1933, %dma_wait3A_1934] : memref<2000000x64xf32, #tpu.memory_space<hbm>> -> memref<2000000x64xf32, #tpu.memory_space<hbm>>
      tpu.wait_indirect_dma semaphore(%arg19 : memref<!tpu.dma_semaphore, #tpu.memory_space<semaphore_mem>>) src(%dma_wait3A_1935 : memref<2000000x64xf32, #tpu.memory_space<hbm>>) dst(%dma_wait3A_1929 : memref<50x64xf32, #tpu.memory_space<vmem>>)
      %dma_wait3A_1936 = arith.constant 4 : i32
      %dma_wait3A_1937 = arith.constant 4 : i32
      %dma_wait3A_1938 = arith.constant 0 : i32
      %dma_wait3A_1939 = arith.constant 0 : i32
      %dma_wait3A_1940 = tpu.memref_slice %arg11[%dma_wait3A_1937, %dma_wait3A_1938, %dma_wait3A_1939] : memref<8x50x64xf32, #tpu.memory_space<vmem>> -> memref<1x50x64xf32, #tpu.memory_space<vmem>>
      %dma_wait3A_1941 = tpu.memref_squeeze %dma_wait3A_1940 : memref<1x50x64xf32, #tpu.memory_space<vmem>> -> memref<50x64xf32, #tpu.memory_space<vmem>>
      %dma_wait3A_1942 = arith.constant 0 : i32
      %dma_wait3A_1943 = tpu.memref_slice %arg7[%dma_wait3A_1936, %dma_wait3A_1942] : memref<8x50xi32, #tpu.memory_space<vmem>> -> memref<1x50xi32, #tpu.memory_space<vmem>>
      %dma_wait3A_1944 = tpu.memref_squeeze %dma_wait3A_1943 : memref<1x50xi32, #tpu.memory_space<vmem>> -> memref<50xi32, #tpu.memory_space<vmem>>
      %dma_wait3A_1945 = arith.constant 0 : i32
      %dma_wait3A_1946 = arith.constant 0 : i32
      %dma_wait3A_1947 = tpu.memref_slice %arg3[%dma_wait3A_1945, %dma_wait3A_1946] : memref<2000000x64xf32, #tpu.memory_space<hbm>> -> memref<2000000x64xf32, #tpu.memory_space<hbm>>
      tpu.wait_indirect_dma semaphore(%arg19 : memref<!tpu.dma_semaphore, #tpu.memory_space<semaphore_mem>>) src(%dma_wait3A_1947 : memref<2000000x64xf32, #tpu.memory_space<hbm>>) dst(%dma_wait3A_1941 : memref<50x64xf32, #tpu.memory_space<vmem>>)
      %dma_wait3A_1948 = arith.constant 5 : i32
      %dma_wait3A_1949 = arith.constant 5 : i32
      %dma_wait3A_1950 = arith.constant 0 : i32
      %dma_wait3A_1951 = arith.constant 0 : i32
      %dma_wait3A_1952 = tpu.memref_slice %arg11[%dma_wait3A_1949, %dma_wait3A_1950, %dma_wait3A_1951] : memref<8x50x64xf32, #tpu.memory_space<vmem>> -> memref<1x50x64xf32, #tpu.memory_space<vmem>>
      %dma_wait3A_1953 = tpu.memref_squeeze %dma_wait3A_1952 : memref<1x50x64xf32, #tpu.memory_space<vmem>> -> memref<50x64xf32, #tpu.memory_space<vmem>>
      %dma_wait3A_1954 = arith.constant 0 : i32
      %dma_wait3A_1955 = tpu.memref_slice %arg7[%dma_wait3A_1948, %dma_wait3A_1954] : memref<8x50xi32, #tpu.memory_space<vmem>> -> memref<1x50xi32, #tpu.memory_space<vmem>>
      %dma_wait3A_1956 = tpu.memref_squeeze %dma_wait3A_1955 : memref<1x50xi32, #tpu.memory_space<vmem>> -> memref<50xi32, #tpu.memory_space<vmem>>
      %dma_wait3A_1957 = arith.constant 0 : i32
      %dma_wait3A_1958 = arith.constant 0 : i32
      %dma_wait3A_1959 = tpu.memref_slice %arg3[%dma_wait3A_1957, %dma_wait3A_1958] : memref<2000000x64xf32, #tpu.memory_space<hbm>> -> memref<2000000x64xf32, #tpu.memory_space<hbm>>
      tpu.wait_indirect_dma semaphore(%arg19 : memref<!tpu.dma_semaphore, #tpu.memory_space<semaphore_mem>>) src(%dma_wait3A_1959 : memref<2000000x64xf32, #tpu.memory_space<hbm>>) dst(%dma_wait3A_1953 : memref<50x64xf32, #tpu.memory_space<vmem>>)
      %dma_wait3A_1960 = arith.constant 6 : i32
      %dma_wait3A_1961 = arith.constant 6 : i32
      %dma_wait3A_1962 = arith.constant 0 : i32
      %dma_wait3A_1963 = arith.constant 0 : i32
      %dma_wait3A_1964 = tpu.memref_slice %arg11[%dma_wait3A_1961, %dma_wait3A_1962, %dma_wait3A_1963] : memref<8x50x64xf32, #tpu.memory_space<vmem>> -> memref<1x50x64xf32, #tpu.memory_space<vmem>>
      %dma_wait3A_1965 = tpu.memref_squeeze %dma_wait3A_1964 : memref<1x50x64xf32, #tpu.memory_space<vmem>> -> memref<50x64xf32, #tpu.memory_space<vmem>>
      %dma_wait3A_1966 = arith.constant 0 : i32
      %dma_wait3A_1967 = tpu.memref_slice %arg7[%dma_wait3A_1960, %dma_wait3A_1966] : memref<8x50xi32, #tpu.memory_space<vmem>> -> memref<1x50xi32, #tpu.memory_space<vmem>>
      %dma_wait3A_1968 = tpu.memref_squeeze %dma_wait3A_1967 : memref<1x50xi32, #tpu.memory_space<vmem>> -> memref<50xi32, #tpu.memory_space<vmem>>
      %dma_wait3A_1969 = arith.constant 0 : i32
      %dma_wait3A_1970 = arith.constant 0 : i32
      %dma_wait3A_1971 = tpu.memref_slice %arg3[%dma_wait3A_1969, %dma_wait3A_1970] : memref<2000000x64xf32, #tpu.memory_space<hbm>> -> memref<2000000x64xf32, #tpu.memory_space<hbm>>
      tpu.wait_indirect_dma semaphore(%arg19 : memref<!tpu.dma_semaphore, #tpu.memory_space<semaphore_mem>>) src(%dma_wait3A_1971 : memref<2000000x64xf32, #tpu.memory_space<hbm>>) dst(%dma_wait3A_1965 : memref<50x64xf32, #tpu.memory_space<vmem>>)
      %dma_wait3A_1972 = arith.constant 7 : i32
      %dma_wait3A_1973 = arith.constant 7 : i32
      %dma_wait3A_1974 = arith.constant 0 : i32
      %dma_wait3A_1975 = arith.constant 0 : i32
      %dma_wait3A_1976 = tpu.memref_slice %arg11[%dma_wait3A_1973, %dma_wait3A_1974, %dma_wait3A_1975] : memref<8x50x64xf32, #tpu.memory_space<vmem>> -> memref<1x50x64xf32, #tpu.memory_space<vmem>>
      %dma_wait3A_1977 = tpu.memref_squeeze %dma_wait3A_1976 : memref<1x50x64xf32, #tpu.memory_space<vmem>> -> memref<50x64xf32, #tpu.memory_space<vmem>>
      %dma_wait3A_1978 = arith.constant 0 : i32
      %dma_wait3A_1979 = tpu.memref_slice %arg7[%dma_wait3A_1972, %dma_wait3A_1978] : memref<8x50xi32, #tpu.memory_space<vmem>> -> memref<1x50xi32, #tpu.memory_space<vmem>>
      %dma_wait3A_1980 = tpu.memref_squeeze %dma_wait3A_1979 : memref<1x50xi32, #tpu.memory_space<vmem>> -> memref<50xi32, #tpu.memory_space<vmem>>
      %dma_wait3A_1981 = arith.constant 0 : i32
      %dma_wait3A_1982 = arith.constant 0 : i32
      %dma_wait3A_1983 = tpu.memref_slice %arg3[%dma_wait3A_1981, %dma_wait3A_1982] : memref<2000000x64xf32, #tpu.memory_space<hbm>> -> memref<2000000x64xf32, #tpu.memory_space<hbm>>
      tpu.wait_indirect_dma semaphore(%arg19 : memref<!tpu.dma_semaphore, #tpu.memory_space<semaphore_mem>>) src(%dma_wait3A_1983 : memref<2000000x64xf32, #tpu.memory_space<hbm>>) dst(%dma_wait3A_1977 : memref<50x64xf32, #tpu.memory_space<vmem>>)
      %sub3A_1984 = arith.constant 2 : i32
      %sub3A_1985 = arith.subi %add3A_1772, %sub3A_1984 : i32
      %mul3A_1986 = arith.constant 8 : i32
      %mul3A_1987 = arith.muli %sub3A_1985, %mul3A_1986 : i32
      %add3A_1988 = arith.addi %mul3A_2, %mul3A_1987 : i32
      %dma_start3A_1989 = arith.constant 0 : i32
      %dma_start3A_1990 = arith.constant 0 : i32
      %dma_start3A_1991 = tpu.memref_slice %arg4[%add3A_1988, %dma_start3A_1989, %dma_start3A_1990] : memref<16384x56x128xf32, #tpu.memory_space<hbm>> -> memref<8x50x64xf32, #tpu.memory_space<hbm>>
      %dma_start3A_1992 = arith.constant 0 : i32
      %dma_start3A_1993 = arith.constant 0 : i32
      %dma_start3A_1994 = tpu.memref_slice %arg4[%add3A_1988, %dma_start3A_1992, %dma_start3A_1993] : memref<16384x56x128xf32, #tpu.memory_space<hbm>> -> memref<8x50x64xf32, #tpu.memory_space<hbm>>
      tpu.enqueue_dma source(%arg11 : memref<8x50x64xf32, #tpu.memory_space<vmem>>) target(%dma_start3A_1994 : memref<8x50x64xf32, #tpu.memory_space<hbm>>) target_semaphore(%arg23 : memref<!tpu.dma_semaphore, #tpu.memory_space<semaphore_mem>>)
      %sub3A_1995 = arith.constant 2 : i32
      %sub3A_1996 = arith.subi %add3A_1772, %sub3A_1995 : i32
      %add3A_1997 = arith.constant 4 : i32
      %add3A_1998 = arith.addi %sub3A_1996, %add3A_1997 : i32
      %mul3A_1999 = arith.constant 8 : i32
      %mul3A_2000 = arith.muli %add3A_1998, %mul3A_1999 : i32
      %add3A_2001 = arith.addi %mul3A_2, %mul3A_2000 : i32
      %dma_start3A_2002 = arith.constant 0 : i32
      %dma_start3A_2003 = tpu.memref_slice %arg2[%add3A_2001, %dma_start3A_2002] : memref<16384x50xi32, #tpu.memory_space<hbm>> -> memref<8x50xi32, #tpu.memory_space<hbm>>
      %dma_start3A_2004 = arith.constant 0 : i32
      %dma_start3A_2005 = tpu.memref_slice %arg2[%add3A_2001, %dma_start3A_2004] : memref<16384x50xi32, #tpu.memory_space<hbm>> -> memref<8x50xi32, #tpu.memory_space<hbm>>
      tpu.enqueue_dma source(%dma_start3A_2005 : memref<8x50xi32, #tpu.memory_space<hbm>>) target(%arg7 : memref<8x50xi32, #tpu.memory_space<vmem>>) target_semaphore(%arg15 : memref<!tpu.dma_semaphore, #tpu.memory_space<semaphore_mem>>)
      %add3A_2006 = arith.constant 1 : i32
      %add3A_2007 = arith.addi %mul3A_1770, %add3A_2006 : i32
      %sub3A_2008 = arith.constant 4 : i32
      %sub3A_2009 = arith.subi %add3A_2007, %sub3A_2008 : i32
      %mul3A_2010 = arith.constant 8 : i32
      %mul3A_2011 = arith.muli %sub3A_2009, %mul3A_2010 : i32
      %add3A_2012 = arith.addi %mul3A_2, %mul3A_2011 : i32
      %dma_wait3A_2013 = arith.constant 0 : i32
      %dma_wait3A_2014 = arith.constant 0 : i32
      %dma_wait3A_2015 = tpu.memref_slice %arg4[%add3A_2012, %dma_wait3A_2013, %dma_wait3A_2014] : memref<16384x56x128xf32, #tpu.memory_space<hbm>> -> memref<8x50x64xf32, #tpu.memory_space<hbm>>
      %dma_wait3A_2016 = arith.constant 0 : i32
      %dma_wait3A_2017 = arith.constant 0 : i32
      %dma_wait3A_2018 = tpu.memref_slice %arg4[%add3A_2012, %dma_wait3A_2016, %dma_wait3A_2017] : memref<16384x56x128xf32, #tpu.memory_space<hbm>> -> memref<8x50x64xf32, #tpu.memory_space<hbm>>
      tpu.wait_dma2 semaphore(%arg22 : memref<!tpu.dma_semaphore, #tpu.memory_space<semaphore_mem>>) src(%arg10 : memref<8x50x64xf32, #tpu.memory_space<vmem>>) dst(%dma_wait3A_2018 : memref<8x50x64xf32, #tpu.memory_space<hbm>>)
      %mul3A_2019 = arith.constant 8 : i32
      %mul3A_2020 = arith.muli %add3A_2007, %mul3A_2019 : i32
      %add3A_2021 = arith.addi %mul3A_2, %mul3A_2020 : i32
      %dma_wait3A_2022 = arith.constant 0 : i32
      %dma_wait3A_2023 = tpu.memref_slice %arg2[%add3A_2021, %dma_wait3A_2022] : memref<16384x50xi32, #tpu.memory_space<hbm>> -> memref<8x50xi32, #tpu.memory_space<hbm>>
      %dma_wait3A_2024 = arith.constant 0 : i32
      %dma_wait3A_2025 = tpu.memref_slice %arg2[%add3A_2021, %dma_wait3A_2024] : memref<16384x50xi32, #tpu.memory_space<hbm>> -> memref<8x50xi32, #tpu.memory_space<hbm>>
      tpu.wait_dma2 semaphore(%arg14 : memref<!tpu.dma_semaphore, #tpu.memory_space<semaphore_mem>>) src(%dma_wait3A_2025 : memref<8x50xi32, #tpu.memory_space<hbm>>) dst(%arg6 : memref<8x50xi32, #tpu.memory_space<vmem>>)
      %dma_start3A_2026 = arith.constant 0 : i32
      %dma_start3A_2027 = arith.constant 0 : i32
      %dma_start3A_2028 = arith.constant 0 : i32
      %dma_start3A_2029 = arith.constant 0 : i32
      %dma_start3A_2030 = tpu.memref_slice %arg10[%dma_start3A_2027, %dma_start3A_2028, %dma_start3A_2029] : memref<8x50x64xf32, #tpu.memory_space<vmem>> -> memref<1x50x64xf32, #tpu.memory_space<vmem>>
      %dma_start3A_2031 = tpu.memref_squeeze %dma_start3A_2030 : memref<1x50x64xf32, #tpu.memory_space<vmem>> -> memref<50x64xf32, #tpu.memory_space<vmem>>
      %dma_start3A_2032 = arith.constant 0 : i32
      %dma_start3A_2033 = tpu.memref_slice %arg6[%dma_start3A_2026, %dma_start3A_2032] : memref<8x50xi32, #tpu.memory_space<vmem>> -> memref<1x50xi32, #tpu.memory_space<vmem>>
      %dma_start3A_2034 = tpu.memref_squeeze %dma_start3A_2033 : memref<1x50xi32, #tpu.memory_space<vmem>> -> memref<50xi32, #tpu.memory_space<vmem>>
      %dma_start3A_2035 = arith.constant 0 : i32
      %dma_start3A_2036 = arith.constant 0 : i32
      %dma_start3A_2037 = tpu.memref_slice %arg3[%dma_start3A_2035, %dma_start3A_2036] : memref<2000000x64xf32, #tpu.memory_space<hbm>> -> memref<2000000x64xf32, #tpu.memory_space<hbm>>
      tpu.enqueue_indirect_dma source(%dma_start3A_2037 : memref<2000000x64xf32, #tpu.memory_space<hbm>>) target(%dma_start3A_2031 : memref<50x64xf32, #tpu.memory_space<vmem>>) offsets(%dma_start3A_2034 : memref<50xi32, #tpu.memory_space<vmem>>) semaphore(%arg18 : memref<!tpu.dma_semaphore, #tpu.memory_space<semaphore_mem>>)
      %dma_start3A_2038 = arith.constant 1 : i32
      %dma_start3A_2039 = arith.constant 1 : i32
      %dma_start3A_2040 = arith.constant 0 : i32
      %dma_start3A_2041 = arith.constant 0 : i32
      %dma_start3A_2042 = tpu.memref_slice %arg10[%dma_start3A_2039, %dma_start3A_2040, %dma_start3A_2041] : memref<8x50x64xf32, #tpu.memory_space<vmem>> -> memref<1x50x64xf32, #tpu.memory_space<vmem>>
      %dma_start3A_2043 = tpu.memref_squeeze %dma_start3A_2042 : memref<1x50x64xf32, #tpu.memory_space<vmem>> -> memref<50x64xf32, #tpu.memory_space<vmem>>
      %dma_start3A_2044 = arith.constant 0 : i32
      %dma_start3A_2045 = tpu.memref_slice %arg6[%dma_start3A_2038, %dma_start3A_2044] : memref<8x50xi32, #tpu.memory_space<vmem>> -> memref<1x50xi32, #tpu.memory_space<vmem>>
      %dma_start3A_2046 = tpu.memref_squeeze %dma_start3A_2045 : memref<1x50xi32, #tpu.memory_space<vmem>> -> memref<50xi32, #tpu.memory_space<vmem>>
      %dma_start3A_2047 = arith.constant 0 : i32
      %dma_start3A_2048 = arith.constant 0 : i32
      %dma_start3A_2049 = tpu.memref_slice %arg3[%dma_start3A_2047, %dma_start3A_2048] : memref<2000000x64xf32, #tpu.memory_space<hbm>> -> memref<2000000x64xf32, #tpu.memory_space<hbm>>
      tpu.enqueue_indirect_dma source(%dma_start3A_2049 : memref<2000000x64xf32, #tpu.memory_space<hbm>>) target(%dma_start3A_2043 : memref<50x64xf32, #tpu.memory_space<vmem>>) offsets(%dma_start3A_2046 : memref<50xi32, #tpu.memory_space<vmem>>) semaphore(%arg18 : memref<!tpu.dma_semaphore, #tpu.memory_space<semaphore_mem>>)
      %dma_start3A_2050 = arith.constant 2 : i32
      %dma_start3A_2051 = arith.constant 2 : i32
      %dma_start3A_2052 = arith.constant 0 : i32
      %dma_start3A_2053 = arith.constant 0 : i32
      %dma_start3A_2054 = tpu.memref_slice %arg10[%dma_start3A_2051, %dma_start3A_2052, %dma_start3A_2053] : memref<8x50x64xf32, #tpu.memory_space<vmem>> -> memref<1x50x64xf32, #tpu.memory_space<vmem>>
      %dma_start3A_2055 = tpu.memref_squeeze %dma_start3A_2054 : memref<1x50x64xf32, #tpu.memory_space<vmem>> -> memref<50x64xf32, #tpu.memory_space<vmem>>
      %dma_start3A_2056 = arith.constant 0 : i32
      %dma_start3A_2057 = tpu.memref_slice %arg6[%dma_start3A_2050, %dma_start3A_2056] : memref<8x50xi32, #tpu.memory_space<vmem>> -> memref<1x50xi32, #tpu.memory_space<vmem>>
      %dma_start3A_2058 = tpu.memref_squeeze %dma_start3A_2057 : memref<1x50xi32, #tpu.memory_space<vmem>> -> memref<50xi32, #tpu.memory_space<vmem>>
      %dma_start3A_2059 = arith.constant 0 : i32
      %dma_start3A_2060 = arith.constant 0 : i32
      %dma_start3A_2061 = tpu.memref_slice %arg3[%dma_start3A_2059, %dma_start3A_2060] : memref<2000000x64xf32, #tpu.memory_space<hbm>> -> memref<2000000x64xf32, #tpu.memory_space<hbm>>
      tpu.enqueue_indirect_dma source(%dma_start3A_2061 : memref<2000000x64xf32, #tpu.memory_space<hbm>>) target(%dma_start3A_2055 : memref<50x64xf32, #tpu.memory_space<vmem>>) offsets(%dma_start3A_2058 : memref<50xi32, #tpu.memory_space<vmem>>) semaphore(%arg18 : memref<!tpu.dma_semaphore, #tpu.memory_space<semaphore_mem>>)
      %dma_start3A_2062 = arith.constant 3 : i32
      %dma_start3A_2063 = arith.constant 3 : i32
      %dma_start3A_2064 = arith.constant 0 : i32
      %dma_start3A_2065 = arith.constant 0 : i32
      %dma_start3A_2066 = tpu.memref_slice %arg10[%dma_start3A_2063, %dma_start3A_2064, %dma_start3A_2065] : memref<8x50x64xf32, #tpu.memory_space<vmem>> -> memref<1x50x64xf32, #tpu.memory_space<vmem>>
      %dma_start3A_2067 = tpu.memref_squeeze %dma_start3A_2066 : memref<1x50x64xf32, #tpu.memory_space<vmem>> -> memref<50x64xf32, #tpu.memory_space<vmem>>
      %dma_start3A_2068 = arith.constant 0 : i32
      %dma_start3A_2069 = tpu.memref_slice %arg6[%dma_start3A_2062, %dma_start3A_2068] : memref<8x50xi32, #tpu.memory_space<vmem>> -> memref<1x50xi32, #tpu.memory_space<vmem>>
      %dma_start3A_2070 = tpu.memref_squeeze %dma_start3A_2069 : memref<1x50xi32, #tpu.memory_space<vmem>> -> memref<50xi32, #tpu.memory_space<vmem>>
      %dma_start3A_2071 = arith.constant 0 : i32
      %dma_start3A_2072 = arith.constant 0 : i32
      %dma_start3A_2073 = tpu.memref_slice %arg3[%dma_start3A_2071, %dma_start3A_2072] : memref<2000000x64xf32, #tpu.memory_space<hbm>> -> memref<2000000x64xf32, #tpu.memory_space<hbm>>
      tpu.enqueue_indirect_dma source(%dma_start3A_2073 : memref<2000000x64xf32, #tpu.memory_space<hbm>>) target(%dma_start3A_2067 : memref<50x64xf32, #tpu.memory_space<vmem>>) offsets(%dma_start3A_2070 : memref<50xi32, #tpu.memory_space<vmem>>) semaphore(%arg18 : memref<!tpu.dma_semaphore, #tpu.memory_space<semaphore_mem>>)
      %dma_start3A_2074 = arith.constant 4 : i32
      %dma_start3A_2075 = arith.constant 4 : i32
      %dma_start3A_2076 = arith.constant 0 : i32
      %dma_start3A_2077 = arith.constant 0 : i32
      %dma_start3A_2078 = tpu.memref_slice %arg10[%dma_start3A_2075, %dma_start3A_2076, %dma_start3A_2077] : memref<8x50x64xf32, #tpu.memory_space<vmem>> -> memref<1x50x64xf32, #tpu.memory_space<vmem>>
      %dma_start3A_2079 = tpu.memref_squeeze %dma_start3A_2078 : memref<1x50x64xf32, #tpu.memory_space<vmem>> -> memref<50x64xf32, #tpu.memory_space<vmem>>
      %dma_start3A_2080 = arith.constant 0 : i32
      %dma_start3A_2081 = tpu.memref_slice %arg6[%dma_start3A_2074, %dma_start3A_2080] : memref<8x50xi32, #tpu.memory_space<vmem>> -> memref<1x50xi32, #tpu.memory_space<vmem>>
      %dma_start3A_2082 = tpu.memref_squeeze %dma_start3A_2081 : memref<1x50xi32, #tpu.memory_space<vmem>> -> memref<50xi32, #tpu.memory_space<vmem>>
      %dma_start3A_2083 = arith.constant 0 : i32
      %dma_start3A_2084 = arith.constant 0 : i32
      %dma_start3A_2085 = tpu.memref_slice %arg3[%dma_start3A_2083, %dma_start3A_2084] : memref<2000000x64xf32, #tpu.memory_space<hbm>> -> memref<2000000x64xf32, #tpu.memory_space<hbm>>
      tpu.enqueue_indirect_dma source(%dma_start3A_2085 : memref<2000000x64xf32, #tpu.memory_space<hbm>>) target(%dma_start3A_2079 : memref<50x64xf32, #tpu.memory_space<vmem>>) offsets(%dma_start3A_2082 : memref<50xi32, #tpu.memory_space<vmem>>) semaphore(%arg18 : memref<!tpu.dma_semaphore, #tpu.memory_space<semaphore_mem>>)
      %dma_start3A_2086 = arith.constant 5 : i32
      %dma_start3A_2087 = arith.constant 5 : i32
      %dma_start3A_2088 = arith.constant 0 : i32
      %dma_start3A_2089 = arith.constant 0 : i32
      %dma_start3A_2090 = tpu.memref_slice %arg10[%dma_start3A_2087, %dma_start3A_2088, %dma_start3A_2089] : memref<8x50x64xf32, #tpu.memory_space<vmem>> -> memref<1x50x64xf32, #tpu.memory_space<vmem>>
      %dma_start3A_2091 = tpu.memref_squeeze %dma_start3A_2090 : memref<1x50x64xf32, #tpu.memory_space<vmem>> -> memref<50x64xf32, #tpu.memory_space<vmem>>
      %dma_start3A_2092 = arith.constant 0 : i32
      %dma_start3A_2093 = tpu.memref_slice %arg6[%dma_start3A_2086, %dma_start3A_2092] : memref<8x50xi32, #tpu.memory_space<vmem>> -> memref<1x50xi32, #tpu.memory_space<vmem>>
      %dma_start3A_2094 = tpu.memref_squeeze %dma_start3A_2093 : memref<1x50xi32, #tpu.memory_space<vmem>> -> memref<50xi32, #tpu.memory_space<vmem>>
      %dma_start3A_2095 = arith.constant 0 : i32
      %dma_start3A_2096 = arith.constant 0 : i32
      %dma_start3A_2097 = tpu.memref_slice %arg3[%dma_start3A_2095, %dma_start3A_2096] : memref<2000000x64xf32, #tpu.memory_space<hbm>> -> memref<2000000x64xf32, #tpu.memory_space<hbm>>
      tpu.enqueue_indirect_dma source(%dma_start3A_2097 : memref<2000000x64xf32, #tpu.memory_space<hbm>>) target(%dma_start3A_2091 : memref<50x64xf32, #tpu.memory_space<vmem>>) offsets(%dma_start3A_2094 : memref<50xi32, #tpu.memory_space<vmem>>) semaphore(%arg18 : memref<!tpu.dma_semaphore, #tpu.memory_space<semaphore_mem>>)
      %dma_start3A_2098 = arith.constant 6 : i32
      %dma_start3A_2099 = arith.constant 6 : i32
      %dma_start3A_2100 = arith.constant 0 : i32
      %dma_start3A_2101 = arith.constant 0 : i32
      %dma_start3A_2102 = tpu.memref_slice %arg10[%dma_start3A_2099, %dma_start3A_2100, %dma_start3A_2101] : memref<8x50x64xf32, #tpu.memory_space<vmem>> -> memref<1x50x64xf32, #tpu.memory_space<vmem>>
      %dma_start3A_2103 = tpu.memref_squeeze %dma_start3A_2102 : memref<1x50x64xf32, #tpu.memory_space<vmem>> -> memref<50x64xf32, #tpu.memory_space<vmem>>
      %dma_start3A_2104 = arith.constant 0 : i32
      %dma_start3A_2105 = tpu.memref_slice %arg6[%dma_start3A_2098, %dma_start3A_2104] : memref<8x50xi32, #tpu.memory_space<vmem>> -> memref<1x50xi32, #tpu.memory_space<vmem>>
      %dma_start3A_2106 = tpu.memref_squeeze %dma_start3A_2105 : memref<1x50xi32, #tpu.memory_space<vmem>> -> memref<50xi32, #tpu.memory_space<vmem>>
      %dma_start3A_2107 = arith.constant 0 : i32
      %dma_start3A_2108 = arith.constant 0 : i32
      %dma_start3A_2109 = tpu.memref_slice %arg3[%dma_start3A_2107, %dma_start3A_2108] : memref<2000000x64xf32, #tpu.memory_space<hbm>> -> memref<2000000x64xf32, #tpu.memory_space<hbm>>
      tpu.enqueue_indirect_dma source(%dma_start3A_2109 : memref<2000000x64xf32, #tpu.memory_space<hbm>>) target(%dma_start3A_2103 : memref<50x64xf32, #tpu.memory_space<vmem>>) offsets(%dma_start3A_2106 : memref<50xi32, #tpu.memory_space<vmem>>) semaphore(%arg18 : memref<!tpu.dma_semaphore, #tpu.memory_space<semaphore_mem>>)
      %dma_start3A_2110 = arith.constant 7 : i32
      %dma_start3A_2111 = arith.constant 7 : i32
      %dma_start3A_2112 = arith.constant 0 : i32
      %dma_start3A_2113 = arith.constant 0 : i32
      %dma_start3A_2114 = tpu.memref_slice %arg10[%dma_start3A_2111, %dma_start3A_2112, %dma_start3A_2113] : memref<8x50x64xf32, #tpu.memory_space<vmem>> -> memref<1x50x64xf32, #tpu.memory_space<vmem>>
      %dma_start3A_2115 = tpu.memref_squeeze %dma_start3A_2114 : memref<1x50x64xf32, #tpu.memory_space<vmem>> -> memref<50x64xf32, #tpu.memory_space<vmem>>
      %dma_start3A_2116 = arith.constant 0 : i32
      %dma_start3A_2117 = tpu.memref_slice %arg6[%dma_start3A_2110, %dma_start3A_2116] : memref<8x50xi32, #tpu.memory_space<vmem>> -> memref<1x50xi32, #tpu.memory_space<vmem>>
      %dma_start3A_2118 = tpu.memref_squeeze %dma_start3A_2117 : memref<1x50xi32, #tpu.memory_space<vmem>> -> memref<50xi32, #tpu.memory_space<vmem>>
      %dma_start3A_2119 = arith.constant 0 : i32
      %dma_start3A_2120 = arith.constant 0 : i32
      %dma_start3A_2121 = tpu.memref_slice %arg3[%dma_start3A_2119, %dma_start3A_2120] : memref<2000000x64xf32, #tpu.memory_space<hbm>> -> memref<2000000x64xf32, #tpu.memory_space<hbm>>
      tpu.enqueue_indirect_dma source(%dma_start3A_2121 : memref<2000000x64xf32, #tpu.memory_space<hbm>>) target(%dma_start3A_2115 : memref<50x64xf32, #tpu.memory_space<vmem>>) offsets(%dma_start3A_2118 : memref<50xi32, #tpu.memory_space<vmem>>) semaphore(%arg18 : memref<!tpu.dma_semaphore, #tpu.memory_space<semaphore_mem>>)
      %sub3A_2122 = arith.constant 2 : i32
      %sub3A_2123 = arith.subi %add3A_2007, %sub3A_2122 : i32
      %dma_wait3A_2124 = arith.constant 0 : i32
      %dma_wait3A_2125 = arith.constant 0 : i32
      %dma_wait3A_2126 = arith.constant 0 : i32
      %dma_wait3A_2127 = arith.constant 0 : i32
      %dma_wait3A_2128 = tpu.memref_slice %arg12[%dma_wait3A_2125, %dma_wait3A_2126, %dma_wait3A_2127] : memref<8x50x64xf32, #tpu.memory_space<vmem>> -> memref<1x50x64xf32, #tpu.memory_space<vmem>>
      %dma_wait3A_2129 = tpu.memref_squeeze %dma_wait3A_2128 : memref<1x50x64xf32, #tpu.memory_space<vmem>> -> memref<50x64xf32, #tpu.memory_space<vmem>>
      %dma_wait3A_2130 = arith.constant 0 : i32
      %dma_wait3A_2131 = tpu.memref_slice %arg8[%dma_wait3A_2124, %dma_wait3A_2130] : memref<8x50xi32, #tpu.memory_space<vmem>> -> memref<1x50xi32, #tpu.memory_space<vmem>>
      %dma_wait3A_2132 = tpu.memref_squeeze %dma_wait3A_2131 : memref<1x50xi32, #tpu.memory_space<vmem>> -> memref<50xi32, #tpu.memory_space<vmem>>
      %dma_wait3A_2133 = arith.constant 0 : i32
      %dma_wait3A_2134 = arith.constant 0 : i32
      %dma_wait3A_2135 = tpu.memref_slice %arg3[%dma_wait3A_2133, %dma_wait3A_2134] : memref<2000000x64xf32, #tpu.memory_space<hbm>> -> memref<2000000x64xf32, #tpu.memory_space<hbm>>
      tpu.wait_indirect_dma semaphore(%arg20 : memref<!tpu.dma_semaphore, #tpu.memory_space<semaphore_mem>>) src(%dma_wait3A_2135 : memref<2000000x64xf32, #tpu.memory_space<hbm>>) dst(%dma_wait3A_2129 : memref<50x64xf32, #tpu.memory_space<vmem>>)
      %dma_wait3A_2136 = arith.constant 1 : i32
      %dma_wait3A_2137 = arith.constant 1 : i32
      %dma_wait3A_2138 = arith.constant 0 : i32
      %dma_wait3A_2139 = arith.constant 0 : i32
      %dma_wait3A_2140 = tpu.memref_slice %arg12[%dma_wait3A_2137, %dma_wait3A_2138, %dma_wait3A_2139] : memref<8x50x64xf32, #tpu.memory_space<vmem>> -> memref<1x50x64xf32, #tpu.memory_space<vmem>>
      %dma_wait3A_2141 = tpu.memref_squeeze %dma_wait3A_2140 : memref<1x50x64xf32, #tpu.memory_space<vmem>> -> memref<50x64xf32, #tpu.memory_space<vmem>>
      %dma_wait3A_2142 = arith.constant 0 : i32
      %dma_wait3A_2143 = tpu.memref_slice %arg8[%dma_wait3A_2136, %dma_wait3A_2142] : memref<8x50xi32, #tpu.memory_space<vmem>> -> memref<1x50xi32, #tpu.memory_space<vmem>>
      %dma_wait3A_2144 = tpu.memref_squeeze %dma_wait3A_2143 : memref<1x50xi32, #tpu.memory_space<vmem>> -> memref<50xi32, #tpu.memory_space<vmem>>
      %dma_wait3A_2145 = arith.constant 0 : i32
      %dma_wait3A_2146 = arith.constant 0 : i32
      %dma_wait3A_2147 = tpu.memref_slice %arg3[%dma_wait3A_2145, %dma_wait3A_2146] : memref<2000000x64xf32, #tpu.memory_space<hbm>> -> memref<2000000x64xf32, #tpu.memory_space<hbm>>
      tpu.wait_indirect_dma semaphore(%arg20 : memref<!tpu.dma_semaphore, #tpu.memory_space<semaphore_mem>>) src(%dma_wait3A_2147 : memref<2000000x64xf32, #tpu.memory_space<hbm>>) dst(%dma_wait3A_2141 : memref<50x64xf32, #tpu.memory_space<vmem>>)
      %dma_wait3A_2148 = arith.constant 2 : i32
      %dma_wait3A_2149 = arith.constant 2 : i32
      %dma_wait3A_2150 = arith.constant 0 : i32
      %dma_wait3A_2151 = arith.constant 0 : i32
      %dma_wait3A_2152 = tpu.memref_slice %arg12[%dma_wait3A_2149, %dma_wait3A_2150, %dma_wait3A_2151] : memref<8x50x64xf32, #tpu.memory_space<vmem>> -> memref<1x50x64xf32, #tpu.memory_space<vmem>>
      %dma_wait3A_2153 = tpu.memref_squeeze %dma_wait3A_2152 : memref<1x50x64xf32, #tpu.memory_space<vmem>> -> memref<50x64xf32, #tpu.memory_space<vmem>>
      %dma_wait3A_2154 = arith.constant 0 : i32
      %dma_wait3A_2155 = tpu.memref_slice %arg8[%dma_wait3A_2148, %dma_wait3A_2154] : memref<8x50xi32, #tpu.memory_space<vmem>> -> memref<1x50xi32, #tpu.memory_space<vmem>>
      %dma_wait3A_2156 = tpu.memref_squeeze %dma_wait3A_2155 : memref<1x50xi32, #tpu.memory_space<vmem>> -> memref<50xi32, #tpu.memory_space<vmem>>
      %dma_wait3A_2157 = arith.constant 0 : i32
      %dma_wait3A_2158 = arith.constant 0 : i32
      %dma_wait3A_2159 = tpu.memref_slice %arg3[%dma_wait3A_2157, %dma_wait3A_2158] : memref<2000000x64xf32, #tpu.memory_space<hbm>> -> memref<2000000x64xf32, #tpu.memory_space<hbm>>
      tpu.wait_indirect_dma semaphore(%arg20 : memref<!tpu.dma_semaphore, #tpu.memory_space<semaphore_mem>>) src(%dma_wait3A_2159 : memref<2000000x64xf32, #tpu.memory_space<hbm>>) dst(%dma_wait3A_2153 : memref<50x64xf32, #tpu.memory_space<vmem>>)
      %dma_wait3A_2160 = arith.constant 3 : i32
      %dma_wait3A_2161 = arith.constant 3 : i32
      %dma_wait3A_2162 = arith.constant 0 : i32
      %dma_wait3A_2163 = arith.constant 0 : i32
      %dma_wait3A_2164 = tpu.memref_slice %arg12[%dma_wait3A_2161, %dma_wait3A_2162, %dma_wait3A_2163] : memref<8x50x64xf32, #tpu.memory_space<vmem>> -> memref<1x50x64xf32, #tpu.memory_space<vmem>>
      %dma_wait3A_2165 = tpu.memref_squeeze %dma_wait3A_2164 : memref<1x50x64xf32, #tpu.memory_space<vmem>> -> memref<50x64xf32, #tpu.memory_space<vmem>>
      %dma_wait3A_2166 = arith.constant 0 : i32
      %dma_wait3A_2167 = tpu.memref_slice %arg8[%dma_wait3A_2160, %dma_wait3A_2166] : memref<8x50xi32, #tpu.memory_space<vmem>> -> memref<1x50xi32, #tpu.memory_space<vmem>>
      %dma_wait3A_2168 = tpu.memref_squeeze %dma_wait3A_2167 : memref<1x50xi32, #tpu.memory_space<vmem>> -> memref<50xi32, #tpu.memory_space<vmem>>
      %dma_wait3A_2169 = arith.constant 0 : i32
      %dma_wait3A_2170 = arith.constant 0 : i32
      %dma_wait3A_2171 = tpu.memref_slice %arg3[%dma_wait3A_2169, %dma_wait3A_2170] : memref<2000000x64xf32, #tpu.memory_space<hbm>> -> memref<2000000x64xf32, #tpu.memory_space<hbm>>
      tpu.wait_indirect_dma semaphore(%arg20 : memref<!tpu.dma_semaphore, #tpu.memory_space<semaphore_mem>>) src(%dma_wait3A_2171 : memref<2000000x64xf32, #tpu.memory_space<hbm>>) dst(%dma_wait3A_2165 : memref<50x64xf32, #tpu.memory_space<vmem>>)
      %dma_wait3A_2172 = arith.constant 4 : i32
      %dma_wait3A_2173 = arith.constant 4 : i32
      %dma_wait3A_2174 = arith.constant 0 : i32
      %dma_wait3A_2175 = arith.constant 0 : i32
      %dma_wait3A_2176 = tpu.memref_slice %arg12[%dma_wait3A_2173, %dma_wait3A_2174, %dma_wait3A_2175] : memref<8x50x64xf32, #tpu.memory_space<vmem>> -> memref<1x50x64xf32, #tpu.memory_space<vmem>>
      %dma_wait3A_2177 = tpu.memref_squeeze %dma_wait3A_2176 : memref<1x50x64xf32, #tpu.memory_space<vmem>> -> memref<50x64xf32, #tpu.memory_space<vmem>>
      %dma_wait3A_2178 = arith.constant 0 : i32
      %dma_wait3A_2179 = tpu.memref_slice %arg8[%dma_wait3A_2172, %dma_wait3A_2178] : memref<8x50xi32, #tpu.memory_space<vmem>> -> memref<1x50xi32, #tpu.memory_space<vmem>>
      %dma_wait3A_2180 = tpu.memref_squeeze %dma_wait3A_2179 : memref<1x50xi32, #tpu.memory_space<vmem>> -> memref<50xi32, #tpu.memory_space<vmem>>
      %dma_wait3A_2181 = arith.constant 0 : i32
      %dma_wait3A_2182 = arith.constant 0 : i32
      %dma_wait3A_2183 = tpu.memref_slice %arg3[%dma_wait3A_2181, %dma_wait3A_2182] : memref<2000000x64xf32, #tpu.memory_space<hbm>> -> memref<2000000x64xf32, #tpu.memory_space<hbm>>
      tpu.wait_indirect_dma semaphore(%arg20 : memref<!tpu.dma_semaphore, #tpu.memory_space<semaphore_mem>>) src(%dma_wait3A_2183 : memref<2000000x64xf32, #tpu.memory_space<hbm>>) dst(%dma_wait3A_2177 : memref<50x64xf32, #tpu.memory_space<vmem>>)
      %dma_wait3A_2184 = arith.constant 5 : i32
      %dma_wait3A_2185 = arith.constant 5 : i32
      %dma_wait3A_2186 = arith.constant 0 : i32
      %dma_wait3A_2187 = arith.constant 0 : i32
      %dma_wait3A_2188 = tpu.memref_slice %arg12[%dma_wait3A_2185, %dma_wait3A_2186, %dma_wait3A_2187] : memref<8x50x64xf32, #tpu.memory_space<vmem>> -> memref<1x50x64xf32, #tpu.memory_space<vmem>>
      %dma_wait3A_2189 = tpu.memref_squeeze %dma_wait3A_2188 : memref<1x50x64xf32, #tpu.memory_space<vmem>> -> memref<50x64xf32, #tpu.memory_space<vmem>>
      %dma_wait3A_2190 = arith.constant 0 : i32
      %dma_wait3A_2191 = tpu.memref_slice %arg8[%dma_wait3A_2184, %dma_wait3A_2190] : memref<8x50xi32, #tpu.memory_space<vmem>> -> memref<1x50xi32, #tpu.memory_space<vmem>>
      %dma_wait3A_2192 = tpu.memref_squeeze %dma_wait3A_2191 : memref<1x50xi32, #tpu.memory_space<vmem>> -> memref<50xi32, #tpu.memory_space<vmem>>
      %dma_wait3A_2193 = arith.constant 0 : i32
      %dma_wait3A_2194 = arith.constant 0 : i32
      %dma_wait3A_2195 = tpu.memref_slice %arg3[%dma_wait3A_2193, %dma_wait3A_2194] : memref<2000000x64xf32, #tpu.memory_space<hbm>> -> memref<2000000x64xf32, #tpu.memory_space<hbm>>
      tpu.wait_indirect_dma semaphore(%arg20 : memref<!tpu.dma_semaphore, #tpu.memory_space<semaphore_mem>>) src(%dma_wait3A_2195 : memref<2000000x64xf32, #tpu.memory_space<hbm>>) dst(%dma_wait3A_2189 : memref<50x64xf32, #tpu.memory_space<vmem>>)
      %dma_wait3A_2196 = arith.constant 6 : i32
      %dma_wait3A_2197 = arith.constant 6 : i32
      %dma_wait3A_2198 = arith.constant 0 : i32
      %dma_wait3A_2199 = arith.constant 0 : i32
      %dma_wait3A_2200 = tpu.memref_slice %arg12[%dma_wait3A_2197, %dma_wait3A_2198, %dma_wait3A_2199] : memref<8x50x64xf32, #tpu.memory_space<vmem>> -> memref<1x50x64xf32, #tpu.memory_space<vmem>>
      %dma_wait3A_2201 = tpu.memref_squeeze %dma_wait3A_2200 : memref<1x50x64xf32, #tpu.memory_space<vmem>> -> memref<50x64xf32, #tpu.memory_space<vmem>>
      %dma_wait3A_2202 = arith.constant 0 : i32
      %dma_wait3A_2203 = tpu.memref_slice %arg8[%dma_wait3A_2196, %dma_wait3A_2202] : memref<8x50xi32, #tpu.memory_space<vmem>> -> memref<1x50xi32, #tpu.memory_space<vmem>>
      %dma_wait3A_2204 = tpu.memref_squeeze %dma_wait3A_2203 : memref<1x50xi32, #tpu.memory_space<vmem>> -> memref<50xi32, #tpu.memory_space<vmem>>
      %dma_wait3A_2205 = arith.constant 0 : i32
      %dma_wait3A_2206 = arith.constant 0 : i32
      %dma_wait3A_2207 = tpu.memref_slice %arg3[%dma_wait3A_2205, %dma_wait3A_2206] : memref<2000000x64xf32, #tpu.memory_space<hbm>> -> memref<2000000x64xf32, #tpu.memory_space<hbm>>
      tpu.wait_indirect_dma semaphore(%arg20 : memref<!tpu.dma_semaphore, #tpu.memory_space<semaphore_mem>>) src(%dma_wait3A_2207 : memref<2000000x64xf32, #tpu.memory_space<hbm>>) dst(%dma_wait3A_2201 : memref<50x64xf32, #tpu.memory_space<vmem>>)
      %dma_wait3A_2208 = arith.constant 7 : i32
      %dma_wait3A_2209 = arith.constant 7 : i32
      %dma_wait3A_2210 = arith.constant 0 : i32
      %dma_wait3A_2211 = arith.constant 0 : i32
      %dma_wait3A_2212 = tpu.memref_slice %arg12[%dma_wait3A_2209, %dma_wait3A_2210, %dma_wait3A_2211] : memref<8x50x64xf32, #tpu.memory_space<vmem>> -> memref<1x50x64xf32, #tpu.memory_space<vmem>>
      %dma_wait3A_2213 = tpu.memref_squeeze %dma_wait3A_2212 : memref<1x50x64xf32, #tpu.memory_space<vmem>> -> memref<50x64xf32, #tpu.memory_space<vmem>>
      %dma_wait3A_2214 = arith.constant 0 : i32
      %dma_wait3A_2215 = tpu.memref_slice %arg8[%dma_wait3A_2208, %dma_wait3A_2214] : memref<8x50xi32, #tpu.memory_space<vmem>> -> memref<1x50xi32, #tpu.memory_space<vmem>>
      %dma_wait3A_2216 = tpu.memref_squeeze %dma_wait3A_2215 : memref<1x50xi32, #tpu.memory_space<vmem>> -> memref<50xi32, #tpu.memory_space<vmem>>
      %dma_wait3A_2217 = arith.constant 0 : i32
      %dma_wait3A_2218 = arith.constant 0 : i32
      %dma_wait3A_2219 = tpu.memref_slice %arg3[%dma_wait3A_2217, %dma_wait3A_2218] : memref<2000000x64xf32, #tpu.memory_space<hbm>> -> memref<2000000x64xf32, #tpu.memory_space<hbm>>
      tpu.wait_indirect_dma semaphore(%arg20 : memref<!tpu.dma_semaphore, #tpu.memory_space<semaphore_mem>>) src(%dma_wait3A_2219 : memref<2000000x64xf32, #tpu.memory_space<hbm>>) dst(%dma_wait3A_2213 : memref<50x64xf32, #tpu.memory_space<vmem>>)
      %sub3A_2220 = arith.constant 2 : i32
      %sub3A_2221 = arith.subi %add3A_2007, %sub3A_2220 : i32
      %mul3A_2222 = arith.constant 8 : i32
      %mul3A_2223 = arith.muli %sub3A_2221, %mul3A_2222 : i32
      %add3A_2224 = arith.addi %mul3A_2, %mul3A_2223 : i32
      %dma_start3A_2225 = arith.constant 0 : i32
      %dma_start3A_2226 = arith.constant 0 : i32
      %dma_start3A_2227 = tpu.memref_slice %arg4[%add3A_2224, %dma_start3A_2225, %dma_start3A_2226] : memref<16384x56x128xf32, #tpu.memory_space<hbm>> -> memref<8x50x64xf32, #tpu.memory_space<hbm>>
      %dma_start3A_2228 = arith.constant 0 : i32
      %dma_start3A_2229 = arith.constant 0 : i32
      %dma_start3A_2230 = tpu.memref_slice %arg4[%add3A_2224, %dma_start3A_2228, %dma_start3A_2229] : memref<16384x56x128xf32, #tpu.memory_space<hbm>> -> memref<8x50x64xf32, #tpu.memory_space<hbm>>
      tpu.enqueue_dma source(%arg12 : memref<8x50x64xf32, #tpu.memory_space<vmem>>) target(%dma_start3A_2230 : memref<8x50x64xf32, #tpu.memory_space<hbm>>) target_semaphore(%arg24 : memref<!tpu.dma_semaphore, #tpu.memory_space<semaphore_mem>>)
      %sub3A_2231 = arith.constant 2 : i32
      %sub3A_2232 = arith.subi %add3A_2007, %sub3A_2231 : i32
      %add3A_2233 = arith.constant 4 : i32
      %add3A_2234 = arith.addi %sub3A_2232, %add3A_2233 : i32
      %mul3A_2235 = arith.constant 8 : i32
      %mul3A_2236 = arith.muli %add3A_2234, %mul3A_2235 : i32
      %add3A_2237 = arith.addi %mul3A_2, %mul3A_2236 : i32
      %dma_start3A_2238 = arith.constant 0 : i32
      %dma_start3A_2239 = tpu.memref_slice %arg2[%add3A_2237, %dma_start3A_2238] : memref<16384x50xi32, #tpu.memory_space<hbm>> -> memref<8x50xi32, #tpu.memory_space<hbm>>
      %dma_start3A_2240 = arith.constant 0 : i32
      %dma_start3A_2241 = tpu.memref_slice %arg2[%add3A_2237, %dma_start3A_2240] : memref<16384x50xi32, #tpu.memory_space<hbm>> -> memref<8x50xi32, #tpu.memory_space<hbm>>
      tpu.enqueue_dma source(%dma_start3A_2241 : memref<8x50xi32, #tpu.memory_space<hbm>>) target(%arg8 : memref<8x50xi32, #tpu.memory_space<vmem>>) target_semaphore(%arg16 : memref<!tpu.dma_semaphore, #tpu.memory_space<semaphore_mem>>)
      %add3A_2242 = arith.constant 2 : i32
      %add3A_2243 = arith.addi %mul3A_1770, %add3A_2242 : i32
      %sub3A_2244 = arith.constant 4 : i32
      %sub3A_2245 = arith.subi %add3A_2243, %sub3A_2244 : i32
      %mul3A_2246 = arith.constant 8 : i32
      %mul3A_2247 = arith.muli %sub3A_2245, %mul3A_2246 : i32
      %add3A_2248 = arith.addi %mul3A_2, %mul3A_2247 : i32
      %dma_wait3A_2249 = arith.constant 0 : i32
      %dma_wait3A_2250 = arith.constant 0 : i32
      %dma_wait3A_2251 = tpu.memref_slice %arg4[%add3A_2248, %dma_wait3A_2249, %dma_wait3A_2250] : memref<16384x56x128xf32, #tpu.memory_space<hbm>> -> memref<8x50x64xf32, #tpu.memory_space<hbm>>
      %dma_wait3A_2252 = arith.constant 0 : i32
      %dma_wait3A_2253 = arith.constant 0 : i32
      %dma_wait3A_2254 = tpu.memref_slice %arg4[%add3A_2248, %dma_wait3A_2252, %dma_wait3A_2253] : memref<16384x56x128xf32, #tpu.memory_space<hbm>> -> memref<8x50x64xf32, #tpu.memory_space<hbm>>
      tpu.wait_dma2 semaphore(%arg23 : memref<!tpu.dma_semaphore, #tpu.memory_space<semaphore_mem>>) src(%arg11 : memref<8x50x64xf32, #tpu.memory_space<vmem>>) dst(%dma_wait3A_2254 : memref<8x50x64xf32, #tpu.memory_space<hbm>>)
      %mul3A_2255 = arith.constant 8 : i32
      %mul3A_2256 = arith.muli %add3A_2243, %mul3A_2255 : i32
      %add3A_2257 = arith.addi %mul3A_2, %mul3A_2256 : i32
      %dma_wait3A_2258 = arith.constant 0 : i32
      %dma_wait3A_2259 = tpu.memref_slice %arg2[%add3A_2257, %dma_wait3A_2258] : memref<16384x50xi32, #tpu.memory_space<hbm>> -> memref<8x50xi32, #tpu.memory_space<hbm>>
      %dma_wait3A_2260 = arith.constant 0 : i32
      %dma_wait3A_2261 = tpu.memref_slice %arg2[%add3A_2257, %dma_wait3A_2260] : memref<16384x50xi32, #tpu.memory_space<hbm>> -> memref<8x50xi32, #tpu.memory_space<hbm>>
      tpu.wait_dma2 semaphore(%arg15 : memref<!tpu.dma_semaphore, #tpu.memory_space<semaphore_mem>>) src(%dma_wait3A_2261 : memref<8x50xi32, #tpu.memory_space<hbm>>) dst(%arg7 : memref<8x50xi32, #tpu.memory_space<vmem>>)
      %dma_start3A_2262 = arith.constant 0 : i32
      %dma_start3A_2263 = arith.constant 0 : i32
      %dma_start3A_2264 = arith.constant 0 : i32
      %dma_start3A_2265 = arith.constant 0 : i32
      %dma_start3A_2266 = tpu.memref_slice %arg11[%dma_start3A_2263, %dma_start3A_2264, %dma_start3A_2265] : memref<8x50x64xf32, #tpu.memory_space<vmem>> -> memref<1x50x64xf32, #tpu.memory_space<vmem>>
      %dma_start3A_2267 = tpu.memref_squeeze %dma_start3A_2266 : memref<1x50x64xf32, #tpu.memory_space<vmem>> -> memref<50x64xf32, #tpu.memory_space<vmem>>
      %dma_start3A_2268 = arith.constant 0 : i32
      %dma_start3A_2269 = tpu.memref_slice %arg7[%dma_start3A_2262, %dma_start3A_2268] : memref<8x50xi32, #tpu.memory_space<vmem>> -> memref<1x50xi32, #tpu.memory_space<vmem>>
      %dma_start3A_2270 = tpu.memref_squeeze %dma_start3A_2269 : memref<1x50xi32, #tpu.memory_space<vmem>> -> memref<50xi32, #tpu.memory_space<vmem>>
      %dma_start3A_2271 = arith.constant 0 : i32
      %dma_start3A_2272 = arith.constant 0 : i32
      %dma_start3A_2273 = tpu.memref_slice %arg3[%dma_start3A_2271, %dma_start3A_2272] : memref<2000000x64xf32, #tpu.memory_space<hbm>> -> memref<2000000x64xf32, #tpu.memory_space<hbm>>
      tpu.enqueue_indirect_dma source(%dma_start3A_2273 : memref<2000000x64xf32, #tpu.memory_space<hbm>>) target(%dma_start3A_2267 : memref<50x64xf32, #tpu.memory_space<vmem>>) offsets(%dma_start3A_2270 : memref<50xi32, #tpu.memory_space<vmem>>) semaphore(%arg19 : memref<!tpu.dma_semaphore, #tpu.memory_space<semaphore_mem>>)
      %dma_start3A_2274 = arith.constant 1 : i32
      %dma_start3A_2275 = arith.constant 1 : i32
      %dma_start3A_2276 = arith.constant 0 : i32
      %dma_start3A_2277 = arith.constant 0 : i32
      %dma_start3A_2278 = tpu.memref_slice %arg11[%dma_start3A_2275, %dma_start3A_2276, %dma_start3A_2277] : memref<8x50x64xf32, #tpu.memory_space<vmem>> -> memref<1x50x64xf32, #tpu.memory_space<vmem>>
      %dma_start3A_2279 = tpu.memref_squeeze %dma_start3A_2278 : memref<1x50x64xf32, #tpu.memory_space<vmem>> -> memref<50x64xf32, #tpu.memory_space<vmem>>
      %dma_start3A_2280 = arith.constant 0 : i32
      %dma_start3A_2281 = tpu.memref_slice %arg7[%dma_start3A_2274, %dma_start3A_2280] : memref<8x50xi32, #tpu.memory_space<vmem>> -> memref<1x50xi32, #tpu.memory_space<vmem>>
      %dma_start3A_2282 = tpu.memref_squeeze %dma_start3A_2281 : memref<1x50xi32, #tpu.memory_space<vmem>> -> memref<50xi32, #tpu.memory_space<vmem>>
      %dma_start3A_2283 = arith.constant 0 : i32
      %dma_start3A_2284 = arith.constant 0 : i32
      %dma_start3A_2285 = tpu.memref_slice %arg3[%dma_start3A_2283, %dma_start3A_2284] : memref<2000000x64xf32, #tpu.memory_space<hbm>> -> memref<2000000x64xf32, #tpu.memory_space<hbm>>
      tpu.enqueue_indirect_dma source(%dma_start3A_2285 : memref<2000000x64xf32, #tpu.memory_space<hbm>>) target(%dma_start3A_2279 : memref<50x64xf32, #tpu.memory_space<vmem>>) offsets(%dma_start3A_2282 : memref<50xi32, #tpu.memory_space<vmem>>) semaphore(%arg19 : memref<!tpu.dma_semaphore, #tpu.memory_space<semaphore_mem>>)
      %dma_start3A_2286 = arith.constant 2 : i32
      %dma_start3A_2287 = arith.constant 2 : i32
      %dma_start3A_2288 = arith.constant 0 : i32
      %dma_start3A_2289 = arith.constant 0 : i32
      %dma_start3A_2290 = tpu.memref_slice %arg11[%dma_start3A_2287, %dma_start3A_2288, %dma_start3A_2289] : memref<8x50x64xf32, #tpu.memory_space<vmem>> -> memref<1x50x64xf32, #tpu.memory_space<vmem>>
      %dma_start3A_2291 = tpu.memref_squeeze %dma_start3A_2290 : memref<1x50x64xf32, #tpu.memory_space<vmem>> -> memref<50x64xf32, #tpu.memory_space<vmem>>
      %dma_start3A_2292 = arith.constant 0 : i32
      %dma_start3A_2293 = tpu.memref_slice %arg7[%dma_start3A_2286, %dma_start3A_2292] : memref<8x50xi32, #tpu.memory_space<vmem>> -> memref<1x50xi32, #tpu.memory_space<vmem>>
      %dma_start3A_2294 = tpu.memref_squeeze %dma_start3A_2293 : memref<1x50xi32, #tpu.memory_space<vmem>> -> memref<50xi32, #tpu.memory_space<vmem>>
      %dma_start3A_2295 = arith.constant 0 : i32
      %dma_start3A_2296 = arith.constant 0 : i32
      %dma_start3A_2297 = tpu.memref_slice %arg3[%dma_start3A_2295, %dma_start3A_2296] : memref<2000000x64xf32, #tpu.memory_space<hbm>> -> memref<2000000x64xf32, #tpu.memory_space<hbm>>
      tpu.enqueue_indirect_dma source(%dma_start3A_2297 : memref<2000000x64xf32, #tpu.memory_space<hbm>>) target(%dma_start3A_2291 : memref<50x64xf32, #tpu.memory_space<vmem>>) offsets(%dma_start3A_2294 : memref<50xi32, #tpu.memory_space<vmem>>) semaphore(%arg19 : memref<!tpu.dma_semaphore, #tpu.memory_space<semaphore_mem>>)
      %dma_start3A_2298 = arith.constant 3 : i32
      %dma_start3A_2299 = arith.constant 3 : i32
      %dma_start3A_2300 = arith.constant 0 : i32
      %dma_start3A_2301 = arith.constant 0 : i32
      %dma_start3A_2302 = tpu.memref_slice %arg11[%dma_start3A_2299, %dma_start3A_2300, %dma_start3A_2301] : memref<8x50x64xf32, #tpu.memory_space<vmem>> -> memref<1x50x64xf32, #tpu.memory_space<vmem>>
      %dma_start3A_2303 = tpu.memref_squeeze %dma_start3A_2302 : memref<1x50x64xf32, #tpu.memory_space<vmem>> -> memref<50x64xf32, #tpu.memory_space<vmem>>
      %dma_start3A_2304 = arith.constant 0 : i32
      %dma_start3A_2305 = tpu.memref_slice %arg7[%dma_start3A_2298, %dma_start3A_2304] : memref<8x50xi32, #tpu.memory_space<vmem>> -> memref<1x50xi32, #tpu.memory_space<vmem>>
      %dma_start3A_2306 = tpu.memref_squeeze %dma_start3A_2305 : memref<1x50xi32, #tpu.memory_space<vmem>> -> memref<50xi32, #tpu.memory_space<vmem>>
      %dma_start3A_2307 = arith.constant 0 : i32
      %dma_start3A_2308 = arith.constant 0 : i32
      %dma_start3A_2309 = tpu.memref_slice %arg3[%dma_start3A_2307, %dma_start3A_2308] : memref<2000000x64xf32, #tpu.memory_space<hbm>> -> memref<2000000x64xf32, #tpu.memory_space<hbm>>
      tpu.enqueue_indirect_dma source(%dma_start3A_2309 : memref<2000000x64xf32, #tpu.memory_space<hbm>>) target(%dma_start3A_2303 : memref<50x64xf32, #tpu.memory_space<vmem>>) offsets(%dma_start3A_2306 : memref<50xi32, #tpu.memory_space<vmem>>) semaphore(%arg19 : memref<!tpu.dma_semaphore, #tpu.memory_space<semaphore_mem>>)
      %dma_start3A_2310 = arith.constant 4 : i32
      %dma_start3A_2311 = arith.constant 4 : i32
      %dma_start3A_2312 = arith.constant 0 : i32
      %dma_start3A_2313 = arith.constant 0 : i32
      %dma_start3A_2314 = tpu.memref_slice %arg11[%dma_start3A_2311, %dma_start3A_2312, %dma_start3A_2313] : memref<8x50x64xf32, #tpu.memory_space<vmem>> -> memref<1x50x64xf32, #tpu.memory_space<vmem>>
      %dma_start3A_2315 = tpu.memref_squeeze %dma_start3A_2314 : memref<1x50x64xf32, #tpu.memory_space<vmem>> -> memref<50x64xf32, #tpu.memory_space<vmem>>
      %dma_start3A_2316 = arith.constant 0 : i32
      %dma_start3A_2317 = tpu.memref_slice %arg7[%dma_start3A_2310, %dma_start3A_2316] : memref<8x50xi32, #tpu.memory_space<vmem>> -> memref<1x50xi32, #tpu.memory_space<vmem>>
      %dma_start3A_2318 = tpu.memref_squeeze %dma_start3A_2317 : memref<1x50xi32, #tpu.memory_space<vmem>> -> memref<50xi32, #tpu.memory_space<vmem>>
      %dma_start3A_2319 = arith.constant 0 : i32
      %dma_start3A_2320 = arith.constant 0 : i32
      %dma_start3A_2321 = tpu.memref_slice %arg3[%dma_start3A_2319, %dma_start3A_2320] : memref<2000000x64xf32, #tpu.memory_space<hbm>> -> memref<2000000x64xf32, #tpu.memory_space<hbm>>
      tpu.enqueue_indirect_dma source(%dma_start3A_2321 : memref<2000000x64xf32, #tpu.memory_space<hbm>>) target(%dma_start3A_2315 : memref<50x64xf32, #tpu.memory_space<vmem>>) offsets(%dma_start3A_2318 : memref<50xi32, #tpu.memory_space<vmem>>) semaphore(%arg19 : memref<!tpu.dma_semaphore, #tpu.memory_space<semaphore_mem>>)
      %dma_start3A_2322 = arith.constant 5 : i32
      %dma_start3A_2323 = arith.constant 5 : i32
      %dma_start3A_2324 = arith.constant 0 : i32
      %dma_start3A_2325 = arith.constant 0 : i32
      %dma_start3A_2326 = tpu.memref_slice %arg11[%dma_start3A_2323, %dma_start3A_2324, %dma_start3A_2325] : memref<8x50x64xf32, #tpu.memory_space<vmem>> -> memref<1x50x64xf32, #tpu.memory_space<vmem>>
      %dma_start3A_2327 = tpu.memref_squeeze %dma_start3A_2326 : memref<1x50x64xf32, #tpu.memory_space<vmem>> -> memref<50x64xf32, #tpu.memory_space<vmem>>
      %dma_start3A_2328 = arith.constant 0 : i32
      %dma_start3A_2329 = tpu.memref_slice %arg7[%dma_start3A_2322, %dma_start3A_2328] : memref<8x50xi32, #tpu.memory_space<vmem>> -> memref<1x50xi32, #tpu.memory_space<vmem>>
      %dma_start3A_2330 = tpu.memref_squeeze %dma_start3A_2329 : memref<1x50xi32, #tpu.memory_space<vmem>> -> memref<50xi32, #tpu.memory_space<vmem>>
      %dma_start3A_2331 = arith.constant 0 : i32
      %dma_start3A_2332 = arith.constant 0 : i32
      %dma_start3A_2333 = tpu.memref_slice %arg3[%dma_start3A_2331, %dma_start3A_2332] : memref<2000000x64xf32, #tpu.memory_space<hbm>> -> memref<2000000x64xf32, #tpu.memory_space<hbm>>
      tpu.enqueue_indirect_dma source(%dma_start3A_2333 : memref<2000000x64xf32, #tpu.memory_space<hbm>>) target(%dma_start3A_2327 : memref<50x64xf32, #tpu.memory_space<vmem>>) offsets(%dma_start3A_2330 : memref<50xi32, #tpu.memory_space<vmem>>) semaphore(%arg19 : memref<!tpu.dma_semaphore, #tpu.memory_space<semaphore_mem>>)
      %dma_start3A_2334 = arith.constant 6 : i32
      %dma_start3A_2335 = arith.constant 6 : i32
      %dma_start3A_2336 = arith.constant 0 : i32
      %dma_start3A_2337 = arith.constant 0 : i32
      %dma_start3A_2338 = tpu.memref_slice %arg11[%dma_start3A_2335, %dma_start3A_2336, %dma_start3A_2337] : memref<8x50x64xf32, #tpu.memory_space<vmem>> -> memref<1x50x64xf32, #tpu.memory_space<vmem>>
      %dma_start3A_2339 = tpu.memref_squeeze %dma_start3A_2338 : memref<1x50x64xf32, #tpu.memory_space<vmem>> -> memref<50x64xf32, #tpu.memory_space<vmem>>
      %dma_start3A_2340 = arith.constant 0 : i32
      %dma_start3A_2341 = tpu.memref_slice %arg7[%dma_start3A_2334, %dma_start3A_2340] : memref<8x50xi32, #tpu.memory_space<vmem>> -> memref<1x50xi32, #tpu.memory_space<vmem>>
      %dma_start3A_2342 = tpu.memref_squeeze %dma_start3A_2341 : memref<1x50xi32, #tpu.memory_space<vmem>> -> memref<50xi32, #tpu.memory_space<vmem>>
      %dma_start3A_2343 = arith.constant 0 : i32
      %dma_start3A_2344 = arith.constant 0 : i32
      %dma_start3A_2345 = tpu.memref_slice %arg3[%dma_start3A_2343, %dma_start3A_2344] : memref<2000000x64xf32, #tpu.memory_space<hbm>> -> memref<2000000x64xf32, #tpu.memory_space<hbm>>
      tpu.enqueue_indirect_dma source(%dma_start3A_2345 : memref<2000000x64xf32, #tpu.memory_space<hbm>>) target(%dma_start3A_2339 : memref<50x64xf32, #tpu.memory_space<vmem>>) offsets(%dma_start3A_2342 : memref<50xi32, #tpu.memory_space<vmem>>) semaphore(%arg19 : memref<!tpu.dma_semaphore, #tpu.memory_space<semaphore_mem>>)
      %dma_start3A_2346 = arith.constant 7 : i32
      %dma_start3A_2347 = arith.constant 7 : i32
      %dma_start3A_2348 = arith.constant 0 : i32
      %dma_start3A_2349 = arith.constant 0 : i32
      %dma_start3A_2350 = tpu.memref_slice %arg11[%dma_start3A_2347, %dma_start3A_2348, %dma_start3A_2349] : memref<8x50x64xf32, #tpu.memory_space<vmem>> -> memref<1x50x64xf32, #tpu.memory_space<vmem>>
      %dma_start3A_2351 = tpu.memref_squeeze %dma_start3A_2350 : memref<1x50x64xf32, #tpu.memory_space<vmem>> -> memref<50x64xf32, #tpu.memory_space<vmem>>
      %dma_start3A_2352 = arith.constant 0 : i32
      %dma_start3A_2353 = tpu.memref_slice %arg7[%dma_start3A_2346, %dma_start3A_2352] : memref<8x50xi32, #tpu.memory_space<vmem>> -> memref<1x50xi32, #tpu.memory_space<vmem>>
      %dma_start3A_2354 = tpu.memref_squeeze %dma_start3A_2353 : memref<1x50xi32, #tpu.memory_space<vmem>> -> memref<50xi32, #tpu.memory_space<vmem>>
      %dma_start3A_2355 = arith.constant 0 : i32
      %dma_start3A_2356 = arith.constant 0 : i32
      %dma_start3A_2357 = tpu.memref_slice %arg3[%dma_start3A_2355, %dma_start3A_2356] : memref<2000000x64xf32, #tpu.memory_space<hbm>> -> memref<2000000x64xf32, #tpu.memory_space<hbm>>
      tpu.enqueue_indirect_dma source(%dma_start3A_2357 : memref<2000000x64xf32, #tpu.memory_space<hbm>>) target(%dma_start3A_2351 : memref<50x64xf32, #tpu.memory_space<vmem>>) offsets(%dma_start3A_2354 : memref<50xi32, #tpu.memory_space<vmem>>) semaphore(%arg19 : memref<!tpu.dma_semaphore, #tpu.memory_space<semaphore_mem>>)
      %sub3A_2358 = arith.constant 2 : i32
      %sub3A_2359 = arith.subi %add3A_2243, %sub3A_2358 : i32
      %dma_wait3A_2360 = arith.constant 0 : i32
      %dma_wait3A_2361 = arith.constant 0 : i32
      %dma_wait3A_2362 = arith.constant 0 : i32
      %dma_wait3A_2363 = arith.constant 0 : i32
      %dma_wait3A_2364 = tpu.memref_slice %arg9[%dma_wait3A_2361, %dma_wait3A_2362, %dma_wait3A_2363] : memref<8x50x64xf32, #tpu.memory_space<vmem>> -> memref<1x50x64xf32, #tpu.memory_space<vmem>>
      %dma_wait3A_2365 = tpu.memref_squeeze %dma_wait3A_2364 : memref<1x50x64xf32, #tpu.memory_space<vmem>> -> memref<50x64xf32, #tpu.memory_space<vmem>>
      %dma_wait3A_2366 = arith.constant 0 : i32
      %dma_wait3A_2367 = tpu.memref_slice %arg5[%dma_wait3A_2360, %dma_wait3A_2366] : memref<8x50xi32, #tpu.memory_space<vmem>> -> memref<1x50xi32, #tpu.memory_space<vmem>>
      %dma_wait3A_2368 = tpu.memref_squeeze %dma_wait3A_2367 : memref<1x50xi32, #tpu.memory_space<vmem>> -> memref<50xi32, #tpu.memory_space<vmem>>
      %dma_wait3A_2369 = arith.constant 0 : i32
      %dma_wait3A_2370 = arith.constant 0 : i32
      %dma_wait3A_2371 = tpu.memref_slice %arg3[%dma_wait3A_2369, %dma_wait3A_2370] : memref<2000000x64xf32, #tpu.memory_space<hbm>> -> memref<2000000x64xf32, #tpu.memory_space<hbm>>
      tpu.wait_indirect_dma semaphore(%arg17 : memref<!tpu.dma_semaphore, #tpu.memory_space<semaphore_mem>>) src(%dma_wait3A_2371 : memref<2000000x64xf32, #tpu.memory_space<hbm>>) dst(%dma_wait3A_2365 : memref<50x64xf32, #tpu.memory_space<vmem>>)
      %dma_wait3A_2372 = arith.constant 1 : i32
      %dma_wait3A_2373 = arith.constant 1 : i32
      %dma_wait3A_2374 = arith.constant 0 : i32
      %dma_wait3A_2375 = arith.constant 0 : i32
      %dma_wait3A_2376 = tpu.memref_slice %arg9[%dma_wait3A_2373, %dma_wait3A_2374, %dma_wait3A_2375] : memref<8x50x64xf32, #tpu.memory_space<vmem>> -> memref<1x50x64xf32, #tpu.memory_space<vmem>>
      %dma_wait3A_2377 = tpu.memref_squeeze %dma_wait3A_2376 : memref<1x50x64xf32, #tpu.memory_space<vmem>> -> memref<50x64xf32, #tpu.memory_space<vmem>>
      %dma_wait3A_2378 = arith.constant 0 : i32
      %dma_wait3A_2379 = tpu.memref_slice %arg5[%dma_wait3A_2372, %dma_wait3A_2378] : memref<8x50xi32, #tpu.memory_space<vmem>> -> memref<1x50xi32, #tpu.memory_space<vmem>>
      %dma_wait3A_2380 = tpu.memref_squeeze %dma_wait3A_2379 : memref<1x50xi32, #tpu.memory_space<vmem>> -> memref<50xi32, #tpu.memory_space<vmem>>
      %dma_wait3A_2381 = arith.constant 0 : i32
      %dma_wait3A_2382 = arith.constant 0 : i32
      %dma_wait3A_2383 = tpu.memref_slice %arg3[%dma_wait3A_2381, %dma_wait3A_2382] : memref<2000000x64xf32, #tpu.memory_space<hbm>> -> memref<2000000x64xf32, #tpu.memory_space<hbm>>
      tpu.wait_indirect_dma semaphore(%arg17 : memref<!tpu.dma_semaphore, #tpu.memory_space<semaphore_mem>>) src(%dma_wait3A_2383 : memref<2000000x64xf32, #tpu.memory_space<hbm>>) dst(%dma_wait3A_2377 : memref<50x64xf32, #tpu.memory_space<vmem>>)
      %dma_wait3A_2384 = arith.constant 2 : i32
      %dma_wait3A_2385 = arith.constant 2 : i32
      %dma_wait3A_2386 = arith.constant 0 : i32
      %dma_wait3A_2387 = arith.constant 0 : i32
      %dma_wait3A_2388 = tpu.memref_slice %arg9[%dma_wait3A_2385, %dma_wait3A_2386, %dma_wait3A_2387] : memref<8x50x64xf32, #tpu.memory_space<vmem>> -> memref<1x50x64xf32, #tpu.memory_space<vmem>>
      %dma_wait3A_2389 = tpu.memref_squeeze %dma_wait3A_2388 : memref<1x50x64xf32, #tpu.memory_space<vmem>> -> memref<50x64xf32, #tpu.memory_space<vmem>>
      %dma_wait3A_2390 = arith.constant 0 : i32
      %dma_wait3A_2391 = tpu.memref_slice %arg5[%dma_wait3A_2384, %dma_wait3A_2390] : memref<8x50xi32, #tpu.memory_space<vmem>> -> memref<1x50xi32, #tpu.memory_space<vmem>>
      %dma_wait3A_2392 = tpu.memref_squeeze %dma_wait3A_2391 : memref<1x50xi32, #tpu.memory_space<vmem>> -> memref<50xi32, #tpu.memory_space<vmem>>
      %dma_wait3A_2393 = arith.constant 0 : i32
      %dma_wait3A_2394 = arith.constant 0 : i32
      %dma_wait3A_2395 = tpu.memref_slice %arg3[%dma_wait3A_2393, %dma_wait3A_2394] : memref<2000000x64xf32, #tpu.memory_space<hbm>> -> memref<2000000x64xf32, #tpu.memory_space<hbm>>
      tpu.wait_indirect_dma semaphore(%arg17 : memref<!tpu.dma_semaphore, #tpu.memory_space<semaphore_mem>>) src(%dma_wait3A_2395 : memref<2000000x64xf32, #tpu.memory_space<hbm>>) dst(%dma_wait3A_2389 : memref<50x64xf32, #tpu.memory_space<vmem>>)
      %dma_wait3A_2396 = arith.constant 3 : i32
      %dma_wait3A_2397 = arith.constant 3 : i32
      %dma_wait3A_2398 = arith.constant 0 : i32
      %dma_wait3A_2399 = arith.constant 0 : i32
      %dma_wait3A_2400 = tpu.memref_slice %arg9[%dma_wait3A_2397, %dma_wait3A_2398, %dma_wait3A_2399] : memref<8x50x64xf32, #tpu.memory_space<vmem>> -> memref<1x50x64xf32, #tpu.memory_space<vmem>>
      %dma_wait3A_2401 = tpu.memref_squeeze %dma_wait3A_2400 : memref<1x50x64xf32, #tpu.memory_space<vmem>> -> memref<50x64xf32, #tpu.memory_space<vmem>>
      %dma_wait3A_2402 = arith.constant 0 : i32
      %dma_wait3A_2403 = tpu.memref_slice %arg5[%dma_wait3A_2396, %dma_wait3A_2402] : memref<8x50xi32, #tpu.memory_space<vmem>> -> memref<1x50xi32, #tpu.memory_space<vmem>>
      %dma_wait3A_2404 = tpu.memref_squeeze %dma_wait3A_2403 : memref<1x50xi32, #tpu.memory_space<vmem>> -> memref<50xi32, #tpu.memory_space<vmem>>
      %dma_wait3A_2405 = arith.constant 0 : i32
      %dma_wait3A_2406 = arith.constant 0 : i32
      %dma_wait3A_2407 = tpu.memref_slice %arg3[%dma_wait3A_2405, %dma_wait3A_2406] : memref<2000000x64xf32, #tpu.memory_space<hbm>> -> memref<2000000x64xf32, #tpu.memory_space<hbm>>
      tpu.wait_indirect_dma semaphore(%arg17 : memref<!tpu.dma_semaphore, #tpu.memory_space<semaphore_mem>>) src(%dma_wait3A_2407 : memref<2000000x64xf32, #tpu.memory_space<hbm>>) dst(%dma_wait3A_2401 : memref<50x64xf32, #tpu.memory_space<vmem>>)
      %dma_wait3A_2408 = arith.constant 4 : i32
      %dma_wait3A_2409 = arith.constant 4 : i32
      %dma_wait3A_2410 = arith.constant 0 : i32
      %dma_wait3A_2411 = arith.constant 0 : i32
      %dma_wait3A_2412 = tpu.memref_slice %arg9[%dma_wait3A_2409, %dma_wait3A_2410, %dma_wait3A_2411] : memref<8x50x64xf32, #tpu.memory_space<vmem>> -> memref<1x50x64xf32, #tpu.memory_space<vmem>>
      %dma_wait3A_2413 = tpu.memref_squeeze %dma_wait3A_2412 : memref<1x50x64xf32, #tpu.memory_space<vmem>> -> memref<50x64xf32, #tpu.memory_space<vmem>>
      %dma_wait3A_2414 = arith.constant 0 : i32
      %dma_wait3A_2415 = tpu.memref_slice %arg5[%dma_wait3A_2408, %dma_wait3A_2414] : memref<8x50xi32, #tpu.memory_space<vmem>> -> memref<1x50xi32, #tpu.memory_space<vmem>>
      %dma_wait3A_2416 = tpu.memref_squeeze %dma_wait3A_2415 : memref<1x50xi32, #tpu.memory_space<vmem>> -> memref<50xi32, #tpu.memory_space<vmem>>
      %dma_wait3A_2417 = arith.constant 0 : i32
      %dma_wait3A_2418 = arith.constant 0 : i32
      %dma_wait3A_2419 = tpu.memref_slice %arg3[%dma_wait3A_2417, %dma_wait3A_2418] : memref<2000000x64xf32, #tpu.memory_space<hbm>> -> memref<2000000x64xf32, #tpu.memory_space<hbm>>
      tpu.wait_indirect_dma semaphore(%arg17 : memref<!tpu.dma_semaphore, #tpu.memory_space<semaphore_mem>>) src(%dma_wait3A_2419 : memref<2000000x64xf32, #tpu.memory_space<hbm>>) dst(%dma_wait3A_2413 : memref<50x64xf32, #tpu.memory_space<vmem>>)
      %dma_wait3A_2420 = arith.constant 5 : i32
      %dma_wait3A_2421 = arith.constant 5 : i32
      %dma_wait3A_2422 = arith.constant 0 : i32
      %dma_wait3A_2423 = arith.constant 0 : i32
      %dma_wait3A_2424 = tpu.memref_slice %arg9[%dma_wait3A_2421, %dma_wait3A_2422, %dma_wait3A_2423] : memref<8x50x64xf32, #tpu.memory_space<vmem>> -> memref<1x50x64xf32, #tpu.memory_space<vmem>>
      %dma_wait3A_2425 = tpu.memref_squeeze %dma_wait3A_2424 : memref<1x50x64xf32, #tpu.memory_space<vmem>> -> memref<50x64xf32, #tpu.memory_space<vmem>>
      %dma_wait3A_2426 = arith.constant 0 : i32
      %dma_wait3A_2427 = tpu.memref_slice %arg5[%dma_wait3A_2420, %dma_wait3A_2426] : memref<8x50xi32, #tpu.memory_space<vmem>> -> memref<1x50xi32, #tpu.memory_space<vmem>>
      %dma_wait3A_2428 = tpu.memref_squeeze %dma_wait3A_2427 : memref<1x50xi32, #tpu.memory_space<vmem>> -> memref<50xi32, #tpu.memory_space<vmem>>
      %dma_wait3A_2429 = arith.constant 0 : i32
      %dma_wait3A_2430 = arith.constant 0 : i32
      %dma_wait3A_2431 = tpu.memref_slice %arg3[%dma_wait3A_2429, %dma_wait3A_2430] : memref<2000000x64xf32, #tpu.memory_space<hbm>> -> memref<2000000x64xf32, #tpu.memory_space<hbm>>
      tpu.wait_indirect_dma semaphore(%arg17 : memref<!tpu.dma_semaphore, #tpu.memory_space<semaphore_mem>>) src(%dma_wait3A_2431 : memref<2000000x64xf32, #tpu.memory_space<hbm>>) dst(%dma_wait3A_2425 : memref<50x64xf32, #tpu.memory_space<vmem>>)
      %dma_wait3A_2432 = arith.constant 6 : i32
      %dma_wait3A_2433 = arith.constant 6 : i32
      %dma_wait3A_2434 = arith.constant 0 : i32
      %dma_wait3A_2435 = arith.constant 0 : i32
      %dma_wait3A_2436 = tpu.memref_slice %arg9[%dma_wait3A_2433, %dma_wait3A_2434, %dma_wait3A_2435] : memref<8x50x64xf32, #tpu.memory_space<vmem>> -> memref<1x50x64xf32, #tpu.memory_space<vmem>>
      %dma_wait3A_2437 = tpu.memref_squeeze %dma_wait3A_2436 : memref<1x50x64xf32, #tpu.memory_space<vmem>> -> memref<50x64xf32, #tpu.memory_space<vmem>>
      %dma_wait3A_2438 = arith.constant 0 : i32
      %dma_wait3A_2439 = tpu.memref_slice %arg5[%dma_wait3A_2432, %dma_wait3A_2438] : memref<8x50xi32, #tpu.memory_space<vmem>> -> memref<1x50xi32, #tpu.memory_space<vmem>>
      %dma_wait3A_2440 = tpu.memref_squeeze %dma_wait3A_2439 : memref<1x50xi32, #tpu.memory_space<vmem>> -> memref<50xi32, #tpu.memory_space<vmem>>
      %dma_wait3A_2441 = arith.constant 0 : i32
      %dma_wait3A_2442 = arith.constant 0 : i32
      %dma_wait3A_2443 = tpu.memref_slice %arg3[%dma_wait3A_2441, %dma_wait3A_2442] : memref<2000000x64xf32, #tpu.memory_space<hbm>> -> memref<2000000x64xf32, #tpu.memory_space<hbm>>
      tpu.wait_indirect_dma semaphore(%arg17 : memref<!tpu.dma_semaphore, #tpu.memory_space<semaphore_mem>>) src(%dma_wait3A_2443 : memref<2000000x64xf32, #tpu.memory_space<hbm>>) dst(%dma_wait3A_2437 : memref<50x64xf32, #tpu.memory_space<vmem>>)
      %dma_wait3A_2444 = arith.constant 7 : i32
      %dma_wait3A_2445 = arith.constant 7 : i32
      %dma_wait3A_2446 = arith.constant 0 : i32
      %dma_wait3A_2447 = arith.constant 0 : i32
      %dma_wait3A_2448 = tpu.memref_slice %arg9[%dma_wait3A_2445, %dma_wait3A_2446, %dma_wait3A_2447] : memref<8x50x64xf32, #tpu.memory_space<vmem>> -> memref<1x50x64xf32, #tpu.memory_space<vmem>>
      %dma_wait3A_2449 = tpu.memref_squeeze %dma_wait3A_2448 : memref<1x50x64xf32, #tpu.memory_space<vmem>> -> memref<50x64xf32, #tpu.memory_space<vmem>>
      %dma_wait3A_2450 = arith.constant 0 : i32
      %dma_wait3A_2451 = tpu.memref_slice %arg5[%dma_wait3A_2444, %dma_wait3A_2450] : memref<8x50xi32, #tpu.memory_space<vmem>> -> memref<1x50xi32, #tpu.memory_space<vmem>>
      %dma_wait3A_2452 = tpu.memref_squeeze %dma_wait3A_2451 : memref<1x50xi32, #tpu.memory_space<vmem>> -> memref<50xi32, #tpu.memory_space<vmem>>
      %dma_wait3A_2453 = arith.constant 0 : i32
      %dma_wait3A_2454 = arith.constant 0 : i32
      %dma_wait3A_2455 = tpu.memref_slice %arg3[%dma_wait3A_2453, %dma_wait3A_2454] : memref<2000000x64xf32, #tpu.memory_space<hbm>> -> memref<2000000x64xf32, #tpu.memory_space<hbm>>
      tpu.wait_indirect_dma semaphore(%arg17 : memref<!tpu.dma_semaphore, #tpu.memory_space<semaphore_mem>>) src(%dma_wait3A_2455 : memref<2000000x64xf32, #tpu.memory_space<hbm>>) dst(%dma_wait3A_2449 : memref<50x64xf32, #tpu.memory_space<vmem>>)
      %sub3A_2456 = arith.constant 2 : i32
      %sub3A_2457 = arith.subi %add3A_2243, %sub3A_2456 : i32
      %mul3A_2458 = arith.constant 8 : i32
      %mul3A_2459 = arith.muli %sub3A_2457, %mul3A_2458 : i32
      %add3A_2460 = arith.addi %mul3A_2, %mul3A_2459 : i32
      %dma_start3A_2461 = arith.constant 0 : i32
      %dma_start3A_2462 = arith.constant 0 : i32
      %dma_start3A_2463 = tpu.memref_slice %arg4[%add3A_2460, %dma_start3A_2461, %dma_start3A_2462] : memref<16384x56x128xf32, #tpu.memory_space<hbm>> -> memref<8x50x64xf32, #tpu.memory_space<hbm>>
      %dma_start3A_2464 = arith.constant 0 : i32
      %dma_start3A_2465 = arith.constant 0 : i32
      %dma_start3A_2466 = tpu.memref_slice %arg4[%add3A_2460, %dma_start3A_2464, %dma_start3A_2465] : memref<16384x56x128xf32, #tpu.memory_space<hbm>> -> memref<8x50x64xf32, #tpu.memory_space<hbm>>
      tpu.enqueue_dma source(%arg9 : memref<8x50x64xf32, #tpu.memory_space<vmem>>) target(%dma_start3A_2466 : memref<8x50x64xf32, #tpu.memory_space<hbm>>) target_semaphore(%arg21 : memref<!tpu.dma_semaphore, #tpu.memory_space<semaphore_mem>>)
      %sub3A_2467 = arith.constant 2 : i32
      %sub3A_2468 = arith.subi %add3A_2243, %sub3A_2467 : i32
      %add3A_2469 = arith.constant 4 : i32
      %add3A_2470 = arith.addi %sub3A_2468, %add3A_2469 : i32
      %mul3A_2471 = arith.constant 8 : i32
      %mul3A_2472 = arith.muli %add3A_2470, %mul3A_2471 : i32
      %add3A_2473 = arith.addi %mul3A_2, %mul3A_2472 : i32
      %dma_start3A_2474 = arith.constant 0 : i32
      %dma_start3A_2475 = tpu.memref_slice %arg2[%add3A_2473, %dma_start3A_2474] : memref<16384x50xi32, #tpu.memory_space<hbm>> -> memref<8x50xi32, #tpu.memory_space<hbm>>
      %dma_start3A_2476 = arith.constant 0 : i32
      %dma_start3A_2477 = tpu.memref_slice %arg2[%add3A_2473, %dma_start3A_2476] : memref<16384x50xi32, #tpu.memory_space<hbm>> -> memref<8x50xi32, #tpu.memory_space<hbm>>
      tpu.enqueue_dma source(%dma_start3A_2477 : memref<8x50xi32, #tpu.memory_space<hbm>>) target(%arg5 : memref<8x50xi32, #tpu.memory_space<vmem>>) target_semaphore(%arg13 : memref<!tpu.dma_semaphore, #tpu.memory_space<semaphore_mem>>)
      %add3A_2478 = arith.constant 3 : i32
      %add3A_2479 = arith.addi %mul3A_1770, %add3A_2478 : i32
      %sub3A_2480 = arith.constant 4 : i32
      %sub3A_2481 = arith.subi %add3A_2479, %sub3A_2480 : i32
      %mul3A_2482 = arith.constant 8 : i32
      %mul3A_2483 = arith.muli %sub3A_2481, %mul3A_2482 : i32
      %add3A_2484 = arith.addi %mul3A_2, %mul3A_2483 : i32
      %dma_wait3A_2485 = arith.constant 0 : i32
      %dma_wait3A_2486 = arith.constant 0 : i32
      %dma_wait3A_2487 = tpu.memref_slice %arg4[%add3A_2484, %dma_wait3A_2485, %dma_wait3A_2486] : memref<16384x56x128xf32, #tpu.memory_space<hbm>> -> memref<8x50x64xf32, #tpu.memory_space<hbm>>
      %dma_wait3A_2488 = arith.constant 0 : i32
      %dma_wait3A_2489 = arith.constant 0 : i32
      %dma_wait3A_2490 = tpu.memref_slice %arg4[%add3A_2484, %dma_wait3A_2488, %dma_wait3A_2489] : memref<16384x56x128xf32, #tpu.memory_space<hbm>> -> memref<8x50x64xf32, #tpu.memory_space<hbm>>
      tpu.wait_dma2 semaphore(%arg24 : memref<!tpu.dma_semaphore, #tpu.memory_space<semaphore_mem>>) src(%arg12 : memref<8x50x64xf32, #tpu.memory_space<vmem>>) dst(%dma_wait3A_2490 : memref<8x50x64xf32, #tpu.memory_space<hbm>>)
      %mul3A_2491 = arith.constant 8 : i32
      %mul3A_2492 = arith.muli %add3A_2479, %mul3A_2491 : i32
      %add3A_2493 = arith.addi %mul3A_2, %mul3A_2492 : i32
      %dma_wait3A_2494 = arith.constant 0 : i32
      %dma_wait3A_2495 = tpu.memref_slice %arg2[%add3A_2493, %dma_wait3A_2494] : memref<16384x50xi32, #tpu.memory_space<hbm>> -> memref<8x50xi32, #tpu.memory_space<hbm>>
      %dma_wait3A_2496 = arith.constant 0 : i32
      %dma_wait3A_2497 = tpu.memref_slice %arg2[%add3A_2493, %dma_wait3A_2496] : memref<16384x50xi32, #tpu.memory_space<hbm>> -> memref<8x50xi32, #tpu.memory_space<hbm>>
      tpu.wait_dma2 semaphore(%arg16 : memref<!tpu.dma_semaphore, #tpu.memory_space<semaphore_mem>>) src(%dma_wait3A_2497 : memref<8x50xi32, #tpu.memory_space<hbm>>) dst(%arg8 : memref<8x50xi32, #tpu.memory_space<vmem>>)
      %dma_start3A_2498 = arith.constant 0 : i32
      %dma_start3A_2499 = arith.constant 0 : i32
      %dma_start3A_2500 = arith.constant 0 : i32
      %dma_start3A_2501 = arith.constant 0 : i32
      %dma_start3A_2502 = tpu.memref_slice %arg12[%dma_start3A_2499, %dma_start3A_2500, %dma_start3A_2501] : memref<8x50x64xf32, #tpu.memory_space<vmem>> -> memref<1x50x64xf32, #tpu.memory_space<vmem>>
      %dma_start3A_2503 = tpu.memref_squeeze %dma_start3A_2502 : memref<1x50x64xf32, #tpu.memory_space<vmem>> -> memref<50x64xf32, #tpu.memory_space<vmem>>
      %dma_start3A_2504 = arith.constant 0 : i32
      %dma_start3A_2505 = tpu.memref_slice %arg8[%dma_start3A_2498, %dma_start3A_2504] : memref<8x50xi32, #tpu.memory_space<vmem>> -> memref<1x50xi32, #tpu.memory_space<vmem>>
      %dma_start3A_2506 = tpu.memref_squeeze %dma_start3A_2505 : memref<1x50xi32, #tpu.memory_space<vmem>> -> memref<50xi32, #tpu.memory_space<vmem>>
      %dma_start3A_2507 = arith.constant 0 : i32
      %dma_start3A_2508 = arith.constant 0 : i32
      %dma_start3A_2509 = tpu.memref_slice %arg3[%dma_start3A_2507, %dma_start3A_2508] : memref<2000000x64xf32, #tpu.memory_space<hbm>> -> memref<2000000x64xf32, #tpu.memory_space<hbm>>
      tpu.enqueue_indirect_dma source(%dma_start3A_2509 : memref<2000000x64xf32, #tpu.memory_space<hbm>>) target(%dma_start3A_2503 : memref<50x64xf32, #tpu.memory_space<vmem>>) offsets(%dma_start3A_2506 : memref<50xi32, #tpu.memory_space<vmem>>) semaphore(%arg20 : memref<!tpu.dma_semaphore, #tpu.memory_space<semaphore_mem>>)
      %dma_start3A_2510 = arith.constant 1 : i32
      %dma_start3A_2511 = arith.constant 1 : i32
      %dma_start3A_2512 = arith.constant 0 : i32
      %dma_start3A_2513 = arith.constant 0 : i32
      %dma_start3A_2514 = tpu.memref_slice %arg12[%dma_start3A_2511, %dma_start3A_2512, %dma_start3A_2513] : memref<8x50x64xf32, #tpu.memory_space<vmem>> -> memref<1x50x64xf32, #tpu.memory_space<vmem>>
      %dma_start3A_2515 = tpu.memref_squeeze %dma_start3A_2514 : memref<1x50x64xf32, #tpu.memory_space<vmem>> -> memref<50x64xf32, #tpu.memory_space<vmem>>
      %dma_start3A_2516 = arith.constant 0 : i32
      %dma_start3A_2517 = tpu.memref_slice %arg8[%dma_start3A_2510, %dma_start3A_2516] : memref<8x50xi32, #tpu.memory_space<vmem>> -> memref<1x50xi32, #tpu.memory_space<vmem>>
      %dma_start3A_2518 = tpu.memref_squeeze %dma_start3A_2517 : memref<1x50xi32, #tpu.memory_space<vmem>> -> memref<50xi32, #tpu.memory_space<vmem>>
      %dma_start3A_2519 = arith.constant 0 : i32
      %dma_start3A_2520 = arith.constant 0 : i32
      %dma_start3A_2521 = tpu.memref_slice %arg3[%dma_start3A_2519, %dma_start3A_2520] : memref<2000000x64xf32, #tpu.memory_space<hbm>> -> memref<2000000x64xf32, #tpu.memory_space<hbm>>
      tpu.enqueue_indirect_dma source(%dma_start3A_2521 : memref<2000000x64xf32, #tpu.memory_space<hbm>>) target(%dma_start3A_2515 : memref<50x64xf32, #tpu.memory_space<vmem>>) offsets(%dma_start3A_2518 : memref<50xi32, #tpu.memory_space<vmem>>) semaphore(%arg20 : memref<!tpu.dma_semaphore, #tpu.memory_space<semaphore_mem>>)
      %dma_start3A_2522 = arith.constant 2 : i32
      %dma_start3A_2523 = arith.constant 2 : i32
      %dma_start3A_2524 = arith.constant 0 : i32
      %dma_start3A_2525 = arith.constant 0 : i32
      %dma_start3A_2526 = tpu.memref_slice %arg12[%dma_start3A_2523, %dma_start3A_2524, %dma_start3A_2525] : memref<8x50x64xf32, #tpu.memory_space<vmem>> -> memref<1x50x64xf32, #tpu.memory_space<vmem>>
      %dma_start3A_2527 = tpu.memref_squeeze %dma_start3A_2526 : memref<1x50x64xf32, #tpu.memory_space<vmem>> -> memref<50x64xf32, #tpu.memory_space<vmem>>
      %dma_start3A_2528 = arith.constant 0 : i32
      %dma_start3A_2529 = tpu.memref_slice %arg8[%dma_start3A_2522, %dma_start3A_2528] : memref<8x50xi32, #tpu.memory_space<vmem>> -> memref<1x50xi32, #tpu.memory_space<vmem>>
      %dma_start3A_2530 = tpu.memref_squeeze %dma_start3A_2529 : memref<1x50xi32, #tpu.memory_space<vmem>> -> memref<50xi32, #tpu.memory_space<vmem>>
      %dma_start3A_2531 = arith.constant 0 : i32
      %dma_start3A_2532 = arith.constant 0 : i32
      %dma_start3A_2533 = tpu.memref_slice %arg3[%dma_start3A_2531, %dma_start3A_2532] : memref<2000000x64xf32, #tpu.memory_space<hbm>> -> memref<2000000x64xf32, #tpu.memory_space<hbm>>
      tpu.enqueue_indirect_dma source(%dma_start3A_2533 : memref<2000000x64xf32, #tpu.memory_space<hbm>>) target(%dma_start3A_2527 : memref<50x64xf32, #tpu.memory_space<vmem>>) offsets(%dma_start3A_2530 : memref<50xi32, #tpu.memory_space<vmem>>) semaphore(%arg20 : memref<!tpu.dma_semaphore, #tpu.memory_space<semaphore_mem>>)
      %dma_start3A_2534 = arith.constant 3 : i32
      %dma_start3A_2535 = arith.constant 3 : i32
      %dma_start3A_2536 = arith.constant 0 : i32
      %dma_start3A_2537 = arith.constant 0 : i32
      %dma_start3A_2538 = tpu.memref_slice %arg12[%dma_start3A_2535, %dma_start3A_2536, %dma_start3A_2537] : memref<8x50x64xf32, #tpu.memory_space<vmem>> -> memref<1x50x64xf32, #tpu.memory_space<vmem>>
      %dma_start3A_2539 = tpu.memref_squeeze %dma_start3A_2538 : memref<1x50x64xf32, #tpu.memory_space<vmem>> -> memref<50x64xf32, #tpu.memory_space<vmem>>
      %dma_start3A_2540 = arith.constant 0 : i32
      %dma_start3A_2541 = tpu.memref_slice %arg8[%dma_start3A_2534, %dma_start3A_2540] : memref<8x50xi32, #tpu.memory_space<vmem>> -> memref<1x50xi32, #tpu.memory_space<vmem>>
      %dma_start3A_2542 = tpu.memref_squeeze %dma_start3A_2541 : memref<1x50xi32, #tpu.memory_space<vmem>> -> memref<50xi32, #tpu.memory_space<vmem>>
      %dma_start3A_2543 = arith.constant 0 : i32
      %dma_start3A_2544 = arith.constant 0 : i32
      %dma_start3A_2545 = tpu.memref_slice %arg3[%dma_start3A_2543, %dma_start3A_2544] : memref<2000000x64xf32, #tpu.memory_space<hbm>> -> memref<2000000x64xf32, #tpu.memory_space<hbm>>
      tpu.enqueue_indirect_dma source(%dma_start3A_2545 : memref<2000000x64xf32, #tpu.memory_space<hbm>>) target(%dma_start3A_2539 : memref<50x64xf32, #tpu.memory_space<vmem>>) offsets(%dma_start3A_2542 : memref<50xi32, #tpu.memory_space<vmem>>) semaphore(%arg20 : memref<!tpu.dma_semaphore, #tpu.memory_space<semaphore_mem>>)
      %dma_start3A_2546 = arith.constant 4 : i32
      %dma_start3A_2547 = arith.constant 4 : i32
      %dma_start3A_2548 = arith.constant 0 : i32
      %dma_start3A_2549 = arith.constant 0 : i32
      %dma_start3A_2550 = tpu.memref_slice %arg12[%dma_start3A_2547, %dma_start3A_2548, %dma_start3A_2549] : memref<8x50x64xf32, #tpu.memory_space<vmem>> -> memref<1x50x64xf32, #tpu.memory_space<vmem>>
      %dma_start3A_2551 = tpu.memref_squeeze %dma_start3A_2550 : memref<1x50x64xf32, #tpu.memory_space<vmem>> -> memref<50x64xf32, #tpu.memory_space<vmem>>
      %dma_start3A_2552 = arith.constant 0 : i32
      %dma_start3A_2553 = tpu.memref_slice %arg8[%dma_start3A_2546, %dma_start3A_2552] : memref<8x50xi32, #tpu.memory_space<vmem>> -> memref<1x50xi32, #tpu.memory_space<vmem>>
      %dma_start3A_2554 = tpu.memref_squeeze %dma_start3A_2553 : memref<1x50xi32, #tpu.memory_space<vmem>> -> memref<50xi32, #tpu.memory_space<vmem>>
      %dma_start3A_2555 = arith.constant 0 : i32
      %dma_start3A_2556 = arith.constant 0 : i32
      %dma_start3A_2557 = tpu.memref_slice %arg3[%dma_start3A_2555, %dma_start3A_2556] : memref<2000000x64xf32, #tpu.memory_space<hbm>> -> memref<2000000x64xf32, #tpu.memory_space<hbm>>
      tpu.enqueue_indirect_dma source(%dma_start3A_2557 : memref<2000000x64xf32, #tpu.memory_space<hbm>>) target(%dma_start3A_2551 : memref<50x64xf32, #tpu.memory_space<vmem>>) offsets(%dma_start3A_2554 : memref<50xi32, #tpu.memory_space<vmem>>) semaphore(%arg20 : memref<!tpu.dma_semaphore, #tpu.memory_space<semaphore_mem>>)
      %dma_start3A_2558 = arith.constant 5 : i32
      %dma_start3A_2559 = arith.constant 5 : i32
      %dma_start3A_2560 = arith.constant 0 : i32
      %dma_start3A_2561 = arith.constant 0 : i32
      %dma_start3A_2562 = tpu.memref_slice %arg12[%dma_start3A_2559, %dma_start3A_2560, %dma_start3A_2561] : memref<8x50x64xf32, #tpu.memory_space<vmem>> -> memref<1x50x64xf32, #tpu.memory_space<vmem>>
      %dma_start3A_2563 = tpu.memref_squeeze %dma_start3A_2562 : memref<1x50x64xf32, #tpu.memory_space<vmem>> -> memref<50x64xf32, #tpu.memory_space<vmem>>
      %dma_start3A_2564 = arith.constant 0 : i32
      %dma_start3A_2565 = tpu.memref_slice %arg8[%dma_start3A_2558, %dma_start3A_2564] : memref<8x50xi32, #tpu.memory_space<vmem>> -> memref<1x50xi32, #tpu.memory_space<vmem>>
      %dma_start3A_2566 = tpu.memref_squeeze %dma_start3A_2565 : memref<1x50xi32, #tpu.memory_space<vmem>> -> memref<50xi32, #tpu.memory_space<vmem>>
      %dma_start3A_2567 = arith.constant 0 : i32
      %dma_start3A_2568 = arith.constant 0 : i32
      %dma_start3A_2569 = tpu.memref_slice %arg3[%dma_start3A_2567, %dma_start3A_2568] : memref<2000000x64xf32, #tpu.memory_space<hbm>> -> memref<2000000x64xf32, #tpu.memory_space<hbm>>
      tpu.enqueue_indirect_dma source(%dma_start3A_2569 : memref<2000000x64xf32, #tpu.memory_space<hbm>>) target(%dma_start3A_2563 : memref<50x64xf32, #tpu.memory_space<vmem>>) offsets(%dma_start3A_2566 : memref<50xi32, #tpu.memory_space<vmem>>) semaphore(%arg20 : memref<!tpu.dma_semaphore, #tpu.memory_space<semaphore_mem>>)
      %dma_start3A_2570 = arith.constant 6 : i32
      %dma_start3A_2571 = arith.constant 6 : i32
      %dma_start3A_2572 = arith.constant 0 : i32
      %dma_start3A_2573 = arith.constant 0 : i32
      %dma_start3A_2574 = tpu.memref_slice %arg12[%dma_start3A_2571, %dma_start3A_2572, %dma_start3A_2573] : memref<8x50x64xf32, #tpu.memory_space<vmem>> -> memref<1x50x64xf32, #tpu.memory_space<vmem>>
      %dma_start3A_2575 = tpu.memref_squeeze %dma_start3A_2574 : memref<1x50x64xf32, #tpu.memory_space<vmem>> -> memref<50x64xf32, #tpu.memory_space<vmem>>
      %dma_start3A_2576 = arith.constant 0 : i32
      %dma_start3A_2577 = tpu.memref_slice %arg8[%dma_start3A_2570, %dma_start3A_2576] : memref<8x50xi32, #tpu.memory_space<vmem>> -> memref<1x50xi32, #tpu.memory_space<vmem>>
      %dma_start3A_2578 = tpu.memref_squeeze %dma_start3A_2577 : memref<1x50xi32, #tpu.memory_space<vmem>> -> memref<50xi32, #tpu.memory_space<vmem>>
      %dma_start3A_2579 = arith.constant 0 : i32
      %dma_start3A_2580 = arith.constant 0 : i32
      %dma_start3A_2581 = tpu.memref_slice %arg3[%dma_start3A_2579, %dma_start3A_2580] : memref<2000000x64xf32, #tpu.memory_space<hbm>> -> memref<2000000x64xf32, #tpu.memory_space<hbm>>
      tpu.enqueue_indirect_dma source(%dma_start3A_2581 : memref<2000000x64xf32, #tpu.memory_space<hbm>>) target(%dma_start3A_2575 : memref<50x64xf32, #tpu.memory_space<vmem>>) offsets(%dma_start3A_2578 : memref<50xi32, #tpu.memory_space<vmem>>) semaphore(%arg20 : memref<!tpu.dma_semaphore, #tpu.memory_space<semaphore_mem>>)
      %dma_start3A_2582 = arith.constant 7 : i32
      %dma_start3A_2583 = arith.constant 7 : i32
      %dma_start3A_2584 = arith.constant 0 : i32
      %dma_start3A_2585 = arith.constant 0 : i32
      %dma_start3A_2586 = tpu.memref_slice %arg12[%dma_start3A_2583, %dma_start3A_2584, %dma_start3A_2585] : memref<8x50x64xf32, #tpu.memory_space<vmem>> -> memref<1x50x64xf32, #tpu.memory_space<vmem>>
      %dma_start3A_2587 = tpu.memref_squeeze %dma_start3A_2586 : memref<1x50x64xf32, #tpu.memory_space<vmem>> -> memref<50x64xf32, #tpu.memory_space<vmem>>
      %dma_start3A_2588 = arith.constant 0 : i32
      %dma_start3A_2589 = tpu.memref_slice %arg8[%dma_start3A_2582, %dma_start3A_2588] : memref<8x50xi32, #tpu.memory_space<vmem>> -> memref<1x50xi32, #tpu.memory_space<vmem>>
      %dma_start3A_2590 = tpu.memref_squeeze %dma_start3A_2589 : memref<1x50xi32, #tpu.memory_space<vmem>> -> memref<50xi32, #tpu.memory_space<vmem>>
      %dma_start3A_2591 = arith.constant 0 : i32
      %dma_start3A_2592 = arith.constant 0 : i32
      %dma_start3A_2593 = tpu.memref_slice %arg3[%dma_start3A_2591, %dma_start3A_2592] : memref<2000000x64xf32, #tpu.memory_space<hbm>> -> memref<2000000x64xf32, #tpu.memory_space<hbm>>
      tpu.enqueue_indirect_dma source(%dma_start3A_2593 : memref<2000000x64xf32, #tpu.memory_space<hbm>>) target(%dma_start3A_2587 : memref<50x64xf32, #tpu.memory_space<vmem>>) offsets(%dma_start3A_2590 : memref<50xi32, #tpu.memory_space<vmem>>) semaphore(%arg20 : memref<!tpu.dma_semaphore, #tpu.memory_space<semaphore_mem>>)
      %sub3A_2594 = arith.constant 2 : i32
      %sub3A_2595 = arith.subi %add3A_2479, %sub3A_2594 : i32
      %dma_wait3A_2596 = arith.constant 0 : i32
      %dma_wait3A_2597 = arith.constant 0 : i32
      %dma_wait3A_2598 = arith.constant 0 : i32
      %dma_wait3A_2599 = arith.constant 0 : i32
      %dma_wait3A_2600 = tpu.memref_slice %arg10[%dma_wait3A_2597, %dma_wait3A_2598, %dma_wait3A_2599] : memref<8x50x64xf32, #tpu.memory_space<vmem>> -> memref<1x50x64xf32, #tpu.memory_space<vmem>>
      %dma_wait3A_2601 = tpu.memref_squeeze %dma_wait3A_2600 : memref<1x50x64xf32, #tpu.memory_space<vmem>> -> memref<50x64xf32, #tpu.memory_space<vmem>>
      %dma_wait3A_2602 = arith.constant 0 : i32
      %dma_wait3A_2603 = tpu.memref_slice %arg6[%dma_wait3A_2596, %dma_wait3A_2602] : memref<8x50xi32, #tpu.memory_space<vmem>> -> memref<1x50xi32, #tpu.memory_space<vmem>>
      %dma_wait3A_2604 = tpu.memref_squeeze %dma_wait3A_2603 : memref<1x50xi32, #tpu.memory_space<vmem>> -> memref<50xi32, #tpu.memory_space<vmem>>
      %dma_wait3A_2605 = arith.constant 0 : i32
      %dma_wait3A_2606 = arith.constant 0 : i32
      %dma_wait3A_2607 = tpu.memref_slice %arg3[%dma_wait3A_2605, %dma_wait3A_2606] : memref<2000000x64xf32, #tpu.memory_space<hbm>> -> memref<2000000x64xf32, #tpu.memory_space<hbm>>
      tpu.wait_indirect_dma semaphore(%arg18 : memref<!tpu.dma_semaphore, #tpu.memory_space<semaphore_mem>>) src(%dma_wait3A_2607 : memref<2000000x64xf32, #tpu.memory_space<hbm>>) dst(%dma_wait3A_2601 : memref<50x64xf32, #tpu.memory_space<vmem>>)
      %dma_wait3A_2608 = arith.constant 1 : i32
      %dma_wait3A_2609 = arith.constant 1 : i32
      %dma_wait3A_2610 = arith.constant 0 : i32
      %dma_wait3A_2611 = arith.constant 0 : i32
      %dma_wait3A_2612 = tpu.memref_slice %arg10[%dma_wait3A_2609, %dma_wait3A_2610, %dma_wait3A_2611] : memref<8x50x64xf32, #tpu.memory_space<vmem>> -> memref<1x50x64xf32, #tpu.memory_space<vmem>>
      %dma_wait3A_2613 = tpu.memref_squeeze %dma_wait3A_2612 : memref<1x50x64xf32, #tpu.memory_space<vmem>> -> memref<50x64xf32, #tpu.memory_space<vmem>>
      %dma_wait3A_2614 = arith.constant 0 : i32
      %dma_wait3A_2615 = tpu.memref_slice %arg6[%dma_wait3A_2608, %dma_wait3A_2614] : memref<8x50xi32, #tpu.memory_space<vmem>> -> memref<1x50xi32, #tpu.memory_space<vmem>>
      %dma_wait3A_2616 = tpu.memref_squeeze %dma_wait3A_2615 : memref<1x50xi32, #tpu.memory_space<vmem>> -> memref<50xi32, #tpu.memory_space<vmem>>
      %dma_wait3A_2617 = arith.constant 0 : i32
      %dma_wait3A_2618 = arith.constant 0 : i32
      %dma_wait3A_2619 = tpu.memref_slice %arg3[%dma_wait3A_2617, %dma_wait3A_2618] : memref<2000000x64xf32, #tpu.memory_space<hbm>> -> memref<2000000x64xf32, #tpu.memory_space<hbm>>
      tpu.wait_indirect_dma semaphore(%arg18 : memref<!tpu.dma_semaphore, #tpu.memory_space<semaphore_mem>>) src(%dma_wait3A_2619 : memref<2000000x64xf32, #tpu.memory_space<hbm>>) dst(%dma_wait3A_2613 : memref<50x64xf32, #tpu.memory_space<vmem>>)
      %dma_wait3A_2620 = arith.constant 2 : i32
      %dma_wait3A_2621 = arith.constant 2 : i32
      %dma_wait3A_2622 = arith.constant 0 : i32
      %dma_wait3A_2623 = arith.constant 0 : i32
      %dma_wait3A_2624 = tpu.memref_slice %arg10[%dma_wait3A_2621, %dma_wait3A_2622, %dma_wait3A_2623] : memref<8x50x64xf32, #tpu.memory_space<vmem>> -> memref<1x50x64xf32, #tpu.memory_space<vmem>>
      %dma_wait3A_2625 = tpu.memref_squeeze %dma_wait3A_2624 : memref<1x50x64xf32, #tpu.memory_space<vmem>> -> memref<50x64xf32, #tpu.memory_space<vmem>>
      %dma_wait3A_2626 = arith.constant 0 : i32
      %dma_wait3A_2627 = tpu.memref_slice %arg6[%dma_wait3A_2620, %dma_wait3A_2626] : memref<8x50xi32, #tpu.memory_space<vmem>> -> memref<1x50xi32, #tpu.memory_space<vmem>>
      %dma_wait3A_2628 = tpu.memref_squeeze %dma_wait3A_2627 : memref<1x50xi32, #tpu.memory_space<vmem>> -> memref<50xi32, #tpu.memory_space<vmem>>
      %dma_wait3A_2629 = arith.constant 0 : i32
      %dma_wait3A_2630 = arith.constant 0 : i32
      %dma_wait3A_2631 = tpu.memref_slice %arg3[%dma_wait3A_2629, %dma_wait3A_2630] : memref<2000000x64xf32, #tpu.memory_space<hbm>> -> memref<2000000x64xf32, #tpu.memory_space<hbm>>
      tpu.wait_indirect_dma semaphore(%arg18 : memref<!tpu.dma_semaphore, #tpu.memory_space<semaphore_mem>>) src(%dma_wait3A_2631 : memref<2000000x64xf32, #tpu.memory_space<hbm>>) dst(%dma_wait3A_2625 : memref<50x64xf32, #tpu.memory_space<vmem>>)
      %dma_wait3A_2632 = arith.constant 3 : i32
      %dma_wait3A_2633 = arith.constant 3 : i32
      %dma_wait3A_2634 = arith.constant 0 : i32
      %dma_wait3A_2635 = arith.constant 0 : i32
      %dma_wait3A_2636 = tpu.memref_slice %arg10[%dma_wait3A_2633, %dma_wait3A_2634, %dma_wait3A_2635] : memref<8x50x64xf32, #tpu.memory_space<vmem>> -> memref<1x50x64xf32, #tpu.memory_space<vmem>>
      %dma_wait3A_2637 = tpu.memref_squeeze %dma_wait3A_2636 : memref<1x50x64xf32, #tpu.memory_space<vmem>> -> memref<50x64xf32, #tpu.memory_space<vmem>>
      %dma_wait3A_2638 = arith.constant 0 : i32
      %dma_wait3A_2639 = tpu.memref_slice %arg6[%dma_wait3A_2632, %dma_wait3A_2638] : memref<8x50xi32, #tpu.memory_space<vmem>> -> memref<1x50xi32, #tpu.memory_space<vmem>>
      %dma_wait3A_2640 = tpu.memref_squeeze %dma_wait3A_2639 : memref<1x50xi32, #tpu.memory_space<vmem>> -> memref<50xi32, #tpu.memory_space<vmem>>
      %dma_wait3A_2641 = arith.constant 0 : i32
      %dma_wait3A_2642 = arith.constant 0 : i32
      %dma_wait3A_2643 = tpu.memref_slice %arg3[%dma_wait3A_2641, %dma_wait3A_2642] : memref<2000000x64xf32, #tpu.memory_space<hbm>> -> memref<2000000x64xf32, #tpu.memory_space<hbm>>
      tpu.wait_indirect_dma semaphore(%arg18 : memref<!tpu.dma_semaphore, #tpu.memory_space<semaphore_mem>>) src(%dma_wait3A_2643 : memref<2000000x64xf32, #tpu.memory_space<hbm>>) dst(%dma_wait3A_2637 : memref<50x64xf32, #tpu.memory_space<vmem>>)
      %dma_wait3A_2644 = arith.constant 4 : i32
      %dma_wait3A_2645 = arith.constant 4 : i32
      %dma_wait3A_2646 = arith.constant 0 : i32
      %dma_wait3A_2647 = arith.constant 0 : i32
      %dma_wait3A_2648 = tpu.memref_slice %arg10[%dma_wait3A_2645, %dma_wait3A_2646, %dma_wait3A_2647] : memref<8x50x64xf32, #tpu.memory_space<vmem>> -> memref<1x50x64xf32, #tpu.memory_space<vmem>>
      %dma_wait3A_2649 = tpu.memref_squeeze %dma_wait3A_2648 : memref<1x50x64xf32, #tpu.memory_space<vmem>> -> memref<50x64xf32, #tpu.memory_space<vmem>>
      %dma_wait3A_2650 = arith.constant 0 : i32
      %dma_wait3A_2651 = tpu.memref_slice %arg6[%dma_wait3A_2644, %dma_wait3A_2650] : memref<8x50xi32, #tpu.memory_space<vmem>> -> memref<1x50xi32, #tpu.memory_space<vmem>>
      %dma_wait3A_2652 = tpu.memref_squeeze %dma_wait3A_2651 : memref<1x50xi32, #tpu.memory_space<vmem>> -> memref<50xi32, #tpu.memory_space<vmem>>
      %dma_wait3A_2653 = arith.constant 0 : i32
      %dma_wait3A_2654 = arith.constant 0 : i32
      %dma_wait3A_2655 = tpu.memref_slice %arg3[%dma_wait3A_2653, %dma_wait3A_2654] : memref<2000000x64xf32, #tpu.memory_space<hbm>> -> memref<2000000x64xf32, #tpu.memory_space<hbm>>
      tpu.wait_indirect_dma semaphore(%arg18 : memref<!tpu.dma_semaphore, #tpu.memory_space<semaphore_mem>>) src(%dma_wait3A_2655 : memref<2000000x64xf32, #tpu.memory_space<hbm>>) dst(%dma_wait3A_2649 : memref<50x64xf32, #tpu.memory_space<vmem>>)
      %dma_wait3A_2656 = arith.constant 5 : i32
      %dma_wait3A_2657 = arith.constant 5 : i32
      %dma_wait3A_2658 = arith.constant 0 : i32
      %dma_wait3A_2659 = arith.constant 0 : i32
      %dma_wait3A_2660 = tpu.memref_slice %arg10[%dma_wait3A_2657, %dma_wait3A_2658, %dma_wait3A_2659] : memref<8x50x64xf32, #tpu.memory_space<vmem>> -> memref<1x50x64xf32, #tpu.memory_space<vmem>>
      %dma_wait3A_2661 = tpu.memref_squeeze %dma_wait3A_2660 : memref<1x50x64xf32, #tpu.memory_space<vmem>> -> memref<50x64xf32, #tpu.memory_space<vmem>>
      %dma_wait3A_2662 = arith.constant 0 : i32
      %dma_wait3A_2663 = tpu.memref_slice %arg6[%dma_wait3A_2656, %dma_wait3A_2662] : memref<8x50xi32, #tpu.memory_space<vmem>> -> memref<1x50xi32, #tpu.memory_space<vmem>>
      %dma_wait3A_2664 = tpu.memref_squeeze %dma_wait3A_2663 : memref<1x50xi32, #tpu.memory_space<vmem>> -> memref<50xi32, #tpu.memory_space<vmem>>
      %dma_wait3A_2665 = arith.constant 0 : i32
      %dma_wait3A_2666 = arith.constant 0 : i32
      %dma_wait3A_2667 = tpu.memref_slice %arg3[%dma_wait3A_2665, %dma_wait3A_2666] : memref<2000000x64xf32, #tpu.memory_space<hbm>> -> memref<2000000x64xf32, #tpu.memory_space<hbm>>
      tpu.wait_indirect_dma semaphore(%arg18 : memref<!tpu.dma_semaphore, #tpu.memory_space<semaphore_mem>>) src(%dma_wait3A_2667 : memref<2000000x64xf32, #tpu.memory_space<hbm>>) dst(%dma_wait3A_2661 : memref<50x64xf32, #tpu.memory_space<vmem>>)
      %dma_wait3A_2668 = arith.constant 6 : i32
      %dma_wait3A_2669 = arith.constant 6 : i32
      %dma_wait3A_2670 = arith.constant 0 : i32
      %dma_wait3A_2671 = arith.constant 0 : i32
      %dma_wait3A_2672 = tpu.memref_slice %arg10[%dma_wait3A_2669, %dma_wait3A_2670, %dma_wait3A_2671] : memref<8x50x64xf32, #tpu.memory_space<vmem>> -> memref<1x50x64xf32, #tpu.memory_space<vmem>>
      %dma_wait3A_2673 = tpu.memref_squeeze %dma_wait3A_2672 : memref<1x50x64xf32, #tpu.memory_space<vmem>> -> memref<50x64xf32, #tpu.memory_space<vmem>>
      %dma_wait3A_2674 = arith.constant 0 : i32
      %dma_wait3A_2675 = tpu.memref_slice %arg6[%dma_wait3A_2668, %dma_wait3A_2674] : memref<8x50xi32, #tpu.memory_space<vmem>> -> memref<1x50xi32, #tpu.memory_space<vmem>>
      %dma_wait3A_2676 = tpu.memref_squeeze %dma_wait3A_2675 : memref<1x50xi32, #tpu.memory_space<vmem>> -> memref<50xi32, #tpu.memory_space<vmem>>
      %dma_wait3A_2677 = arith.constant 0 : i32
      %dma_wait3A_2678 = arith.constant 0 : i32
      %dma_wait3A_2679 = tpu.memref_slice %arg3[%dma_wait3A_2677, %dma_wait3A_2678] : memref<2000000x64xf32, #tpu.memory_space<hbm>> -> memref<2000000x64xf32, #tpu.memory_space<hbm>>
      tpu.wait_indirect_dma semaphore(%arg18 : memref<!tpu.dma_semaphore, #tpu.memory_space<semaphore_mem>>) src(%dma_wait3A_2679 : memref<2000000x64xf32, #tpu.memory_space<hbm>>) dst(%dma_wait3A_2673 : memref<50x64xf32, #tpu.memory_space<vmem>>)
      %dma_wait3A_2680 = arith.constant 7 : i32
      %dma_wait3A_2681 = arith.constant 7 : i32
      %dma_wait3A_2682 = arith.constant 0 : i32
      %dma_wait3A_2683 = arith.constant 0 : i32
      %dma_wait3A_2684 = tpu.memref_slice %arg10[%dma_wait3A_2681, %dma_wait3A_2682, %dma_wait3A_2683] : memref<8x50x64xf32, #tpu.memory_space<vmem>> -> memref<1x50x64xf32, #tpu.memory_space<vmem>>
      %dma_wait3A_2685 = tpu.memref_squeeze %dma_wait3A_2684 : memref<1x50x64xf32, #tpu.memory_space<vmem>> -> memref<50x64xf32, #tpu.memory_space<vmem>>
      %dma_wait3A_2686 = arith.constant 0 : i32
      %dma_wait3A_2687 = tpu.memref_slice %arg6[%dma_wait3A_2680, %dma_wait3A_2686] : memref<8x50xi32, #tpu.memory_space<vmem>> -> memref<1x50xi32, #tpu.memory_space<vmem>>
      %dma_wait3A_2688 = tpu.memref_squeeze %dma_wait3A_2687 : memref<1x50xi32, #tpu.memory_space<vmem>> -> memref<50xi32, #tpu.memory_space<vmem>>
      %dma_wait3A_2689 = arith.constant 0 : i32
      %dma_wait3A_2690 = arith.constant 0 : i32
      %dma_wait3A_2691 = tpu.memref_slice %arg3[%dma_wait3A_2689, %dma_wait3A_2690] : memref<2000000x64xf32, #tpu.memory_space<hbm>> -> memref<2000000x64xf32, #tpu.memory_space<hbm>>
      tpu.wait_indirect_dma semaphore(%arg18 : memref<!tpu.dma_semaphore, #tpu.memory_space<semaphore_mem>>) src(%dma_wait3A_2691 : memref<2000000x64xf32, #tpu.memory_space<hbm>>) dst(%dma_wait3A_2685 : memref<50x64xf32, #tpu.memory_space<vmem>>)
      %sub3A_2692 = arith.constant 2 : i32
      %sub3A_2693 = arith.subi %add3A_2479, %sub3A_2692 : i32
      %mul3A_2694 = arith.constant 8 : i32
      %mul3A_2695 = arith.muli %sub3A_2693, %mul3A_2694 : i32
      %add3A_2696 = arith.addi %mul3A_2, %mul3A_2695 : i32
      %dma_start3A_2697 = arith.constant 0 : i32
      %dma_start3A_2698 = arith.constant 0 : i32
      %dma_start3A_2699 = tpu.memref_slice %arg4[%add3A_2696, %dma_start3A_2697, %dma_start3A_2698] : memref<16384x56x128xf32, #tpu.memory_space<hbm>> -> memref<8x50x64xf32, #tpu.memory_space<hbm>>
      %dma_start3A_2700 = arith.constant 0 : i32
      %dma_start3A_2701 = arith.constant 0 : i32
      %dma_start3A_2702 = tpu.memref_slice %arg4[%add3A_2696, %dma_start3A_2700, %dma_start3A_2701] : memref<16384x56x128xf32, #tpu.memory_space<hbm>> -> memref<8x50x64xf32, #tpu.memory_space<hbm>>
      tpu.enqueue_dma source(%arg10 : memref<8x50x64xf32, #tpu.memory_space<vmem>>) target(%dma_start3A_2702 : memref<8x50x64xf32, #tpu.memory_space<hbm>>) target_semaphore(%arg22 : memref<!tpu.dma_semaphore, #tpu.memory_space<semaphore_mem>>)
      %sub3A_2703 = arith.constant 2 : i32
      %sub3A_2704 = arith.subi %add3A_2479, %sub3A_2703 : i32
      %add3A_2705 = arith.constant 4 : i32
      %add3A_2706 = arith.addi %sub3A_2704, %add3A_2705 : i32
      %mul3A_2707 = arith.constant 8 : i32
      %mul3A_2708 = arith.muli %add3A_2706, %mul3A_2707 : i32
      %add3A_2709 = arith.addi %mul3A_2, %mul3A_2708 : i32
      %dma_start3A_2710 = arith.constant 0 : i32
      %dma_start3A_2711 = tpu.memref_slice %arg2[%add3A_2709, %dma_start3A_2710] : memref<16384x50xi32, #tpu.memory_space<hbm>> -> memref<8x50xi32, #tpu.memory_space<hbm>>
      %dma_start3A_2712 = arith.constant 0 : i32
      %dma_start3A_2713 = tpu.memref_slice %arg2[%add3A_2709, %dma_start3A_2712] : memref<16384x50xi32, #tpu.memory_space<hbm>> -> memref<8x50xi32, #tpu.memory_space<hbm>>
      tpu.enqueue_dma source(%dma_start3A_2713 : memref<8x50xi32, #tpu.memory_space<hbm>>) target(%arg6 : memref<8x50xi32, #tpu.memory_space<vmem>>) target_semaphore(%arg14 : memref<!tpu.dma_semaphore, #tpu.memory_space<semaphore_mem>>)
      %scan3A_2714 = arith.constant 0 : i32
      scf.yield %scan3A_2714 : i32
    }
    %scan3A_658 = arith.constant 14 : i32
    %add3A_659 = arith.constant 448 : i32
    %add3A_660 = arith.addi %mul3A_2, %add3A_659 : i32
    %dma_wait3A_661 = arith.constant 0 : i32
    %dma_wait3A_662 = arith.constant 0 : i32
    %dma_wait3A_663 = tpu.memref_slice %arg4[%add3A_660, %dma_wait3A_661, %dma_wait3A_662] : memref<16384x56x128xf32, #tpu.memory_space<hbm>> -> memref<8x50x64xf32, #tpu.memory_space<hbm>>
    %dma_wait3A_664 = arith.constant 0 : i32
    %dma_wait3A_665 = arith.constant 0 : i32
    %dma_wait3A_666 = tpu.memref_slice %arg4[%add3A_660, %dma_wait3A_664, %dma_wait3A_665] : memref<16384x56x128xf32, #tpu.memory_space<hbm>> -> memref<8x50x64xf32, #tpu.memory_space<hbm>>
    tpu.wait_dma2 semaphore(%arg21 : memref<!tpu.dma_semaphore, #tpu.memory_space<semaphore_mem>>) src(%arg9 : memref<8x50x64xf32, #tpu.memory_space<vmem>>) dst(%dma_wait3A_666 : memref<8x50x64xf32, #tpu.memory_space<hbm>>)
    %add3A_667 = arith.constant 480 : i32
    %add3A_668 = arith.addi %mul3A_2, %add3A_667 : i32
    %dma_wait3A_669 = arith.constant 0 : i32
    %dma_wait3A_670 = tpu.memref_slice %arg2[%add3A_668, %dma_wait3A_669] : memref<16384x50xi32, #tpu.memory_space<hbm>> -> memref<8x50xi32, #tpu.memory_space<hbm>>
    %dma_wait3A_671 = arith.constant 0 : i32
    %dma_wait3A_672 = tpu.memref_slice %arg2[%add3A_668, %dma_wait3A_671] : memref<16384x50xi32, #tpu.memory_space<hbm>> -> memref<8x50xi32, #tpu.memory_space<hbm>>
    tpu.wait_dma2 semaphore(%arg13 : memref<!tpu.dma_semaphore, #tpu.memory_space<semaphore_mem>>) src(%dma_wait3A_672 : memref<8x50xi32, #tpu.memory_space<hbm>>) dst(%arg5 : memref<8x50xi32, #tpu.memory_space<vmem>>)
    %dma_start3A_673 = arith.constant 0 : i32
    %dma_start3A_674 = arith.constant 0 : i32
    %dma_start3A_675 = arith.constant 0 : i32
    %dma_start3A_676 = arith.constant 0 : i32
    %dma_start3A_677 = tpu.memref_slice %arg9[%dma_start3A_674, %dma_start3A_675, %dma_start3A_676] : memref<8x50x64xf32, #tpu.memory_space<vmem>> -> memref<1x50x64xf32, #tpu.memory_space<vmem>>
    %dma_start3A_678 = tpu.memref_squeeze %dma_start3A_677 : memref<1x50x64xf32, #tpu.memory_space<vmem>> -> memref<50x64xf32, #tpu.memory_space<vmem>>
    %dma_start3A_679 = arith.constant 0 : i32
    %dma_start3A_680 = tpu.memref_slice %arg5[%dma_start3A_673, %dma_start3A_679] : memref<8x50xi32, #tpu.memory_space<vmem>> -> memref<1x50xi32, #tpu.memory_space<vmem>>
    %dma_start3A_681 = tpu.memref_squeeze %dma_start3A_680 : memref<1x50xi32, #tpu.memory_space<vmem>> -> memref<50xi32, #tpu.memory_space<vmem>>
    %dma_start3A_682 = arith.constant 0 : i32
    %dma_start3A_683 = arith.constant 0 : i32
    %dma_start3A_684 = tpu.memref_slice %arg3[%dma_start3A_682, %dma_start3A_683] : memref<2000000x64xf32, #tpu.memory_space<hbm>> -> memref<2000000x64xf32, #tpu.memory_space<hbm>>
    tpu.enqueue_indirect_dma source(%dma_start3A_684 : memref<2000000x64xf32, #tpu.memory_space<hbm>>) target(%dma_start3A_678 : memref<50x64xf32, #tpu.memory_space<vmem>>) offsets(%dma_start3A_681 : memref<50xi32, #tpu.memory_space<vmem>>) semaphore(%arg17 : memref<!tpu.dma_semaphore, #tpu.memory_space<semaphore_mem>>)
    %dma_start3A_685 = arith.constant 1 : i32
    %dma_start3A_686 = arith.constant 1 : i32
    %dma_start3A_687 = arith.constant 0 : i32
    %dma_start3A_688 = arith.constant 0 : i32
    %dma_start3A_689 = tpu.memref_slice %arg9[%dma_start3A_686, %dma_start3A_687, %dma_start3A_688] : memref<8x50x64xf32, #tpu.memory_space<vmem>> -> memref<1x50x64xf32, #tpu.memory_space<vmem>>
    %dma_start3A_690 = tpu.memref_squeeze %dma_start3A_689 : memref<1x50x64xf32, #tpu.memory_space<vmem>> -> memref<50x64xf32, #tpu.memory_space<vmem>>
    %dma_start3A_691 = arith.constant 0 : i32
    %dma_start3A_692 = tpu.memref_slice %arg5[%dma_start3A_685, %dma_start3A_691] : memref<8x50xi32, #tpu.memory_space<vmem>> -> memref<1x50xi32, #tpu.memory_space<vmem>>
    %dma_start3A_693 = tpu.memref_squeeze %dma_start3A_692 : memref<1x50xi32, #tpu.memory_space<vmem>> -> memref<50xi32, #tpu.memory_space<vmem>>
    %dma_start3A_694 = arith.constant 0 : i32
    %dma_start3A_695 = arith.constant 0 : i32
    %dma_start3A_696 = tpu.memref_slice %arg3[%dma_start3A_694, %dma_start3A_695] : memref<2000000x64xf32, #tpu.memory_space<hbm>> -> memref<2000000x64xf32, #tpu.memory_space<hbm>>
    tpu.enqueue_indirect_dma source(%dma_start3A_696 : memref<2000000x64xf32, #tpu.memory_space<hbm>>) target(%dma_start3A_690 : memref<50x64xf32, #tpu.memory_space<vmem>>) offsets(%dma_start3A_693 : memref<50xi32, #tpu.memory_space<vmem>>) semaphore(%arg17 : memref<!tpu.dma_semaphore, #tpu.memory_space<semaphore_mem>>)
    %dma_start3A_697 = arith.constant 2 : i32
    %dma_start3A_698 = arith.constant 2 : i32
    %dma_start3A_699 = arith.constant 0 : i32
    %dma_start3A_700 = arith.constant 0 : i32
    %dma_start3A_701 = tpu.memref_slice %arg9[%dma_start3A_698, %dma_start3A_699, %dma_start3A_700] : memref<8x50x64xf32, #tpu.memory_space<vmem>> -> memref<1x50x64xf32, #tpu.memory_space<vmem>>
    %dma_start3A_702 = tpu.memref_squeeze %dma_start3A_701 : memref<1x50x64xf32, #tpu.memory_space<vmem>> -> memref<50x64xf32, #tpu.memory_space<vmem>>
    %dma_start3A_703 = arith.constant 0 : i32
    %dma_start3A_704 = tpu.memref_slice %arg5[%dma_start3A_697, %dma_start3A_703] : memref<8x50xi32, #tpu.memory_space<vmem>> -> memref<1x50xi32, #tpu.memory_space<vmem>>
    %dma_start3A_705 = tpu.memref_squeeze %dma_start3A_704 : memref<1x50xi32, #tpu.memory_space<vmem>> -> memref<50xi32, #tpu.memory_space<vmem>>
    %dma_start3A_706 = arith.constant 0 : i32
    %dma_start3A_707 = arith.constant 0 : i32
    %dma_start3A_708 = tpu.memref_slice %arg3[%dma_start3A_706, %dma_start3A_707] : memref<2000000x64xf32, #tpu.memory_space<hbm>> -> memref<2000000x64xf32, #tpu.memory_space<hbm>>
    tpu.enqueue_indirect_dma source(%dma_start3A_708 : memref<2000000x64xf32, #tpu.memory_space<hbm>>) target(%dma_start3A_702 : memref<50x64xf32, #tpu.memory_space<vmem>>) offsets(%dma_start3A_705 : memref<50xi32, #tpu.memory_space<vmem>>) semaphore(%arg17 : memref<!tpu.dma_semaphore, #tpu.memory_space<semaphore_mem>>)
    %dma_start3A_709 = arith.constant 3 : i32
    %dma_start3A_710 = arith.constant 3 : i32
    %dma_start3A_711 = arith.constant 0 : i32
    %dma_start3A_712 = arith.constant 0 : i32
    %dma_start3A_713 = tpu.memref_slice %arg9[%dma_start3A_710, %dma_start3A_711, %dma_start3A_712] : memref<8x50x64xf32, #tpu.memory_space<vmem>> -> memref<1x50x64xf32, #tpu.memory_space<vmem>>
    %dma_start3A_714 = tpu.memref_squeeze %dma_start3A_713 : memref<1x50x64xf32, #tpu.memory_space<vmem>> -> memref<50x64xf32, #tpu.memory_space<vmem>>
    %dma_start3A_715 = arith.constant 0 : i32
    %dma_start3A_716 = tpu.memref_slice %arg5[%dma_start3A_709, %dma_start3A_715] : memref<8x50xi32, #tpu.memory_space<vmem>> -> memref<1x50xi32, #tpu.memory_space<vmem>>
    %dma_start3A_717 = tpu.memref_squeeze %dma_start3A_716 : memref<1x50xi32, #tpu.memory_space<vmem>> -> memref<50xi32, #tpu.memory_space<vmem>>
    %dma_start3A_718 = arith.constant 0 : i32
    %dma_start3A_719 = arith.constant 0 : i32
    %dma_start3A_720 = tpu.memref_slice %arg3[%dma_start3A_718, %dma_start3A_719] : memref<2000000x64xf32, #tpu.memory_space<hbm>> -> memref<2000000x64xf32, #tpu.memory_space<hbm>>
    tpu.enqueue_indirect_dma source(%dma_start3A_720 : memref<2000000x64xf32, #tpu.memory_space<hbm>>) target(%dma_start3A_714 : memref<50x64xf32, #tpu.memory_space<vmem>>) offsets(%dma_start3A_717 : memref<50xi32, #tpu.memory_space<vmem>>) semaphore(%arg17 : memref<!tpu.dma_semaphore, #tpu.memory_space<semaphore_mem>>)
    %dma_start3A_721 = arith.constant 4 : i32
    %dma_start3A_722 = arith.constant 4 : i32
    %dma_start3A_723 = arith.constant 0 : i32
    %dma_start3A_724 = arith.constant 0 : i32
    %dma_start3A_725 = tpu.memref_slice %arg9[%dma_start3A_722, %dma_start3A_723, %dma_start3A_724] : memref<8x50x64xf32, #tpu.memory_space<vmem>> -> memref<1x50x64xf32, #tpu.memory_space<vmem>>
    %dma_start3A_726 = tpu.memref_squeeze %dma_start3A_725 : memref<1x50x64xf32, #tpu.memory_space<vmem>> -> memref<50x64xf32, #tpu.memory_space<vmem>>
    %dma_start3A_727 = arith.constant 0 : i32
    %dma_start3A_728 = tpu.memref_slice %arg5[%dma_start3A_721, %dma_start3A_727] : memref<8x50xi32, #tpu.memory_space<vmem>> -> memref<1x50xi32, #tpu.memory_space<vmem>>
    %dma_start3A_729 = tpu.memref_squeeze %dma_start3A_728 : memref<1x50xi32, #tpu.memory_space<vmem>> -> memref<50xi32, #tpu.memory_space<vmem>>
    %dma_start3A_730 = arith.constant 0 : i32
    %dma_start3A_731 = arith.constant 0 : i32
    %dma_start3A_732 = tpu.memref_slice %arg3[%dma_start3A_730, %dma_start3A_731] : memref<2000000x64xf32, #tpu.memory_space<hbm>> -> memref<2000000x64xf32, #tpu.memory_space<hbm>>
    tpu.enqueue_indirect_dma source(%dma_start3A_732 : memref<2000000x64xf32, #tpu.memory_space<hbm>>) target(%dma_start3A_726 : memref<50x64xf32, #tpu.memory_space<vmem>>) offsets(%dma_start3A_729 : memref<50xi32, #tpu.memory_space<vmem>>) semaphore(%arg17 : memref<!tpu.dma_semaphore, #tpu.memory_space<semaphore_mem>>)
    %dma_start3A_733 = arith.constant 5 : i32
    %dma_start3A_734 = arith.constant 5 : i32
    %dma_start3A_735 = arith.constant 0 : i32
    %dma_start3A_736 = arith.constant 0 : i32
    %dma_start3A_737 = tpu.memref_slice %arg9[%dma_start3A_734, %dma_start3A_735, %dma_start3A_736] : memref<8x50x64xf32, #tpu.memory_space<vmem>> -> memref<1x50x64xf32, #tpu.memory_space<vmem>>
    %dma_start3A_738 = tpu.memref_squeeze %dma_start3A_737 : memref<1x50x64xf32, #tpu.memory_space<vmem>> -> memref<50x64xf32, #tpu.memory_space<vmem>>
    %dma_start3A_739 = arith.constant 0 : i32
    %dma_start3A_740 = tpu.memref_slice %arg5[%dma_start3A_733, %dma_start3A_739] : memref<8x50xi32, #tpu.memory_space<vmem>> -> memref<1x50xi32, #tpu.memory_space<vmem>>
    %dma_start3A_741 = tpu.memref_squeeze %dma_start3A_740 : memref<1x50xi32, #tpu.memory_space<vmem>> -> memref<50xi32, #tpu.memory_space<vmem>>
    %dma_start3A_742 = arith.constant 0 : i32
    %dma_start3A_743 = arith.constant 0 : i32
    %dma_start3A_744 = tpu.memref_slice %arg3[%dma_start3A_742, %dma_start3A_743] : memref<2000000x64xf32, #tpu.memory_space<hbm>> -> memref<2000000x64xf32, #tpu.memory_space<hbm>>
    tpu.enqueue_indirect_dma source(%dma_start3A_744 : memref<2000000x64xf32, #tpu.memory_space<hbm>>) target(%dma_start3A_738 : memref<50x64xf32, #tpu.memory_space<vmem>>) offsets(%dma_start3A_741 : memref<50xi32, #tpu.memory_space<vmem>>) semaphore(%arg17 : memref<!tpu.dma_semaphore, #tpu.memory_space<semaphore_mem>>)
    %dma_start3A_745 = arith.constant 6 : i32
    %dma_start3A_746 = arith.constant 6 : i32
    %dma_start3A_747 = arith.constant 0 : i32
    %dma_start3A_748 = arith.constant 0 : i32
    %dma_start3A_749 = tpu.memref_slice %arg9[%dma_start3A_746, %dma_start3A_747, %dma_start3A_748] : memref<8x50x64xf32, #tpu.memory_space<vmem>> -> memref<1x50x64xf32, #tpu.memory_space<vmem>>
    %dma_start3A_750 = tpu.memref_squeeze %dma_start3A_749 : memref<1x50x64xf32, #tpu.memory_space<vmem>> -> memref<50x64xf32, #tpu.memory_space<vmem>>
    %dma_start3A_751 = arith.constant 0 : i32
    %dma_start3A_752 = tpu.memref_slice %arg5[%dma_start3A_745, %dma_start3A_751] : memref<8x50xi32, #tpu.memory_space<vmem>> -> memref<1x50xi32, #tpu.memory_space<vmem>>
    %dma_start3A_753 = tpu.memref_squeeze %dma_start3A_752 : memref<1x50xi32, #tpu.memory_space<vmem>> -> memref<50xi32, #tpu.memory_space<vmem>>
    %dma_start3A_754 = arith.constant 0 : i32
    %dma_start3A_755 = arith.constant 0 : i32
    %dma_start3A_756 = tpu.memref_slice %arg3[%dma_start3A_754, %dma_start3A_755] : memref<2000000x64xf32, #tpu.memory_space<hbm>> -> memref<2000000x64xf32, #tpu.memory_space<hbm>>
    tpu.enqueue_indirect_dma source(%dma_start3A_756 : memref<2000000x64xf32, #tpu.memory_space<hbm>>) target(%dma_start3A_750 : memref<50x64xf32, #tpu.memory_space<vmem>>) offsets(%dma_start3A_753 : memref<50xi32, #tpu.memory_space<vmem>>) semaphore(%arg17 : memref<!tpu.dma_semaphore, #tpu.memory_space<semaphore_mem>>)
    %dma_start3A_757 = arith.constant 7 : i32
    %dma_start3A_758 = arith.constant 7 : i32
    %dma_start3A_759 = arith.constant 0 : i32
    %dma_start3A_760 = arith.constant 0 : i32
    %dma_start3A_761 = tpu.memref_slice %arg9[%dma_start3A_758, %dma_start3A_759, %dma_start3A_760] : memref<8x50x64xf32, #tpu.memory_space<vmem>> -> memref<1x50x64xf32, #tpu.memory_space<vmem>>
    %dma_start3A_762 = tpu.memref_squeeze %dma_start3A_761 : memref<1x50x64xf32, #tpu.memory_space<vmem>> -> memref<50x64xf32, #tpu.memory_space<vmem>>
    %dma_start3A_763 = arith.constant 0 : i32
    %dma_start3A_764 = tpu.memref_slice %arg5[%dma_start3A_757, %dma_start3A_763] : memref<8x50xi32, #tpu.memory_space<vmem>> -> memref<1x50xi32, #tpu.memory_space<vmem>>
    %dma_start3A_765 = tpu.memref_squeeze %dma_start3A_764 : memref<1x50xi32, #tpu.memory_space<vmem>> -> memref<50xi32, #tpu.memory_space<vmem>>
    %dma_start3A_766 = arith.constant 0 : i32
    %dma_start3A_767 = arith.constant 0 : i32
    %dma_start3A_768 = tpu.memref_slice %arg3[%dma_start3A_766, %dma_start3A_767] : memref<2000000x64xf32, #tpu.memory_space<hbm>> -> memref<2000000x64xf32, #tpu.memory_space<hbm>>
    tpu.enqueue_indirect_dma source(%dma_start3A_768 : memref<2000000x64xf32, #tpu.memory_space<hbm>>) target(%dma_start3A_762 : memref<50x64xf32, #tpu.memory_space<vmem>>) offsets(%dma_start3A_765 : memref<50xi32, #tpu.memory_space<vmem>>) semaphore(%arg17 : memref<!tpu.dma_semaphore, #tpu.memory_space<semaphore_mem>>)
    %dma_wait3A_769 = arith.constant 0 : i32
    %dma_wait3A_770 = arith.constant 0 : i32
    %dma_wait3A_771 = arith.constant 0 : i32
    %dma_wait3A_772 = arith.constant 0 : i32
    %dma_wait3A_773 = tpu.memref_slice %arg11[%dma_wait3A_770, %dma_wait3A_771, %dma_wait3A_772] : memref<8x50x64xf32, #tpu.memory_space<vmem>> -> memref<1x50x64xf32, #tpu.memory_space<vmem>>
    %dma_wait3A_774 = tpu.memref_squeeze %dma_wait3A_773 : memref<1x50x64xf32, #tpu.memory_space<vmem>> -> memref<50x64xf32, #tpu.memory_space<vmem>>
    %dma_wait3A_775 = arith.constant 0 : i32
    %dma_wait3A_776 = tpu.memref_slice %arg7[%dma_wait3A_769, %dma_wait3A_775] : memref<8x50xi32, #tpu.memory_space<vmem>> -> memref<1x50xi32, #tpu.memory_space<vmem>>
    %dma_wait3A_777 = tpu.memref_squeeze %dma_wait3A_776 : memref<1x50xi32, #tpu.memory_space<vmem>> -> memref<50xi32, #tpu.memory_space<vmem>>
    %dma_wait3A_778 = arith.constant 0 : i32
    %dma_wait3A_779 = arith.constant 0 : i32
    %dma_wait3A_780 = tpu.memref_slice %arg3[%dma_wait3A_778, %dma_wait3A_779] : memref<2000000x64xf32, #tpu.memory_space<hbm>> -> memref<2000000x64xf32, #tpu.memory_space<hbm>>
    tpu.wait_indirect_dma semaphore(%arg19 : memref<!tpu.dma_semaphore, #tpu.memory_space<semaphore_mem>>) src(%dma_wait3A_780 : memref<2000000x64xf32, #tpu.memory_space<hbm>>) dst(%dma_wait3A_774 : memref<50x64xf32, #tpu.memory_space<vmem>>)
    %dma_wait3A_781 = arith.constant 1 : i32
    %dma_wait3A_782 = arith.constant 1 : i32
    %dma_wait3A_783 = arith.constant 0 : i32
    %dma_wait3A_784 = arith.constant 0 : i32
    %dma_wait3A_785 = tpu.memref_slice %arg11[%dma_wait3A_782, %dma_wait3A_783, %dma_wait3A_784] : memref<8x50x64xf32, #tpu.memory_space<vmem>> -> memref<1x50x64xf32, #tpu.memory_space<vmem>>
    %dma_wait3A_786 = tpu.memref_squeeze %dma_wait3A_785 : memref<1x50x64xf32, #tpu.memory_space<vmem>> -> memref<50x64xf32, #tpu.memory_space<vmem>>
    %dma_wait3A_787 = arith.constant 0 : i32
    %dma_wait3A_788 = tpu.memref_slice %arg7[%dma_wait3A_781, %dma_wait3A_787] : memref<8x50xi32, #tpu.memory_space<vmem>> -> memref<1x50xi32, #tpu.memory_space<vmem>>
    %dma_wait3A_789 = tpu.memref_squeeze %dma_wait3A_788 : memref<1x50xi32, #tpu.memory_space<vmem>> -> memref<50xi32, #tpu.memory_space<vmem>>
    %dma_wait3A_790 = arith.constant 0 : i32
    %dma_wait3A_791 = arith.constant 0 : i32
    %dma_wait3A_792 = tpu.memref_slice %arg3[%dma_wait3A_790, %dma_wait3A_791] : memref<2000000x64xf32, #tpu.memory_space<hbm>> -> memref<2000000x64xf32, #tpu.memory_space<hbm>>
    tpu.wait_indirect_dma semaphore(%arg19 : memref<!tpu.dma_semaphore, #tpu.memory_space<semaphore_mem>>) src(%dma_wait3A_792 : memref<2000000x64xf32, #tpu.memory_space<hbm>>) dst(%dma_wait3A_786 : memref<50x64xf32, #tpu.memory_space<vmem>>)
    %dma_wait3A_793 = arith.constant 2 : i32
    %dma_wait3A_794 = arith.constant 2 : i32
    %dma_wait3A_795 = arith.constant 0 : i32
    %dma_wait3A_796 = arith.constant 0 : i32
    %dma_wait3A_797 = tpu.memref_slice %arg11[%dma_wait3A_794, %dma_wait3A_795, %dma_wait3A_796] : memref<8x50x64xf32, #tpu.memory_space<vmem>> -> memref<1x50x64xf32, #tpu.memory_space<vmem>>
    %dma_wait3A_798 = tpu.memref_squeeze %dma_wait3A_797 : memref<1x50x64xf32, #tpu.memory_space<vmem>> -> memref<50x64xf32, #tpu.memory_space<vmem>>
    %dma_wait3A_799 = arith.constant 0 : i32
    %dma_wait3A_800 = tpu.memref_slice %arg7[%dma_wait3A_793, %dma_wait3A_799] : memref<8x50xi32, #tpu.memory_space<vmem>> -> memref<1x50xi32, #tpu.memory_space<vmem>>
    %dma_wait3A_801 = tpu.memref_squeeze %dma_wait3A_800 : memref<1x50xi32, #tpu.memory_space<vmem>> -> memref<50xi32, #tpu.memory_space<vmem>>
    %dma_wait3A_802 = arith.constant 0 : i32
    %dma_wait3A_803 = arith.constant 0 : i32
    %dma_wait3A_804 = tpu.memref_slice %arg3[%dma_wait3A_802, %dma_wait3A_803] : memref<2000000x64xf32, #tpu.memory_space<hbm>> -> memref<2000000x64xf32, #tpu.memory_space<hbm>>
    tpu.wait_indirect_dma semaphore(%arg19 : memref<!tpu.dma_semaphore, #tpu.memory_space<semaphore_mem>>) src(%dma_wait3A_804 : memref<2000000x64xf32, #tpu.memory_space<hbm>>) dst(%dma_wait3A_798 : memref<50x64xf32, #tpu.memory_space<vmem>>)
    %dma_wait3A_805 = arith.constant 3 : i32
    %dma_wait3A_806 = arith.constant 3 : i32
    %dma_wait3A_807 = arith.constant 0 : i32
    %dma_wait3A_808 = arith.constant 0 : i32
    %dma_wait3A_809 = tpu.memref_slice %arg11[%dma_wait3A_806, %dma_wait3A_807, %dma_wait3A_808] : memref<8x50x64xf32, #tpu.memory_space<vmem>> -> memref<1x50x64xf32, #tpu.memory_space<vmem>>
    %dma_wait3A_810 = tpu.memref_squeeze %dma_wait3A_809 : memref<1x50x64xf32, #tpu.memory_space<vmem>> -> memref<50x64xf32, #tpu.memory_space<vmem>>
    %dma_wait3A_811 = arith.constant 0 : i32
    %dma_wait3A_812 = tpu.memref_slice %arg7[%dma_wait3A_805, %dma_wait3A_811] : memref<8x50xi32, #tpu.memory_space<vmem>> -> memref<1x50xi32, #tpu.memory_space<vmem>>
    %dma_wait3A_813 = tpu.memref_squeeze %dma_wait3A_812 : memref<1x50xi32, #tpu.memory_space<vmem>> -> memref<50xi32, #tpu.memory_space<vmem>>
    %dma_wait3A_814 = arith.constant 0 : i32
    %dma_wait3A_815 = arith.constant 0 : i32
    %dma_wait3A_816 = tpu.memref_slice %arg3[%dma_wait3A_814, %dma_wait3A_815] : memref<2000000x64xf32, #tpu.memory_space<hbm>> -> memref<2000000x64xf32, #tpu.memory_space<hbm>>
    tpu.wait_indirect_dma semaphore(%arg19 : memref<!tpu.dma_semaphore, #tpu.memory_space<semaphore_mem>>) src(%dma_wait3A_816 : memref<2000000x64xf32, #tpu.memory_space<hbm>>) dst(%dma_wait3A_810 : memref<50x64xf32, #tpu.memory_space<vmem>>)
    %dma_wait3A_817 = arith.constant 4 : i32
    %dma_wait3A_818 = arith.constant 4 : i32
    %dma_wait3A_819 = arith.constant 0 : i32
    %dma_wait3A_820 = arith.constant 0 : i32
    %dma_wait3A_821 = tpu.memref_slice %arg11[%dma_wait3A_818, %dma_wait3A_819, %dma_wait3A_820] : memref<8x50x64xf32, #tpu.memory_space<vmem>> -> memref<1x50x64xf32, #tpu.memory_space<vmem>>
    %dma_wait3A_822 = tpu.memref_squeeze %dma_wait3A_821 : memref<1x50x64xf32, #tpu.memory_space<vmem>> -> memref<50x64xf32, #tpu.memory_space<vmem>>
    %dma_wait3A_823 = arith.constant 0 : i32
    %dma_wait3A_824 = tpu.memref_slice %arg7[%dma_wait3A_817, %dma_wait3A_823] : memref<8x50xi32, #tpu.memory_space<vmem>> -> memref<1x50xi32, #tpu.memory_space<vmem>>
    %dma_wait3A_825 = tpu.memref_squeeze %dma_wait3A_824 : memref<1x50xi32, #tpu.memory_space<vmem>> -> memref<50xi32, #tpu.memory_space<vmem>>
    %dma_wait3A_826 = arith.constant 0 : i32
    %dma_wait3A_827 = arith.constant 0 : i32
    %dma_wait3A_828 = tpu.memref_slice %arg3[%dma_wait3A_826, %dma_wait3A_827] : memref<2000000x64xf32, #tpu.memory_space<hbm>> -> memref<2000000x64xf32, #tpu.memory_space<hbm>>
    tpu.wait_indirect_dma semaphore(%arg19 : memref<!tpu.dma_semaphore, #tpu.memory_space<semaphore_mem>>) src(%dma_wait3A_828 : memref<2000000x64xf32, #tpu.memory_space<hbm>>) dst(%dma_wait3A_822 : memref<50x64xf32, #tpu.memory_space<vmem>>)
    %dma_wait3A_829 = arith.constant 5 : i32
    %dma_wait3A_830 = arith.constant 5 : i32
    %dma_wait3A_831 = arith.constant 0 : i32
    %dma_wait3A_832 = arith.constant 0 : i32
    %dma_wait3A_833 = tpu.memref_slice %arg11[%dma_wait3A_830, %dma_wait3A_831, %dma_wait3A_832] : memref<8x50x64xf32, #tpu.memory_space<vmem>> -> memref<1x50x64xf32, #tpu.memory_space<vmem>>
    %dma_wait3A_834 = tpu.memref_squeeze %dma_wait3A_833 : memref<1x50x64xf32, #tpu.memory_space<vmem>> -> memref<50x64xf32, #tpu.memory_space<vmem>>
    %dma_wait3A_835 = arith.constant 0 : i32
    %dma_wait3A_836 = tpu.memref_slice %arg7[%dma_wait3A_829, %dma_wait3A_835] : memref<8x50xi32, #tpu.memory_space<vmem>> -> memref<1x50xi32, #tpu.memory_space<vmem>>
    %dma_wait3A_837 = tpu.memref_squeeze %dma_wait3A_836 : memref<1x50xi32, #tpu.memory_space<vmem>> -> memref<50xi32, #tpu.memory_space<vmem>>
    %dma_wait3A_838 = arith.constant 0 : i32
    %dma_wait3A_839 = arith.constant 0 : i32
    %dma_wait3A_840 = tpu.memref_slice %arg3[%dma_wait3A_838, %dma_wait3A_839] : memref<2000000x64xf32, #tpu.memory_space<hbm>> -> memref<2000000x64xf32, #tpu.memory_space<hbm>>
    tpu.wait_indirect_dma semaphore(%arg19 : memref<!tpu.dma_semaphore, #tpu.memory_space<semaphore_mem>>) src(%dma_wait3A_840 : memref<2000000x64xf32, #tpu.memory_space<hbm>>) dst(%dma_wait3A_834 : memref<50x64xf32, #tpu.memory_space<vmem>>)
    %dma_wait3A_841 = arith.constant 6 : i32
    %dma_wait3A_842 = arith.constant 6 : i32
    %dma_wait3A_843 = arith.constant 0 : i32
    %dma_wait3A_844 = arith.constant 0 : i32
    %dma_wait3A_845 = tpu.memref_slice %arg11[%dma_wait3A_842, %dma_wait3A_843, %dma_wait3A_844] : memref<8x50x64xf32, #tpu.memory_space<vmem>> -> memref<1x50x64xf32, #tpu.memory_space<vmem>>
    %dma_wait3A_846 = tpu.memref_squeeze %dma_wait3A_845 : memref<1x50x64xf32, #tpu.memory_space<vmem>> -> memref<50x64xf32, #tpu.memory_space<vmem>>
    %dma_wait3A_847 = arith.constant 0 : i32
    %dma_wait3A_848 = tpu.memref_slice %arg7[%dma_wait3A_841, %dma_wait3A_847] : memref<8x50xi32, #tpu.memory_space<vmem>> -> memref<1x50xi32, #tpu.memory_space<vmem>>
    %dma_wait3A_849 = tpu.memref_squeeze %dma_wait3A_848 : memref<1x50xi32, #tpu.memory_space<vmem>> -> memref<50xi32, #tpu.memory_space<vmem>>
    %dma_wait3A_850 = arith.constant 0 : i32
    %dma_wait3A_851 = arith.constant 0 : i32
    %dma_wait3A_852 = tpu.memref_slice %arg3[%dma_wait3A_850, %dma_wait3A_851] : memref<2000000x64xf32, #tpu.memory_space<hbm>> -> memref<2000000x64xf32, #tpu.memory_space<hbm>>
    tpu.wait_indirect_dma semaphore(%arg19 : memref<!tpu.dma_semaphore, #tpu.memory_space<semaphore_mem>>) src(%dma_wait3A_852 : memref<2000000x64xf32, #tpu.memory_space<hbm>>) dst(%dma_wait3A_846 : memref<50x64xf32, #tpu.memory_space<vmem>>)
    %dma_wait3A_853 = arith.constant 7 : i32
    %dma_wait3A_854 = arith.constant 7 : i32
    %dma_wait3A_855 = arith.constant 0 : i32
    %dma_wait3A_856 = arith.constant 0 : i32
    %dma_wait3A_857 = tpu.memref_slice %arg11[%dma_wait3A_854, %dma_wait3A_855, %dma_wait3A_856] : memref<8x50x64xf32, #tpu.memory_space<vmem>> -> memref<1x50x64xf32, #tpu.memory_space<vmem>>
    %dma_wait3A_858 = tpu.memref_squeeze %dma_wait3A_857 : memref<1x50x64xf32, #tpu.memory_space<vmem>> -> memref<50x64xf32, #tpu.memory_space<vmem>>
    %dma_wait3A_859 = arith.constant 0 : i32
    %dma_wait3A_860 = tpu.memref_slice %arg7[%dma_wait3A_853, %dma_wait3A_859] : memref<8x50xi32, #tpu.memory_space<vmem>> -> memref<1x50xi32, #tpu.memory_space<vmem>>
    %dma_wait3A_861 = tpu.memref_squeeze %dma_wait3A_860 : memref<1x50xi32, #tpu.memory_space<vmem>> -> memref<50xi32, #tpu.memory_space<vmem>>
    %dma_wait3A_862 = arith.constant 0 : i32
    %dma_wait3A_863 = arith.constant 0 : i32
    %dma_wait3A_864 = tpu.memref_slice %arg3[%dma_wait3A_862, %dma_wait3A_863] : memref<2000000x64xf32, #tpu.memory_space<hbm>> -> memref<2000000x64xf32, #tpu.memory_space<hbm>>
    tpu.wait_indirect_dma semaphore(%arg19 : memref<!tpu.dma_semaphore, #tpu.memory_space<semaphore_mem>>) src(%dma_wait3A_864 : memref<2000000x64xf32, #tpu.memory_space<hbm>>) dst(%dma_wait3A_858 : memref<50x64xf32, #tpu.memory_space<vmem>>)
    %add3A_865 = arith.constant 464 : i32
    %add3A_866 = arith.addi %mul3A_2, %add3A_865 : i32
    %dma_start3A_867 = arith.constant 0 : i32
    %dma_start3A_868 = arith.constant 0 : i32
    %dma_start3A_869 = tpu.memref_slice %arg4[%add3A_866, %dma_start3A_867, %dma_start3A_868] : memref<16384x56x128xf32, #tpu.memory_space<hbm>> -> memref<8x50x64xf32, #tpu.memory_space<hbm>>
    %dma_start3A_870 = arith.constant 0 : i32
    %dma_start3A_871 = arith.constant 0 : i32
    %dma_start3A_872 = tpu.memref_slice %arg4[%add3A_866, %dma_start3A_870, %dma_start3A_871] : memref<16384x56x128xf32, #tpu.memory_space<hbm>> -> memref<8x50x64xf32, #tpu.memory_space<hbm>>
    tpu.enqueue_dma source(%arg11 : memref<8x50x64xf32, #tpu.memory_space<vmem>>) target(%dma_start3A_872 : memref<8x50x64xf32, #tpu.memory_space<hbm>>) target_semaphore(%arg23 : memref<!tpu.dma_semaphore, #tpu.memory_space<semaphore_mem>>)
    %add3A_873 = arith.constant 496 : i32
    %add3A_874 = arith.addi %mul3A_2, %add3A_873 : i32
    %dma_start3A_875 = arith.constant 0 : i32
    %dma_start3A_876 = tpu.memref_slice %arg2[%add3A_874, %dma_start3A_875] : memref<16384x50xi32, #tpu.memory_space<hbm>> -> memref<8x50xi32, #tpu.memory_space<hbm>>
    %dma_start3A_877 = arith.constant 0 : i32
    %dma_start3A_878 = tpu.memref_slice %arg2[%add3A_874, %dma_start3A_877] : memref<16384x50xi32, #tpu.memory_space<hbm>> -> memref<8x50xi32, #tpu.memory_space<hbm>>
    tpu.enqueue_dma source(%dma_start3A_878 : memref<8x50xi32, #tpu.memory_space<hbm>>) target(%arg7 : memref<8x50xi32, #tpu.memory_space<vmem>>) target_semaphore(%arg15 : memref<!tpu.dma_semaphore, #tpu.memory_space<semaphore_mem>>)
    %add3A_879 = arith.constant 456 : i32
    %add3A_880 = arith.addi %mul3A_2, %add3A_879 : i32
    %dma_wait3A_881 = arith.constant 0 : i32
    %dma_wait3A_882 = arith.constant 0 : i32
    %dma_wait3A_883 = tpu.memref_slice %arg4[%add3A_880, %dma_wait3A_881, %dma_wait3A_882] : memref<16384x56x128xf32, #tpu.memory_space<hbm>> -> memref<8x50x64xf32, #tpu.memory_space<hbm>>
    %dma_wait3A_884 = arith.constant 0 : i32
    %dma_wait3A_885 = arith.constant 0 : i32
    %dma_wait3A_886 = tpu.memref_slice %arg4[%add3A_880, %dma_wait3A_884, %dma_wait3A_885] : memref<16384x56x128xf32, #tpu.memory_space<hbm>> -> memref<8x50x64xf32, #tpu.memory_space<hbm>>
    tpu.wait_dma2 semaphore(%arg22 : memref<!tpu.dma_semaphore, #tpu.memory_space<semaphore_mem>>) src(%arg10 : memref<8x50x64xf32, #tpu.memory_space<vmem>>) dst(%dma_wait3A_886 : memref<8x50x64xf32, #tpu.memory_space<hbm>>)
    %add3A_887 = arith.constant 488 : i32
    %add3A_888 = arith.addi %mul3A_2, %add3A_887 : i32
    %dma_wait3A_889 = arith.constant 0 : i32
    %dma_wait3A_890 = tpu.memref_slice %arg2[%add3A_888, %dma_wait3A_889] : memref<16384x50xi32, #tpu.memory_space<hbm>> -> memref<8x50xi32, #tpu.memory_space<hbm>>
    %dma_wait3A_891 = arith.constant 0 : i32
    %dma_wait3A_892 = tpu.memref_slice %arg2[%add3A_888, %dma_wait3A_891] : memref<16384x50xi32, #tpu.memory_space<hbm>> -> memref<8x50xi32, #tpu.memory_space<hbm>>
    tpu.wait_dma2 semaphore(%arg14 : memref<!tpu.dma_semaphore, #tpu.memory_space<semaphore_mem>>) src(%dma_wait3A_892 : memref<8x50xi32, #tpu.memory_space<hbm>>) dst(%arg6 : memref<8x50xi32, #tpu.memory_space<vmem>>)
    %dma_start3A_893 = arith.constant 0 : i32
    %dma_start3A_894 = arith.constant 0 : i32
    %dma_start3A_895 = arith.constant 0 : i32
    %dma_start3A_896 = arith.constant 0 : i32
    %dma_start3A_897 = tpu.memref_slice %arg10[%dma_start3A_894, %dma_start3A_895, %dma_start3A_896] : memref<8x50x64xf32, #tpu.memory_space<vmem>> -> memref<1x50x64xf32, #tpu.memory_space<vmem>>
    %dma_start3A_898 = tpu.memref_squeeze %dma_start3A_897 : memref<1x50x64xf32, #tpu.memory_space<vmem>> -> memref<50x64xf32, #tpu.memory_space<vmem>>
    %dma_start3A_899 = arith.constant 0 : i32
    %dma_start3A_900 = tpu.memref_slice %arg6[%dma_start3A_893, %dma_start3A_899] : memref<8x50xi32, #tpu.memory_space<vmem>> -> memref<1x50xi32, #tpu.memory_space<vmem>>
    %dma_start3A_901 = tpu.memref_squeeze %dma_start3A_900 : memref<1x50xi32, #tpu.memory_space<vmem>> -> memref<50xi32, #tpu.memory_space<vmem>>
    %dma_start3A_902 = arith.constant 0 : i32
    %dma_start3A_903 = arith.constant 0 : i32
    %dma_start3A_904 = tpu.memref_slice %arg3[%dma_start3A_902, %dma_start3A_903] : memref<2000000x64xf32, #tpu.memory_space<hbm>> -> memref<2000000x64xf32, #tpu.memory_space<hbm>>
    tpu.enqueue_indirect_dma source(%dma_start3A_904 : memref<2000000x64xf32, #tpu.memory_space<hbm>>) target(%dma_start3A_898 : memref<50x64xf32, #tpu.memory_space<vmem>>) offsets(%dma_start3A_901 : memref<50xi32, #tpu.memory_space<vmem>>) semaphore(%arg18 : memref<!tpu.dma_semaphore, #tpu.memory_space<semaphore_mem>>)
    %dma_start3A_905 = arith.constant 1 : i32
    %dma_start3A_906 = arith.constant 1 : i32
    %dma_start3A_907 = arith.constant 0 : i32
    %dma_start3A_908 = arith.constant 0 : i32
    %dma_start3A_909 = tpu.memref_slice %arg10[%dma_start3A_906, %dma_start3A_907, %dma_start3A_908] : memref<8x50x64xf32, #tpu.memory_space<vmem>> -> memref<1x50x64xf32, #tpu.memory_space<vmem>>
    %dma_start3A_910 = tpu.memref_squeeze %dma_start3A_909 : memref<1x50x64xf32, #tpu.memory_space<vmem>> -> memref<50x64xf32, #tpu.memory_space<vmem>>
    %dma_start3A_911 = arith.constant 0 : i32
    %dma_start3A_912 = tpu.memref_slice %arg6[%dma_start3A_905, %dma_start3A_911] : memref<8x50xi32, #tpu.memory_space<vmem>> -> memref<1x50xi32, #tpu.memory_space<vmem>>
    %dma_start3A_913 = tpu.memref_squeeze %dma_start3A_912 : memref<1x50xi32, #tpu.memory_space<vmem>> -> memref<50xi32, #tpu.memory_space<vmem>>
    %dma_start3A_914 = arith.constant 0 : i32
    %dma_start3A_915 = arith.constant 0 : i32
    %dma_start3A_916 = tpu.memref_slice %arg3[%dma_start3A_914, %dma_start3A_915] : memref<2000000x64xf32, #tpu.memory_space<hbm>> -> memref<2000000x64xf32, #tpu.memory_space<hbm>>
    tpu.enqueue_indirect_dma source(%dma_start3A_916 : memref<2000000x64xf32, #tpu.memory_space<hbm>>) target(%dma_start3A_910 : memref<50x64xf32, #tpu.memory_space<vmem>>) offsets(%dma_start3A_913 : memref<50xi32, #tpu.memory_space<vmem>>) semaphore(%arg18 : memref<!tpu.dma_semaphore, #tpu.memory_space<semaphore_mem>>)
    %dma_start3A_917 = arith.constant 2 : i32
    %dma_start3A_918 = arith.constant 2 : i32
    %dma_start3A_919 = arith.constant 0 : i32
    %dma_start3A_920 = arith.constant 0 : i32
    %dma_start3A_921 = tpu.memref_slice %arg10[%dma_start3A_918, %dma_start3A_919, %dma_start3A_920] : memref<8x50x64xf32, #tpu.memory_space<vmem>> -> memref<1x50x64xf32, #tpu.memory_space<vmem>>
    %dma_start3A_922 = tpu.memref_squeeze %dma_start3A_921 : memref<1x50x64xf32, #tpu.memory_space<vmem>> -> memref<50x64xf32, #tpu.memory_space<vmem>>
    %dma_start3A_923 = arith.constant 0 : i32
    %dma_start3A_924 = tpu.memref_slice %arg6[%dma_start3A_917, %dma_start3A_923] : memref<8x50xi32, #tpu.memory_space<vmem>> -> memref<1x50xi32, #tpu.memory_space<vmem>>
    %dma_start3A_925 = tpu.memref_squeeze %dma_start3A_924 : memref<1x50xi32, #tpu.memory_space<vmem>> -> memref<50xi32, #tpu.memory_space<vmem>>
    %dma_start3A_926 = arith.constant 0 : i32
    %dma_start3A_927 = arith.constant 0 : i32
    %dma_start3A_928 = tpu.memref_slice %arg3[%dma_start3A_926, %dma_start3A_927] : memref<2000000x64xf32, #tpu.memory_space<hbm>> -> memref<2000000x64xf32, #tpu.memory_space<hbm>>
    tpu.enqueue_indirect_dma source(%dma_start3A_928 : memref<2000000x64xf32, #tpu.memory_space<hbm>>) target(%dma_start3A_922 : memref<50x64xf32, #tpu.memory_space<vmem>>) offsets(%dma_start3A_925 : memref<50xi32, #tpu.memory_space<vmem>>) semaphore(%arg18 : memref<!tpu.dma_semaphore, #tpu.memory_space<semaphore_mem>>)
    %dma_start3A_929 = arith.constant 3 : i32
    %dma_start3A_930 = arith.constant 3 : i32
    %dma_start3A_931 = arith.constant 0 : i32
    %dma_start3A_932 = arith.constant 0 : i32
    %dma_start3A_933 = tpu.memref_slice %arg10[%dma_start3A_930, %dma_start3A_931, %dma_start3A_932] : memref<8x50x64xf32, #tpu.memory_space<vmem>> -> memref<1x50x64xf32, #tpu.memory_space<vmem>>
    %dma_start3A_934 = tpu.memref_squeeze %dma_start3A_933 : memref<1x50x64xf32, #tpu.memory_space<vmem>> -> memref<50x64xf32, #tpu.memory_space<vmem>>
    %dma_start3A_935 = arith.constant 0 : i32
    %dma_start3A_936 = tpu.memref_slice %arg6[%dma_start3A_929, %dma_start3A_935] : memref<8x50xi32, #tpu.memory_space<vmem>> -> memref<1x50xi32, #tpu.memory_space<vmem>>
    %dma_start3A_937 = tpu.memref_squeeze %dma_start3A_936 : memref<1x50xi32, #tpu.memory_space<vmem>> -> memref<50xi32, #tpu.memory_space<vmem>>
    %dma_start3A_938 = arith.constant 0 : i32
    %dma_start3A_939 = arith.constant 0 : i32
    %dma_start3A_940 = tpu.memref_slice %arg3[%dma_start3A_938, %dma_start3A_939] : memref<2000000x64xf32, #tpu.memory_space<hbm>> -> memref<2000000x64xf32, #tpu.memory_space<hbm>>
    tpu.enqueue_indirect_dma source(%dma_start3A_940 : memref<2000000x64xf32, #tpu.memory_space<hbm>>) target(%dma_start3A_934 : memref<50x64xf32, #tpu.memory_space<vmem>>) offsets(%dma_start3A_937 : memref<50xi32, #tpu.memory_space<vmem>>) semaphore(%arg18 : memref<!tpu.dma_semaphore, #tpu.memory_space<semaphore_mem>>)
    %dma_start3A_941 = arith.constant 4 : i32
    %dma_start3A_942 = arith.constant 4 : i32
    %dma_start3A_943 = arith.constant 0 : i32
    %dma_start3A_944 = arith.constant 0 : i32
    %dma_start3A_945 = tpu.memref_slice %arg10[%dma_start3A_942, %dma_start3A_943, %dma_start3A_944] : memref<8x50x64xf32, #tpu.memory_space<vmem>> -> memref<1x50x64xf32, #tpu.memory_space<vmem>>
    %dma_start3A_946 = tpu.memref_squeeze %dma_start3A_945 : memref<1x50x64xf32, #tpu.memory_space<vmem>> -> memref<50x64xf32, #tpu.memory_space<vmem>>
    %dma_start3A_947 = arith.constant 0 : i32
    %dma_start3A_948 = tpu.memref_slice %arg6[%dma_start3A_941, %dma_start3A_947] : memref<8x50xi32, #tpu.memory_space<vmem>> -> memref<1x50xi32, #tpu.memory_space<vmem>>
    %dma_start3A_949 = tpu.memref_squeeze %dma_start3A_948 : memref<1x50xi32, #tpu.memory_space<vmem>> -> memref<50xi32, #tpu.memory_space<vmem>>
    %dma_start3A_950 = arith.constant 0 : i32
    %dma_start3A_951 = arith.constant 0 : i32
    %dma_start3A_952 = tpu.memref_slice %arg3[%dma_start3A_950, %dma_start3A_951] : memref<2000000x64xf32, #tpu.memory_space<hbm>> -> memref<2000000x64xf32, #tpu.memory_space<hbm>>
    tpu.enqueue_indirect_dma source(%dma_start3A_952 : memref<2000000x64xf32, #tpu.memory_space<hbm>>) target(%dma_start3A_946 : memref<50x64xf32, #tpu.memory_space<vmem>>) offsets(%dma_start3A_949 : memref<50xi32, #tpu.memory_space<vmem>>) semaphore(%arg18 : memref<!tpu.dma_semaphore, #tpu.memory_space<semaphore_mem>>)
    %dma_start3A_953 = arith.constant 5 : i32
    %dma_start3A_954 = arith.constant 5 : i32
    %dma_start3A_955 = arith.constant 0 : i32
    %dma_start3A_956 = arith.constant 0 : i32
    %dma_start3A_957 = tpu.memref_slice %arg10[%dma_start3A_954, %dma_start3A_955, %dma_start3A_956] : memref<8x50x64xf32, #tpu.memory_space<vmem>> -> memref<1x50x64xf32, #tpu.memory_space<vmem>>
    %dma_start3A_958 = tpu.memref_squeeze %dma_start3A_957 : memref<1x50x64xf32, #tpu.memory_space<vmem>> -> memref<50x64xf32, #tpu.memory_space<vmem>>
    %dma_start3A_959 = arith.constant 0 : i32
    %dma_start3A_960 = tpu.memref_slice %arg6[%dma_start3A_953, %dma_start3A_959] : memref<8x50xi32, #tpu.memory_space<vmem>> -> memref<1x50xi32, #tpu.memory_space<vmem>>
    %dma_start3A_961 = tpu.memref_squeeze %dma_start3A_960 : memref<1x50xi32, #tpu.memory_space<vmem>> -> memref<50xi32, #tpu.memory_space<vmem>>
    %dma_start3A_962 = arith.constant 0 : i32
    %dma_start3A_963 = arith.constant 0 : i32
    %dma_start3A_964 = tpu.memref_slice %arg3[%dma_start3A_962, %dma_start3A_963] : memref<2000000x64xf32, #tpu.memory_space<hbm>> -> memref<2000000x64xf32, #tpu.memory_space<hbm>>
    tpu.enqueue_indirect_dma source(%dma_start3A_964 : memref<2000000x64xf32, #tpu.memory_space<hbm>>) target(%dma_start3A_958 : memref<50x64xf32, #tpu.memory_space<vmem>>) offsets(%dma_start3A_961 : memref<50xi32, #tpu.memory_space<vmem>>) semaphore(%arg18 : memref<!tpu.dma_semaphore, #tpu.memory_space<semaphore_mem>>)
    %dma_start3A_965 = arith.constant 6 : i32
    %dma_start3A_966 = arith.constant 6 : i32
    %dma_start3A_967 = arith.constant 0 : i32
    %dma_start3A_968 = arith.constant 0 : i32
    %dma_start3A_969 = tpu.memref_slice %arg10[%dma_start3A_966, %dma_start3A_967, %dma_start3A_968] : memref<8x50x64xf32, #tpu.memory_space<vmem>> -> memref<1x50x64xf32, #tpu.memory_space<vmem>>
    %dma_start3A_970 = tpu.memref_squeeze %dma_start3A_969 : memref<1x50x64xf32, #tpu.memory_space<vmem>> -> memref<50x64xf32, #tpu.memory_space<vmem>>
    %dma_start3A_971 = arith.constant 0 : i32
    %dma_start3A_972 = tpu.memref_slice %arg6[%dma_start3A_965, %dma_start3A_971] : memref<8x50xi32, #tpu.memory_space<vmem>> -> memref<1x50xi32, #tpu.memory_space<vmem>>
    %dma_start3A_973 = tpu.memref_squeeze %dma_start3A_972 : memref<1x50xi32, #tpu.memory_space<vmem>> -> memref<50xi32, #tpu.memory_space<vmem>>
    %dma_start3A_974 = arith.constant 0 : i32
    %dma_start3A_975 = arith.constant 0 : i32
    %dma_start3A_976 = tpu.memref_slice %arg3[%dma_start3A_974, %dma_start3A_975] : memref<2000000x64xf32, #tpu.memory_space<hbm>> -> memref<2000000x64xf32, #tpu.memory_space<hbm>>
    tpu.enqueue_indirect_dma source(%dma_start3A_976 : memref<2000000x64xf32, #tpu.memory_space<hbm>>) target(%dma_start3A_970 : memref<50x64xf32, #tpu.memory_space<vmem>>) offsets(%dma_start3A_973 : memref<50xi32, #tpu.memory_space<vmem>>) semaphore(%arg18 : memref<!tpu.dma_semaphore, #tpu.memory_space<semaphore_mem>>)
    %dma_start3A_977 = arith.constant 7 : i32
    %dma_start3A_978 = arith.constant 7 : i32
    %dma_start3A_979 = arith.constant 0 : i32
    %dma_start3A_980 = arith.constant 0 : i32
    %dma_start3A_981 = tpu.memref_slice %arg10[%dma_start3A_978, %dma_start3A_979, %dma_start3A_980] : memref<8x50x64xf32, #tpu.memory_space<vmem>> -> memref<1x50x64xf32, #tpu.memory_space<vmem>>
    %dma_start3A_982 = tpu.memref_squeeze %dma_start3A_981 : memref<1x50x64xf32, #tpu.memory_space<vmem>> -> memref<50x64xf32, #tpu.memory_space<vmem>>
    %dma_start3A_983 = arith.constant 0 : i32
    %dma_start3A_984 = tpu.memref_slice %arg6[%dma_start3A_977, %dma_start3A_983] : memref<8x50xi32, #tpu.memory_space<vmem>> -> memref<1x50xi32, #tpu.memory_space<vmem>>
    %dma_start3A_985 = tpu.memref_squeeze %dma_start3A_984 : memref<1x50xi32, #tpu.memory_space<vmem>> -> memref<50xi32, #tpu.memory_space<vmem>>
    %dma_start3A_986 = arith.constant 0 : i32
    %dma_start3A_987 = arith.constant 0 : i32
    %dma_start3A_988 = tpu.memref_slice %arg3[%dma_start3A_986, %dma_start3A_987] : memref<2000000x64xf32, #tpu.memory_space<hbm>> -> memref<2000000x64xf32, #tpu.memory_space<hbm>>
    tpu.enqueue_indirect_dma source(%dma_start3A_988 : memref<2000000x64xf32, #tpu.memory_space<hbm>>) target(%dma_start3A_982 : memref<50x64xf32, #tpu.memory_space<vmem>>) offsets(%dma_start3A_985 : memref<50xi32, #tpu.memory_space<vmem>>) semaphore(%arg18 : memref<!tpu.dma_semaphore, #tpu.memory_space<semaphore_mem>>)
    %dma_wait3A_989 = arith.constant 0 : i32
    %dma_wait3A_990 = arith.constant 0 : i32
    %dma_wait3A_991 = arith.constant 0 : i32
    %dma_wait3A_992 = arith.constant 0 : i32
    %dma_wait3A_993 = tpu.memref_slice %arg12[%dma_wait3A_990, %dma_wait3A_991, %dma_wait3A_992] : memref<8x50x64xf32, #tpu.memory_space<vmem>> -> memref<1x50x64xf32, #tpu.memory_space<vmem>>
    %dma_wait3A_994 = tpu.memref_squeeze %dma_wait3A_993 : memref<1x50x64xf32, #tpu.memory_space<vmem>> -> memref<50x64xf32, #tpu.memory_space<vmem>>
    %dma_wait3A_995 = arith.constant 0 : i32
    %dma_wait3A_996 = tpu.memref_slice %arg8[%dma_wait3A_989, %dma_wait3A_995] : memref<8x50xi32, #tpu.memory_space<vmem>> -> memref<1x50xi32, #tpu.memory_space<vmem>>
    %dma_wait3A_997 = tpu.memref_squeeze %dma_wait3A_996 : memref<1x50xi32, #tpu.memory_space<vmem>> -> memref<50xi32, #tpu.memory_space<vmem>>
    %dma_wait3A_998 = arith.constant 0 : i32
    %dma_wait3A_999 = arith.constant 0 : i32
    %dma_wait3A_1000 = tpu.memref_slice %arg3[%dma_wait3A_998, %dma_wait3A_999] : memref<2000000x64xf32, #tpu.memory_space<hbm>> -> memref<2000000x64xf32, #tpu.memory_space<hbm>>
    tpu.wait_indirect_dma semaphore(%arg20 : memref<!tpu.dma_semaphore, #tpu.memory_space<semaphore_mem>>) src(%dma_wait3A_1000 : memref<2000000x64xf32, #tpu.memory_space<hbm>>) dst(%dma_wait3A_994 : memref<50x64xf32, #tpu.memory_space<vmem>>)
    %dma_wait3A_1001 = arith.constant 1 : i32
    %dma_wait3A_1002 = arith.constant 1 : i32
    %dma_wait3A_1003 = arith.constant 0 : i32
    %dma_wait3A_1004 = arith.constant 0 : i32
    %dma_wait3A_1005 = tpu.memref_slice %arg12[%dma_wait3A_1002, %dma_wait3A_1003, %dma_wait3A_1004] : memref<8x50x64xf32, #tpu.memory_space<vmem>> -> memref<1x50x64xf32, #tpu.memory_space<vmem>>
    %dma_wait3A_1006 = tpu.memref_squeeze %dma_wait3A_1005 : memref<1x50x64xf32, #tpu.memory_space<vmem>> -> memref<50x64xf32, #tpu.memory_space<vmem>>
    %dma_wait3A_1007 = arith.constant 0 : i32
    %dma_wait3A_1008 = tpu.memref_slice %arg8[%dma_wait3A_1001, %dma_wait3A_1007] : memref<8x50xi32, #tpu.memory_space<vmem>> -> memref<1x50xi32, #tpu.memory_space<vmem>>
    %dma_wait3A_1009 = tpu.memref_squeeze %dma_wait3A_1008 : memref<1x50xi32, #tpu.memory_space<vmem>> -> memref<50xi32, #tpu.memory_space<vmem>>
    %dma_wait3A_1010 = arith.constant 0 : i32
    %dma_wait3A_1011 = arith.constant 0 : i32
    %dma_wait3A_1012 = tpu.memref_slice %arg3[%dma_wait3A_1010, %dma_wait3A_1011] : memref<2000000x64xf32, #tpu.memory_space<hbm>> -> memref<2000000x64xf32, #tpu.memory_space<hbm>>
    tpu.wait_indirect_dma semaphore(%arg20 : memref<!tpu.dma_semaphore, #tpu.memory_space<semaphore_mem>>) src(%dma_wait3A_1012 : memref<2000000x64xf32, #tpu.memory_space<hbm>>) dst(%dma_wait3A_1006 : memref<50x64xf32, #tpu.memory_space<vmem>>)
    %dma_wait3A_1013 = arith.constant 2 : i32
    %dma_wait3A_1014 = arith.constant 2 : i32
    %dma_wait3A_1015 = arith.constant 0 : i32
    %dma_wait3A_1016 = arith.constant 0 : i32
    %dma_wait3A_1017 = tpu.memref_slice %arg12[%dma_wait3A_1014, %dma_wait3A_1015, %dma_wait3A_1016] : memref<8x50x64xf32, #tpu.memory_space<vmem>> -> memref<1x50x64xf32, #tpu.memory_space<vmem>>
    %dma_wait3A_1018 = tpu.memref_squeeze %dma_wait3A_1017 : memref<1x50x64xf32, #tpu.memory_space<vmem>> -> memref<50x64xf32, #tpu.memory_space<vmem>>
    %dma_wait3A_1019 = arith.constant 0 : i32
    %dma_wait3A_1020 = tpu.memref_slice %arg8[%dma_wait3A_1013, %dma_wait3A_1019] : memref<8x50xi32, #tpu.memory_space<vmem>> -> memref<1x50xi32, #tpu.memory_space<vmem>>
    %dma_wait3A_1021 = tpu.memref_squeeze %dma_wait3A_1020 : memref<1x50xi32, #tpu.memory_space<vmem>> -> memref<50xi32, #tpu.memory_space<vmem>>
    %dma_wait3A_1022 = arith.constant 0 : i32
    %dma_wait3A_1023 = arith.constant 0 : i32
    %dma_wait3A_1024 = tpu.memref_slice %arg3[%dma_wait3A_1022, %dma_wait3A_1023] : memref<2000000x64xf32, #tpu.memory_space<hbm>> -> memref<2000000x64xf32, #tpu.memory_space<hbm>>
    tpu.wait_indirect_dma semaphore(%arg20 : memref<!tpu.dma_semaphore, #tpu.memory_space<semaphore_mem>>) src(%dma_wait3A_1024 : memref<2000000x64xf32, #tpu.memory_space<hbm>>) dst(%dma_wait3A_1018 : memref<50x64xf32, #tpu.memory_space<vmem>>)
    %dma_wait3A_1025 = arith.constant 3 : i32
    %dma_wait3A_1026 = arith.constant 3 : i32
    %dma_wait3A_1027 = arith.constant 0 : i32
    %dma_wait3A_1028 = arith.constant 0 : i32
    %dma_wait3A_1029 = tpu.memref_slice %arg12[%dma_wait3A_1026, %dma_wait3A_1027, %dma_wait3A_1028] : memref<8x50x64xf32, #tpu.memory_space<vmem>> -> memref<1x50x64xf32, #tpu.memory_space<vmem>>
    %dma_wait3A_1030 = tpu.memref_squeeze %dma_wait3A_1029 : memref<1x50x64xf32, #tpu.memory_space<vmem>> -> memref<50x64xf32, #tpu.memory_space<vmem>>
    %dma_wait3A_1031 = arith.constant 0 : i32
    %dma_wait3A_1032 = tpu.memref_slice %arg8[%dma_wait3A_1025, %dma_wait3A_1031] : memref<8x50xi32, #tpu.memory_space<vmem>> -> memref<1x50xi32, #tpu.memory_space<vmem>>
    %dma_wait3A_1033 = tpu.memref_squeeze %dma_wait3A_1032 : memref<1x50xi32, #tpu.memory_space<vmem>> -> memref<50xi32, #tpu.memory_space<vmem>>
    %dma_wait3A_1034 = arith.constant 0 : i32
    %dma_wait3A_1035 = arith.constant 0 : i32
    %dma_wait3A_1036 = tpu.memref_slice %arg3[%dma_wait3A_1034, %dma_wait3A_1035] : memref<2000000x64xf32, #tpu.memory_space<hbm>> -> memref<2000000x64xf32, #tpu.memory_space<hbm>>
    tpu.wait_indirect_dma semaphore(%arg20 : memref<!tpu.dma_semaphore, #tpu.memory_space<semaphore_mem>>) src(%dma_wait3A_1036 : memref<2000000x64xf32, #tpu.memory_space<hbm>>) dst(%dma_wait3A_1030 : memref<50x64xf32, #tpu.memory_space<vmem>>)
    %dma_wait3A_1037 = arith.constant 4 : i32
    %dma_wait3A_1038 = arith.constant 4 : i32
    %dma_wait3A_1039 = arith.constant 0 : i32
    %dma_wait3A_1040 = arith.constant 0 : i32
    %dma_wait3A_1041 = tpu.memref_slice %arg12[%dma_wait3A_1038, %dma_wait3A_1039, %dma_wait3A_1040] : memref<8x50x64xf32, #tpu.memory_space<vmem>> -> memref<1x50x64xf32, #tpu.memory_space<vmem>>
    %dma_wait3A_1042 = tpu.memref_squeeze %dma_wait3A_1041 : memref<1x50x64xf32, #tpu.memory_space<vmem>> -> memref<50x64xf32, #tpu.memory_space<vmem>>
    %dma_wait3A_1043 = arith.constant 0 : i32
    %dma_wait3A_1044 = tpu.memref_slice %arg8[%dma_wait3A_1037, %dma_wait3A_1043] : memref<8x50xi32, #tpu.memory_space<vmem>> -> memref<1x50xi32, #tpu.memory_space<vmem>>
    %dma_wait3A_1045 = tpu.memref_squeeze %dma_wait3A_1044 : memref<1x50xi32, #tpu.memory_space<vmem>> -> memref<50xi32, #tpu.memory_space<vmem>>
    %dma_wait3A_1046 = arith.constant 0 : i32
    %dma_wait3A_1047 = arith.constant 0 : i32
    %dma_wait3A_1048 = tpu.memref_slice %arg3[%dma_wait3A_1046, %dma_wait3A_1047] : memref<2000000x64xf32, #tpu.memory_space<hbm>> -> memref<2000000x64xf32, #tpu.memory_space<hbm>>
    tpu.wait_indirect_dma semaphore(%arg20 : memref<!tpu.dma_semaphore, #tpu.memory_space<semaphore_mem>>) src(%dma_wait3A_1048 : memref<2000000x64xf32, #tpu.memory_space<hbm>>) dst(%dma_wait3A_1042 : memref<50x64xf32, #tpu.memory_space<vmem>>)
    %dma_wait3A_1049 = arith.constant 5 : i32
    %dma_wait3A_1050 = arith.constant 5 : i32
    %dma_wait3A_1051 = arith.constant 0 : i32
    %dma_wait3A_1052 = arith.constant 0 : i32
    %dma_wait3A_1053 = tpu.memref_slice %arg12[%dma_wait3A_1050, %dma_wait3A_1051, %dma_wait3A_1052] : memref<8x50x64xf32, #tpu.memory_space<vmem>> -> memref<1x50x64xf32, #tpu.memory_space<vmem>>
    %dma_wait3A_1054 = tpu.memref_squeeze %dma_wait3A_1053 : memref<1x50x64xf32, #tpu.memory_space<vmem>> -> memref<50x64xf32, #tpu.memory_space<vmem>>
    %dma_wait3A_1055 = arith.constant 0 : i32
    %dma_wait3A_1056 = tpu.memref_slice %arg8[%dma_wait3A_1049, %dma_wait3A_1055] : memref<8x50xi32, #tpu.memory_space<vmem>> -> memref<1x50xi32, #tpu.memory_space<vmem>>
    %dma_wait3A_1057 = tpu.memref_squeeze %dma_wait3A_1056 : memref<1x50xi32, #tpu.memory_space<vmem>> -> memref<50xi32, #tpu.memory_space<vmem>>
    %dma_wait3A_1058 = arith.constant 0 : i32
    %dma_wait3A_1059 = arith.constant 0 : i32
    %dma_wait3A_1060 = tpu.memref_slice %arg3[%dma_wait3A_1058, %dma_wait3A_1059] : memref<2000000x64xf32, #tpu.memory_space<hbm>> -> memref<2000000x64xf32, #tpu.memory_space<hbm>>
    tpu.wait_indirect_dma semaphore(%arg20 : memref<!tpu.dma_semaphore, #tpu.memory_space<semaphore_mem>>) src(%dma_wait3A_1060 : memref<2000000x64xf32, #tpu.memory_space<hbm>>) dst(%dma_wait3A_1054 : memref<50x64xf32, #tpu.memory_space<vmem>>)
    %dma_wait3A_1061 = arith.constant 6 : i32
    %dma_wait3A_1062 = arith.constant 6 : i32
    %dma_wait3A_1063 = arith.constant 0 : i32
    %dma_wait3A_1064 = arith.constant 0 : i32
    %dma_wait3A_1065 = tpu.memref_slice %arg12[%dma_wait3A_1062, %dma_wait3A_1063, %dma_wait3A_1064] : memref<8x50x64xf32, #tpu.memory_space<vmem>> -> memref<1x50x64xf32, #tpu.memory_space<vmem>>
    %dma_wait3A_1066 = tpu.memref_squeeze %dma_wait3A_1065 : memref<1x50x64xf32, #tpu.memory_space<vmem>> -> memref<50x64xf32, #tpu.memory_space<vmem>>
    %dma_wait3A_1067 = arith.constant 0 : i32
    %dma_wait3A_1068 = tpu.memref_slice %arg8[%dma_wait3A_1061, %dma_wait3A_1067] : memref<8x50xi32, #tpu.memory_space<vmem>> -> memref<1x50xi32, #tpu.memory_space<vmem>>
    %dma_wait3A_1069 = tpu.memref_squeeze %dma_wait3A_1068 : memref<1x50xi32, #tpu.memory_space<vmem>> -> memref<50xi32, #tpu.memory_space<vmem>>
    %dma_wait3A_1070 = arith.constant 0 : i32
    %dma_wait3A_1071 = arith.constant 0 : i32
    %dma_wait3A_1072 = tpu.memref_slice %arg3[%dma_wait3A_1070, %dma_wait3A_1071] : memref<2000000x64xf32, #tpu.memory_space<hbm>> -> memref<2000000x64xf32, #tpu.memory_space<hbm>>
    tpu.wait_indirect_dma semaphore(%arg20 : memref<!tpu.dma_semaphore, #tpu.memory_space<semaphore_mem>>) src(%dma_wait3A_1072 : memref<2000000x64xf32, #tpu.memory_space<hbm>>) dst(%dma_wait3A_1066 : memref<50x64xf32, #tpu.memory_space<vmem>>)
    %dma_wait3A_1073 = arith.constant 7 : i32
    %dma_wait3A_1074 = arith.constant 7 : i32
    %dma_wait3A_1075 = arith.constant 0 : i32
    %dma_wait3A_1076 = arith.constant 0 : i32
    %dma_wait3A_1077 = tpu.memref_slice %arg12[%dma_wait3A_1074, %dma_wait3A_1075, %dma_wait3A_1076] : memref<8x50x64xf32, #tpu.memory_space<vmem>> -> memref<1x50x64xf32, #tpu.memory_space<vmem>>
    %dma_wait3A_1078 = tpu.memref_squeeze %dma_wait3A_1077 : memref<1x50x64xf32, #tpu.memory_space<vmem>> -> memref<50x64xf32, #tpu.memory_space<vmem>>
    %dma_wait3A_1079 = arith.constant 0 : i32
    %dma_wait3A_1080 = tpu.memref_slice %arg8[%dma_wait3A_1073, %dma_wait3A_1079] : memref<8x50xi32, #tpu.memory_space<vmem>> -> memref<1x50xi32, #tpu.memory_space<vmem>>
    %dma_wait3A_1081 = tpu.memref_squeeze %dma_wait3A_1080 : memref<1x50xi32, #tpu.memory_space<vmem>> -> memref<50xi32, #tpu.memory_space<vmem>>
    %dma_wait3A_1082 = arith.constant 0 : i32
    %dma_wait3A_1083 = arith.constant 0 : i32
    %dma_wait3A_1084 = tpu.memref_slice %arg3[%dma_wait3A_1082, %dma_wait3A_1083] : memref<2000000x64xf32, #tpu.memory_space<hbm>> -> memref<2000000x64xf32, #tpu.memory_space<hbm>>
    tpu.wait_indirect_dma semaphore(%arg20 : memref<!tpu.dma_semaphore, #tpu.memory_space<semaphore_mem>>) src(%dma_wait3A_1084 : memref<2000000x64xf32, #tpu.memory_space<hbm>>) dst(%dma_wait3A_1078 : memref<50x64xf32, #tpu.memory_space<vmem>>)
    %add3A_1085 = arith.constant 472 : i32
    %add3A_1086 = arith.addi %mul3A_2, %add3A_1085 : i32
    %dma_start3A_1087 = arith.constant 0 : i32
    %dma_start3A_1088 = arith.constant 0 : i32
    %dma_start3A_1089 = tpu.memref_slice %arg4[%add3A_1086, %dma_start3A_1087, %dma_start3A_1088] : memref<16384x56x128xf32, #tpu.memory_space<hbm>> -> memref<8x50x64xf32, #tpu.memory_space<hbm>>
    %dma_start3A_1090 = arith.constant 0 : i32
    %dma_start3A_1091 = arith.constant 0 : i32
    %dma_start3A_1092 = tpu.memref_slice %arg4[%add3A_1086, %dma_start3A_1090, %dma_start3A_1091] : memref<16384x56x128xf32, #tpu.memory_space<hbm>> -> memref<8x50x64xf32, #tpu.memory_space<hbm>>
    tpu.enqueue_dma source(%arg12 : memref<8x50x64xf32, #tpu.memory_space<vmem>>) target(%dma_start3A_1092 : memref<8x50x64xf32, #tpu.memory_space<hbm>>) target_semaphore(%arg24 : memref<!tpu.dma_semaphore, #tpu.memory_space<semaphore_mem>>)
    %add3A_1093 = arith.constant 504 : i32
    %add3A_1094 = arith.addi %mul3A_2, %add3A_1093 : i32
    %dma_start3A_1095 = arith.constant 0 : i32
    %dma_start3A_1096 = tpu.memref_slice %arg2[%add3A_1094, %dma_start3A_1095] : memref<16384x50xi32, #tpu.memory_space<hbm>> -> memref<8x50xi32, #tpu.memory_space<hbm>>
    %dma_start3A_1097 = arith.constant 0 : i32
    %dma_start3A_1098 = tpu.memref_slice %arg2[%add3A_1094, %dma_start3A_1097] : memref<16384x50xi32, #tpu.memory_space<hbm>> -> memref<8x50xi32, #tpu.memory_space<hbm>>
    tpu.enqueue_dma source(%dma_start3A_1098 : memref<8x50xi32, #tpu.memory_space<hbm>>) target(%arg8 : memref<8x50xi32, #tpu.memory_space<vmem>>) target_semaphore(%arg16 : memref<!tpu.dma_semaphore, #tpu.memory_space<semaphore_mem>>)
    %add3A_1099 = arith.constant 464 : i32
    %add3A_1100 = arith.addi %mul3A_2, %add3A_1099 : i32
    %dma_wait3A_1101 = arith.constant 0 : i32
    %dma_wait3A_1102 = arith.constant 0 : i32
    %dma_wait3A_1103 = tpu.memref_slice %arg4[%add3A_1100, %dma_wait3A_1101, %dma_wait3A_1102] : memref<16384x56x128xf32, #tpu.memory_space<hbm>> -> memref<8x50x64xf32, #tpu.memory_space<hbm>>
    %dma_wait3A_1104 = arith.constant 0 : i32
    %dma_wait3A_1105 = arith.constant 0 : i32
    %dma_wait3A_1106 = tpu.memref_slice %arg4[%add3A_1100, %dma_wait3A_1104, %dma_wait3A_1105] : memref<16384x56x128xf32, #tpu.memory_space<hbm>> -> memref<8x50x64xf32, #tpu.memory_space<hbm>>
    tpu.wait_dma2 semaphore(%arg23 : memref<!tpu.dma_semaphore, #tpu.memory_space<semaphore_mem>>) src(%arg11 : memref<8x50x64xf32, #tpu.memory_space<vmem>>) dst(%dma_wait3A_1106 : memref<8x50x64xf32, #tpu.memory_space<hbm>>)
    %add3A_1107 = arith.constant 496 : i32
    %add3A_1108 = arith.addi %mul3A_2, %add3A_1107 : i32
    %dma_wait3A_1109 = arith.constant 0 : i32
    %dma_wait3A_1110 = tpu.memref_slice %arg2[%add3A_1108, %dma_wait3A_1109] : memref<16384x50xi32, #tpu.memory_space<hbm>> -> memref<8x50xi32, #tpu.memory_space<hbm>>
    %dma_wait3A_1111 = arith.constant 0 : i32
    %dma_wait3A_1112 = tpu.memref_slice %arg2[%add3A_1108, %dma_wait3A_1111] : memref<16384x50xi32, #tpu.memory_space<hbm>> -> memref<8x50xi32, #tpu.memory_space<hbm>>
    tpu.wait_dma2 semaphore(%arg15 : memref<!tpu.dma_semaphore, #tpu.memory_space<semaphore_mem>>) src(%dma_wait3A_1112 : memref<8x50xi32, #tpu.memory_space<hbm>>) dst(%arg7 : memref<8x50xi32, #tpu.memory_space<vmem>>)
    %dma_start3A_1113 = arith.constant 0 : i32
    %dma_start3A_1114 = arith.constant 0 : i32
    %dma_start3A_1115 = arith.constant 0 : i32
    %dma_start3A_1116 = arith.constant 0 : i32
    %dma_start3A_1117 = tpu.memref_slice %arg11[%dma_start3A_1114, %dma_start3A_1115, %dma_start3A_1116] : memref<8x50x64xf32, #tpu.memory_space<vmem>> -> memref<1x50x64xf32, #tpu.memory_space<vmem>>
    %dma_start3A_1118 = tpu.memref_squeeze %dma_start3A_1117 : memref<1x50x64xf32, #tpu.memory_space<vmem>> -> memref<50x64xf32, #tpu.memory_space<vmem>>
    %dma_start3A_1119 = arith.constant 0 : i32
    %dma_start3A_1120 = tpu.memref_slice %arg7[%dma_start3A_1113, %dma_start3A_1119] : memref<8x50xi32, #tpu.memory_space<vmem>> -> memref<1x50xi32, #tpu.memory_space<vmem>>
    %dma_start3A_1121 = tpu.memref_squeeze %dma_start3A_1120 : memref<1x50xi32, #tpu.memory_space<vmem>> -> memref<50xi32, #tpu.memory_space<vmem>>
    %dma_start3A_1122 = arith.constant 0 : i32
    %dma_start3A_1123 = arith.constant 0 : i32
    %dma_start3A_1124 = tpu.memref_slice %arg3[%dma_start3A_1122, %dma_start3A_1123] : memref<2000000x64xf32, #tpu.memory_space<hbm>> -> memref<2000000x64xf32, #tpu.memory_space<hbm>>
    tpu.enqueue_indirect_dma source(%dma_start3A_1124 : memref<2000000x64xf32, #tpu.memory_space<hbm>>) target(%dma_start3A_1118 : memref<50x64xf32, #tpu.memory_space<vmem>>) offsets(%dma_start3A_1121 : memref<50xi32, #tpu.memory_space<vmem>>) semaphore(%arg19 : memref<!tpu.dma_semaphore, #tpu.memory_space<semaphore_mem>>)
    %dma_start3A_1125 = arith.constant 1 : i32
    %dma_start3A_1126 = arith.constant 1 : i32
    %dma_start3A_1127 = arith.constant 0 : i32
    %dma_start3A_1128 = arith.constant 0 : i32
    %dma_start3A_1129 = tpu.memref_slice %arg11[%dma_start3A_1126, %dma_start3A_1127, %dma_start3A_1128] : memref<8x50x64xf32, #tpu.memory_space<vmem>> -> memref<1x50x64xf32, #tpu.memory_space<vmem>>
    %dma_start3A_1130 = tpu.memref_squeeze %dma_start3A_1129 : memref<1x50x64xf32, #tpu.memory_space<vmem>> -> memref<50x64xf32, #tpu.memory_space<vmem>>
    %dma_start3A_1131 = arith.constant 0 : i32
    %dma_start3A_1132 = tpu.memref_slice %arg7[%dma_start3A_1125, %dma_start3A_1131] : memref<8x50xi32, #tpu.memory_space<vmem>> -> memref<1x50xi32, #tpu.memory_space<vmem>>
    %dma_start3A_1133 = tpu.memref_squeeze %dma_start3A_1132 : memref<1x50xi32, #tpu.memory_space<vmem>> -> memref<50xi32, #tpu.memory_space<vmem>>
    %dma_start3A_1134 = arith.constant 0 : i32
    %dma_start3A_1135 = arith.constant 0 : i32
    %dma_start3A_1136 = tpu.memref_slice %arg3[%dma_start3A_1134, %dma_start3A_1135] : memref<2000000x64xf32, #tpu.memory_space<hbm>> -> memref<2000000x64xf32, #tpu.memory_space<hbm>>
    tpu.enqueue_indirect_dma source(%dma_start3A_1136 : memref<2000000x64xf32, #tpu.memory_space<hbm>>) target(%dma_start3A_1130 : memref<50x64xf32, #tpu.memory_space<vmem>>) offsets(%dma_start3A_1133 : memref<50xi32, #tpu.memory_space<vmem>>) semaphore(%arg19 : memref<!tpu.dma_semaphore, #tpu.memory_space<semaphore_mem>>)
    %dma_start3A_1137 = arith.constant 2 : i32
    %dma_start3A_1138 = arith.constant 2 : i32
    %dma_start3A_1139 = arith.constant 0 : i32
    %dma_start3A_1140 = arith.constant 0 : i32
    %dma_start3A_1141 = tpu.memref_slice %arg11[%dma_start3A_1138, %dma_start3A_1139, %dma_start3A_1140] : memref<8x50x64xf32, #tpu.memory_space<vmem>> -> memref<1x50x64xf32, #tpu.memory_space<vmem>>
    %dma_start3A_1142 = tpu.memref_squeeze %dma_start3A_1141 : memref<1x50x64xf32, #tpu.memory_space<vmem>> -> memref<50x64xf32, #tpu.memory_space<vmem>>
    %dma_start3A_1143 = arith.constant 0 : i32
    %dma_start3A_1144 = tpu.memref_slice %arg7[%dma_start3A_1137, %dma_start3A_1143] : memref<8x50xi32, #tpu.memory_space<vmem>> -> memref<1x50xi32, #tpu.memory_space<vmem>>
    %dma_start3A_1145 = tpu.memref_squeeze %dma_start3A_1144 : memref<1x50xi32, #tpu.memory_space<vmem>> -> memref<50xi32, #tpu.memory_space<vmem>>
    %dma_start3A_1146 = arith.constant 0 : i32
    %dma_start3A_1147 = arith.constant 0 : i32
    %dma_start3A_1148 = tpu.memref_slice %arg3[%dma_start3A_1146, %dma_start3A_1147] : memref<2000000x64xf32, #tpu.memory_space<hbm>> -> memref<2000000x64xf32, #tpu.memory_space<hbm>>
    tpu.enqueue_indirect_dma source(%dma_start3A_1148 : memref<2000000x64xf32, #tpu.memory_space<hbm>>) target(%dma_start3A_1142 : memref<50x64xf32, #tpu.memory_space<vmem>>) offsets(%dma_start3A_1145 : memref<50xi32, #tpu.memory_space<vmem>>) semaphore(%arg19 : memref<!tpu.dma_semaphore, #tpu.memory_space<semaphore_mem>>)
    %dma_start3A_1149 = arith.constant 3 : i32
    %dma_start3A_1150 = arith.constant 3 : i32
    %dma_start3A_1151 = arith.constant 0 : i32
    %dma_start3A_1152 = arith.constant 0 : i32
    %dma_start3A_1153 = tpu.memref_slice %arg11[%dma_start3A_1150, %dma_start3A_1151, %dma_start3A_1152] : memref<8x50x64xf32, #tpu.memory_space<vmem>> -> memref<1x50x64xf32, #tpu.memory_space<vmem>>
    %dma_start3A_1154 = tpu.memref_squeeze %dma_start3A_1153 : memref<1x50x64xf32, #tpu.memory_space<vmem>> -> memref<50x64xf32, #tpu.memory_space<vmem>>
    %dma_start3A_1155 = arith.constant 0 : i32
    %dma_start3A_1156 = tpu.memref_slice %arg7[%dma_start3A_1149, %dma_start3A_1155] : memref<8x50xi32, #tpu.memory_space<vmem>> -> memref<1x50xi32, #tpu.memory_space<vmem>>
    %dma_start3A_1157 = tpu.memref_squeeze %dma_start3A_1156 : memref<1x50xi32, #tpu.memory_space<vmem>> -> memref<50xi32, #tpu.memory_space<vmem>>
    %dma_start3A_1158 = arith.constant 0 : i32
    %dma_start3A_1159 = arith.constant 0 : i32
    %dma_start3A_1160 = tpu.memref_slice %arg3[%dma_start3A_1158, %dma_start3A_1159] : memref<2000000x64xf32, #tpu.memory_space<hbm>> -> memref<2000000x64xf32, #tpu.memory_space<hbm>>
    tpu.enqueue_indirect_dma source(%dma_start3A_1160 : memref<2000000x64xf32, #tpu.memory_space<hbm>>) target(%dma_start3A_1154 : memref<50x64xf32, #tpu.memory_space<vmem>>) offsets(%dma_start3A_1157 : memref<50xi32, #tpu.memory_space<vmem>>) semaphore(%arg19 : memref<!tpu.dma_semaphore, #tpu.memory_space<semaphore_mem>>)
    %dma_start3A_1161 = arith.constant 4 : i32
    %dma_start3A_1162 = arith.constant 4 : i32
    %dma_start3A_1163 = arith.constant 0 : i32
    %dma_start3A_1164 = arith.constant 0 : i32
    %dma_start3A_1165 = tpu.memref_slice %arg11[%dma_start3A_1162, %dma_start3A_1163, %dma_start3A_1164] : memref<8x50x64xf32, #tpu.memory_space<vmem>> -> memref<1x50x64xf32, #tpu.memory_space<vmem>>
    %dma_start3A_1166 = tpu.memref_squeeze %dma_start3A_1165 : memref<1x50x64xf32, #tpu.memory_space<vmem>> -> memref<50x64xf32, #tpu.memory_space<vmem>>
    %dma_start3A_1167 = arith.constant 0 : i32
    %dma_start3A_1168 = tpu.memref_slice %arg7[%dma_start3A_1161, %dma_start3A_1167] : memref<8x50xi32, #tpu.memory_space<vmem>> -> memref<1x50xi32, #tpu.memory_space<vmem>>
    %dma_start3A_1169 = tpu.memref_squeeze %dma_start3A_1168 : memref<1x50xi32, #tpu.memory_space<vmem>> -> memref<50xi32, #tpu.memory_space<vmem>>
    %dma_start3A_1170 = arith.constant 0 : i32
    %dma_start3A_1171 = arith.constant 0 : i32
    %dma_start3A_1172 = tpu.memref_slice %arg3[%dma_start3A_1170, %dma_start3A_1171] : memref<2000000x64xf32, #tpu.memory_space<hbm>> -> memref<2000000x64xf32, #tpu.memory_space<hbm>>
    tpu.enqueue_indirect_dma source(%dma_start3A_1172 : memref<2000000x64xf32, #tpu.memory_space<hbm>>) target(%dma_start3A_1166 : memref<50x64xf32, #tpu.memory_space<vmem>>) offsets(%dma_start3A_1169 : memref<50xi32, #tpu.memory_space<vmem>>) semaphore(%arg19 : memref<!tpu.dma_semaphore, #tpu.memory_space<semaphore_mem>>)
    %dma_start3A_1173 = arith.constant 5 : i32
    %dma_start3A_1174 = arith.constant 5 : i32
    %dma_start3A_1175 = arith.constant 0 : i32
    %dma_start3A_1176 = arith.constant 0 : i32
    %dma_start3A_1177 = tpu.memref_slice %arg11[%dma_start3A_1174, %dma_start3A_1175, %dma_start3A_1176] : memref<8x50x64xf32, #tpu.memory_space<vmem>> -> memref<1x50x64xf32, #tpu.memory_space<vmem>>
    %dma_start3A_1178 = tpu.memref_squeeze %dma_start3A_1177 : memref<1x50x64xf32, #tpu.memory_space<vmem>> -> memref<50x64xf32, #tpu.memory_space<vmem>>
    %dma_start3A_1179 = arith.constant 0 : i32
    %dma_start3A_1180 = tpu.memref_slice %arg7[%dma_start3A_1173, %dma_start3A_1179] : memref<8x50xi32, #tpu.memory_space<vmem>> -> memref<1x50xi32, #tpu.memory_space<vmem>>
    %dma_start3A_1181 = tpu.memref_squeeze %dma_start3A_1180 : memref<1x50xi32, #tpu.memory_space<vmem>> -> memref<50xi32, #tpu.memory_space<vmem>>
    %dma_start3A_1182 = arith.constant 0 : i32
    %dma_start3A_1183 = arith.constant 0 : i32
    %dma_start3A_1184 = tpu.memref_slice %arg3[%dma_start3A_1182, %dma_start3A_1183] : memref<2000000x64xf32, #tpu.memory_space<hbm>> -> memref<2000000x64xf32, #tpu.memory_space<hbm>>
    tpu.enqueue_indirect_dma source(%dma_start3A_1184 : memref<2000000x64xf32, #tpu.memory_space<hbm>>) target(%dma_start3A_1178 : memref<50x64xf32, #tpu.memory_space<vmem>>) offsets(%dma_start3A_1181 : memref<50xi32, #tpu.memory_space<vmem>>) semaphore(%arg19 : memref<!tpu.dma_semaphore, #tpu.memory_space<semaphore_mem>>)
    %dma_start3A_1185 = arith.constant 6 : i32
    %dma_start3A_1186 = arith.constant 6 : i32
    %dma_start3A_1187 = arith.constant 0 : i32
    %dma_start3A_1188 = arith.constant 0 : i32
    %dma_start3A_1189 = tpu.memref_slice %arg11[%dma_start3A_1186, %dma_start3A_1187, %dma_start3A_1188] : memref<8x50x64xf32, #tpu.memory_space<vmem>> -> memref<1x50x64xf32, #tpu.memory_space<vmem>>
    %dma_start3A_1190 = tpu.memref_squeeze %dma_start3A_1189 : memref<1x50x64xf32, #tpu.memory_space<vmem>> -> memref<50x64xf32, #tpu.memory_space<vmem>>
    %dma_start3A_1191 = arith.constant 0 : i32
    %dma_start3A_1192 = tpu.memref_slice %arg7[%dma_start3A_1185, %dma_start3A_1191] : memref<8x50xi32, #tpu.memory_space<vmem>> -> memref<1x50xi32, #tpu.memory_space<vmem>>
    %dma_start3A_1193 = tpu.memref_squeeze %dma_start3A_1192 : memref<1x50xi32, #tpu.memory_space<vmem>> -> memref<50xi32, #tpu.memory_space<vmem>>
    %dma_start3A_1194 = arith.constant 0 : i32
    %dma_start3A_1195 = arith.constant 0 : i32
    %dma_start3A_1196 = tpu.memref_slice %arg3[%dma_start3A_1194, %dma_start3A_1195] : memref<2000000x64xf32, #tpu.memory_space<hbm>> -> memref<2000000x64xf32, #tpu.memory_space<hbm>>
    tpu.enqueue_indirect_dma source(%dma_start3A_1196 : memref<2000000x64xf32, #tpu.memory_space<hbm>>) target(%dma_start3A_1190 : memref<50x64xf32, #tpu.memory_space<vmem>>) offsets(%dma_start3A_1193 : memref<50xi32, #tpu.memory_space<vmem>>) semaphore(%arg19 : memref<!tpu.dma_semaphore, #tpu.memory_space<semaphore_mem>>)
    %dma_start3A_1197 = arith.constant 7 : i32
    %dma_start3A_1198 = arith.constant 7 : i32
    %dma_start3A_1199 = arith.constant 0 : i32
    %dma_start3A_1200 = arith.constant 0 : i32
    %dma_start3A_1201 = tpu.memref_slice %arg11[%dma_start3A_1198, %dma_start3A_1199, %dma_start3A_1200] : memref<8x50x64xf32, #tpu.memory_space<vmem>> -> memref<1x50x64xf32, #tpu.memory_space<vmem>>
    %dma_start3A_1202 = tpu.memref_squeeze %dma_start3A_1201 : memref<1x50x64xf32, #tpu.memory_space<vmem>> -> memref<50x64xf32, #tpu.memory_space<vmem>>
    %dma_start3A_1203 = arith.constant 0 : i32
    %dma_start3A_1204 = tpu.memref_slice %arg7[%dma_start3A_1197, %dma_start3A_1203] : memref<8x50xi32, #tpu.memory_space<vmem>> -> memref<1x50xi32, #tpu.memory_space<vmem>>
    %dma_start3A_1205 = tpu.memref_squeeze %dma_start3A_1204 : memref<1x50xi32, #tpu.memory_space<vmem>> -> memref<50xi32, #tpu.memory_space<vmem>>
    %dma_start3A_1206 = arith.constant 0 : i32
    %dma_start3A_1207 = arith.constant 0 : i32
    %dma_start3A_1208 = tpu.memref_slice %arg3[%dma_start3A_1206, %dma_start3A_1207] : memref<2000000x64xf32, #tpu.memory_space<hbm>> -> memref<2000000x64xf32, #tpu.memory_space<hbm>>
    tpu.enqueue_indirect_dma source(%dma_start3A_1208 : memref<2000000x64xf32, #tpu.memory_space<hbm>>) target(%dma_start3A_1202 : memref<50x64xf32, #tpu.memory_space<vmem>>) offsets(%dma_start3A_1205 : memref<50xi32, #tpu.memory_space<vmem>>) semaphore(%arg19 : memref<!tpu.dma_semaphore, #tpu.memory_space<semaphore_mem>>)
    %dma_wait3A_1209 = arith.constant 0 : i32
    %dma_wait3A_1210 = arith.constant 0 : i32
    %dma_wait3A_1211 = arith.constant 0 : i32
    %dma_wait3A_1212 = arith.constant 0 : i32
    %dma_wait3A_1213 = tpu.memref_slice %arg9[%dma_wait3A_1210, %dma_wait3A_1211, %dma_wait3A_1212] : memref<8x50x64xf32, #tpu.memory_space<vmem>> -> memref<1x50x64xf32, #tpu.memory_space<vmem>>
    %dma_wait3A_1214 = tpu.memref_squeeze %dma_wait3A_1213 : memref<1x50x64xf32, #tpu.memory_space<vmem>> -> memref<50x64xf32, #tpu.memory_space<vmem>>
    %dma_wait3A_1215 = arith.constant 0 : i32
    %dma_wait3A_1216 = tpu.memref_slice %arg5[%dma_wait3A_1209, %dma_wait3A_1215] : memref<8x50xi32, #tpu.memory_space<vmem>> -> memref<1x50xi32, #tpu.memory_space<vmem>>
    %dma_wait3A_1217 = tpu.memref_squeeze %dma_wait3A_1216 : memref<1x50xi32, #tpu.memory_space<vmem>> -> memref<50xi32, #tpu.memory_space<vmem>>
    %dma_wait3A_1218 = arith.constant 0 : i32
    %dma_wait3A_1219 = arith.constant 0 : i32
    %dma_wait3A_1220 = tpu.memref_slice %arg3[%dma_wait3A_1218, %dma_wait3A_1219] : memref<2000000x64xf32, #tpu.memory_space<hbm>> -> memref<2000000x64xf32, #tpu.memory_space<hbm>>
    tpu.wait_indirect_dma semaphore(%arg17 : memref<!tpu.dma_semaphore, #tpu.memory_space<semaphore_mem>>) src(%dma_wait3A_1220 : memref<2000000x64xf32, #tpu.memory_space<hbm>>) dst(%dma_wait3A_1214 : memref<50x64xf32, #tpu.memory_space<vmem>>)
    %dma_wait3A_1221 = arith.constant 1 : i32
    %dma_wait3A_1222 = arith.constant 1 : i32
    %dma_wait3A_1223 = arith.constant 0 : i32
    %dma_wait3A_1224 = arith.constant 0 : i32
    %dma_wait3A_1225 = tpu.memref_slice %arg9[%dma_wait3A_1222, %dma_wait3A_1223, %dma_wait3A_1224] : memref<8x50x64xf32, #tpu.memory_space<vmem>> -> memref<1x50x64xf32, #tpu.memory_space<vmem>>
    %dma_wait3A_1226 = tpu.memref_squeeze %dma_wait3A_1225 : memref<1x50x64xf32, #tpu.memory_space<vmem>> -> memref<50x64xf32, #tpu.memory_space<vmem>>
    %dma_wait3A_1227 = arith.constant 0 : i32
    %dma_wait3A_1228 = tpu.memref_slice %arg5[%dma_wait3A_1221, %dma_wait3A_1227] : memref<8x50xi32, #tpu.memory_space<vmem>> -> memref<1x50xi32, #tpu.memory_space<vmem>>
    %dma_wait3A_1229 = tpu.memref_squeeze %dma_wait3A_1228 : memref<1x50xi32, #tpu.memory_space<vmem>> -> memref<50xi32, #tpu.memory_space<vmem>>
    %dma_wait3A_1230 = arith.constant 0 : i32
    %dma_wait3A_1231 = arith.constant 0 : i32
    %dma_wait3A_1232 = tpu.memref_slice %arg3[%dma_wait3A_1230, %dma_wait3A_1231] : memref<2000000x64xf32, #tpu.memory_space<hbm>> -> memref<2000000x64xf32, #tpu.memory_space<hbm>>
    tpu.wait_indirect_dma semaphore(%arg17 : memref<!tpu.dma_semaphore, #tpu.memory_space<semaphore_mem>>) src(%dma_wait3A_1232 : memref<2000000x64xf32, #tpu.memory_space<hbm>>) dst(%dma_wait3A_1226 : memref<50x64xf32, #tpu.memory_space<vmem>>)
    %dma_wait3A_1233 = arith.constant 2 : i32
    %dma_wait3A_1234 = arith.constant 2 : i32
    %dma_wait3A_1235 = arith.constant 0 : i32
    %dma_wait3A_1236 = arith.constant 0 : i32
    %dma_wait3A_1237 = tpu.memref_slice %arg9[%dma_wait3A_1234, %dma_wait3A_1235, %dma_wait3A_1236] : memref<8x50x64xf32, #tpu.memory_space<vmem>> -> memref<1x50x64xf32, #tpu.memory_space<vmem>>
    %dma_wait3A_1238 = tpu.memref_squeeze %dma_wait3A_1237 : memref<1x50x64xf32, #tpu.memory_space<vmem>> -> memref<50x64xf32, #tpu.memory_space<vmem>>
    %dma_wait3A_1239 = arith.constant 0 : i32
    %dma_wait3A_1240 = tpu.memref_slice %arg5[%dma_wait3A_1233, %dma_wait3A_1239] : memref<8x50xi32, #tpu.memory_space<vmem>> -> memref<1x50xi32, #tpu.memory_space<vmem>>
    %dma_wait3A_1241 = tpu.memref_squeeze %dma_wait3A_1240 : memref<1x50xi32, #tpu.memory_space<vmem>> -> memref<50xi32, #tpu.memory_space<vmem>>
    %dma_wait3A_1242 = arith.constant 0 : i32
    %dma_wait3A_1243 = arith.constant 0 : i32
    %dma_wait3A_1244 = tpu.memref_slice %arg3[%dma_wait3A_1242, %dma_wait3A_1243] : memref<2000000x64xf32, #tpu.memory_space<hbm>> -> memref<2000000x64xf32, #tpu.memory_space<hbm>>
    tpu.wait_indirect_dma semaphore(%arg17 : memref<!tpu.dma_semaphore, #tpu.memory_space<semaphore_mem>>) src(%dma_wait3A_1244 : memref<2000000x64xf32, #tpu.memory_space<hbm>>) dst(%dma_wait3A_1238 : memref<50x64xf32, #tpu.memory_space<vmem>>)
    %dma_wait3A_1245 = arith.constant 3 : i32
    %dma_wait3A_1246 = arith.constant 3 : i32
    %dma_wait3A_1247 = arith.constant 0 : i32
    %dma_wait3A_1248 = arith.constant 0 : i32
    %dma_wait3A_1249 = tpu.memref_slice %arg9[%dma_wait3A_1246, %dma_wait3A_1247, %dma_wait3A_1248] : memref<8x50x64xf32, #tpu.memory_space<vmem>> -> memref<1x50x64xf32, #tpu.memory_space<vmem>>
    %dma_wait3A_1250 = tpu.memref_squeeze %dma_wait3A_1249 : memref<1x50x64xf32, #tpu.memory_space<vmem>> -> memref<50x64xf32, #tpu.memory_space<vmem>>
    %dma_wait3A_1251 = arith.constant 0 : i32
    %dma_wait3A_1252 = tpu.memref_slice %arg5[%dma_wait3A_1245, %dma_wait3A_1251] : memref<8x50xi32, #tpu.memory_space<vmem>> -> memref<1x50xi32, #tpu.memory_space<vmem>>
    %dma_wait3A_1253 = tpu.memref_squeeze %dma_wait3A_1252 : memref<1x50xi32, #tpu.memory_space<vmem>> -> memref<50xi32, #tpu.memory_space<vmem>>
    %dma_wait3A_1254 = arith.constant 0 : i32
    %dma_wait3A_1255 = arith.constant 0 : i32
    %dma_wait3A_1256 = tpu.memref_slice %arg3[%dma_wait3A_1254, %dma_wait3A_1255] : memref<2000000x64xf32, #tpu.memory_space<hbm>> -> memref<2000000x64xf32, #tpu.memory_space<hbm>>
    tpu.wait_indirect_dma semaphore(%arg17 : memref<!tpu.dma_semaphore, #tpu.memory_space<semaphore_mem>>) src(%dma_wait3A_1256 : memref<2000000x64xf32, #tpu.memory_space<hbm>>) dst(%dma_wait3A_1250 : memref<50x64xf32, #tpu.memory_space<vmem>>)
    %dma_wait3A_1257 = arith.constant 4 : i32
    %dma_wait3A_1258 = arith.constant 4 : i32
    %dma_wait3A_1259 = arith.constant 0 : i32
    %dma_wait3A_1260 = arith.constant 0 : i32
    %dma_wait3A_1261 = tpu.memref_slice %arg9[%dma_wait3A_1258, %dma_wait3A_1259, %dma_wait3A_1260] : memref<8x50x64xf32, #tpu.memory_space<vmem>> -> memref<1x50x64xf32, #tpu.memory_space<vmem>>
    %dma_wait3A_1262 = tpu.memref_squeeze %dma_wait3A_1261 : memref<1x50x64xf32, #tpu.memory_space<vmem>> -> memref<50x64xf32, #tpu.memory_space<vmem>>
    %dma_wait3A_1263 = arith.constant 0 : i32
    %dma_wait3A_1264 = tpu.memref_slice %arg5[%dma_wait3A_1257, %dma_wait3A_1263] : memref<8x50xi32, #tpu.memory_space<vmem>> -> memref<1x50xi32, #tpu.memory_space<vmem>>
    %dma_wait3A_1265 = tpu.memref_squeeze %dma_wait3A_1264 : memref<1x50xi32, #tpu.memory_space<vmem>> -> memref<50xi32, #tpu.memory_space<vmem>>
    %dma_wait3A_1266 = arith.constant 0 : i32
    %dma_wait3A_1267 = arith.constant 0 : i32
    %dma_wait3A_1268 = tpu.memref_slice %arg3[%dma_wait3A_1266, %dma_wait3A_1267] : memref<2000000x64xf32, #tpu.memory_space<hbm>> -> memref<2000000x64xf32, #tpu.memory_space<hbm>>
    tpu.wait_indirect_dma semaphore(%arg17 : memref<!tpu.dma_semaphore, #tpu.memory_space<semaphore_mem>>) src(%dma_wait3A_1268 : memref<2000000x64xf32, #tpu.memory_space<hbm>>) dst(%dma_wait3A_1262 : memref<50x64xf32, #tpu.memory_space<vmem>>)
    %dma_wait3A_1269 = arith.constant 5 : i32
    %dma_wait3A_1270 = arith.constant 5 : i32
    %dma_wait3A_1271 = arith.constant 0 : i32
    %dma_wait3A_1272 = arith.constant 0 : i32
    %dma_wait3A_1273 = tpu.memref_slice %arg9[%dma_wait3A_1270, %dma_wait3A_1271, %dma_wait3A_1272] : memref<8x50x64xf32, #tpu.memory_space<vmem>> -> memref<1x50x64xf32, #tpu.memory_space<vmem>>
    %dma_wait3A_1274 = tpu.memref_squeeze %dma_wait3A_1273 : memref<1x50x64xf32, #tpu.memory_space<vmem>> -> memref<50x64xf32, #tpu.memory_space<vmem>>
    %dma_wait3A_1275 = arith.constant 0 : i32
    %dma_wait3A_1276 = tpu.memref_slice %arg5[%dma_wait3A_1269, %dma_wait3A_1275] : memref<8x50xi32, #tpu.memory_space<vmem>> -> memref<1x50xi32, #tpu.memory_space<vmem>>
    %dma_wait3A_1277 = tpu.memref_squeeze %dma_wait3A_1276 : memref<1x50xi32, #tpu.memory_space<vmem>> -> memref<50xi32, #tpu.memory_space<vmem>>
    %dma_wait3A_1278 = arith.constant 0 : i32
    %dma_wait3A_1279 = arith.constant 0 : i32
    %dma_wait3A_1280 = tpu.memref_slice %arg3[%dma_wait3A_1278, %dma_wait3A_1279] : memref<2000000x64xf32, #tpu.memory_space<hbm>> -> memref<2000000x64xf32, #tpu.memory_space<hbm>>
    tpu.wait_indirect_dma semaphore(%arg17 : memref<!tpu.dma_semaphore, #tpu.memory_space<semaphore_mem>>) src(%dma_wait3A_1280 : memref<2000000x64xf32, #tpu.memory_space<hbm>>) dst(%dma_wait3A_1274 : memref<50x64xf32, #tpu.memory_space<vmem>>)
    %dma_wait3A_1281 = arith.constant 6 : i32
    %dma_wait3A_1282 = arith.constant 6 : i32
    %dma_wait3A_1283 = arith.constant 0 : i32
    %dma_wait3A_1284 = arith.constant 0 : i32
    %dma_wait3A_1285 = tpu.memref_slice %arg9[%dma_wait3A_1282, %dma_wait3A_1283, %dma_wait3A_1284] : memref<8x50x64xf32, #tpu.memory_space<vmem>> -> memref<1x50x64xf32, #tpu.memory_space<vmem>>
    %dma_wait3A_1286 = tpu.memref_squeeze %dma_wait3A_1285 : memref<1x50x64xf32, #tpu.memory_space<vmem>> -> memref<50x64xf32, #tpu.memory_space<vmem>>
    %dma_wait3A_1287 = arith.constant 0 : i32
    %dma_wait3A_1288 = tpu.memref_slice %arg5[%dma_wait3A_1281, %dma_wait3A_1287] : memref<8x50xi32, #tpu.memory_space<vmem>> -> memref<1x50xi32, #tpu.memory_space<vmem>>
    %dma_wait3A_1289 = tpu.memref_squeeze %dma_wait3A_1288 : memref<1x50xi32, #tpu.memory_space<vmem>> -> memref<50xi32, #tpu.memory_space<vmem>>
    %dma_wait3A_1290 = arith.constant 0 : i32
    %dma_wait3A_1291 = arith.constant 0 : i32
    %dma_wait3A_1292 = tpu.memref_slice %arg3[%dma_wait3A_1290, %dma_wait3A_1291] : memref<2000000x64xf32, #tpu.memory_space<hbm>> -> memref<2000000x64xf32, #tpu.memory_space<hbm>>
    tpu.wait_indirect_dma semaphore(%arg17 : memref<!tpu.dma_semaphore, #tpu.memory_space<semaphore_mem>>) src(%dma_wait3A_1292 : memref<2000000x64xf32, #tpu.memory_space<hbm>>) dst(%dma_wait3A_1286 : memref<50x64xf32, #tpu.memory_space<vmem>>)
    %dma_wait3A_1293 = arith.constant 7 : i32
    %dma_wait3A_1294 = arith.constant 7 : i32
    %dma_wait3A_1295 = arith.constant 0 : i32
    %dma_wait3A_1296 = arith.constant 0 : i32
    %dma_wait3A_1297 = tpu.memref_slice %arg9[%dma_wait3A_1294, %dma_wait3A_1295, %dma_wait3A_1296] : memref<8x50x64xf32, #tpu.memory_space<vmem>> -> memref<1x50x64xf32, #tpu.memory_space<vmem>>
    %dma_wait3A_1298 = tpu.memref_squeeze %dma_wait3A_1297 : memref<1x50x64xf32, #tpu.memory_space<vmem>> -> memref<50x64xf32, #tpu.memory_space<vmem>>
    %dma_wait3A_1299 = arith.constant 0 : i32
    %dma_wait3A_1300 = tpu.memref_slice %arg5[%dma_wait3A_1293, %dma_wait3A_1299] : memref<8x50xi32, #tpu.memory_space<vmem>> -> memref<1x50xi32, #tpu.memory_space<vmem>>
    %dma_wait3A_1301 = tpu.memref_squeeze %dma_wait3A_1300 : memref<1x50xi32, #tpu.memory_space<vmem>> -> memref<50xi32, #tpu.memory_space<vmem>>
    %dma_wait3A_1302 = arith.constant 0 : i32
    %dma_wait3A_1303 = arith.constant 0 : i32
    %dma_wait3A_1304 = tpu.memref_slice %arg3[%dma_wait3A_1302, %dma_wait3A_1303] : memref<2000000x64xf32, #tpu.memory_space<hbm>> -> memref<2000000x64xf32, #tpu.memory_space<hbm>>
    tpu.wait_indirect_dma semaphore(%arg17 : memref<!tpu.dma_semaphore, #tpu.memory_space<semaphore_mem>>) src(%dma_wait3A_1304 : memref<2000000x64xf32, #tpu.memory_space<hbm>>) dst(%dma_wait3A_1298 : memref<50x64xf32, #tpu.memory_space<vmem>>)
    %add3A_1305 = arith.constant 480 : i32
    %add3A_1306 = arith.addi %mul3A_2, %add3A_1305 : i32
    %dma_start3A_1307 = arith.constant 0 : i32
    %dma_start3A_1308 = arith.constant 0 : i32
    %dma_start3A_1309 = tpu.memref_slice %arg4[%add3A_1306, %dma_start3A_1307, %dma_start3A_1308] : memref<16384x56x128xf32, #tpu.memory_space<hbm>> -> memref<8x50x64xf32, #tpu.memory_space<hbm>>
    %dma_start3A_1310 = arith.constant 0 : i32
    %dma_start3A_1311 = arith.constant 0 : i32
    %dma_start3A_1312 = tpu.memref_slice %arg4[%add3A_1306, %dma_start3A_1310, %dma_start3A_1311] : memref<16384x56x128xf32, #tpu.memory_space<hbm>> -> memref<8x50x64xf32, #tpu.memory_space<hbm>>
    tpu.enqueue_dma source(%arg9 : memref<8x50x64xf32, #tpu.memory_space<vmem>>) target(%dma_start3A_1312 : memref<8x50x64xf32, #tpu.memory_space<hbm>>) target_semaphore(%arg21 : memref<!tpu.dma_semaphore, #tpu.memory_space<semaphore_mem>>)
    %add3A_1313 = arith.constant 472 : i32
    %add3A_1314 = arith.addi %mul3A_2, %add3A_1313 : i32
    %dma_wait3A_1315 = arith.constant 0 : i32
    %dma_wait3A_1316 = arith.constant 0 : i32
    %dma_wait3A_1317 = tpu.memref_slice %arg4[%add3A_1314, %dma_wait3A_1315, %dma_wait3A_1316] : memref<16384x56x128xf32, #tpu.memory_space<hbm>> -> memref<8x50x64xf32, #tpu.memory_space<hbm>>
    %dma_wait3A_1318 = arith.constant 0 : i32
    %dma_wait3A_1319 = arith.constant 0 : i32
    %dma_wait3A_1320 = tpu.memref_slice %arg4[%add3A_1314, %dma_wait3A_1318, %dma_wait3A_1319] : memref<16384x56x128xf32, #tpu.memory_space<hbm>> -> memref<8x50x64xf32, #tpu.memory_space<hbm>>
    tpu.wait_dma2 semaphore(%arg24 : memref<!tpu.dma_semaphore, #tpu.memory_space<semaphore_mem>>) src(%arg12 : memref<8x50x64xf32, #tpu.memory_space<vmem>>) dst(%dma_wait3A_1320 : memref<8x50x64xf32, #tpu.memory_space<hbm>>)
    %add3A_1321 = arith.constant 504 : i32
    %add3A_1322 = arith.addi %mul3A_2, %add3A_1321 : i32
    %dma_wait3A_1323 = arith.constant 0 : i32
    %dma_wait3A_1324 = tpu.memref_slice %arg2[%add3A_1322, %dma_wait3A_1323] : memref<16384x50xi32, #tpu.memory_space<hbm>> -> memref<8x50xi32, #tpu.memory_space<hbm>>
    %dma_wait3A_1325 = arith.constant 0 : i32
    %dma_wait3A_1326 = tpu.memref_slice %arg2[%add3A_1322, %dma_wait3A_1325] : memref<16384x50xi32, #tpu.memory_space<hbm>> -> memref<8x50xi32, #tpu.memory_space<hbm>>
    tpu.wait_dma2 semaphore(%arg16 : memref<!tpu.dma_semaphore, #tpu.memory_space<semaphore_mem>>) src(%dma_wait3A_1326 : memref<8x50xi32, #tpu.memory_space<hbm>>) dst(%arg8 : memref<8x50xi32, #tpu.memory_space<vmem>>)
    %dma_start3A_1327 = arith.constant 0 : i32
    %dma_start3A_1328 = arith.constant 0 : i32
    %dma_start3A_1329 = arith.constant 0 : i32
    %dma_start3A_1330 = arith.constant 0 : i32
    %dma_start3A_1331 = tpu.memref_slice %arg12[%dma_start3A_1328, %dma_start3A_1329, %dma_start3A_1330] : memref<8x50x64xf32, #tpu.memory_space<vmem>> -> memref<1x50x64xf32, #tpu.memory_space<vmem>>
    %dma_start3A_1332 = tpu.memref_squeeze %dma_start3A_1331 : memref<1x50x64xf32, #tpu.memory_space<vmem>> -> memref<50x64xf32, #tpu.memory_space<vmem>>
    %dma_start3A_1333 = arith.constant 0 : i32
    %dma_start3A_1334 = tpu.memref_slice %arg8[%dma_start3A_1327, %dma_start3A_1333] : memref<8x50xi32, #tpu.memory_space<vmem>> -> memref<1x50xi32, #tpu.memory_space<vmem>>
    %dma_start3A_1335 = tpu.memref_squeeze %dma_start3A_1334 : memref<1x50xi32, #tpu.memory_space<vmem>> -> memref<50xi32, #tpu.memory_space<vmem>>
    %dma_start3A_1336 = arith.constant 0 : i32
    %dma_start3A_1337 = arith.constant 0 : i32
    %dma_start3A_1338 = tpu.memref_slice %arg3[%dma_start3A_1336, %dma_start3A_1337] : memref<2000000x64xf32, #tpu.memory_space<hbm>> -> memref<2000000x64xf32, #tpu.memory_space<hbm>>
    tpu.enqueue_indirect_dma source(%dma_start3A_1338 : memref<2000000x64xf32, #tpu.memory_space<hbm>>) target(%dma_start3A_1332 : memref<50x64xf32, #tpu.memory_space<vmem>>) offsets(%dma_start3A_1335 : memref<50xi32, #tpu.memory_space<vmem>>) semaphore(%arg20 : memref<!tpu.dma_semaphore, #tpu.memory_space<semaphore_mem>>)
    %dma_start3A_1339 = arith.constant 1 : i32
    %dma_start3A_1340 = arith.constant 1 : i32
    %dma_start3A_1341 = arith.constant 0 : i32
    %dma_start3A_1342 = arith.constant 0 : i32
    %dma_start3A_1343 = tpu.memref_slice %arg12[%dma_start3A_1340, %dma_start3A_1341, %dma_start3A_1342] : memref<8x50x64xf32, #tpu.memory_space<vmem>> -> memref<1x50x64xf32, #tpu.memory_space<vmem>>
    %dma_start3A_1344 = tpu.memref_squeeze %dma_start3A_1343 : memref<1x50x64xf32, #tpu.memory_space<vmem>> -> memref<50x64xf32, #tpu.memory_space<vmem>>
    %dma_start3A_1345 = arith.constant 0 : i32
    %dma_start3A_1346 = tpu.memref_slice %arg8[%dma_start3A_1339, %dma_start3A_1345] : memref<8x50xi32, #tpu.memory_space<vmem>> -> memref<1x50xi32, #tpu.memory_space<vmem>>
    %dma_start3A_1347 = tpu.memref_squeeze %dma_start3A_1346 : memref<1x50xi32, #tpu.memory_space<vmem>> -> memref<50xi32, #tpu.memory_space<vmem>>
    %dma_start3A_1348 = arith.constant 0 : i32
    %dma_start3A_1349 = arith.constant 0 : i32
    %dma_start3A_1350 = tpu.memref_slice %arg3[%dma_start3A_1348, %dma_start3A_1349] : memref<2000000x64xf32, #tpu.memory_space<hbm>> -> memref<2000000x64xf32, #tpu.memory_space<hbm>>
    tpu.enqueue_indirect_dma source(%dma_start3A_1350 : memref<2000000x64xf32, #tpu.memory_space<hbm>>) target(%dma_start3A_1344 : memref<50x64xf32, #tpu.memory_space<vmem>>) offsets(%dma_start3A_1347 : memref<50xi32, #tpu.memory_space<vmem>>) semaphore(%arg20 : memref<!tpu.dma_semaphore, #tpu.memory_space<semaphore_mem>>)
    %dma_start3A_1351 = arith.constant 2 : i32
    %dma_start3A_1352 = arith.constant 2 : i32
    %dma_start3A_1353 = arith.constant 0 : i32
    %dma_start3A_1354 = arith.constant 0 : i32
    %dma_start3A_1355 = tpu.memref_slice %arg12[%dma_start3A_1352, %dma_start3A_1353, %dma_start3A_1354] : memref<8x50x64xf32, #tpu.memory_space<vmem>> -> memref<1x50x64xf32, #tpu.memory_space<vmem>>
    %dma_start3A_1356 = tpu.memref_squeeze %dma_start3A_1355 : memref<1x50x64xf32, #tpu.memory_space<vmem>> -> memref<50x64xf32, #tpu.memory_space<vmem>>
    %dma_start3A_1357 = arith.constant 0 : i32
    %dma_start3A_1358 = tpu.memref_slice %arg8[%dma_start3A_1351, %dma_start3A_1357] : memref<8x50xi32, #tpu.memory_space<vmem>> -> memref<1x50xi32, #tpu.memory_space<vmem>>
    %dma_start3A_1359 = tpu.memref_squeeze %dma_start3A_1358 : memref<1x50xi32, #tpu.memory_space<vmem>> -> memref<50xi32, #tpu.memory_space<vmem>>
    %dma_start3A_1360 = arith.constant 0 : i32
    %dma_start3A_1361 = arith.constant 0 : i32
    %dma_start3A_1362 = tpu.memref_slice %arg3[%dma_start3A_1360, %dma_start3A_1361] : memref<2000000x64xf32, #tpu.memory_space<hbm>> -> memref<2000000x64xf32, #tpu.memory_space<hbm>>
    tpu.enqueue_indirect_dma source(%dma_start3A_1362 : memref<2000000x64xf32, #tpu.memory_space<hbm>>) target(%dma_start3A_1356 : memref<50x64xf32, #tpu.memory_space<vmem>>) offsets(%dma_start3A_1359 : memref<50xi32, #tpu.memory_space<vmem>>) semaphore(%arg20 : memref<!tpu.dma_semaphore, #tpu.memory_space<semaphore_mem>>)
    %dma_start3A_1363 = arith.constant 3 : i32
    %dma_start3A_1364 = arith.constant 3 : i32
    %dma_start3A_1365 = arith.constant 0 : i32
    %dma_start3A_1366 = arith.constant 0 : i32
    %dma_start3A_1367 = tpu.memref_slice %arg12[%dma_start3A_1364, %dma_start3A_1365, %dma_start3A_1366] : memref<8x50x64xf32, #tpu.memory_space<vmem>> -> memref<1x50x64xf32, #tpu.memory_space<vmem>>
    %dma_start3A_1368 = tpu.memref_squeeze %dma_start3A_1367 : memref<1x50x64xf32, #tpu.memory_space<vmem>> -> memref<50x64xf32, #tpu.memory_space<vmem>>
    %dma_start3A_1369 = arith.constant 0 : i32
    %dma_start3A_1370 = tpu.memref_slice %arg8[%dma_start3A_1363, %dma_start3A_1369] : memref<8x50xi32, #tpu.memory_space<vmem>> -> memref<1x50xi32, #tpu.memory_space<vmem>>
    %dma_start3A_1371 = tpu.memref_squeeze %dma_start3A_1370 : memref<1x50xi32, #tpu.memory_space<vmem>> -> memref<50xi32, #tpu.memory_space<vmem>>
    %dma_start3A_1372 = arith.constant 0 : i32
    %dma_start3A_1373 = arith.constant 0 : i32
    %dma_start3A_1374 = tpu.memref_slice %arg3[%dma_start3A_1372, %dma_start3A_1373] : memref<2000000x64xf32, #tpu.memory_space<hbm>> -> memref<2000000x64xf32, #tpu.memory_space<hbm>>
    tpu.enqueue_indirect_dma source(%dma_start3A_1374 : memref<2000000x64xf32, #tpu.memory_space<hbm>>) target(%dma_start3A_1368 : memref<50x64xf32, #tpu.memory_space<vmem>>) offsets(%dma_start3A_1371 : memref<50xi32, #tpu.memory_space<vmem>>) semaphore(%arg20 : memref<!tpu.dma_semaphore, #tpu.memory_space<semaphore_mem>>)
    %dma_start3A_1375 = arith.constant 4 : i32
    %dma_start3A_1376 = arith.constant 4 : i32
    %dma_start3A_1377 = arith.constant 0 : i32
    %dma_start3A_1378 = arith.constant 0 : i32
    %dma_start3A_1379 = tpu.memref_slice %arg12[%dma_start3A_1376, %dma_start3A_1377, %dma_start3A_1378] : memref<8x50x64xf32, #tpu.memory_space<vmem>> -> memref<1x50x64xf32, #tpu.memory_space<vmem>>
    %dma_start3A_1380 = tpu.memref_squeeze %dma_start3A_1379 : memref<1x50x64xf32, #tpu.memory_space<vmem>> -> memref<50x64xf32, #tpu.memory_space<vmem>>
    %dma_start3A_1381 = arith.constant 0 : i32
    %dma_start3A_1382 = tpu.memref_slice %arg8[%dma_start3A_1375, %dma_start3A_1381] : memref<8x50xi32, #tpu.memory_space<vmem>> -> memref<1x50xi32, #tpu.memory_space<vmem>>
    %dma_start3A_1383 = tpu.memref_squeeze %dma_start3A_1382 : memref<1x50xi32, #tpu.memory_space<vmem>> -> memref<50xi32, #tpu.memory_space<vmem>>
    %dma_start3A_1384 = arith.constant 0 : i32
    %dma_start3A_1385 = arith.constant 0 : i32
    %dma_start3A_1386 = tpu.memref_slice %arg3[%dma_start3A_1384, %dma_start3A_1385] : memref<2000000x64xf32, #tpu.memory_space<hbm>> -> memref<2000000x64xf32, #tpu.memory_space<hbm>>
    tpu.enqueue_indirect_dma source(%dma_start3A_1386 : memref<2000000x64xf32, #tpu.memory_space<hbm>>) target(%dma_start3A_1380 : memref<50x64xf32, #tpu.memory_space<vmem>>) offsets(%dma_start3A_1383 : memref<50xi32, #tpu.memory_space<vmem>>) semaphore(%arg20 : memref<!tpu.dma_semaphore, #tpu.memory_space<semaphore_mem>>)
    %dma_start3A_1387 = arith.constant 5 : i32
    %dma_start3A_1388 = arith.constant 5 : i32
    %dma_start3A_1389 = arith.constant 0 : i32
    %dma_start3A_1390 = arith.constant 0 : i32
    %dma_start3A_1391 = tpu.memref_slice %arg12[%dma_start3A_1388, %dma_start3A_1389, %dma_start3A_1390] : memref<8x50x64xf32, #tpu.memory_space<vmem>> -> memref<1x50x64xf32, #tpu.memory_space<vmem>>
    %dma_start3A_1392 = tpu.memref_squeeze %dma_start3A_1391 : memref<1x50x64xf32, #tpu.memory_space<vmem>> -> memref<50x64xf32, #tpu.memory_space<vmem>>
    %dma_start3A_1393 = arith.constant 0 : i32
    %dma_start3A_1394 = tpu.memref_slice %arg8[%dma_start3A_1387, %dma_start3A_1393] : memref<8x50xi32, #tpu.memory_space<vmem>> -> memref<1x50xi32, #tpu.memory_space<vmem>>
    %dma_start3A_1395 = tpu.memref_squeeze %dma_start3A_1394 : memref<1x50xi32, #tpu.memory_space<vmem>> -> memref<50xi32, #tpu.memory_space<vmem>>
    %dma_start3A_1396 = arith.constant 0 : i32
    %dma_start3A_1397 = arith.constant 0 : i32
    %dma_start3A_1398 = tpu.memref_slice %arg3[%dma_start3A_1396, %dma_start3A_1397] : memref<2000000x64xf32, #tpu.memory_space<hbm>> -> memref<2000000x64xf32, #tpu.memory_space<hbm>>
    tpu.enqueue_indirect_dma source(%dma_start3A_1398 : memref<2000000x64xf32, #tpu.memory_space<hbm>>) target(%dma_start3A_1392 : memref<50x64xf32, #tpu.memory_space<vmem>>) offsets(%dma_start3A_1395 : memref<50xi32, #tpu.memory_space<vmem>>) semaphore(%arg20 : memref<!tpu.dma_semaphore, #tpu.memory_space<semaphore_mem>>)
    %dma_start3A_1399 = arith.constant 6 : i32
    %dma_start3A_1400 = arith.constant 6 : i32
    %dma_start3A_1401 = arith.constant 0 : i32
    %dma_start3A_1402 = arith.constant 0 : i32
    %dma_start3A_1403 = tpu.memref_slice %arg12[%dma_start3A_1400, %dma_start3A_1401, %dma_start3A_1402] : memref<8x50x64xf32, #tpu.memory_space<vmem>> -> memref<1x50x64xf32, #tpu.memory_space<vmem>>
    %dma_start3A_1404 = tpu.memref_squeeze %dma_start3A_1403 : memref<1x50x64xf32, #tpu.memory_space<vmem>> -> memref<50x64xf32, #tpu.memory_space<vmem>>
    %dma_start3A_1405 = arith.constant 0 : i32
    %dma_start3A_1406 = tpu.memref_slice %arg8[%dma_start3A_1399, %dma_start3A_1405] : memref<8x50xi32, #tpu.memory_space<vmem>> -> memref<1x50xi32, #tpu.memory_space<vmem>>
    %dma_start3A_1407 = tpu.memref_squeeze %dma_start3A_1406 : memref<1x50xi32, #tpu.memory_space<vmem>> -> memref<50xi32, #tpu.memory_space<vmem>>
    %dma_start3A_1408 = arith.constant 0 : i32
    %dma_start3A_1409 = arith.constant 0 : i32
    %dma_start3A_1410 = tpu.memref_slice %arg3[%dma_start3A_1408, %dma_start3A_1409] : memref<2000000x64xf32, #tpu.memory_space<hbm>> -> memref<2000000x64xf32, #tpu.memory_space<hbm>>
    tpu.enqueue_indirect_dma source(%dma_start3A_1410 : memref<2000000x64xf32, #tpu.memory_space<hbm>>) target(%dma_start3A_1404 : memref<50x64xf32, #tpu.memory_space<vmem>>) offsets(%dma_start3A_1407 : memref<50xi32, #tpu.memory_space<vmem>>) semaphore(%arg20 : memref<!tpu.dma_semaphore, #tpu.memory_space<semaphore_mem>>)
    %dma_start3A_1411 = arith.constant 7 : i32
    %dma_start3A_1412 = arith.constant 7 : i32
    %dma_start3A_1413 = arith.constant 0 : i32
    %dma_start3A_1414 = arith.constant 0 : i32
    %dma_start3A_1415 = tpu.memref_slice %arg12[%dma_start3A_1412, %dma_start3A_1413, %dma_start3A_1414] : memref<8x50x64xf32, #tpu.memory_space<vmem>> -> memref<1x50x64xf32, #tpu.memory_space<vmem>>
    %dma_start3A_1416 = tpu.memref_squeeze %dma_start3A_1415 : memref<1x50x64xf32, #tpu.memory_space<vmem>> -> memref<50x64xf32, #tpu.memory_space<vmem>>
    %dma_start3A_1417 = arith.constant 0 : i32
    %dma_start3A_1418 = tpu.memref_slice %arg8[%dma_start3A_1411, %dma_start3A_1417] : memref<8x50xi32, #tpu.memory_space<vmem>> -> memref<1x50xi32, #tpu.memory_space<vmem>>
    %dma_start3A_1419 = tpu.memref_squeeze %dma_start3A_1418 : memref<1x50xi32, #tpu.memory_space<vmem>> -> memref<50xi32, #tpu.memory_space<vmem>>
    %dma_start3A_1420 = arith.constant 0 : i32
    %dma_start3A_1421 = arith.constant 0 : i32
    %dma_start3A_1422 = tpu.memref_slice %arg3[%dma_start3A_1420, %dma_start3A_1421] : memref<2000000x64xf32, #tpu.memory_space<hbm>> -> memref<2000000x64xf32, #tpu.memory_space<hbm>>
    tpu.enqueue_indirect_dma source(%dma_start3A_1422 : memref<2000000x64xf32, #tpu.memory_space<hbm>>) target(%dma_start3A_1416 : memref<50x64xf32, #tpu.memory_space<vmem>>) offsets(%dma_start3A_1419 : memref<50xi32, #tpu.memory_space<vmem>>) semaphore(%arg20 : memref<!tpu.dma_semaphore, #tpu.memory_space<semaphore_mem>>)
    %dma_wait3A_1423 = arith.constant 0 : i32
    %dma_wait3A_1424 = arith.constant 0 : i32
    %dma_wait3A_1425 = arith.constant 0 : i32
    %dma_wait3A_1426 = arith.constant 0 : i32
    %dma_wait3A_1427 = tpu.memref_slice %arg10[%dma_wait3A_1424, %dma_wait3A_1425, %dma_wait3A_1426] : memref<8x50x64xf32, #tpu.memory_space<vmem>> -> memref<1x50x64xf32, #tpu.memory_space<vmem>>
    %dma_wait3A_1428 = tpu.memref_squeeze %dma_wait3A_1427 : memref<1x50x64xf32, #tpu.memory_space<vmem>> -> memref<50x64xf32, #tpu.memory_space<vmem>>
    %dma_wait3A_1429 = arith.constant 0 : i32
    %dma_wait3A_1430 = tpu.memref_slice %arg6[%dma_wait3A_1423, %dma_wait3A_1429] : memref<8x50xi32, #tpu.memory_space<vmem>> -> memref<1x50xi32, #tpu.memory_space<vmem>>
    %dma_wait3A_1431 = tpu.memref_squeeze %dma_wait3A_1430 : memref<1x50xi32, #tpu.memory_space<vmem>> -> memref<50xi32, #tpu.memory_space<vmem>>
    %dma_wait3A_1432 = arith.constant 0 : i32
    %dma_wait3A_1433 = arith.constant 0 : i32
    %dma_wait3A_1434 = tpu.memref_slice %arg3[%dma_wait3A_1432, %dma_wait3A_1433] : memref<2000000x64xf32, #tpu.memory_space<hbm>> -> memref<2000000x64xf32, #tpu.memory_space<hbm>>
    tpu.wait_indirect_dma semaphore(%arg18 : memref<!tpu.dma_semaphore, #tpu.memory_space<semaphore_mem>>) src(%dma_wait3A_1434 : memref<2000000x64xf32, #tpu.memory_space<hbm>>) dst(%dma_wait3A_1428 : memref<50x64xf32, #tpu.memory_space<vmem>>)
    %dma_wait3A_1435 = arith.constant 1 : i32
    %dma_wait3A_1436 = arith.constant 1 : i32
    %dma_wait3A_1437 = arith.constant 0 : i32
    %dma_wait3A_1438 = arith.constant 0 : i32
    %dma_wait3A_1439 = tpu.memref_slice %arg10[%dma_wait3A_1436, %dma_wait3A_1437, %dma_wait3A_1438] : memref<8x50x64xf32, #tpu.memory_space<vmem>> -> memref<1x50x64xf32, #tpu.memory_space<vmem>>
    %dma_wait3A_1440 = tpu.memref_squeeze %dma_wait3A_1439 : memref<1x50x64xf32, #tpu.memory_space<vmem>> -> memref<50x64xf32, #tpu.memory_space<vmem>>
    %dma_wait3A_1441 = arith.constant 0 : i32
    %dma_wait3A_1442 = tpu.memref_slice %arg6[%dma_wait3A_1435, %dma_wait3A_1441] : memref<8x50xi32, #tpu.memory_space<vmem>> -> memref<1x50xi32, #tpu.memory_space<vmem>>
    %dma_wait3A_1443 = tpu.memref_squeeze %dma_wait3A_1442 : memref<1x50xi32, #tpu.memory_space<vmem>> -> memref<50xi32, #tpu.memory_space<vmem>>
    %dma_wait3A_1444 = arith.constant 0 : i32
    %dma_wait3A_1445 = arith.constant 0 : i32
    %dma_wait3A_1446 = tpu.memref_slice %arg3[%dma_wait3A_1444, %dma_wait3A_1445] : memref<2000000x64xf32, #tpu.memory_space<hbm>> -> memref<2000000x64xf32, #tpu.memory_space<hbm>>
    tpu.wait_indirect_dma semaphore(%arg18 : memref<!tpu.dma_semaphore, #tpu.memory_space<semaphore_mem>>) src(%dma_wait3A_1446 : memref<2000000x64xf32, #tpu.memory_space<hbm>>) dst(%dma_wait3A_1440 : memref<50x64xf32, #tpu.memory_space<vmem>>)
    %dma_wait3A_1447 = arith.constant 2 : i32
    %dma_wait3A_1448 = arith.constant 2 : i32
    %dma_wait3A_1449 = arith.constant 0 : i32
    %dma_wait3A_1450 = arith.constant 0 : i32
    %dma_wait3A_1451 = tpu.memref_slice %arg10[%dma_wait3A_1448, %dma_wait3A_1449, %dma_wait3A_1450] : memref<8x50x64xf32, #tpu.memory_space<vmem>> -> memref<1x50x64xf32, #tpu.memory_space<vmem>>
    %dma_wait3A_1452 = tpu.memref_squeeze %dma_wait3A_1451 : memref<1x50x64xf32, #tpu.memory_space<vmem>> -> memref<50x64xf32, #tpu.memory_space<vmem>>
    %dma_wait3A_1453 = arith.constant 0 : i32
    %dma_wait3A_1454 = tpu.memref_slice %arg6[%dma_wait3A_1447, %dma_wait3A_1453] : memref<8x50xi32, #tpu.memory_space<vmem>> -> memref<1x50xi32, #tpu.memory_space<vmem>>
    %dma_wait3A_1455 = tpu.memref_squeeze %dma_wait3A_1454 : memref<1x50xi32, #tpu.memory_space<vmem>> -> memref<50xi32, #tpu.memory_space<vmem>>
    %dma_wait3A_1456 = arith.constant 0 : i32
    %dma_wait3A_1457 = arith.constant 0 : i32
    %dma_wait3A_1458 = tpu.memref_slice %arg3[%dma_wait3A_1456, %dma_wait3A_1457] : memref<2000000x64xf32, #tpu.memory_space<hbm>> -> memref<2000000x64xf32, #tpu.memory_space<hbm>>
    tpu.wait_indirect_dma semaphore(%arg18 : memref<!tpu.dma_semaphore, #tpu.memory_space<semaphore_mem>>) src(%dma_wait3A_1458 : memref<2000000x64xf32, #tpu.memory_space<hbm>>) dst(%dma_wait3A_1452 : memref<50x64xf32, #tpu.memory_space<vmem>>)
    %dma_wait3A_1459 = arith.constant 3 : i32
    %dma_wait3A_1460 = arith.constant 3 : i32
    %dma_wait3A_1461 = arith.constant 0 : i32
    %dma_wait3A_1462 = arith.constant 0 : i32
    %dma_wait3A_1463 = tpu.memref_slice %arg10[%dma_wait3A_1460, %dma_wait3A_1461, %dma_wait3A_1462] : memref<8x50x64xf32, #tpu.memory_space<vmem>> -> memref<1x50x64xf32, #tpu.memory_space<vmem>>
    %dma_wait3A_1464 = tpu.memref_squeeze %dma_wait3A_1463 : memref<1x50x64xf32, #tpu.memory_space<vmem>> -> memref<50x64xf32, #tpu.memory_space<vmem>>
    %dma_wait3A_1465 = arith.constant 0 : i32
    %dma_wait3A_1466 = tpu.memref_slice %arg6[%dma_wait3A_1459, %dma_wait3A_1465] : memref<8x50xi32, #tpu.memory_space<vmem>> -> memref<1x50xi32, #tpu.memory_space<vmem>>
    %dma_wait3A_1467 = tpu.memref_squeeze %dma_wait3A_1466 : memref<1x50xi32, #tpu.memory_space<vmem>> -> memref<50xi32, #tpu.memory_space<vmem>>
    %dma_wait3A_1468 = arith.constant 0 : i32
    %dma_wait3A_1469 = arith.constant 0 : i32
    %dma_wait3A_1470 = tpu.memref_slice %arg3[%dma_wait3A_1468, %dma_wait3A_1469] : memref<2000000x64xf32, #tpu.memory_space<hbm>> -> memref<2000000x64xf32, #tpu.memory_space<hbm>>
    tpu.wait_indirect_dma semaphore(%arg18 : memref<!tpu.dma_semaphore, #tpu.memory_space<semaphore_mem>>) src(%dma_wait3A_1470 : memref<2000000x64xf32, #tpu.memory_space<hbm>>) dst(%dma_wait3A_1464 : memref<50x64xf32, #tpu.memory_space<vmem>>)
    %dma_wait3A_1471 = arith.constant 4 : i32
    %dma_wait3A_1472 = arith.constant 4 : i32
    %dma_wait3A_1473 = arith.constant 0 : i32
    %dma_wait3A_1474 = arith.constant 0 : i32
    %dma_wait3A_1475 = tpu.memref_slice %arg10[%dma_wait3A_1472, %dma_wait3A_1473, %dma_wait3A_1474] : memref<8x50x64xf32, #tpu.memory_space<vmem>> -> memref<1x50x64xf32, #tpu.memory_space<vmem>>
    %dma_wait3A_1476 = tpu.memref_squeeze %dma_wait3A_1475 : memref<1x50x64xf32, #tpu.memory_space<vmem>> -> memref<50x64xf32, #tpu.memory_space<vmem>>
    %dma_wait3A_1477 = arith.constant 0 : i32
    %dma_wait3A_1478 = tpu.memref_slice %arg6[%dma_wait3A_1471, %dma_wait3A_1477] : memref<8x50xi32, #tpu.memory_space<vmem>> -> memref<1x50xi32, #tpu.memory_space<vmem>>
    %dma_wait3A_1479 = tpu.memref_squeeze %dma_wait3A_1478 : memref<1x50xi32, #tpu.memory_space<vmem>> -> memref<50xi32, #tpu.memory_space<vmem>>
    %dma_wait3A_1480 = arith.constant 0 : i32
    %dma_wait3A_1481 = arith.constant 0 : i32
    %dma_wait3A_1482 = tpu.memref_slice %arg3[%dma_wait3A_1480, %dma_wait3A_1481] : memref<2000000x64xf32, #tpu.memory_space<hbm>> -> memref<2000000x64xf32, #tpu.memory_space<hbm>>
    tpu.wait_indirect_dma semaphore(%arg18 : memref<!tpu.dma_semaphore, #tpu.memory_space<semaphore_mem>>) src(%dma_wait3A_1482 : memref<2000000x64xf32, #tpu.memory_space<hbm>>) dst(%dma_wait3A_1476 : memref<50x64xf32, #tpu.memory_space<vmem>>)
    %dma_wait3A_1483 = arith.constant 5 : i32
    %dma_wait3A_1484 = arith.constant 5 : i32
    %dma_wait3A_1485 = arith.constant 0 : i32
    %dma_wait3A_1486 = arith.constant 0 : i32
    %dma_wait3A_1487 = tpu.memref_slice %arg10[%dma_wait3A_1484, %dma_wait3A_1485, %dma_wait3A_1486] : memref<8x50x64xf32, #tpu.memory_space<vmem>> -> memref<1x50x64xf32, #tpu.memory_space<vmem>>
    %dma_wait3A_1488 = tpu.memref_squeeze %dma_wait3A_1487 : memref<1x50x64xf32, #tpu.memory_space<vmem>> -> memref<50x64xf32, #tpu.memory_space<vmem>>
    %dma_wait3A_1489 = arith.constant 0 : i32
    %dma_wait3A_1490 = tpu.memref_slice %arg6[%dma_wait3A_1483, %dma_wait3A_1489] : memref<8x50xi32, #tpu.memory_space<vmem>> -> memref<1x50xi32, #tpu.memory_space<vmem>>
    %dma_wait3A_1491 = tpu.memref_squeeze %dma_wait3A_1490 : memref<1x50xi32, #tpu.memory_space<vmem>> -> memref<50xi32, #tpu.memory_space<vmem>>
    %dma_wait3A_1492 = arith.constant 0 : i32
    %dma_wait3A_1493 = arith.constant 0 : i32
    %dma_wait3A_1494 = tpu.memref_slice %arg3[%dma_wait3A_1492, %dma_wait3A_1493] : memref<2000000x64xf32, #tpu.memory_space<hbm>> -> memref<2000000x64xf32, #tpu.memory_space<hbm>>
    tpu.wait_indirect_dma semaphore(%arg18 : memref<!tpu.dma_semaphore, #tpu.memory_space<semaphore_mem>>) src(%dma_wait3A_1494 : memref<2000000x64xf32, #tpu.memory_space<hbm>>) dst(%dma_wait3A_1488 : memref<50x64xf32, #tpu.memory_space<vmem>>)
    %dma_wait3A_1495 = arith.constant 6 : i32
    %dma_wait3A_1496 = arith.constant 6 : i32
    %dma_wait3A_1497 = arith.constant 0 : i32
    %dma_wait3A_1498 = arith.constant 0 : i32
    %dma_wait3A_1499 = tpu.memref_slice %arg10[%dma_wait3A_1496, %dma_wait3A_1497, %dma_wait3A_1498] : memref<8x50x64xf32, #tpu.memory_space<vmem>> -> memref<1x50x64xf32, #tpu.memory_space<vmem>>
    %dma_wait3A_1500 = tpu.memref_squeeze %dma_wait3A_1499 : memref<1x50x64xf32, #tpu.memory_space<vmem>> -> memref<50x64xf32, #tpu.memory_space<vmem>>
    %dma_wait3A_1501 = arith.constant 0 : i32
    %dma_wait3A_1502 = tpu.memref_slice %arg6[%dma_wait3A_1495, %dma_wait3A_1501] : memref<8x50xi32, #tpu.memory_space<vmem>> -> memref<1x50xi32, #tpu.memory_space<vmem>>
    %dma_wait3A_1503 = tpu.memref_squeeze %dma_wait3A_1502 : memref<1x50xi32, #tpu.memory_space<vmem>> -> memref<50xi32, #tpu.memory_space<vmem>>
    %dma_wait3A_1504 = arith.constant 0 : i32
    %dma_wait3A_1505 = arith.constant 0 : i32
    %dma_wait3A_1506 = tpu.memref_slice %arg3[%dma_wait3A_1504, %dma_wait3A_1505] : memref<2000000x64xf32, #tpu.memory_space<hbm>> -> memref<2000000x64xf32, #tpu.memory_space<hbm>>
    tpu.wait_indirect_dma semaphore(%arg18 : memref<!tpu.dma_semaphore, #tpu.memory_space<semaphore_mem>>) src(%dma_wait3A_1506 : memref<2000000x64xf32, #tpu.memory_space<hbm>>) dst(%dma_wait3A_1500 : memref<50x64xf32, #tpu.memory_space<vmem>>)
    %dma_wait3A_1507 = arith.constant 7 : i32
    %dma_wait3A_1508 = arith.constant 7 : i32
    %dma_wait3A_1509 = arith.constant 0 : i32
    %dma_wait3A_1510 = arith.constant 0 : i32
    %dma_wait3A_1511 = tpu.memref_slice %arg10[%dma_wait3A_1508, %dma_wait3A_1509, %dma_wait3A_1510] : memref<8x50x64xf32, #tpu.memory_space<vmem>> -> memref<1x50x64xf32, #tpu.memory_space<vmem>>
    %dma_wait3A_1512 = tpu.memref_squeeze %dma_wait3A_1511 : memref<1x50x64xf32, #tpu.memory_space<vmem>> -> memref<50x64xf32, #tpu.memory_space<vmem>>
    %dma_wait3A_1513 = arith.constant 0 : i32
    %dma_wait3A_1514 = tpu.memref_slice %arg6[%dma_wait3A_1507, %dma_wait3A_1513] : memref<8x50xi32, #tpu.memory_space<vmem>> -> memref<1x50xi32, #tpu.memory_space<vmem>>
    %dma_wait3A_1515 = tpu.memref_squeeze %dma_wait3A_1514 : memref<1x50xi32, #tpu.memory_space<vmem>> -> memref<50xi32, #tpu.memory_space<vmem>>
    %dma_wait3A_1516 = arith.constant 0 : i32
    %dma_wait3A_1517 = arith.constant 0 : i32
    %dma_wait3A_1518 = tpu.memref_slice %arg3[%dma_wait3A_1516, %dma_wait3A_1517] : memref<2000000x64xf32, #tpu.memory_space<hbm>> -> memref<2000000x64xf32, #tpu.memory_space<hbm>>
    tpu.wait_indirect_dma semaphore(%arg18 : memref<!tpu.dma_semaphore, #tpu.memory_space<semaphore_mem>>) src(%dma_wait3A_1518 : memref<2000000x64xf32, #tpu.memory_space<hbm>>) dst(%dma_wait3A_1512 : memref<50x64xf32, #tpu.memory_space<vmem>>)
    %add3A_1519 = arith.constant 488 : i32
    %add3A_1520 = arith.addi %mul3A_2, %add3A_1519 : i32
    %dma_start3A_1521 = arith.constant 0 : i32
    %dma_start3A_1522 = arith.constant 0 : i32
    %dma_start3A_1523 = tpu.memref_slice %arg4[%add3A_1520, %dma_start3A_1521, %dma_start3A_1522] : memref<16384x56x128xf32, #tpu.memory_space<hbm>> -> memref<8x50x64xf32, #tpu.memory_space<hbm>>
    %dma_start3A_1524 = arith.constant 0 : i32
    %dma_start3A_1525 = arith.constant 0 : i32
    %dma_start3A_1526 = tpu.memref_slice %arg4[%add3A_1520, %dma_start3A_1524, %dma_start3A_1525] : memref<16384x56x128xf32, #tpu.memory_space<hbm>> -> memref<8x50x64xf32, #tpu.memory_space<hbm>>
    tpu.enqueue_dma source(%arg10 : memref<8x50x64xf32, #tpu.memory_space<vmem>>) target(%dma_start3A_1526 : memref<8x50x64xf32, #tpu.memory_space<hbm>>) target_semaphore(%arg22 : memref<!tpu.dma_semaphore, #tpu.memory_space<semaphore_mem>>)
    %dma_wait3A_1527 = arith.constant 0 : i32
    %dma_wait3A_1528 = arith.constant 0 : i32
    %dma_wait3A_1529 = arith.constant 0 : i32
    %dma_wait3A_1530 = arith.constant 0 : i32
    %dma_wait3A_1531 = tpu.memref_slice %arg11[%dma_wait3A_1528, %dma_wait3A_1529, %dma_wait3A_1530] : memref<8x50x64xf32, #tpu.memory_space<vmem>> -> memref<1x50x64xf32, #tpu.memory_space<vmem>>
    %dma_wait3A_1532 = tpu.memref_squeeze %dma_wait3A_1531 : memref<1x50x64xf32, #tpu.memory_space<vmem>> -> memref<50x64xf32, #tpu.memory_space<vmem>>
    %dma_wait3A_1533 = arith.constant 0 : i32
    %dma_wait3A_1534 = tpu.memref_slice %arg7[%dma_wait3A_1527, %dma_wait3A_1533] : memref<8x50xi32, #tpu.memory_space<vmem>> -> memref<1x50xi32, #tpu.memory_space<vmem>>
    %dma_wait3A_1535 = tpu.memref_squeeze %dma_wait3A_1534 : memref<1x50xi32, #tpu.memory_space<vmem>> -> memref<50xi32, #tpu.memory_space<vmem>>
    %dma_wait3A_1536 = arith.constant 0 : i32
    %dma_wait3A_1537 = arith.constant 0 : i32
    %dma_wait3A_1538 = tpu.memref_slice %arg3[%dma_wait3A_1536, %dma_wait3A_1537] : memref<2000000x64xf32, #tpu.memory_space<hbm>> -> memref<2000000x64xf32, #tpu.memory_space<hbm>>
    tpu.wait_indirect_dma semaphore(%arg19 : memref<!tpu.dma_semaphore, #tpu.memory_space<semaphore_mem>>) src(%dma_wait3A_1538 : memref<2000000x64xf32, #tpu.memory_space<hbm>>) dst(%dma_wait3A_1532 : memref<50x64xf32, #tpu.memory_space<vmem>>)
    %dma_wait3A_1539 = arith.constant 1 : i32
    %dma_wait3A_1540 = arith.constant 1 : i32
    %dma_wait3A_1541 = arith.constant 0 : i32
    %dma_wait3A_1542 = arith.constant 0 : i32
    %dma_wait3A_1543 = tpu.memref_slice %arg11[%dma_wait3A_1540, %dma_wait3A_1541, %dma_wait3A_1542] : memref<8x50x64xf32, #tpu.memory_space<vmem>> -> memref<1x50x64xf32, #tpu.memory_space<vmem>>
    %dma_wait3A_1544 = tpu.memref_squeeze %dma_wait3A_1543 : memref<1x50x64xf32, #tpu.memory_space<vmem>> -> memref<50x64xf32, #tpu.memory_space<vmem>>
    %dma_wait3A_1545 = arith.constant 0 : i32
    %dma_wait3A_1546 = tpu.memref_slice %arg7[%dma_wait3A_1539, %dma_wait3A_1545] : memref<8x50xi32, #tpu.memory_space<vmem>> -> memref<1x50xi32, #tpu.memory_space<vmem>>
    %dma_wait3A_1547 = tpu.memref_squeeze %dma_wait3A_1546 : memref<1x50xi32, #tpu.memory_space<vmem>> -> memref<50xi32, #tpu.memory_space<vmem>>
    %dma_wait3A_1548 = arith.constant 0 : i32
    %dma_wait3A_1549 = arith.constant 0 : i32
    %dma_wait3A_1550 = tpu.memref_slice %arg3[%dma_wait3A_1548, %dma_wait3A_1549] : memref<2000000x64xf32, #tpu.memory_space<hbm>> -> memref<2000000x64xf32, #tpu.memory_space<hbm>>
    tpu.wait_indirect_dma semaphore(%arg19 : memref<!tpu.dma_semaphore, #tpu.memory_space<semaphore_mem>>) src(%dma_wait3A_1550 : memref<2000000x64xf32, #tpu.memory_space<hbm>>) dst(%dma_wait3A_1544 : memref<50x64xf32, #tpu.memory_space<vmem>>)
    %dma_wait3A_1551 = arith.constant 2 : i32
    %dma_wait3A_1552 = arith.constant 2 : i32
    %dma_wait3A_1553 = arith.constant 0 : i32
    %dma_wait3A_1554 = arith.constant 0 : i32
    %dma_wait3A_1555 = tpu.memref_slice %arg11[%dma_wait3A_1552, %dma_wait3A_1553, %dma_wait3A_1554] : memref<8x50x64xf32, #tpu.memory_space<vmem>> -> memref<1x50x64xf32, #tpu.memory_space<vmem>>
    %dma_wait3A_1556 = tpu.memref_squeeze %dma_wait3A_1555 : memref<1x50x64xf32, #tpu.memory_space<vmem>> -> memref<50x64xf32, #tpu.memory_space<vmem>>
    %dma_wait3A_1557 = arith.constant 0 : i32
    %dma_wait3A_1558 = tpu.memref_slice %arg7[%dma_wait3A_1551, %dma_wait3A_1557] : memref<8x50xi32, #tpu.memory_space<vmem>> -> memref<1x50xi32, #tpu.memory_space<vmem>>
    %dma_wait3A_1559 = tpu.memref_squeeze %dma_wait3A_1558 : memref<1x50xi32, #tpu.memory_space<vmem>> -> memref<50xi32, #tpu.memory_space<vmem>>
    %dma_wait3A_1560 = arith.constant 0 : i32
    %dma_wait3A_1561 = arith.constant 0 : i32
    %dma_wait3A_1562 = tpu.memref_slice %arg3[%dma_wait3A_1560, %dma_wait3A_1561] : memref<2000000x64xf32, #tpu.memory_space<hbm>> -> memref<2000000x64xf32, #tpu.memory_space<hbm>>
    tpu.wait_indirect_dma semaphore(%arg19 : memref<!tpu.dma_semaphore, #tpu.memory_space<semaphore_mem>>) src(%dma_wait3A_1562 : memref<2000000x64xf32, #tpu.memory_space<hbm>>) dst(%dma_wait3A_1556 : memref<50x64xf32, #tpu.memory_space<vmem>>)
    %dma_wait3A_1563 = arith.constant 3 : i32
    %dma_wait3A_1564 = arith.constant 3 : i32
    %dma_wait3A_1565 = arith.constant 0 : i32
    %dma_wait3A_1566 = arith.constant 0 : i32
    %dma_wait3A_1567 = tpu.memref_slice %arg11[%dma_wait3A_1564, %dma_wait3A_1565, %dma_wait3A_1566] : memref<8x50x64xf32, #tpu.memory_space<vmem>> -> memref<1x50x64xf32, #tpu.memory_space<vmem>>
    %dma_wait3A_1568 = tpu.memref_squeeze %dma_wait3A_1567 : memref<1x50x64xf32, #tpu.memory_space<vmem>> -> memref<50x64xf32, #tpu.memory_space<vmem>>
    %dma_wait3A_1569 = arith.constant 0 : i32
    %dma_wait3A_1570 = tpu.memref_slice %arg7[%dma_wait3A_1563, %dma_wait3A_1569] : memref<8x50xi32, #tpu.memory_space<vmem>> -> memref<1x50xi32, #tpu.memory_space<vmem>>
    %dma_wait3A_1571 = tpu.memref_squeeze %dma_wait3A_1570 : memref<1x50xi32, #tpu.memory_space<vmem>> -> memref<50xi32, #tpu.memory_space<vmem>>
    %dma_wait3A_1572 = arith.constant 0 : i32
    %dma_wait3A_1573 = arith.constant 0 : i32
    %dma_wait3A_1574 = tpu.memref_slice %arg3[%dma_wait3A_1572, %dma_wait3A_1573] : memref<2000000x64xf32, #tpu.memory_space<hbm>> -> memref<2000000x64xf32, #tpu.memory_space<hbm>>
    tpu.wait_indirect_dma semaphore(%arg19 : memref<!tpu.dma_semaphore, #tpu.memory_space<semaphore_mem>>) src(%dma_wait3A_1574 : memref<2000000x64xf32, #tpu.memory_space<hbm>>) dst(%dma_wait3A_1568 : memref<50x64xf32, #tpu.memory_space<vmem>>)
    %dma_wait3A_1575 = arith.constant 4 : i32
    %dma_wait3A_1576 = arith.constant 4 : i32
    %dma_wait3A_1577 = arith.constant 0 : i32
    %dma_wait3A_1578 = arith.constant 0 : i32
    %dma_wait3A_1579 = tpu.memref_slice %arg11[%dma_wait3A_1576, %dma_wait3A_1577, %dma_wait3A_1578] : memref<8x50x64xf32, #tpu.memory_space<vmem>> -> memref<1x50x64xf32, #tpu.memory_space<vmem>>
    %dma_wait3A_1580 = tpu.memref_squeeze %dma_wait3A_1579 : memref<1x50x64xf32, #tpu.memory_space<vmem>> -> memref<50x64xf32, #tpu.memory_space<vmem>>
    %dma_wait3A_1581 = arith.constant 0 : i32
    %dma_wait3A_1582 = tpu.memref_slice %arg7[%dma_wait3A_1575, %dma_wait3A_1581] : memref<8x50xi32, #tpu.memory_space<vmem>> -> memref<1x50xi32, #tpu.memory_space<vmem>>
    %dma_wait3A_1583 = tpu.memref_squeeze %dma_wait3A_1582 : memref<1x50xi32, #tpu.memory_space<vmem>> -> memref<50xi32, #tpu.memory_space<vmem>>
    %dma_wait3A_1584 = arith.constant 0 : i32
    %dma_wait3A_1585 = arith.constant 0 : i32
    %dma_wait3A_1586 = tpu.memref_slice %arg3[%dma_wait3A_1584, %dma_wait3A_1585] : memref<2000000x64xf32, #tpu.memory_space<hbm>> -> memref<2000000x64xf32, #tpu.memory_space<hbm>>
    tpu.wait_indirect_dma semaphore(%arg19 : memref<!tpu.dma_semaphore, #tpu.memory_space<semaphore_mem>>) src(%dma_wait3A_1586 : memref<2000000x64xf32, #tpu.memory_space<hbm>>) dst(%dma_wait3A_1580 : memref<50x64xf32, #tpu.memory_space<vmem>>)
    %dma_wait3A_1587 = arith.constant 5 : i32
    %dma_wait3A_1588 = arith.constant 5 : i32
    %dma_wait3A_1589 = arith.constant 0 : i32
    %dma_wait3A_1590 = arith.constant 0 : i32
    %dma_wait3A_1591 = tpu.memref_slice %arg11[%dma_wait3A_1588, %dma_wait3A_1589, %dma_wait3A_1590] : memref<8x50x64xf32, #tpu.memory_space<vmem>> -> memref<1x50x64xf32, #tpu.memory_space<vmem>>
    %dma_wait3A_1592 = tpu.memref_squeeze %dma_wait3A_1591 : memref<1x50x64xf32, #tpu.memory_space<vmem>> -> memref<50x64xf32, #tpu.memory_space<vmem>>
    %dma_wait3A_1593 = arith.constant 0 : i32
    %dma_wait3A_1594 = tpu.memref_slice %arg7[%dma_wait3A_1587, %dma_wait3A_1593] : memref<8x50xi32, #tpu.memory_space<vmem>> -> memref<1x50xi32, #tpu.memory_space<vmem>>
    %dma_wait3A_1595 = tpu.memref_squeeze %dma_wait3A_1594 : memref<1x50xi32, #tpu.memory_space<vmem>> -> memref<50xi32, #tpu.memory_space<vmem>>
    %dma_wait3A_1596 = arith.constant 0 : i32
    %dma_wait3A_1597 = arith.constant 0 : i32
    %dma_wait3A_1598 = tpu.memref_slice %arg3[%dma_wait3A_1596, %dma_wait3A_1597] : memref<2000000x64xf32, #tpu.memory_space<hbm>> -> memref<2000000x64xf32, #tpu.memory_space<hbm>>
    tpu.wait_indirect_dma semaphore(%arg19 : memref<!tpu.dma_semaphore, #tpu.memory_space<semaphore_mem>>) src(%dma_wait3A_1598 : memref<2000000x64xf32, #tpu.memory_space<hbm>>) dst(%dma_wait3A_1592 : memref<50x64xf32, #tpu.memory_space<vmem>>)
    %dma_wait3A_1599 = arith.constant 6 : i32
    %dma_wait3A_1600 = arith.constant 6 : i32
    %dma_wait3A_1601 = arith.constant 0 : i32
    %dma_wait3A_1602 = arith.constant 0 : i32
    %dma_wait3A_1603 = tpu.memref_slice %arg11[%dma_wait3A_1600, %dma_wait3A_1601, %dma_wait3A_1602] : memref<8x50x64xf32, #tpu.memory_space<vmem>> -> memref<1x50x64xf32, #tpu.memory_space<vmem>>
    %dma_wait3A_1604 = tpu.memref_squeeze %dma_wait3A_1603 : memref<1x50x64xf32, #tpu.memory_space<vmem>> -> memref<50x64xf32, #tpu.memory_space<vmem>>
    %dma_wait3A_1605 = arith.constant 0 : i32
    %dma_wait3A_1606 = tpu.memref_slice %arg7[%dma_wait3A_1599, %dma_wait3A_1605] : memref<8x50xi32, #tpu.memory_space<vmem>> -> memref<1x50xi32, #tpu.memory_space<vmem>>
    %dma_wait3A_1607 = tpu.memref_squeeze %dma_wait3A_1606 : memref<1x50xi32, #tpu.memory_space<vmem>> -> memref<50xi32, #tpu.memory_space<vmem>>
    %dma_wait3A_1608 = arith.constant 0 : i32
    %dma_wait3A_1609 = arith.constant 0 : i32
    %dma_wait3A_1610 = tpu.memref_slice %arg3[%dma_wait3A_1608, %dma_wait3A_1609] : memref<2000000x64xf32, #tpu.memory_space<hbm>> -> memref<2000000x64xf32, #tpu.memory_space<hbm>>
    tpu.wait_indirect_dma semaphore(%arg19 : memref<!tpu.dma_semaphore, #tpu.memory_space<semaphore_mem>>) src(%dma_wait3A_1610 : memref<2000000x64xf32, #tpu.memory_space<hbm>>) dst(%dma_wait3A_1604 : memref<50x64xf32, #tpu.memory_space<vmem>>)
    %dma_wait3A_1611 = arith.constant 7 : i32
    %dma_wait3A_1612 = arith.constant 7 : i32
    %dma_wait3A_1613 = arith.constant 0 : i32
    %dma_wait3A_1614 = arith.constant 0 : i32
    %dma_wait3A_1615 = tpu.memref_slice %arg11[%dma_wait3A_1612, %dma_wait3A_1613, %dma_wait3A_1614] : memref<8x50x64xf32, #tpu.memory_space<vmem>> -> memref<1x50x64xf32, #tpu.memory_space<vmem>>
    %dma_wait3A_1616 = tpu.memref_squeeze %dma_wait3A_1615 : memref<1x50x64xf32, #tpu.memory_space<vmem>> -> memref<50x64xf32, #tpu.memory_space<vmem>>
    %dma_wait3A_1617 = arith.constant 0 : i32
    %dma_wait3A_1618 = tpu.memref_slice %arg7[%dma_wait3A_1611, %dma_wait3A_1617] : memref<8x50xi32, #tpu.memory_space<vmem>> -> memref<1x50xi32, #tpu.memory_space<vmem>>
    %dma_wait3A_1619 = tpu.memref_squeeze %dma_wait3A_1618 : memref<1x50xi32, #tpu.memory_space<vmem>> -> memref<50xi32, #tpu.memory_space<vmem>>
    %dma_wait3A_1620 = arith.constant 0 : i32
    %dma_wait3A_1621 = arith.constant 0 : i32
    %dma_wait3A_1622 = tpu.memref_slice %arg3[%dma_wait3A_1620, %dma_wait3A_1621] : memref<2000000x64xf32, #tpu.memory_space<hbm>> -> memref<2000000x64xf32, #tpu.memory_space<hbm>>
    tpu.wait_indirect_dma semaphore(%arg19 : memref<!tpu.dma_semaphore, #tpu.memory_space<semaphore_mem>>) src(%dma_wait3A_1622 : memref<2000000x64xf32, #tpu.memory_space<hbm>>) dst(%dma_wait3A_1616 : memref<50x64xf32, #tpu.memory_space<vmem>>)
    %add3A_1623 = arith.constant 496 : i32
    %add3A_1624 = arith.addi %mul3A_2, %add3A_1623 : i32
    %dma_start3A_1625 = arith.constant 0 : i32
    %dma_start3A_1626 = arith.constant 0 : i32
    %dma_start3A_1627 = tpu.memref_slice %arg4[%add3A_1624, %dma_start3A_1625, %dma_start3A_1626] : memref<16384x56x128xf32, #tpu.memory_space<hbm>> -> memref<8x50x64xf32, #tpu.memory_space<hbm>>
    %dma_start3A_1628 = arith.constant 0 : i32
    %dma_start3A_1629 = arith.constant 0 : i32
    %dma_start3A_1630 = tpu.memref_slice %arg4[%add3A_1624, %dma_start3A_1628, %dma_start3A_1629] : memref<16384x56x128xf32, #tpu.memory_space<hbm>> -> memref<8x50x64xf32, #tpu.memory_space<hbm>>
    tpu.enqueue_dma source(%arg11 : memref<8x50x64xf32, #tpu.memory_space<vmem>>) target(%dma_start3A_1630 : memref<8x50x64xf32, #tpu.memory_space<hbm>>) target_semaphore(%arg23 : memref<!tpu.dma_semaphore, #tpu.memory_space<semaphore_mem>>)
    %dma_wait3A_1631 = arith.constant 0 : i32
    %dma_wait3A_1632 = arith.constant 0 : i32
    %dma_wait3A_1633 = arith.constant 0 : i32
    %dma_wait3A_1634 = arith.constant 0 : i32
    %dma_wait3A_1635 = tpu.memref_slice %arg12[%dma_wait3A_1632, %dma_wait3A_1633, %dma_wait3A_1634] : memref<8x50x64xf32, #tpu.memory_space<vmem>> -> memref<1x50x64xf32, #tpu.memory_space<vmem>>
    %dma_wait3A_1636 = tpu.memref_squeeze %dma_wait3A_1635 : memref<1x50x64xf32, #tpu.memory_space<vmem>> -> memref<50x64xf32, #tpu.memory_space<vmem>>
    %dma_wait3A_1637 = arith.constant 0 : i32
    %dma_wait3A_1638 = tpu.memref_slice %arg8[%dma_wait3A_1631, %dma_wait3A_1637] : memref<8x50xi32, #tpu.memory_space<vmem>> -> memref<1x50xi32, #tpu.memory_space<vmem>>
    %dma_wait3A_1639 = tpu.memref_squeeze %dma_wait3A_1638 : memref<1x50xi32, #tpu.memory_space<vmem>> -> memref<50xi32, #tpu.memory_space<vmem>>
    %dma_wait3A_1640 = arith.constant 0 : i32
    %dma_wait3A_1641 = arith.constant 0 : i32
    %dma_wait3A_1642 = tpu.memref_slice %arg3[%dma_wait3A_1640, %dma_wait3A_1641] : memref<2000000x64xf32, #tpu.memory_space<hbm>> -> memref<2000000x64xf32, #tpu.memory_space<hbm>>
    tpu.wait_indirect_dma semaphore(%arg20 : memref<!tpu.dma_semaphore, #tpu.memory_space<semaphore_mem>>) src(%dma_wait3A_1642 : memref<2000000x64xf32, #tpu.memory_space<hbm>>) dst(%dma_wait3A_1636 : memref<50x64xf32, #tpu.memory_space<vmem>>)
    %dma_wait3A_1643 = arith.constant 1 : i32
    %dma_wait3A_1644 = arith.constant 1 : i32
    %dma_wait3A_1645 = arith.constant 0 : i32
    %dma_wait3A_1646 = arith.constant 0 : i32
    %dma_wait3A_1647 = tpu.memref_slice %arg12[%dma_wait3A_1644, %dma_wait3A_1645, %dma_wait3A_1646] : memref<8x50x64xf32, #tpu.memory_space<vmem>> -> memref<1x50x64xf32, #tpu.memory_space<vmem>>
    %dma_wait3A_1648 = tpu.memref_squeeze %dma_wait3A_1647 : memref<1x50x64xf32, #tpu.memory_space<vmem>> -> memref<50x64xf32, #tpu.memory_space<vmem>>
    %dma_wait3A_1649 = arith.constant 0 : i32
    %dma_wait3A_1650 = tpu.memref_slice %arg8[%dma_wait3A_1643, %dma_wait3A_1649] : memref<8x50xi32, #tpu.memory_space<vmem>> -> memref<1x50xi32, #tpu.memory_space<vmem>>
    %dma_wait3A_1651 = tpu.memref_squeeze %dma_wait3A_1650 : memref<1x50xi32, #tpu.memory_space<vmem>> -> memref<50xi32, #tpu.memory_space<vmem>>
    %dma_wait3A_1652 = arith.constant 0 : i32
    %dma_wait3A_1653 = arith.constant 0 : i32
    %dma_wait3A_1654 = tpu.memref_slice %arg3[%dma_wait3A_1652, %dma_wait3A_1653] : memref<2000000x64xf32, #tpu.memory_space<hbm>> -> memref<2000000x64xf32, #tpu.memory_space<hbm>>
    tpu.wait_indirect_dma semaphore(%arg20 : memref<!tpu.dma_semaphore, #tpu.memory_space<semaphore_mem>>) src(%dma_wait3A_1654 : memref<2000000x64xf32, #tpu.memory_space<hbm>>) dst(%dma_wait3A_1648 : memref<50x64xf32, #tpu.memory_space<vmem>>)
    %dma_wait3A_1655 = arith.constant 2 : i32
    %dma_wait3A_1656 = arith.constant 2 : i32
    %dma_wait3A_1657 = arith.constant 0 : i32
    %dma_wait3A_1658 = arith.constant 0 : i32
    %dma_wait3A_1659 = tpu.memref_slice %arg12[%dma_wait3A_1656, %dma_wait3A_1657, %dma_wait3A_1658] : memref<8x50x64xf32, #tpu.memory_space<vmem>> -> memref<1x50x64xf32, #tpu.memory_space<vmem>>
    %dma_wait3A_1660 = tpu.memref_squeeze %dma_wait3A_1659 : memref<1x50x64xf32, #tpu.memory_space<vmem>> -> memref<50x64xf32, #tpu.memory_space<vmem>>
    %dma_wait3A_1661 = arith.constant 0 : i32
    %dma_wait3A_1662 = tpu.memref_slice %arg8[%dma_wait3A_1655, %dma_wait3A_1661] : memref<8x50xi32, #tpu.memory_space<vmem>> -> memref<1x50xi32, #tpu.memory_space<vmem>>
    %dma_wait3A_1663 = tpu.memref_squeeze %dma_wait3A_1662 : memref<1x50xi32, #tpu.memory_space<vmem>> -> memref<50xi32, #tpu.memory_space<vmem>>
    %dma_wait3A_1664 = arith.constant 0 : i32
    %dma_wait3A_1665 = arith.constant 0 : i32
    %dma_wait3A_1666 = tpu.memref_slice %arg3[%dma_wait3A_1664, %dma_wait3A_1665] : memref<2000000x64xf32, #tpu.memory_space<hbm>> -> memref<2000000x64xf32, #tpu.memory_space<hbm>>
    tpu.wait_indirect_dma semaphore(%arg20 : memref<!tpu.dma_semaphore, #tpu.memory_space<semaphore_mem>>) src(%dma_wait3A_1666 : memref<2000000x64xf32, #tpu.memory_space<hbm>>) dst(%dma_wait3A_1660 : memref<50x64xf32, #tpu.memory_space<vmem>>)
    %dma_wait3A_1667 = arith.constant 3 : i32
    %dma_wait3A_1668 = arith.constant 3 : i32
    %dma_wait3A_1669 = arith.constant 0 : i32
    %dma_wait3A_1670 = arith.constant 0 : i32
    %dma_wait3A_1671 = tpu.memref_slice %arg12[%dma_wait3A_1668, %dma_wait3A_1669, %dma_wait3A_1670] : memref<8x50x64xf32, #tpu.memory_space<vmem>> -> memref<1x50x64xf32, #tpu.memory_space<vmem>>
    %dma_wait3A_1672 = tpu.memref_squeeze %dma_wait3A_1671 : memref<1x50x64xf32, #tpu.memory_space<vmem>> -> memref<50x64xf32, #tpu.memory_space<vmem>>
    %dma_wait3A_1673 = arith.constant 0 : i32
    %dma_wait3A_1674 = tpu.memref_slice %arg8[%dma_wait3A_1667, %dma_wait3A_1673] : memref<8x50xi32, #tpu.memory_space<vmem>> -> memref<1x50xi32, #tpu.memory_space<vmem>>
    %dma_wait3A_1675 = tpu.memref_squeeze %dma_wait3A_1674 : memref<1x50xi32, #tpu.memory_space<vmem>> -> memref<50xi32, #tpu.memory_space<vmem>>
    %dma_wait3A_1676 = arith.constant 0 : i32
    %dma_wait3A_1677 = arith.constant 0 : i32
    %dma_wait3A_1678 = tpu.memref_slice %arg3[%dma_wait3A_1676, %dma_wait3A_1677] : memref<2000000x64xf32, #tpu.memory_space<hbm>> -> memref<2000000x64xf32, #tpu.memory_space<hbm>>
    tpu.wait_indirect_dma semaphore(%arg20 : memref<!tpu.dma_semaphore, #tpu.memory_space<semaphore_mem>>) src(%dma_wait3A_1678 : memref<2000000x64xf32, #tpu.memory_space<hbm>>) dst(%dma_wait3A_1672 : memref<50x64xf32, #tpu.memory_space<vmem>>)
    %dma_wait3A_1679 = arith.constant 4 : i32
    %dma_wait3A_1680 = arith.constant 4 : i32
    %dma_wait3A_1681 = arith.constant 0 : i32
    %dma_wait3A_1682 = arith.constant 0 : i32
    %dma_wait3A_1683 = tpu.memref_slice %arg12[%dma_wait3A_1680, %dma_wait3A_1681, %dma_wait3A_1682] : memref<8x50x64xf32, #tpu.memory_space<vmem>> -> memref<1x50x64xf32, #tpu.memory_space<vmem>>
    %dma_wait3A_1684 = tpu.memref_squeeze %dma_wait3A_1683 : memref<1x50x64xf32, #tpu.memory_space<vmem>> -> memref<50x64xf32, #tpu.memory_space<vmem>>
    %dma_wait3A_1685 = arith.constant 0 : i32
    %dma_wait3A_1686 = tpu.memref_slice %arg8[%dma_wait3A_1679, %dma_wait3A_1685] : memref<8x50xi32, #tpu.memory_space<vmem>> -> memref<1x50xi32, #tpu.memory_space<vmem>>
    %dma_wait3A_1687 = tpu.memref_squeeze %dma_wait3A_1686 : memref<1x50xi32, #tpu.memory_space<vmem>> -> memref<50xi32, #tpu.memory_space<vmem>>
    %dma_wait3A_1688 = arith.constant 0 : i32
    %dma_wait3A_1689 = arith.constant 0 : i32
    %dma_wait3A_1690 = tpu.memref_slice %arg3[%dma_wait3A_1688, %dma_wait3A_1689] : memref<2000000x64xf32, #tpu.memory_space<hbm>> -> memref<2000000x64xf32, #tpu.memory_space<hbm>>
    tpu.wait_indirect_dma semaphore(%arg20 : memref<!tpu.dma_semaphore, #tpu.memory_space<semaphore_mem>>) src(%dma_wait3A_1690 : memref<2000000x64xf32, #tpu.memory_space<hbm>>) dst(%dma_wait3A_1684 : memref<50x64xf32, #tpu.memory_space<vmem>>)
    %dma_wait3A_1691 = arith.constant 5 : i32
    %dma_wait3A_1692 = arith.constant 5 : i32
    %dma_wait3A_1693 = arith.constant 0 : i32
    %dma_wait3A_1694 = arith.constant 0 : i32
    %dma_wait3A_1695 = tpu.memref_slice %arg12[%dma_wait3A_1692, %dma_wait3A_1693, %dma_wait3A_1694] : memref<8x50x64xf32, #tpu.memory_space<vmem>> -> memref<1x50x64xf32, #tpu.memory_space<vmem>>
    %dma_wait3A_1696 = tpu.memref_squeeze %dma_wait3A_1695 : memref<1x50x64xf32, #tpu.memory_space<vmem>> -> memref<50x64xf32, #tpu.memory_space<vmem>>
    %dma_wait3A_1697 = arith.constant 0 : i32
    %dma_wait3A_1698 = tpu.memref_slice %arg8[%dma_wait3A_1691, %dma_wait3A_1697] : memref<8x50xi32, #tpu.memory_space<vmem>> -> memref<1x50xi32, #tpu.memory_space<vmem>>
    %dma_wait3A_1699 = tpu.memref_squeeze %dma_wait3A_1698 : memref<1x50xi32, #tpu.memory_space<vmem>> -> memref<50xi32, #tpu.memory_space<vmem>>
    %dma_wait3A_1700 = arith.constant 0 : i32
    %dma_wait3A_1701 = arith.constant 0 : i32
    %dma_wait3A_1702 = tpu.memref_slice %arg3[%dma_wait3A_1700, %dma_wait3A_1701] : memref<2000000x64xf32, #tpu.memory_space<hbm>> -> memref<2000000x64xf32, #tpu.memory_space<hbm>>
    tpu.wait_indirect_dma semaphore(%arg20 : memref<!tpu.dma_semaphore, #tpu.memory_space<semaphore_mem>>) src(%dma_wait3A_1702 : memref<2000000x64xf32, #tpu.memory_space<hbm>>) dst(%dma_wait3A_1696 : memref<50x64xf32, #tpu.memory_space<vmem>>)
    %dma_wait3A_1703 = arith.constant 6 : i32
    %dma_wait3A_1704 = arith.constant 6 : i32
    %dma_wait3A_1705 = arith.constant 0 : i32
    %dma_wait3A_1706 = arith.constant 0 : i32
    %dma_wait3A_1707 = tpu.memref_slice %arg12[%dma_wait3A_1704, %dma_wait3A_1705, %dma_wait3A_1706] : memref<8x50x64xf32, #tpu.memory_space<vmem>> -> memref<1x50x64xf32, #tpu.memory_space<vmem>>
    %dma_wait3A_1708 = tpu.memref_squeeze %dma_wait3A_1707 : memref<1x50x64xf32, #tpu.memory_space<vmem>> -> memref<50x64xf32, #tpu.memory_space<vmem>>
    %dma_wait3A_1709 = arith.constant 0 : i32
    %dma_wait3A_1710 = tpu.memref_slice %arg8[%dma_wait3A_1703, %dma_wait3A_1709] : memref<8x50xi32, #tpu.memory_space<vmem>> -> memref<1x50xi32, #tpu.memory_space<vmem>>
    %dma_wait3A_1711 = tpu.memref_squeeze %dma_wait3A_1710 : memref<1x50xi32, #tpu.memory_space<vmem>> -> memref<50xi32, #tpu.memory_space<vmem>>
    %dma_wait3A_1712 = arith.constant 0 : i32
    %dma_wait3A_1713 = arith.constant 0 : i32
    %dma_wait3A_1714 = tpu.memref_slice %arg3[%dma_wait3A_1712, %dma_wait3A_1713] : memref<2000000x64xf32, #tpu.memory_space<hbm>> -> memref<2000000x64xf32, #tpu.memory_space<hbm>>
    tpu.wait_indirect_dma semaphore(%arg20 : memref<!tpu.dma_semaphore, #tpu.memory_space<semaphore_mem>>) src(%dma_wait3A_1714 : memref<2000000x64xf32, #tpu.memory_space<hbm>>) dst(%dma_wait3A_1708 : memref<50x64xf32, #tpu.memory_space<vmem>>)
    %dma_wait3A_1715 = arith.constant 7 : i32
    %dma_wait3A_1716 = arith.constant 7 : i32
    %dma_wait3A_1717 = arith.constant 0 : i32
    %dma_wait3A_1718 = arith.constant 0 : i32
    %dma_wait3A_1719 = tpu.memref_slice %arg12[%dma_wait3A_1716, %dma_wait3A_1717, %dma_wait3A_1718] : memref<8x50x64xf32, #tpu.memory_space<vmem>> -> memref<1x50x64xf32, #tpu.memory_space<vmem>>
    %dma_wait3A_1720 = tpu.memref_squeeze %dma_wait3A_1719 : memref<1x50x64xf32, #tpu.memory_space<vmem>> -> memref<50x64xf32, #tpu.memory_space<vmem>>
    %dma_wait3A_1721 = arith.constant 0 : i32
    %dma_wait3A_1722 = tpu.memref_slice %arg8[%dma_wait3A_1715, %dma_wait3A_1721] : memref<8x50xi32, #tpu.memory_space<vmem>> -> memref<1x50xi32, #tpu.memory_space<vmem>>
    %dma_wait3A_1723 = tpu.memref_squeeze %dma_wait3A_1722 : memref<1x50xi32, #tpu.memory_space<vmem>> -> memref<50xi32, #tpu.memory_space<vmem>>
    %dma_wait3A_1724 = arith.constant 0 : i32
    %dma_wait3A_1725 = arith.constant 0 : i32
    %dma_wait3A_1726 = tpu.memref_slice %arg3[%dma_wait3A_1724, %dma_wait3A_1725] : memref<2000000x64xf32, #tpu.memory_space<hbm>> -> memref<2000000x64xf32, #tpu.memory_space<hbm>>
    tpu.wait_indirect_dma semaphore(%arg20 : memref<!tpu.dma_semaphore, #tpu.memory_space<semaphore_mem>>) src(%dma_wait3A_1726 : memref<2000000x64xf32, #tpu.memory_space<hbm>>) dst(%dma_wait3A_1720 : memref<50x64xf32, #tpu.memory_space<vmem>>)
    %add3A_1727 = arith.constant 504 : i32
    %add3A_1728 = arith.addi %mul3A_2, %add3A_1727 : i32
    %dma_start3A_1729 = arith.constant 0 : i32
    %dma_start3A_1730 = arith.constant 0 : i32
    %dma_start3A_1731 = tpu.memref_slice %arg4[%add3A_1728, %dma_start3A_1729, %dma_start3A_1730] : memref<16384x56x128xf32, #tpu.memory_space<hbm>> -> memref<8x50x64xf32, #tpu.memory_space<hbm>>
    %dma_start3A_1732 = arith.constant 0 : i32
    %dma_start3A_1733 = arith.constant 0 : i32
    %dma_start3A_1734 = tpu.memref_slice %arg4[%add3A_1728, %dma_start3A_1732, %dma_start3A_1733] : memref<16384x56x128xf32, #tpu.memory_space<hbm>> -> memref<8x50x64xf32, #tpu.memory_space<hbm>>
    tpu.enqueue_dma source(%arg12 : memref<8x50x64xf32, #tpu.memory_space<vmem>>) target(%dma_start3A_1734 : memref<8x50x64xf32, #tpu.memory_space<hbm>>) target_semaphore(%arg24 : memref<!tpu.dma_semaphore, #tpu.memory_space<semaphore_mem>>)
    %add3A_1735 = arith.constant 480 : i32
    %add3A_1736 = arith.addi %mul3A_2, %add3A_1735 : i32
    %dma_wait3A_1737 = arith.constant 0 : i32
    %dma_wait3A_1738 = arith.constant 0 : i32
    %dma_wait3A_1739 = tpu.memref_slice %arg4[%add3A_1736, %dma_wait3A_1737, %dma_wait3A_1738] : memref<16384x56x128xf32, #tpu.memory_space<hbm>> -> memref<8x50x64xf32, #tpu.memory_space<hbm>>
    %dma_wait3A_1740 = arith.constant 0 : i32
    %dma_wait3A_1741 = arith.constant 0 : i32
    %dma_wait3A_1742 = tpu.memref_slice %arg4[%add3A_1736, %dma_wait3A_1740, %dma_wait3A_1741] : memref<16384x56x128xf32, #tpu.memory_space<hbm>> -> memref<8x50x64xf32, #tpu.memory_space<hbm>>
    tpu.wait_dma2 semaphore(%arg21 : memref<!tpu.dma_semaphore, #tpu.memory_space<semaphore_mem>>) src(%arg9 : memref<8x50x64xf32, #tpu.memory_space<vmem>>) dst(%dma_wait3A_1742 : memref<8x50x64xf32, #tpu.memory_space<hbm>>)
    %add3A_1743 = arith.constant 488 : i32
    %add3A_1744 = arith.addi %mul3A_2, %add3A_1743 : i32
    %dma_wait3A_1745 = arith.constant 0 : i32
    %dma_wait3A_1746 = arith.constant 0 : i32
    %dma_wait3A_1747 = tpu.memref_slice %arg4[%add3A_1744, %dma_wait3A_1745, %dma_wait3A_1746] : memref<16384x56x128xf32, #tpu.memory_space<hbm>> -> memref<8x50x64xf32, #tpu.memory_space<hbm>>
    %dma_wait3A_1748 = arith.constant 0 : i32
    %dma_wait3A_1749 = arith.constant 0 : i32
    %dma_wait3A_1750 = tpu.memref_slice %arg4[%add3A_1744, %dma_wait3A_1748, %dma_wait3A_1749] : memref<16384x56x128xf32, #tpu.memory_space<hbm>> -> memref<8x50x64xf32, #tpu.memory_space<hbm>>
    tpu.wait_dma2 semaphore(%arg22 : memref<!tpu.dma_semaphore, #tpu.memory_space<semaphore_mem>>) src(%arg10 : memref<8x50x64xf32, #tpu.memory_space<vmem>>) dst(%dma_wait3A_1750 : memref<8x50x64xf32, #tpu.memory_space<hbm>>)
    %add3A_1751 = arith.constant 496 : i32
    %add3A_1752 = arith.addi %mul3A_2, %add3A_1751 : i32
    %dma_wait3A_1753 = arith.constant 0 : i32
    %dma_wait3A_1754 = arith.constant 0 : i32
    %dma_wait3A_1755 = tpu.memref_slice %arg4[%add3A_1752, %dma_wait3A_1753, %dma_wait3A_1754] : memref<16384x56x128xf32, #tpu.memory_space<hbm>> -> memref<8x50x64xf32, #tpu.memory_space<hbm>>
    %dma_wait3A_1756 = arith.constant 0 : i32
    %dma_wait3A_1757 = arith.constant 0 : i32
    %dma_wait3A_1758 = tpu.memref_slice %arg4[%add3A_1752, %dma_wait3A_1756, %dma_wait3A_1757] : memref<16384x56x128xf32, #tpu.memory_space<hbm>> -> memref<8x50x64xf32, #tpu.memory_space<hbm>>
    tpu.wait_dma2 semaphore(%arg23 : memref<!tpu.dma_semaphore, #tpu.memory_space<semaphore_mem>>) src(%arg11 : memref<8x50x64xf32, #tpu.memory_space<vmem>>) dst(%dma_wait3A_1758 : memref<8x50x64xf32, #tpu.memory_space<hbm>>)
    %add3A_1759 = arith.constant 504 : i32
    %add3A_1760 = arith.addi %mul3A_2, %add3A_1759 : i32
    %dma_wait3A_1761 = arith.constant 0 : i32
    %dma_wait3A_1762 = arith.constant 0 : i32
    %dma_wait3A_1763 = tpu.memref_slice %arg4[%add3A_1760, %dma_wait3A_1761, %dma_wait3A_1762] : memref<16384x56x128xf32, #tpu.memory_space<hbm>> -> memref<8x50x64xf32, #tpu.memory_space<hbm>>
    %dma_wait3A_1764 = arith.constant 0 : i32
    %dma_wait3A_1765 = arith.constant 0 : i32
    %dma_wait3A_1766 = tpu.memref_slice %arg4[%add3A_1760, %dma_wait3A_1764, %dma_wait3A_1765] : memref<16384x56x128xf32, #tpu.memory_space<hbm>> -> memref<8x50x64xf32, #tpu.memory_space<hbm>>
    tpu.wait_dma2 semaphore(%arg24 : memref<!tpu.dma_semaphore, #tpu.memory_space<semaphore_mem>>) src(%arg12 : memref<8x50x64xf32, #tpu.memory_space<vmem>>) dst(%dma_wait3A_1766 : memref<8x50x64xf32, #tpu.memory_space<hbm>>)
    return
  }
}

</mosaic_0001>

<sc_bundles>
// kernel: _gather.3.cloned.1.call-start
scs
__scs_entry_jumppad:
0x0: {  	(pc) =	sbr.rel $0x88, $3  }
0x1: {  	(tag) =	ssettag $0x0;
	lr =	simm.s32 $0x1  }
0x2: {  	[smem:$0x3F9F] =	sst lr;
	_ =	strace $0xD0000000  }
0x3: {  	_ = 	snop  }
0x4: {  	_ = 	snop  }
0x5: {  	_ = 	snop  }
0x6: {  	_ = 	snop  }
0x7: {  	_ = 	snop  }
__scs_overlays_trampoline_lowered:
0x8: {  	[smem:$0x3FAE] =	sst s0  }
0x9: {  	[smem:$0x3FAF] =	sst s1  }
0xa: {  	[smem:$0x3FB0] =	sst s2  }
0xb: {  	[smem:$0x3FB1] =	sst s3  }
0xc: {  	[smem:$0x3FB2] =	sst s4  }
0xd: {  	[smem:$0x3FB3] =	sst s5  }
0xe: {  	[smem:$0x3FB4] =	sst s6  }
0xf: {  	[smem:$0x3FB5] =	sst s7  }
0x10: {  	[smem:$0x3FB6] =	sst s8  }
0x11: {  	[smem:$0x3FB7] =	sst s9;
	s0 =	simm.s32 @!p0 $0x0  }
0x12: {  	s1 =	sld [smem:$0x3F9D];
	s0 =	simm.s32 @p0 $0x1  }
0x13: {  	[smem:$0x3FB8] =	sst s0;
	s0 =	simm.s32 @!p1 $0x0  }
0x14: {  	s2 =	sld [smem:$0x3F9C];
	s0 =	simm.s32 @p1 $0x1  }
0x15: {  	[smem:$0x3FB9] =	sst s0;
	s0 =	simm.s32 @!p2 $0x0  }
0x16: {  	s3 =	sld [smem:$0x3FDB];
	s0 =	simm.s32 @p2 $0x1  }
0x17: {  	s4 =	simm.s32 $0x1BF5;
	[smem:$0x3FBB] =	sst s0  }
0x18: {  	s0 =	sld [smem:$0x3F9E];
	_ =	swait.ge [sflag:s4], $0x0  }
0x19: {  	s7 =	sld [smem:$0x3F9F]  }
0x1a: {  	s8 =	sadd.s32 $0xFFFFE003, lr  }
0x1b: {  	s9 =	sadd.s32 $0xFFFFFEF7, lr;
	s5 =	simm.s32 $0xFFFFFFFF;
	p2 =	slt.u32 s8, $0xFFFFF086  }
0x1c: {  	p1 =	slt.u32 s9, $0xF7A;
	s5 =	simm.s32 @!p2 $0x0  }
0x1d: {  	s5 =	simm.s32 @p1 $0x1;
	p0 =	seq.s32 s7, s2  }
0x1e: {  	s7 =	smul.u32 @!p0 $0xF7A, s2;
	p2 =	seq.s32 @!p0 s5, $0x0  }
0x1f: {  	s9 =	smul.u32 $0xF7A, s1;
	s8 =	simm.s32 @!p0 $0x1BF5;
	p2 =	por !p2, p0  }
0x20: {  	[sflag:s8] =	ssyncset.s32 @!p0 $0xFFFFF086;
	s6 =	sadd.s32 @!p0 s3, s7;
	s7 =	simm.s32 @!p0 $0x108  }
0x21: {  	s3 =	sadd.s32 s3, s9;
	s6 =	sadd.s32 @!p0 $0x88, s6;
	s7 =	simm.s32 @p2 $0x1082  }
0x22: {  	[simem:s7], [sflag:s8] =	dma.local @!p0 [hbm:s6], $0xF7A  }
0x23: {  	s9 =	sor.u32 $0xD0000000, s2;
	s6 =	simm.s32 $0x108;
	_ =	swait.ge @!p0 [sflag:s8], $0x0  }
0x24: {  	s3 =	sadd.s32 $0x88, s3;
	s6 =	simm.s32 @!p1 $0x1082;
	[sflag:s4] =	ssyncset.s32 $0xFFFFF086  }
0x25: {  	[simem:s6], [sflag:s4] =	dma.local [hbm:s3], $0xF7A  }
0x26: {  	[smem:$0x3F9F] =	sst s1;
	(tag) =	ssettag s2;
	_ =	strace s9  }
0x27: {  	s1 =	sld [smem:$0x3FAF]  }
0x28: {  	s2 =	sld [smem:$0x3FB0]  }
0x29: {  	s4 =	sld [smem:$0x3FB2]  }
0x2a: {  	p0 =	seq.s32 s5, $0x0;
	s5 =	sld [smem:$0x3FB3]  }
0x2b: {  	s6 =	sld [smem:$0x3FB4]  }
0x2c: {  	s7 =	sld [smem:$0x3FB5]  }
0x2d: {  	s3 =	simm.s32 $0x108;
	s8 =	sld [smem:$0x3FB6]  }
0x2e: {  	s3 =	simm.s32 @!p0 $0x1082;
	s9 =	sld [smem:$0x3FB7]  }
0x2f: {  	lr =	sadd.s32 s0, s3;
	s0 =	sld [smem:$0x3FAE]  }
0x30: {  	s3 =	sld [smem:$0x3FB1]  }
0x31: {  	[smem:$0x3FBA] =	sst s10  }
0x32: {  	s10 =	sld [smem:$0x3FB8];
	_ =	sdelay $0x3  }
0x33: {  	p0 =	seq.s32 s10, $0x1;
	s10 =	sld [smem:$0x3FBA];
	_ =	sdelay $0x3  }
0x34: {  	[smem:$0x3FBA] =	sst s10  }
0x35: {  	s10 =	sld [smem:$0x3FB9];
	_ =	sdelay $0x3  }
0x36: {  	p1 =	seq.s32 s10, $0x1;
	s10 =	sld [smem:$0x3FBA];
	_ =	sdelay $0x3  }
0x37: {  	[smem:$0x3FBA] =	sst s10  }
0x38: {  	s10 =	sld [smem:$0x3FBB]  }
0x39: {  	_ = 	snop;
	(pc) =	sbr.ind lr, $3  }
0x3a: {  	_ = 	snop  }
0x3b: {  	_ = 	snop  }
0x3c: {  	p2 =	seq.s32 s10, $0x1;
	s10 =	sld [smem:$0x3FBA]  }
0x3d: {  	_ =	shalt  }
0x3e: {  	_ =	shalt  }
0x3f: {  	_ =	shalt  }
0x40: {  	_ =	shalt  }
0x41: {  	_ =	shalt  }
0x42: {  	_ =	shalt  }
0x43: {  	_ =	shalt  }
0x44: {  	_ =	shalt  }
0x45: {  	_ =	shalt  }
0x46: {  	_ =	shalt  }
0x47: {  	_ =	shalt  }
0x48: {  	_ =	shalt  }
0x49: {  	_ =	shalt  }
0x4a: {  	_ =	shalt  }
0x4b: {  	_ =	shalt  }
0x4c: {  	_ =	shalt  }
0x4d: {  	_ =	shalt  }
0x4e: {  	_ =	shalt  }
0x4f: {  	_ =	shalt  }
0x50: {  	_ =	shalt  }
0x51: {  	_ =	shalt  }
0x52: {  	_ =	shalt  }
0x53: {  	_ =	shalt  }
0x54: {  	_ =	shalt  }
0x55: {  	_ =	shalt  }
0x56: {  	_ =	shalt  }
0x57: {  	_ =	shalt  }
0x58: {  	_ =	shalt  }
0x59: {  	_ =	shalt  }
0x5a: {  	_ =	shalt  }
0x5b: {  	_ =	shalt  }
0x5c: {  	_ =	shalt  }
0x5d: {  	_ =	shalt  }
0x5e: {  	_ =	shalt  }
0x5f: {  	_ =	shalt  }
0x60: {  	_ =	shalt  }
0x61: {  	_ =	shalt  }
0x62: {  	_ =	shalt  }
0x63: {  	_ =	shalt  }
0x64: {  	_ =	shalt  }
0x65: {  	_ =	shalt  }
0x66: {  	_ =	shalt  }
0x67: {  	_ =	shalt  }
0x68: {  	_ =	shalt  }
0x69: {  	_ =	shalt  }
0x6a: {  	_ =	shalt  }
0x6b: {  	_ =	shalt  }
0x6c: {  	_ =	shalt  }
0x6d: {  	_ =	shalt  }
0x6e: {  	_ =	shalt  }
0x6f: {  	_ =	shalt  }
0x70: {  	_ =	shalt  }
0x71: {  	_ =	shalt  }
0x72: {  	_ =	shalt  }
0x73: {  	_ =	shalt  }
0x74: {  	_ =	shalt  }
0x75: {  	_ =	shalt  }
0x76: {  	_ =	shalt  }
0x77: {  	_ =	shalt  }
0x78: {  	_ =	shalt  }
0x79: {  	_ =	shalt  }
0x7a: {  	_ =	shalt  }
0x7b: {  	_ =	shalt  }
0x7c: {  	_ =	shalt  }
0x7d: {  	_ =	shalt  }
0x7e: {  	_ =	shalt  }
0x7f: {  	_ =	shalt  }
0x80: {  	_ =	shalt  }
0x81: {  	_ =	shalt  }
0x82: {  	_ =	shalt  }
0x83: {  	_ =	shalt  }
0x84: {  	_ =	shalt  }
0x85: {  	_ =	shalt  }
0x86: {  	_ =	shalt  }
0x87: {  	_ =	shalt  }
.Lfunc_end0:
.L_simem_size_0:
called_computation_lowered:
.L_overlay_start_0:
0x88: {  	s2 =	sld [smem:$0x3FD9]  }
0x89: {  	s3 =	sld [smem:$0x3FFE];
	_ =	sdelay $0x1  }
0x8a: {  	s1 =	srdreg.scid  }
0x8b: {  	s0 =	sand.u32 $0x1, s1  }
0x8c: {  	s17 =	sshll.u32 s0, $0xA;
	s2 =	sadd.s32 s3, s2  }
0x8d: {  	s2 =	sadd.s32 s2, s17  }
0x8e: {  	[smem:$0x3FC6] =	sst s2  }
0x8f: {  	_ = 	snop  }
0x90: {  	s2 =	sld [smem:$0x3FD0];
	(tm) =	ssettm $0x1  }
0x91: {  	s18 =	sld [smem:$0x3FFB];
	_ =	sdelay $0x3  }
0x92: {  	_ =	strace s18  }
0x93: {  	s3 =	sld [smem:$0x3FFC];
	_ =	sdelay $0x3  }
0x94: {  	_ =	strace s3  }
0x95: {  	s3 =	sld [smem:$0x3FFD];
	_ =	sdelay $0x3  }
0x96: {  	_ =	strace s3  }
0x97: {  	_ =	strace $0x8FFFFFFF  }
0x98: {  	s19 =	sld [smem:$0x3FDB];
	_ =	sdelay $0x1  }
0x99: {  	s4 =	simm.s32 $_scs_section_size  }
0x9a: {  	s5 =	simm.s32 $_size__tile_overlayer_lowered;
	s6 =	simm.s32 $_tile_overlayer_lowered  }
0x9b: {  	s22 =	simm.s32 $0x1BFF;
	s21 =	sshll.u32 s6, $0x1;
	s3 =	sadd.s32 s4, s19  }
0x9c: {  	s7 =	simm.s32 $0x0;
	s20 =	sshll.u32 s5, $0x1;
	s5 =	sadd.s32 s21, s3  }
0x9d: {  	[timem:s7], [sflag:s22] =	dma.local [hbm:s5], s20  }
0x9e: {  	_ =	swait.ge [sflag:s22], s20  }
0x9f: {  	s4 =	ssub.s32 $0x0, s20;
	[sflag:s22] =	ssyncset.done $0x0  }
0xa0: {  	[sflag:s22] =	ssyncadd.s32 s4;
	_ =	sdelay $0x1  }
0xa1: {  	s23 =	simm.s32 $0x1B8B  }
0xa2: {  	_ =	swait.ge [sflag:s23], $0x1  }
0xa3: {  	[sflag:s23] =	ssyncset.done $0x0  }
0xa4: {  	s25 =	simm.s32 $0x1B8E;
	s24 =	sld [smem:$0x3FFE];
	[sflag:s23] =	ssyncadd.s32 $0xFFFFFFFF  }
0xa5: {  	s26 =	simm.s32 $execute0_lowered;
	[smem:$0x3FD2] =	sst s25  }
0xa6: {  	s5 =	sshll.u32 s26, $0x1;
	_ =	strace $0x80000046;
	[dreg:$0x1] =	wrdreg $0xFFFFFFFF  }
0xa7: {  	s28 =	simm.s32 $_size_execute0_lowered;
	s3 =	sadd.s32 s3, s5;
	[dreg:$0x0] =	wrdreg $0x0  }
0xa8: {  	s5 =	sshll.u32 s28, $0x1;
	[dreg:$0x2] =	wrdreg s3  }
0xa9: {  	[dreg:$0x3] =	wrdreg s5  }
0xaa: {  	[dreg:$0x4] =	wrdreg $0xC0  }
0xab: {  	_ =	task [dreg:s7], $0x5FFFF  }
0xac: {  	[dreg:$0x1] =	wrdreg $0xFFFFFFFF  }
0xad: {  	[dreg:$0x0] =	wrdreg $0x60  }
0xae: {  	[dreg:$0x2] =	wrdreg s24  }
0xaf: {  	[dreg:$0x3] =	wrdreg s2  }
0xb0: {  	[dreg:$0x4] =	wrdreg $0x9  }
0xb1: {  	_ =	task.clear_ibuf [dreg:s7], $0x5FFFF;
	_ =	strace $0x90000046  }
0xb2: {  	s29 =	simm.s32 $0x9;
	_ =	strace $0x80000048  }
0xb3: {  	_ =	swait.ge [sflag:s29], $0x1  }
0xb4: {  	[sflag:s29] =	ssyncadd.s32 $0xFFFFFFFF  }
0xb5: {  	_ =	strace $0x90000048  }
0xb6: {  	_ =	sfence  }
0xb7: {  	s30 =	sld [smem:$0x0];
	_ =	sdelay $0x2  }
0xb8: {  	s31 =	sshll.u32 s1, $0xD;
	s1 =	sshrl.u32 s1, $0x2  }
0xb9: {  	s3 =	sand.u32 $0x4000, s31;
	s1 =	sadd.s32 s1, s30  }
0xba: {  	s0 =	sor.u32 s3, s0;
	s1 =	sshll.u32 s1, $0x11  }
0xbb: {  	s0 =	sor.u32 s1, s0  }
0xbc: {  	s0 =	sadd.s32 $0x8F2B, s0  }
0xbd: {  	[sflag:s0] =	ssyncadd.remote.s32 $0x1  }
0xbe: {  	_ =	sfence.sel $0xFFFF  }
0xbf: {  	[dreg:$0x0] =	wrdreg $0xFFFFFFFF;
	(pc) =	sbr.abs _section_cstart, $3  }
0xc0: {  	[dreg:$0x1] =	wrdreg $0xFFFFFFFF  }
0xc1: {  	_ =	task.clear_ibuf [dreg:s7], $0x2FFFF;
	_ =	strace $0x9FFFFFFF  }
0xc2: {  	(tm) =	ssettm $0x7FFFFFFF  }
0xc3: {  	_ =	shalt  }
tec
execute0_lowered:
.L_overlay_start_1:
0x0: {  	(tag) =	ssettag $0x1  }
0x1: {  	s0 =	rddreg [dreg:$0x0]  }
0x2: {  	s1 =	rddreg [dreg:$0x1]  }
0x3: {  	s2 =	srdreg.scid;
	s12 =	stileid.u32;
	s24 =	simm.s32 $0x0  }
0x4: {  	s28 =	simm.s32 $0x40;
	s30 =	simm.s32 $0x80;
	s4 =	sand.u32 $0x1, s2  }
0x5: {  	s3 =	sshll.u32 s12, $0xA;
	[smem:$0x7FF] =	sst s24;
	s21 =	smul.u32 $0x1C00, s12  }
0x6: {  	s8 =	sadd.s32 $0x600, s0;
	s24 =	smul.u32 $0xE0000, s12;
	s5 =	sshll.u32 s4, $0x9  }
0x7: {  	_ =	strace $0x80000047;
	s9 =	ssub.s32 $0x2, s4;
	s23 =	smul.u32 $0xE00, s4  }
0x8: {  	s4 =	smul.u32 $0x70000, s4;
	s5 =	sor.u32 s5, s3;
	s25 =	sshrl.u32 s9, $0x1  }
0x9: {  	s3 =	sadd.s32 $0x1E84E00, s0;
	s11 =	smul.u32 $0x380, s5;
	s0 =	ssub.s32 s9, s25  }
0xa: {  	s6 =	smul.u32 $0x7, s5;
	s7 =	sor.u32 $0x8, s5;
	s0 =	smax.u32 s0, $0x1  }
0xb: {  	s10 =	smul.u32 $0x7, s7;
	s11 =	sadd.s32 s1, s11;
	[dreg:$0x14] =	wrdreg s0  }
0xc: {  	s31 =	smul.u32 $0x1C00, s5;
	s13 =	sadd.s32 s8, s6;
	[dreg:$0x8] =	wrdreg s11  }
0xd: {  	s2 =	sor.u32 $0x1F0, s5;
	s29 =	sadd.s32 s8, s10;
	[dreg:$0x4] =	wrdreg s13  }
0xe: {  	s26 =	smul.u32 $0x380, s7;
	s14 =	sadd.s32 $0x70, s13;
	[dreg:$0x5] =	wrdreg s29  }
0xf: {  	s5 =	sor.u32 $0x1F8, s5;
	s17 =	sadd.s32 $0xE0, s13;
	[dreg:$0x6] =	wrdreg s14  }
0x10: {  	s15 =	smul.u32 $0x7, s2;
	s6 =	sadd.s32 s1, s26;
	[dreg:$0x9] =	wrdreg s17  }
0x11: {  	s16 =	smul.u32 $0x7, s5;
	s19 =	sadd.s32 $0x118, s13;
	[dreg:$0xa] =	wrdreg s6  }
0x12: {  	s9 =	smul.u32 $0x380, s2;
	s10 =	sadd.s32 s8, s15;
	[dreg:$0xb] =	wrdreg s19  }
0x13: {  	s5 =	smul.u32 $0x380, s5;
	s11 =	sadd.s32 s8, s16;
	[dreg:$0xd] =	wrdreg s10  }
0x14: {  	s7 =	sshrl.u32 s31, $0x3;
	s26 =	sadd.s32 s1, s9;
	[dreg:$0xf] =	wrdreg s11  }
0x15: {  	s0 =	simm.s32 $0x0;
	s5 =	sadd.s32 s1, s5;
	[dreg:$0x12] =	wrdreg s26  }
0x16: {  	s18 =	sadd.s32 s1, s7;
	s14 =	sadd.s32 $0xA8, s13;
	[dreg:$0x13] =	wrdreg s5  }
0x17: {  	s7 =	sadd.s32 s21, s8;
	s20 =	sadd.s32 $0x65800, s18;
	[dreg:$0x7] =	wrdreg s14  }
0x18: {  	s1 =	sadd.s32 s24, s1;
	s22 =	sadd.s32 $0x67400, s18;
	[dreg:$0xc] =	wrdreg s20  }
0x19: {  	s24 =	simm.s32 $0x5;
	s25 =	sadd.s32 $0x69000, s18;
	[dreg:$0xe] =	wrdreg s22  }
0x1a: {  	s6 =	sadd.s32 $0x6AC00, s18;
	s29 =	sadd.s32 s23, s7;
	[dreg:$0x10] =	wrdreg s25  }
0x1b: {  	s1 =	sadd.s32 s4, s1;
	s26 =	simm.s32 $0x32;
	[dreg:$0x11] =	wrdreg s6  }
0x1c: {  	s19 =	simm.s32 $0x6;
	[dreg:$0x3] =	wrdreg s29;
	s31 =	sadd.s32 $0x5400, s1  }
0x1d: {  	s1 =	simm.s32 $0x7;
	s20 =	simm.s32 $0x8;
	[dreg:$0x15] =	wrdreg s31  }
.LBB2_1:
0x1e: {  	[dreg:$0x16] =	wrdreg s0  }
0x1f: {  	s6 =	rddreg [dreg:$0x4];
	s2 =	simm.s32 $0x0  }
0x20: {  	[tilespmem:s2], [sflag:$0x1] =	stream.linear.gather [hbm4b:s6+s2], $0x1C0, $0x38;
	[tilespmem:$0x19700] =	vst v63  }
0x21: {  	s14 =	rddreg [dreg:$0x5];
	s29 =	simm.s32 $0x1C0  }
0x22: {  	[tilespmem:s29], [sflag:$0x2] =	stream.linear.gather [hbm4b:s14+s2], $0x1C0, $0x38;
	[tilespmem:$0x19700] =	vst v63  }
0x23: {  	s15 =	rddreg [dreg:$0x6];
	s16 =	simm.s32 $0x380  }
0x24: {  	[tilespmem:s16], [sflag:$0x3] =	stream.linear.gather [hbm4b:s15+s2], $0x1C0, $0x38;
	[tilespmem:$0x19700] =	vst v63  }
0x25: {  	s17 =	rddreg [dreg:$0x7];
	s18 =	simm.s32 $0x540;
	s4 =	simm.s32 $0x1  }
0x26: {  	[tilespmem:s18], [sflag:$0x4] =	stream.linear.gather [hbm4b:s17+s2], $0x1C0, $0x38;
	[tilespmem:$0x19700] =	vst v63  }
0x27: {  	_ =	swait.ge [sflag:s4], $0x1C0  }
0x28: {  	[sflag:s4] =	ssyncset.done $0x0  }
0x29: {  	s21 =	simm.s32 $0x700;
	[sflag:s4] =	ssyncadd.s32 $0xFFFFFE40  }
0x2a: {  	[tilespmem:s21], [sflag:$0x5] =	stream.indirect.gather [hbm4b:s3+s26], $0x40, s2, s26, $0xb8;
	[tilespmem:$0x19700] =	vst v63  }
0x2b: {  	s22 =	simm.s32 $0x1380;
	s21 =	simm.s32 $0x38  }
0x2c: {  	[tilespmem:s22], [sflag:$0x5] =	stream.indirect.gather [hbm4b:s3+s26], $0x40, s21, s26, $0xb8;
	[tilespmem:$0x19700] =	vst v63  }
0x2d: {  	s7 =	simm.s32 $0x70;
	s23 =	simm.s32 $0x2000  }
0x2e: {  	[tilespmem:s23], [sflag:$0x5] =	stream.indirect.gather [hbm4b:s3+s26], $0x40, s7, s26, $0xb8;
	[tilespmem:$0x19700] =	vst v63  }
0x2f: {  	s8 =	simm.s32 $0xA8;
	s25 =	simm.s32 $0x2C80  }
0x30: {  	[tilespmem:s25], [sflag:$0x5] =	stream.indirect.gather [hbm4b:s3+s26], $0x40, s8, s26, $0xb8;
	[tilespmem:$0x19700] =	vst v63  }
0x31: {  	s0 =	simm.s32 $0xE0;
	s11 =	simm.s32 $0x3900  }
0x32: {  	[tilespmem:s11], [sflag:$0x5] =	stream.indirect.gather [hbm4b:s3+s26], $0x40, s0, s26, $0xb8;
	[tilespmem:$0x19700] =	vst v63  }
0x33: {  	s12 =	simm.s32 $0x118;
	s14 =	simm.s32 $0x4580  }
0x34: {  	[tilespmem:s14], [sflag:$0x5] =	stream.indirect.gather [hbm4b:s3+s26], $0x40, s12, s26, $0xb8;
	[tilespmem:$0x19700] =	vst v63  }
0x35: {  	s15 =	simm.s32 $0x150;
	s17 =	simm.s32 $0x5200  }
0x36: {  	[tilespmem:s17], [sflag:$0x5] =	stream.indirect.gather [hbm4b:s3+s26], $0x40, s15, s26, $0xb8;
	[tilespmem:$0x19700] =	vst v63  }
0x37: {  	s18 =	simm.s32 $0x188;
	s22 =	simm.s32 $0x5E80;
	s8 =	simm.s32 $0x2  }
0x38: {  	[tilespmem:s22], [sflag:$0x5] =	stream.indirect.gather [hbm4b:s3+s26], $0x40, s18, s26, $0xb8;
	[tilespmem:$0x19700] =	vst v63  }
0x39: {  	_ =	swait.ge [sflag:s8], $0x1C0  }
0x3a: {  	[sflag:s8] =	ssyncset.done $0x0  }
0x3b: {  	s23 =	simm.s32 $0x6B00;
	[sflag:s8] =	ssyncadd.s32 $0xFFFFFE40  }
0x3c: {  	[tilespmem:s23], [sflag:$0x6] =	stream.indirect.gather [hbm4b:s3+s26], $0x40, s29, s26, $0xb8;
	[tilespmem:$0x19700] =	vst v63  }
0x3d: {  	s25 =	simm.s32 $0x7780;
	s11 =	simm.s32 $0x1F8  }
0x3e: {  	[tilespmem:s25], [sflag:$0x6] =	stream.indirect.gather [hbm4b:s3+s26], $0x40, s11, s26, $0xb8;
	[tilespmem:$0x19700] =	vst v63  }
0x3f: {  	s14 =	simm.s32 $0x230;
	s18 =	simm.s32 $0x8400  }
0x40: {  	[tilespmem:s18], [sflag:$0x6] =	stream.indirect.gather [hbm4b:s3+s26], $0x40, s14, s26, $0xb8;
	[tilespmem:$0x19700] =	vst v63  }
0x41: {  	s22 =	simm.s32 $0x268;
	s23 =	simm.s32 $0x9080  }
0x42: {  	[tilespmem:s23], [sflag:$0x6] =	stream.indirect.gather [hbm4b:s3+s26], $0x40, s22, s26, $0xb8;
	[tilespmem:$0x19700] =	vst v63  }
0x43: {  	s14 =	simm.s32 $0x2A0;
	s18 =	simm.s32 $0x9D00  }
0x44: {  	[tilespmem:s18], [sflag:$0x6] =	stream.indirect.gather [hbm4b:s3+s26], $0x40, s14, s26, $0xb8;
	[tilespmem:$0x19700] =	vst v63  }
0x45: {  	s22 =	simm.s32 $0x2D8;
	s23 =	simm.s32 $0xA980  }
0x46: {  	[tilespmem:s23], [sflag:$0x6] =	stream.indirect.gather [hbm4b:s3+s26], $0x40, s22, s26, $0xb8;
	[tilespmem:$0x19700] =	vst v63  }
0x47: {  	s14 =	simm.s32 $0x310;
	s18 =	simm.s32 $0xB600  }
0x48: {  	[tilespmem:s18], [sflag:$0x6] =	stream.indirect.gather [hbm4b:s3+s26], $0x40, s14, s26, $0xb8;
	[tilespmem:$0x19700] =	vst v63  }
0x49: {  	s22 =	simm.s32 $0x348;
	s23 =	simm.s32 $0xC280  }
0x4a: {  	[tilespmem:s23], [sflag:$0x6] =	stream.indirect.gather [hbm4b:s3+s26], $0x40, s22, s26, $0xb8;
	[tilespmem:$0x19700] =	vst v63  }
0x4b: {  	s22 =	simm.s32 $0x3  }
0x4c: {  	_ =	swait.ge [sflag:s22], $0x1C0  }
0x4d: {  	[sflag:s22] =	ssyncset.done $0x0  }
0x4e: {  	s13 =	simm.s32 $0x380;
	s11 =	simm.s32 $0xCF00;
	[sflag:s22] =	ssyncadd.s32 $0xFFFFFE40  }
0x4f: {  	[tilespmem:s11], [sflag:$0x7] =	stream.indirect.gather [hbm4b:s3+s26], $0x40, s13, s26, $0xb8;
	[tilespmem:$0x19700] =	vst v63  }
0x50: {  	s14 =	simm.s32 $0x3B8;
	s18 =	simm.s32 $0xDB80  }
0x51: {  	[tilespmem:s18], [sflag:$0x7] =	stream.indirect.gather [hbm4b:s3+s26], $0x40, s14, s26, $0xb8;
	[tilespmem:$0x19700] =	vst v63  }
0x52: {  	s23 =	simm.s32 $0x3F0;
	s11 =	simm.s32 $0xE800  }
0x53: {  	[tilespmem:s11], [sflag:$0x7] =	stream.indirect.gather [hbm4b:s3+s26], $0x40, s23, s26, $0xb8;
	[tilespmem:$0x19700] =	vst v63  }
0x54: {  	s14 =	simm.s32 $0x428;
	s18 =	simm.s32 $0xF480  }
0x55: {  	[tilespmem:s18], [sflag:$0x7] =	stream.indirect.gather [hbm4b:s3+s26], $0x40, s14, s26, $0xb8;
	[tilespmem:$0x19700] =	vst v63  }
0x56: {  	s23 =	simm.s32 $0x460;
	s11 =	simm.s32 $0x10100  }
0x57: {  	[tilespmem:s11], [sflag:$0x7] =	stream.indirect.gather [hbm4b:s3+s26], $0x40, s23, s26, $0xb8;
	[tilespmem:$0x19700] =	vst v63  }
0x58: {  	s14 =	simm.s32 $0x498;
	s18 =	simm.s32 $0x10D80  }
0x59: {  	[tilespmem:s18], [sflag:$0x7] =	stream.indirect.gather [hbm4b:s3+s26], $0x40, s14, s26, $0xb8;
	[tilespmem:$0x19700] =	vst v63  }
0x5a: {  	s23 =	simm.s32 $0x4D0;
	s11 =	simm.s32 $0x11A00  }
0x5b: {  	[tilespmem:s11], [sflag:$0x7] =	stream.indirect.gather [hbm4b:s3+s26], $0x40, s23, s26, $0xb8;
	[tilespmem:$0x19700] =	vst v63  }
0x5c: {  	s13 =	simm.s32 $0x508;
	s14 =	simm.s32 $0x12680  }
0x5d: {  	[tilespmem:s14], [sflag:$0x7] =	stream.indirect.gather [hbm4b:s3+s26], $0x40, s13, s26, $0xb8;
	[tilespmem:$0x19700] =	vst v63  }
0x5e: {  	_ =	swait.ge [sflag:s24], $0xC80  }
0x5f: {  	[sflag:s24] =	ssyncset.done $0x0  }
0x60: {  	[sflag:s24] =	ssyncadd.s32 $0xFFFFF380  }
0x61: {  	_ =	swait.ge [sflag:s24], $0xC80  }
0x62: {  	[sflag:s24] =	ssyncset.done $0x0  }
0x63: {  	[sflag:s24] =	ssyncadd.s32 $0xFFFFF380  }
0x64: {  	_ =	swait.ge [sflag:s24], $0xC80  }
0x65: {  	[sflag:s24] =	ssyncset.done $0x0  }
0x66: {  	[sflag:s24] =	ssyncadd.s32 $0xFFFFF380  }
0x67: {  	_ =	swait.ge [sflag:s24], $0xC80  }
0x68: {  	[sflag:s24] =	ssyncset.done $0x0  }
0x69: {  	[sflag:s24] =	ssyncadd.s32 $0xFFFFF380  }
0x6a: {  	_ =	swait.ge [sflag:s24], $0xC80  }
0x6b: {  	[sflag:s24] =	ssyncset.done $0x0  }
0x6c: {  	[sflag:s24] =	ssyncadd.s32 $0xFFFFF380  }
0x6d: {  	_ =	swait.ge [sflag:s24], $0xC80  }
0x6e: {  	[sflag:s24] =	ssyncset.done $0x0  }
0x6f: {  	[sflag:s24] =	ssyncadd.s32 $0xFFFFF380  }
0x70: {  	_ =	swait.ge [sflag:s24], $0xC80  }
0x71: {  	[sflag:s24] =	ssyncset.done $0x0  }
0x72: {  	[sflag:s24] =	ssyncadd.s32 $0xFFFFF380  }
0x73: {  	_ =	swait.ge [sflag:s24], $0xC80  }
0x74: {  	[sflag:s24] =	ssyncset.done $0x0  }
0x75: {  	s6 =	simm.s32 $0x700;
	s13 =	rddreg [dreg:$0x8];
	[sflag:s24] =	ssyncadd.s32 $0xFFFFF380  }
0x76: {  	[hbm4b:s13+s28] =	stream.strided.scatter [tilespmem:s6], [sflag:$0x9], $0xC80, s30, s28, $0x38;
	[tilespmem:$0x19700] =	vst v63  }
0x77: {  	s5 =	simm.s32 $0x1380;
	s18 =	sadd.s32 $0x380, s13  }
0x78: {  	[hbm4b:s18+s28] =	stream.strided.scatter [tilespmem:s5], [sflag:$0x9], $0xC80, s30, s28, $0x38;
	[tilespmem:$0x19700] =	vst v63  }
0x79: {  	s7 =	simm.s32 $0x2000;
	s23 =	sadd.s32 $0x700, s13  }
0x7a: {  	[hbm4b:s23+s28] =	stream.strided.scatter [tilespmem:s7], [sflag:$0x9], $0xC80, s30, s28, $0x38;
	[tilespmem:$0x19700] =	vst v63  }
0x7b: {  	s9 =	simm.s32 $0x2C80;
	s0 =	sadd.s32 $0xA80, s13  }
0x7c: {  	[hbm4b:s0+s28] =	stream.strided.scatter [tilespmem:s9], [sflag:$0x9], $0xC80, s30, s28, $0x38;
	[tilespmem:$0x19700] =	vst v63  }
0x7d: {  	s16 =	simm.s32 $0x3900;
	s5 =	sadd.s32 $0xE00, s13  }
0x7e: {  	[hbm4b:s5+s28] =	stream.strided.scatter [tilespmem:s16], [sflag:$0x9], $0xC80, s30, s28, $0x38;
	[tilespmem:$0x19700] =	vst v63  }
0x7f: {  	s12 =	simm.s32 $0x4580;
	s7 =	sadd.s32 $0x1180, s13  }
0x80: {  	[hbm4b:s7+s28] =	stream.strided.scatter [tilespmem:s12], [sflag:$0x9], $0xC80, s30, s28, $0x38;
	[tilespmem:$0x19700] =	vst v63  }
0x81: {  	s17 =	simm.s32 $0x5200;
	s12 =	sadd.s32 $0x1500, s13  }
0x82: {  	[hbm4b:s12+s28] =	stream.strided.scatter [tilespmem:s17], [sflag:$0x9], $0xC80, s30, s28, $0x38;
	[tilespmem:$0x19700] =	vst v63  }
0x83: {  	s15 =	simm.s32 $0x5E80;
	s13 =	sadd.s32 $0x1880, s13  }
0x84: {  	[hbm4b:s13+s28] =	stream.strided.scatter [tilespmem:s15], [sflag:$0x9], $0xC80, s30, s28, $0x38;
	[tilespmem:$0x19700] =	vst v63  }
0x85: {  	s16 =	simm.s32 $0x4;
	s15 =	rddreg [dreg:$0x9]  }
0x86: {  	[tilespmem:s2], [sflag:$0x1] =	stream.linear.gather [hbm4b:s15+s2], $0x1C0, $0x38;
	[tilespmem:$0x19700] =	vst v63  }
0x87: {  	_ =	swait.ge [sflag:s16], $0x1C0  }
0x88: {  	[sflag:s16] =	ssyncset.done $0x0  }
0x89: {  	s10 =	simm.s32 $0x540;
	s5 =	simm.s32 $0x13300;
	[sflag:s16] =	ssyncadd.s32 $0xFFFFFE40  }
0x8a: {  	[tilespmem:s5], [sflag:$0x8] =	stream.indirect.gather [hbm4b:s3+s26], $0x40, s10, s26, $0xb8;
	[tilespmem:$0x19700] =	vst v63  }
0x8b: {  	s6 =	simm.s32 $0x578;
	s7 =	simm.s32 $0x13F80  }
0x8c: {  	[tilespmem:s7], [sflag:$0x8] =	stream.indirect.gather [hbm4b:s3+s26], $0x40, s6, s26, $0xb8;
	[tilespmem:$0x19700] =	vst v63  }
0x8d: {  	s13 =	simm.s32 $0x14C00;
	s10 =	simm.s32 $0x5B0  }
0x8e: {  	[tilespmem:s13], [sflag:$0x8] =	stream.indirect.gather [hbm4b:s3+s26], $0x40, s10, s26, $0xb8;
	[tilespmem:$0x19700] =	vst v63  }
0x8f: {  	s15 =	simm.s32 $0x5E8;
	s16 =	simm.s32 $0x15880  }
0x90: {  	[tilespmem:s16], [sflag:$0x8] =	stream.indirect.gather [hbm4b:s3+s26], $0x40, s15, s26, $0xb8;
	[tilespmem:$0x19700] =	vst v63  }
0x91: {  	s6 =	simm.s32 $0x620;
	s7 =	simm.s32 $0x16500  }
0x92: {  	[tilespmem:s7], [sflag:$0x8] =	stream.indirect.gather [hbm4b:s3+s26], $0x40, s6, s26, $0xb8;
	[tilespmem:$0x19700] =	vst v63  }
0x93: {  	s10 =	simm.s32 $0x658;
	s13 =	simm.s32 $0x17180  }
0x94: {  	[tilespmem:s13], [sflag:$0x8] =	stream.indirect.gather [hbm4b:s3+s26], $0x40, s10, s26, $0xb8;
	[tilespmem:$0x19700] =	vst v63  }
0x95: {  	s15 =	simm.s32 $0x690;
	s16 =	simm.s32 $0x17E00  }
0x96: {  	[tilespmem:s16], [sflag:$0x8] =	stream.indirect.gather [hbm4b:s3+s26], $0x40, s15, s26, $0xb8;
	[tilespmem:$0x19700] =	vst v63  }
0x97: {  	s5 =	simm.s32 $0x6C8;
	s6 =	simm.s32 $0x18A80  }
0x98: {  	[tilespmem:s6], [sflag:$0x8] =	stream.indirect.gather [hbm4b:s3+s26], $0x40, s5, s26, $0xb8;
	[tilespmem:$0x19700] =	vst v63  }
0x99: {  	_ =	swait.ge [sflag:s19], $0xC80  }
0x9a: {  	[sflag:s19] =	ssyncset.done $0x0  }
0x9b: {  	[sflag:s19] =	ssyncadd.s32 $0xFFFFF380  }
0x9c: {  	_ =	swait.ge [sflag:s19], $0xC80  }
0x9d: {  	[sflag:s19] =	ssyncset.done $0x0  }
0x9e: {  	[sflag:s19] =	ssyncadd.s32 $0xFFFFF380  }
0x9f: {  	_ =	swait.ge [sflag:s19], $0xC80  }
0xa0: {  	[sflag:s19] =	ssyncset.done $0x0  }
0xa1: {  	[sflag:s19] =	ssyncadd.s32 $0xFFFFF380  }
0xa2: {  	_ =	swait.ge [sflag:s19], $0xC80  }
0xa3: {  	[sflag:s19] =	ssyncset.done $0x0  }
0xa4: {  	[sflag:s19] =	ssyncadd.s32 $0xFFFFF380  }
0xa5: {  	_ =	swait.ge [sflag:s19], $0xC80  }
0xa6: {  	[sflag:s19] =	ssyncset.done $0x0  }
0xa7: {  	[sflag:s19] =	ssyncadd.s32 $0xFFFFF380  }
0xa8: {  	_ =	swait.ge [sflag:s19], $0xC80  }
0xa9: {  	[sflag:s19] =	ssyncset.done $0x0  }
0xaa: {  	[sflag:s19] =	ssyncadd.s32 $0xFFFFF380  }
0xab: {  	_ =	swait.ge [sflag:s19], $0xC80  }
0xac: {  	[sflag:s19] =	ssyncset.done $0x0  }
0xad: {  	[sflag:s19] =	ssyncadd.s32 $0xFFFFF380  }
0xae: {  	_ =	swait.ge [sflag:s19], $0xC80  }
0xaf: {  	[sflag:s19] =	ssyncset.done $0x0  }
0xb0: {  	s7 =	simm.s32 $0x6B00;
	s13 =	rddreg [dreg:$0xa];
	[sflag:s19] =	ssyncadd.s32 $0xFFFFF380  }
0xb1: {  	[hbm4b:s13+s28] =	stream.strided.scatter [tilespmem:s7], [sflag:$0xA], $0xC80, s30, s28, $0x38;
	[tilespmem:$0x19700] =	vst v63  }
0xb2: {  	s16 =	simm.s32 $0x7780;
	s10 =	sadd.s32 $0x380, s13  }
0xb3: {  	[hbm4b:s10+s28] =	stream.strided.scatter [tilespmem:s16], [sflag:$0xA], $0xC80, s30, s28, $0x38;
	[tilespmem:$0x19700] =	vst v63  }
0xb4: {  	s25 =	simm.s32 $0x8400;
	s15 =	sadd.s32 $0x700, s13  }
0xb5: {  	[hbm4b:s15+s28] =	stream.strided.scatter [tilespmem:s25], [sflag:$0xA], $0xC80, s30, s28, $0x38;
	[tilespmem:$0x19700] =	vst v63  }
0xb6: {  	s0 =	sadd.s32 $0xA80, s13;
	s25 =	simm.s32 $0x9080  }
0xb7: {  	[hbm4b:s0+s28] =	stream.strided.scatter [tilespmem:s25], [sflag:$0xA], $0xC80, s30, s28, $0x38;
	[tilespmem:$0x19700] =	vst v63  }
0xb8: {  	s5 =	sadd.s32 $0xE00, s13;
	s7 =	simm.s32 $0x9D00  }
0xb9: {  	[hbm4b:s5+s28] =	stream.strided.scatter [tilespmem:s7], [sflag:$0xA], $0xC80, s30, s28, $0x38;
	[tilespmem:$0x19700] =	vst v63  }
0xba: {  	s10 =	sadd.s32 $0x1180, s13;
	s7 =	simm.s32 $0xA980  }
0xbb: {  	[hbm4b:s10+s28] =	stream.strided.scatter [tilespmem:s7], [sflag:$0xA], $0xC80, s30, s28, $0x38;
	[tilespmem:$0x19700] =	vst v63  }
0xbc: {  	s15 =	sadd.s32 $0x1500, s13;
	s5 =	simm.s32 $0xB600  }
0xbd: {  	[hbm4b:s15+s28] =	stream.strided.scatter [tilespmem:s5], [sflag:$0xA], $0xC80, s30, s28, $0x38;
	[tilespmem:$0x19700] =	vst v63  }
0xbe: {  	s0 =	sadd.s32 $0x1880, s13;
	s10 =	simm.s32 $0xC280  }
0xbf: {  	[hbm4b:s0+s28] =	stream.strided.scatter [tilespmem:s10], [sflag:$0xA], $0xC80, s30, s28, $0x38;
	[tilespmem:$0x19700] =	vst v63  }
0xc0: {  	s13 =	rddreg [dreg:$0xb];
	s0 =	simm.s32 $0x9  }
0xc1: {  	[tilespmem:s29], [sflag:$0x2] =	stream.linear.gather [hbm4b:s13+s2], $0x1C0, $0x38;
	[tilespmem:$0x19700] =	vst v63  }
0xc2: {  	_ =	swait.ge [sflag:s0], $0x6400  }
0xc3: {  	[sflag:s0] =	ssyncset.done $0x0  }
0xc4: {  	[sflag:s0] =	ssyncadd.s32 $0xFFFF9C00  }
0xc5: {  	_ =	swait.ge [sflag:s4], $0x1C0  }
0xc6: {  	[sflag:s4] =	ssyncset.done $0x0  }
0xc7: {  	s11 =	simm.s32 $0x700;
	[sflag:s4] =	ssyncadd.s32 $0xFFFFFE40  }
0xc8: {  	[tilespmem:s11], [sflag:$0x5] =	stream.indirect.gather [hbm4b:s3+s26], $0x40, s2, s26, $0xb8;
	[tilespmem:$0x19700] =	vst v63  }
0xc9: {  	s14 =	simm.s32 $0x1380  }
0xca: {  	[tilespmem:s14], [sflag:$0x5] =	stream.indirect.gather [hbm4b:s3+s26], $0x40, s21, s26, $0xb8;
	[tilespmem:$0x19700] =	vst v63  }
0xcb: {  	s31 =	simm.s32 $0x2000;
	s10 =	simm.s32 $0x70  }
0xcc: {  	[tilespmem:s31], [sflag:$0x5] =	stream.indirect.gather [hbm4b:s3+s26], $0x40, s10, s26, $0xb8;
	[tilespmem:$0x19700] =	vst v63  }
0xcd: {  	s23 =	simm.s32 $0x2C80;
	s11 =	simm.s32 $0xA8  }
0xce: {  	[tilespmem:s23], [sflag:$0x5] =	stream.indirect.gather [hbm4b:s3+s26], $0x40, s11, s26, $0xb8;
	[tilespmem:$0x19700] =	vst v63  }
0xcf: {  	s9 =	simm.s32 $0x3900;
	s13 =	simm.s32 $0xE0  }
0xd0: {  	[tilespmem:s9], [sflag:$0x5] =	stream.indirect.gather [hbm4b:s3+s26], $0x40, s13, s26, $0xb8;
	[tilespmem:$0x19700] =	vst v63  }
0xd1: {  	s18 =	simm.s32 $0x4580;
	s14 =	simm.s32 $0x118  }
0xd2: {  	[tilespmem:s18], [sflag:$0x5] =	stream.indirect.gather [hbm4b:s3+s26], $0x40, s14, s26, $0xb8;
	[tilespmem:$0x19700] =	vst v63  }
0xd3: {  	s17 =	simm.s32 $0x5200;
	s18 =	simm.s32 $0x150  }
0xd4: {  	[tilespmem:s17], [sflag:$0x5] =	stream.indirect.gather [hbm4b:s3+s26], $0x40, s18, s26, $0xb8;
	[tilespmem:$0x19700] =	vst v63  }
0xd5: {  	s12 =	simm.s32 $0x5E80;
	s21 =	simm.s32 $0x188  }
0xd6: {  	[tilespmem:s12], [sflag:$0x5] =	stream.indirect.gather [hbm4b:s3+s26], $0x40, s21, s26, $0xb8;
	[tilespmem:$0x19700] =	vst v63  }
0xd7: {  	_ =	swait.ge [sflag:s1], $0xC80  }
0xd8: {  	[sflag:s1] =	ssyncset.done $0x0  }
0xd9: {  	[sflag:s1] =	ssyncadd.s32 $0xFFFFF380  }
0xda: {  	_ =	swait.ge [sflag:s1], $0xC80  }
0xdb: {  	[sflag:s1] =	ssyncset.done $0x0  }
0xdc: {  	[sflag:s1] =	ssyncadd.s32 $0xFFFFF380  }
0xdd: {  	_ =	swait.ge [sflag:s1], $0xC80  }
0xde: {  	[sflag:s1] =	ssyncset.done $0x0  }
0xdf: {  	[sflag:s1] =	ssyncadd.s32 $0xFFFFF380  }
0xe0: {  	_ =	swait.ge [sflag:s1], $0xC80  }
0xe1: {  	[sflag:s1] =	ssyncset.done $0x0  }
0xe2: {  	[sflag:s1] =	ssyncadd.s32 $0xFFFFF380  }
0xe3: {  	_ =	swait.ge [sflag:s1], $0xC80  }
0xe4: {  	[sflag:s1] =	ssyncset.done $0x0  }
0xe5: {  	[sflag:s1] =	ssyncadd.s32 $0xFFFFF380  }
0xe6: {  	_ =	swait.ge [sflag:s1], $0xC80  }
0xe7: {  	[sflag:s1] =	ssyncset.done $0x0  }
0xe8: {  	[sflag:s1] =	ssyncadd.s32 $0xFFFFF380  }
0xe9: {  	_ =	swait.ge [sflag:s1], $0xC80  }
0xea: {  	[sflag:s1] =	ssyncset.done $0x0  }
0xeb: {  	[sflag:s1] =	ssyncadd.s32 $0xFFFFF380  }
0xec: {  	_ =	swait.ge [sflag:s1], $0xC80  }
0xed: {  	[sflag:s1] =	ssyncset.done $0x0;
	s18 =	rddreg [dreg:$0x15]  }
0xee: {  	s31 =	simm.s32 $0xCF00;
	[sflag:s1] =	ssyncadd.s32 $0xFFFFF380;
	s23 =	sadd.s32 $0xFFFFE400, s18  }
0xef: {  	[hbm4b:s23+s28] =	stream.strided.scatter [tilespmem:s31], [sflag:$0xB], $0xC80, s30, s28, $0x38;
	[tilespmem:$0x19700] =	vst v63  }
0xf0: {  	s4 =	simm.s32 $0xDB80;
	s0 =	sadd.s32 $0xFFFFE780, s18  }
0xf1: {  	[hbm4b:s0+s28] =	stream.strided.scatter [tilespmem:s4], [sflag:$0xB], $0xC80, s30, s28, $0x38;
	[tilespmem:$0x19700] =	vst v63  }
0xf2: {  	s21 =	simm.s32 $0xE800;
	s9 =	sadd.s32 $0xFFFFEB00, s18  }
0xf3: {  	[hbm4b:s9+s28] =	stream.strided.scatter [tilespmem:s21], [sflag:$0xB], $0xC80, s30, s28, $0x38;
	[tilespmem:$0x19700] =	vst v63  }
0xf4: {  	s17 =	simm.s32 $0xF480;
	s10 =	sadd.s32 $0xFFFFEE80, s18  }
0xf5: {  	[hbm4b:s10+s28] =	stream.strided.scatter [tilespmem:s17], [sflag:$0xB], $0xC80, s30, s28, $0x38;
	[tilespmem:$0x19700] =	vst v63  }
0xf6: {  	s14 =	simm.s32 $0x10100;
	s11 =	sadd.s32 $0xFFFFF200, s18  }
0xf7: {  	[hbm4b:s11+s28] =	stream.strided.scatter [tilespmem:s14], [sflag:$0xB], $0xC80, s30, s28, $0x38;
	[tilespmem:$0x19700] =	vst v63  }
0xf8: {  	s12 =	sadd.s32 $0xFFFFF580, s18;
	s11 =	simm.s32 $0x10D80  }
0xf9: {  	[hbm4b:s12+s28] =	stream.strided.scatter [tilespmem:s11], [sflag:$0xB], $0xC80, s30, s28, $0x38;
	[tilespmem:$0x19700] =	vst v63  }
0xfa: {  	s13 =	sadd.s32 $0xFFFFF900, s18;
	s23 =	rddreg [dreg:$0x3];
	s10 =	simm.s32 $0x11A00  }
0xfb: {  	[hbm4b:s13+s28] =	stream.strided.scatter [tilespmem:s10], [sflag:$0xB], $0xC80, s30, s28, $0x38;
	[tilespmem:$0x19700] =	vst v63  }
0xfc: {  	s0 =	sadd.s32 $0xFFFFFC80, s18;
	s9 =	simm.s32 $0x12680;
	s13 =	sadd.s32 $0x0, s23  }
0xfd: {  	[hbm4b:s0+s28] =	stream.strided.scatter [tilespmem:s9], [sflag:$0xB], $0xC80, s30, s28, $0x38;
	[tilespmem:$0x19700] =	vst v63  }
0xfe: {  	s6 =	simm.s32 $0xA;
	s4 =	sadd.s32 $0x150, s13;
	s0 =	simm.s32 $0x380  }
0xff: {  	[tilespmem:s0], [sflag:$0x3] =	stream.linear.gather [hbm4b:s4+s2], $0x1C0, $0x38;
	[tilespmem:$0x19700] =	vst v63  }
0x100: {  	_ =	swait.ge [sflag:s6], $0x6400  }
0x101: {  	[sflag:s6] =	ssyncset.done $0x0  }
0x102: {  	[sflag:s6] =	ssyncadd.s32 $0xFFFF9C00  }
0x103: {  	_ =	swait.ge [sflag:s8], $0x1C0  }
0x104: {  	[sflag:s8] =	ssyncset.done $0x0  }
0x105: {  	[sflag:s8] =	ssyncadd.s32 $0xFFFFFE40;
	s8 =	simm.s32 $0x6B00  }
0x106: {  	[tilespmem:s8], [sflag:$0x6] =	stream.indirect.gather [hbm4b:s3+s26], $0x40, s29, s26, $0xb8;
	[tilespmem:$0x19700] =	vst v63  }
0x107: {  	s12 =	simm.s32 $0x1F8  }
0x108: {  	[tilespmem:s16], [sflag:$0x6] =	stream.indirect.gather [hbm4b:s3+s26], $0x40, s12, s26, $0xb8;
	[tilespmem:$0x19700] =	vst v63  }
0x109: {  	s23 =	simm.s32 $0x8400;
	s29 =	simm.s32 $0x230  }
0x10a: {  	[tilespmem:s23], [sflag:$0x6] =	stream.indirect.gather [hbm4b:s3+s26], $0x40, s29, s26, $0xb8;
	[tilespmem:$0x19700] =	vst v63  }
0x10b: {  	s8 =	simm.s32 $0x268  }
0x10c: {  	[tilespmem:s25], [sflag:$0x6] =	stream.indirect.gather [hbm4b:s3+s26], $0x40, s8, s26, $0xb8;
	[tilespmem:$0x19700] =	vst v63  }
0x10d: {  	s12 =	simm.s32 $0x9D00;
	s16 =	simm.s32 $0x2A0  }
0x10e: {  	[tilespmem:s12], [sflag:$0x6] =	stream.indirect.gather [hbm4b:s3+s26], $0x40, s16, s26, $0xb8;
	[tilespmem:$0x19700] =	vst v63  }
0x10f: {  	s23 =	simm.s32 $0x2D8  }
0x110: {  	[tilespmem:s7], [sflag:$0x6] =	stream.indirect.gather [hbm4b:s3+s26], $0x40, s23, s26, $0xb8;
	[tilespmem:$0x19700] =	vst v63  }
0x111: {  	s25 =	simm.s32 $0x310  }
0x112: {  	[tilespmem:s5], [sflag:$0x6] =	stream.indirect.gather [hbm4b:s3+s26], $0x40, s25, s26, $0xb8;
	[tilespmem:$0x19700] =	vst v63  }
0x113: {  	s15 =	simm.s32 $0xC280;
	s29 =	simm.s32 $0x348  }
0x114: {  	[tilespmem:s15], [sflag:$0x6] =	stream.indirect.gather [hbm4b:s3+s26], $0x40, s29, s26, $0xb8;
	[tilespmem:$0x19700] =	vst v63  }
0x115: {  	_ =	swait.ge [sflag:s20], $0xC80  }
0x116: {  	[sflag:s20] =	ssyncset.done $0x0  }
0x117: {  	[sflag:s20] =	ssyncadd.s32 $0xFFFFF380  }
0x118: {  	_ =	swait.ge [sflag:s20], $0xC80  }
0x119: {  	[sflag:s20] =	ssyncset.done $0x0  }
0x11a: {  	[sflag:s20] =	ssyncadd.s32 $0xFFFFF380  }
0x11b: {  	_ =	swait.ge [sflag:s20], $0xC80  }
0x11c: {  	[sflag:s20] =	ssyncset.done $0x0  }
0x11d: {  	[sflag:s20] =	ssyncadd.s32 $0xFFFFF380  }
0x11e: {  	_ =	swait.ge [sflag:s20], $0xC80  }
0x11f: {  	[sflag:s20] =	ssyncset.done $0x0  }
0x120: {  	[sflag:s20] =	ssyncadd.s32 $0xFFFFF380  }
0x121: {  	_ =	swait.ge [sflag:s20], $0xC80  }
0x122: {  	[sflag:s20] =	ssyncset.done $0x0  }
0x123: {  	[sflag:s20] =	ssyncadd.s32 $0xFFFFF380  }
0x124: {  	_ =	swait.ge [sflag:s20], $0xC80  }
0x125: {  	[sflag:s20] =	ssyncset.done $0x0  }
0x126: {  	[sflag:s20] =	ssyncadd.s32 $0xFFFFF380  }
0x127: {  	_ =	swait.ge [sflag:s20], $0xC80  }
0x128: {  	[sflag:s20] =	ssyncset.done $0x0  }
0x129: {  	[sflag:s20] =	ssyncadd.s32 $0xFFFFF380  }
0x12a: {  	_ =	swait.ge [sflag:s20], $0xC80  }
0x12b: {  	[sflag:s20] =	ssyncset.done $0x0  }
0x12c: {  	s15 =	simm.s32 $0x13300;
	[sflag:s20] =	ssyncadd.s32 $0xFFFFF380  }
0x12d: {  	[hbm4b:s18+s28] =	stream.strided.scatter [tilespmem:s15], [sflag:$0xC], $0xC80, s30, s28, $0x38;
	[tilespmem:$0x19700] =	vst v63  }
0x12e: {  	s16 =	simm.s32 $0x13F80;
	s5 =	sadd.s32 $0x380, s18  }
0x12f: {  	[hbm4b:s5+s28] =	stream.strided.scatter [tilespmem:s16], [sflag:$0xC], $0xC80, s30, s28, $0x38;
	[tilespmem:$0x19700] =	vst v63  }
0x130: {  	s7 =	sadd.s32 $0x700, s18;
	s23 =	simm.s32 $0x14C00  }
0x131: {  	[hbm4b:s7+s28] =	stream.strided.scatter [tilespmem:s23], [sflag:$0xC], $0xC80, s30, s28, $0x38;
	[tilespmem:$0x19700] =	vst v63  }
0x132: {  	s8 =	sadd.s32 $0xA80, s18;
	s25 =	simm.s32 $0x15880  }
0x133: {  	[hbm4b:s8+s28] =	stream.strided.scatter [tilespmem:s25], [sflag:$0xC], $0xC80, s30, s28, $0x38;
	[tilespmem:$0x19700] =	vst v63  }
0x134: {  	s12 =	sadd.s32 $0xE00, s18;
	s29 =	simm.s32 $0x16500  }
0x135: {  	[hbm4b:s12+s28] =	stream.strided.scatter [tilespmem:s29], [sflag:$0xC], $0xC80, s30, s28, $0x38;
	[tilespmem:$0x19700] =	vst v63  }
0x136: {  	s4 =	sadd.s32 $0x1180, s18;
	s8 =	simm.s32 $0x17180  }
0x137: {  	[hbm4b:s4+s28] =	stream.strided.scatter [tilespmem:s8], [sflag:$0xC], $0xC80, s30, s28, $0x38;
	[tilespmem:$0x19700] =	vst v63  }
0x138: {  	s5 =	sadd.s32 $0x1500, s18;
	s7 =	simm.s32 $0x17E00  }
0x139: {  	[hbm4b:s5+s28] =	stream.strided.scatter [tilespmem:s7], [sflag:$0xC], $0xC80, s30, s28, $0x38;
	[tilespmem:$0x19700] =	vst v63  }
0x13a: {  	s12 =	sadd.s32 $0x1880, s18;
	s5 =	simm.s32 $0x18A80  }
0x13b: {  	[hbm4b:s12+s28] =	stream.strided.scatter [tilespmem:s5], [sflag:$0xC], $0xC80, s30, s28, $0x38;
	[tilespmem:$0x19700] =	vst v63  }
0x13c: {  	s6 =	simm.s32 $0xB;
	s4 =	sadd.s32 $0x188, s13;
	s12 =	simm.s32 $0x540  }
0x13d: {  	[tilespmem:s12], [sflag:$0x4] =	stream.linear.gather [hbm4b:s4+s2], $0x1C0, $0x38;
	[tilespmem:$0x19700] =	vst v63  }
0x13e: {  	_ =	swait.ge [sflag:s6], $0x6400  }
0x13f: {  	[sflag:s6] =	ssyncset.done $0x0  }
0x140: {  	[sflag:s6] =	ssyncadd.s32 $0xFFFF9C00  }
0x141: {  	_ =	swait.ge [sflag:s22], $0x1C0  }
0x142: {  	[sflag:s22] =	ssyncset.done $0x0  }
0x143: {  	[sflag:s22] =	ssyncadd.s32 $0xFFFFFE40  }
0x144: {  	[tilespmem:s31], [sflag:$0x7] =	stream.indirect.gather [hbm4b:s3+s26], $0x40, s0, s26, $0xb8;
	[tilespmem:$0x19700] =	vst v63  }
0x145: {  	s6 =	simm.s32 $0x3B8;
	s22 =	simm.s32 $0xDB80  }
0x146: {  	[tilespmem:s22], [sflag:$0x7] =	stream.indirect.gather [hbm4b:s3+s26], $0x40, s6, s26, $0xb8;
	[tilespmem:$0x19700] =	vst v63  }
0x147: {  	s6 =	simm.s32 $0x3F0  }
0x148: {  	[tilespmem:s21], [sflag:$0x7] =	stream.indirect.gather [hbm4b:s3+s26], $0x40, s6, s26, $0xb8;
	[tilespmem:$0x19700] =	vst v63  }
0x149: {  	s21 =	simm.s32 $0x428  }
0x14a: {  	[tilespmem:s17], [sflag:$0x7] =	stream.indirect.gather [hbm4b:s3+s26], $0x40, s21, s26, $0xb8;
	[tilespmem:$0x19700] =	vst v63  }
0x14b: {  	s22 =	simm.s32 $0x460  }
0x14c: {  	[tilespmem:s14], [sflag:$0x7] =	stream.indirect.gather [hbm4b:s3+s26], $0x40, s22, s26, $0xb8;
	[tilespmem:$0x19700] =	vst v63  }
0x14d: {  	s4 =	simm.s32 $0x498  }
0x14e: {  	[tilespmem:s11], [sflag:$0x7] =	stream.indirect.gather [hbm4b:s3+s26], $0x40, s4, s26, $0xb8;
	[tilespmem:$0x19700] =	vst v63  }
0x14f: {  	s6 =	simm.s32 $0x4D0  }
0x150: {  	[tilespmem:s10], [sflag:$0x7] =	stream.indirect.gather [hbm4b:s3+s26], $0x40, s6, s26, $0xb8;
	[tilespmem:$0x19700] =	vst v63  }
0x151: {  	s11 =	simm.s32 $0x508  }
0x152: {  	[tilespmem:s9], [sflag:$0x7] =	stream.indirect.gather [hbm4b:s3+s26], $0x40, s11, s26, $0xb8;
	[tilespmem:$0x19700] =	vst v63  }
0x153: {  	_ =	swait.ge [sflag:s24], $0xC80  }
0x154: {  	[sflag:s24] =	ssyncset.done $0x0  }
0x155: {  	[sflag:s24] =	ssyncadd.s32 $0xFFFFF380  }
0x156: {  	_ =	swait.ge [sflag:s24], $0xC80  }
0x157: {  	[sflag:s24] =	ssyncset.done $0x0  }
0x158: {  	[sflag:s24] =	ssyncadd.s32 $0xFFFFF380  }
0x159: {  	_ =	swait.ge [sflag:s24], $0xC80  }
0x15a: {  	[sflag:s24] =	ssyncset.done $0x0  }
0x15b: {  	[sflag:s24] =	ssyncadd.s32 $0xFFFFF380  }
0x15c: {  	_ =	swait.ge [sflag:s24], $0xC80  }
0x15d: {  	[sflag:s24] =	ssyncset.done $0x0  }
0x15e: {  	[sflag:s24] =	ssyncadd.s32 $0xFFFFF380  }
0x15f: {  	_ =	swait.ge [sflag:s24], $0xC80  }
0x160: {  	[sflag:s24] =	ssyncset.done $0x0  }
0x161: {  	[sflag:s24] =	ssyncadd.s32 $0xFFFFF380  }
0x162: {  	_ =	swait.ge [sflag:s24], $0xC80  }
0x163: {  	[sflag:s24] =	ssyncset.done $0x0  }
0x164: {  	[sflag:s24] =	ssyncadd.s32 $0xFFFFF380  }
0x165: {  	_ =	swait.ge [sflag:s24], $0xC80  }
0x166: {  	[sflag:s24] =	ssyncset.done $0x0  }
0x167: {  	[sflag:s24] =	ssyncadd.s32 $0xFFFFF380  }
0x168: {  	_ =	swait.ge [sflag:s24], $0xC80  }
0x169: {  	[sflag:s24] =	ssyncset.done $0x0  }
0x16a: {  	s17 =	simm.s32 $0x700;
	s14 =	sadd.s32 $0x1C00, s18;
	[sflag:s24] =	ssyncadd.s32 $0xFFFFF380  }
0x16b: {  	[hbm4b:s14+s28] =	stream.strided.scatter [tilespmem:s17], [sflag:$0x9], $0xC80, s30, s28, $0x38;
	[tilespmem:$0x19700] =	vst v63  }
0x16c: {  	s21 =	sadd.s32 $0x1F80, s18;
	s22 =	simm.s32 $0x1380  }
0x16d: {  	[hbm4b:s21+s28] =	stream.strided.scatter [tilespmem:s22], [sflag:$0x9], $0xC80, s30, s28, $0x38;
	[tilespmem:$0x19700] =	vst v63  }
0x16e: {  	s4 =	sadd.s32 $0x2300, s18;
	s9 =	simm.s32 $0x2000  }
0x16f: {  	[hbm4b:s4+s28] =	stream.strided.scatter [tilespmem:s9], [sflag:$0x9], $0xC80, s30, s28, $0x38;
	[tilespmem:$0x19700] =	vst v63  }
0x170: {  	s10 =	sadd.s32 $0x2680, s18;
	s11 =	simm.s32 $0x2C80  }
0x171: {  	[hbm4b:s10+s28] =	stream.strided.scatter [tilespmem:s11], [sflag:$0x9], $0xC80, s30, s28, $0x38;
	[tilespmem:$0x19700] =	vst v63  }
0x172: {  	s14 =	sadd.s32 $0x2A00, s18;
	s17 =	simm.s32 $0x3900  }
0x173: {  	[hbm4b:s14+s28] =	stream.strided.scatter [tilespmem:s17], [sflag:$0x9], $0xC80, s30, s28, $0x38;
	[tilespmem:$0x19700] =	vst v63  }
0x174: {  	s21 =	sadd.s32 $0x2D80, s18;
	s22 =	simm.s32 $0x4580  }
0x175: {  	[hbm4b:s21+s28] =	stream.strided.scatter [tilespmem:s22], [sflag:$0x9], $0xC80, s30, s28, $0x38;
	[tilespmem:$0x19700] =	vst v63  }
0x176: {  	s0 =	sadd.s32 $0x3100, s18;
	s4 =	simm.s32 $0x5200  }
0x177: {  	[hbm4b:s0+s28] =	stream.strided.scatter [tilespmem:s4], [sflag:$0x9], $0xC80, s30, s28, $0x38;
	[tilespmem:$0x19700] =	vst v63  }
0x178: {  	s9 =	sadd.s32 $0x3480, s18;
	s10 =	simm.s32 $0x5E80  }
0x179: {  	[hbm4b:s9+s28] =	stream.strided.scatter [tilespmem:s10], [sflag:$0x9], $0xC80, s30, s28, $0x38;
	[tilespmem:$0x19700] =	vst v63  }
0x17a: {  	s11 =	sadd.s32 $0x1C0, s13;
	s14 =	simm.s32 $0xC  }
0x17b: {  	[tilespmem:s2], [sflag:$0x1] =	stream.linear.gather [hbm4b:s11+s2], $0x1C0, $0x38;
	[tilespmem:$0x19700] =	vst v63  }
0x17c: {  	_ =	swait.ge [sflag:s14], $0x6400  }
0x17d: {  	[sflag:s14] =	ssyncset.done $0x0  }
0x17e: {  	s17 =	simm.s32 $0x4;
	[sflag:s14] =	ssyncadd.s32 $0xFFFF9C00  }
0x17f: {  	_ =	swait.ge [sflag:s17], $0x1C0  }
0x180: {  	[sflag:s17] =	ssyncset.done $0x0  }
0x181: {  	[sflag:s17] =	ssyncadd.s32 $0xFFFFFE40  }
0x182: {  	[tilespmem:s15], [sflag:$0x8] =	stream.indirect.gather [hbm4b:s3+s26], $0x40, s12, s26, $0xb8;
	[tilespmem:$0x19700] =	vst v63  }
0x183: {  	s21 =	simm.s32 $0x578  }
0x184: {  	[tilespmem:s16], [sflag:$0x8] =	stream.indirect.gather [hbm4b:s3+s26], $0x40, s21, s26, $0xb8;
	[tilespmem:$0x19700] =	vst v63  }
0x185: {  	s22 =	simm.s32 $0x5B0  }
0x186: {  	[tilespmem:s23], [sflag:$0x8] =	stream.indirect.gather [hbm4b:s3+s26], $0x40, s22, s26, $0xb8;
	[tilespmem:$0x19700] =	vst v63  }
0x187: {  	s23 =	simm.s32 $0x5E8  }
0x188: {  	[tilespmem:s25], [sflag:$0x8] =	stream.indirect.gather [hbm4b:s3+s26], $0x40, s23, s26, $0xb8;
	[tilespmem:$0x19700] =	vst v63  }
0x189: {  	s25 =	simm.s32 $0x620  }
0x18a: {  	[tilespmem:s29], [sflag:$0x8] =	stream.indirect.gather [hbm4b:s3+s26], $0x40, s25, s26, $0xb8;
	[tilespmem:$0x19700] =	vst v63  }
0x18b: {  	s29 =	simm.s32 $0x658  }
0x18c: {  	[tilespmem:s8], [sflag:$0x8] =	stream.indirect.gather [hbm4b:s3+s26], $0x40, s29, s26, $0xb8;
	[tilespmem:$0x19700] =	vst v63  }
0x18d: {  	s2 =	simm.s32 $0x690  }
0x18e: {  	[tilespmem:s7], [sflag:$0x8] =	stream.indirect.gather [hbm4b:s3+s26], $0x40, s2, s26, $0xb8;
	[tilespmem:$0x19700] =	vst v63  }
0x18f: {  	s4 =	simm.s32 $0x6C8  }
0x190: {  	[tilespmem:s5], [sflag:$0x8] =	stream.indirect.gather [hbm4b:s3+s26], $0x40, s4, s26, $0xb8;
	[tilespmem:$0x19700] =	vst v63  }
0x191: {  	_ =	swait.ge [sflag:s19], $0xC80  }
0x192: {  	[sflag:s19] =	ssyncset.done $0x0  }
0x193: {  	[sflag:s19] =	ssyncadd.s32 $0xFFFFF380  }
0x194: {  	_ =	swait.ge [sflag:s19], $0xC80  }
0x195: {  	[sflag:s19] =	ssyncset.done $0x0  }
0x196: {  	[sflag:s19] =	ssyncadd.s32 $0xFFFFF380  }
0x197: {  	_ =	swait.ge [sflag:s19], $0xC80  }
0x198: {  	[sflag:s19] =	ssyncset.done $0x0  }
0x199: {  	[sflag:s19] =	ssyncadd.s32 $0xFFFFF380  }
0x19a: {  	_ =	swait.ge [sflag:s19], $0xC80  }
0x19b: {  	[sflag:s19] =	ssyncset.done $0x0  }
0x19c: {  	[sflag:s19] =	ssyncadd.s32 $0xFFFFF380  }
0x19d: {  	_ =	swait.ge [sflag:s19], $0xC80  }
0x19e: {  	[sflag:s19] =	ssyncset.done $0x0  }
0x19f: {  	[sflag:s19] =	ssyncadd.s32 $0xFFFFF380  }
0x1a0: {  	_ =	swait.ge [sflag:s19], $0xC80  }
0x1a1: {  	[sflag:s19] =	ssyncset.done $0x0  }
0x1a2: {  	[sflag:s19] =	ssyncadd.s32 $0xFFFFF380  }
0x1a3: {  	_ =	swait.ge [sflag:s19], $0xC80  }
0x1a4: {  	[sflag:s19] =	ssyncset.done $0x0  }
0x1a5: {  	[sflag:s19] =	ssyncadd.s32 $0xFFFFF380  }
0x1a6: {  	_ =	swait.ge [sflag:s19], $0xC80  }
0x1a7: {  	[sflag:s19] =	ssyncset.done $0x0  }
0x1a8: {  	s7 =	simm.s32 $0x6B00;
	s5 =	sadd.s32 $0x3800, s18;
	[sflag:s19] =	ssyncadd.s32 $0xFFFFF380  }
0x1a9: {  	[hbm4b:s5+s28] =	stream.strided.scatter [tilespmem:s7], [sflag:$0xA], $0xC80, s30, s28, $0x38;
	[tilespmem:$0x19700] =	vst v63  }
0x1aa: {  	s9 =	simm.s32 $0x7780;
	s8 =	sadd.s32 $0x3B80, s18  }
0x1ab: {  	[hbm4b:s8+s28] =	stream.strided.scatter [tilespmem:s9], [sflag:$0xA], $0xC80, s30, s28, $0x38;
	[tilespmem:$0x19700] =	vst v63  }
0x1ac: {  	s10 =	sadd.s32 $0x3F00, s18;
	s11 =	simm.s32 $0x8400  }
0x1ad: {  	[hbm4b:s10+s28] =	stream.strided.scatter [tilespmem:s11], [sflag:$0xA], $0xC80, s30, s28, $0x38;
	[tilespmem:$0x19700] =	vst v63  }
0x1ae: {  	s14 =	simm.s32 $0x9080;
	s12 =	sadd.s32 $0x4280, s18  }
0x1af: {  	[hbm4b:s12+s28] =	stream.strided.scatter [tilespmem:s14], [sflag:$0xA], $0xC80, s30, s28, $0x38;
	[tilespmem:$0x19700] =	vst v63  }
0x1b0: {  	s15 =	sadd.s32 $0x4600, s18;
	s16 =	simm.s32 $0x9D00  }
0x1b1: {  	[hbm4b:s15+s28] =	stream.strided.scatter [tilespmem:s16], [sflag:$0xA], $0xC80, s30, s28, $0x38;
	[tilespmem:$0x19700] =	vst v63  }
0x1b2: {  	s17 =	sadd.s32 $0x4980, s18;
	s21 =	simm.s32 $0xA980  }
0x1b3: {  	[hbm4b:s17+s28] =	stream.strided.scatter [tilespmem:s21], [sflag:$0xA], $0xC80, s30, s28, $0x38;
	[tilespmem:$0x19700] =	vst v63  }
0x1b4: {  	s31 =	sadd.s32 $0x1F8, s13;
	s22 =	sadd.s32 $0x4D00, s18;
	s23 =	simm.s32 $0xB600  }
0x1b5: {  	[hbm4b:s22+s28] =	stream.strided.scatter [tilespmem:s23], [sflag:$0xA], $0xC80, s30, s28, $0x38;
	[tilespmem:$0x19700] =	vst v63  }
0x1b6: {  	s6 =	simm.s32 $0xE0;
	s25 =	sadd.s32 $0x5080, s18;
	s29 =	simm.s32 $0xC280  }
0x1b7: {  	[hbm4b:s25+s28] =	stream.strided.scatter [tilespmem:s29], [sflag:$0xA], $0xC80, s30, s28, $0x38;
	[tilespmem:$0x19700] =	vst v63  }
.LBB2_2:
0x1b8: {  	s23 =	simm.s32 $0x1C0;
	s0 =	simm.s32 $0x0;
	s21 =	simm.s32 $0x9  }
0x1b9: {  	[tilespmem:s23], [sflag:$0x2] =	stream.linear.gather [hbm4b:s31+s0], $0x1C0, $0x38;
	[tilespmem:$0x19700] =	vst v63  }
0x1ba: {  	_ =	swait.ge [sflag:s21], $0x6400  }
0x1bb: {  	[sflag:s21] =	ssyncset.done $0x0  }
0x1bc: {  	s4 =	simm.s32 $0x1;
	[sflag:s21] =	ssyncadd.s32 $0xFFFF9C00  }
0x1bd: {  	_ =	swait.ge [sflag:s4], $0x1C0  }
0x1be: {  	[sflag:s4] =	ssyncset.done $0x0  }
0x1bf: {  	s2 =	simm.s32 $0x0;
	s22 =	simm.s32 $0x700;
	[sflag:s4] =	ssyncadd.s32 $0xFFFFFE40  }
0x1c0: {  	[tilespmem:s22], [sflag:$0x5] =	stream.indirect.gather [hbm4b:s3+s26], $0x40, s2, s26, $0xb8;
	[tilespmem:$0x19700] =	vst v63  }
0x1c1: {  	s5 =	simm.s32 $0x38;
	s29 =	simm.s32 $0x1380  }
0x1c2: {  	[tilespmem:s29], [sflag:$0x5] =	stream.indirect.gather [hbm4b:s3+s26], $0x40, s5, s26, $0xb8;
	[tilespmem:$0x19700] =	vst v63  }
0x1c3: {  	s7 =	simm.s32 $0x2000;
	s2 =	simm.s32 $0x70  }
0x1c4: {  	[tilespmem:s7], [sflag:$0x5] =	stream.indirect.gather [hbm4b:s3+s26], $0x40, s2, s26, $0xb8;
	[tilespmem:$0x19700] =	vst v63  }
0x1c5: {  	s8 =	simm.s32 $0xA8;
	s9 =	simm.s32 $0x2C80  }
0x1c6: {  	[tilespmem:s9], [sflag:$0x5] =	stream.indirect.gather [hbm4b:s3+s26], $0x40, s8, s26, $0xb8;
	[tilespmem:$0x19700] =	vst v63  }
0x1c7: {  	s10 =	simm.s32 $0xE0;
	s11 =	simm.s32 $0x3900  }
0x1c8: {  	[tilespmem:s11], [sflag:$0x5] =	stream.indirect.gather [hbm4b:s3+s26], $0x40, s10, s26, $0xb8;
	[tilespmem:$0x19700] =	vst v63  }
0x1c9: {  	s12 =	simm.s32 $0x118;
	s14 =	simm.s32 $0x4580  }
0x1ca: {  	[tilespmem:s14], [sflag:$0x5] =	stream.indirect.gather [hbm4b:s3+s26], $0x40, s12, s26, $0xb8;
	[tilespmem:$0x19700] =	vst v63  }
0x1cb: {  	s15 =	simm.s32 $0x150;
	s16 =	simm.s32 $0x5200  }
0x1cc: {  	[tilespmem:s16], [sflag:$0x5] =	stream.indirect.gather [hbm4b:s3+s26], $0x40, s15, s26, $0xb8;
	[tilespmem:$0x19700] =	vst v63  }
0x1cd: {  	s17 =	simm.s32 $0x188;
	s21 =	simm.s32 $0x5E80  }
0x1ce: {  	[tilespmem:s21], [sflag:$0x5] =	stream.indirect.gather [hbm4b:s3+s26], $0x40, s17, s26, $0xb8;
	[tilespmem:$0x19700] =	vst v63  }
0x1cf: {  	_ =	swait.ge [sflag:s1], $0xC80  }
0x1d0: {  	[sflag:s1] =	ssyncset.done $0x0  }
0x1d1: {  	[sflag:s1] =	ssyncadd.s32 $0xFFFFF380  }
0x1d2: {  	_ =	swait.ge [sflag:s1], $0xC80  }
0x1d3: {  	[sflag:s1] =	ssyncset.done $0x0  }
0x1d4: {  	[sflag:s1] =	ssyncadd.s32 $0xFFFFF380  }
0x1d5: {  	_ =	swait.ge [sflag:s1], $0xC80  }
0x1d6: {  	[sflag:s1] =	ssyncset.done $0x0  }
0x1d7: {  	[sflag:s1] =	ssyncadd.s32 $0xFFFFF380  }
0x1d8: {  	_ =	swait.ge [sflag:s1], $0xC80  }
0x1d9: {  	[sflag:s1] =	ssyncset.done $0x0  }
0x1da: {  	[sflag:s1] =	ssyncadd.s32 $0xFFFFF380  }
0x1db: {  	_ =	swait.ge [sflag:s1], $0xC80  }
0x1dc: {  	[sflag:s1] =	ssyncset.done $0x0  }
0x1dd: {  	[sflag:s1] =	ssyncadd.s32 $0xFFFFF380  }
0x1de: {  	_ =	swait.ge [sflag:s1], $0xC80  }
0x1df: {  	[sflag:s1] =	ssyncset.done $0x0  }
0x1e0: {  	[sflag:s1] =	ssyncadd.s32 $0xFFFFF380  }
0x1e1: {  	_ =	swait.ge [sflag:s1], $0xC80  }
0x1e2: {  	[sflag:s1] =	ssyncset.done $0x0  }
0x1e3: {  	[sflag:s1] =	ssyncadd.s32 $0xFFFFF380  }
0x1e4: {  	_ =	swait.ge [sflag:s1], $0xC80  }
0x1e5: {  	s18 =	sadd.s32 $0x7000, s18;
	[sflag:s1] =	ssyncset.done $0x0  }
0x1e6: {  	s31 =	sadd.s32 $0xFFFFE400, s18;
	s2 =	simm.s32 $0xCF00;
	[sflag:s1] =	ssyncadd.s32 $0xFFFFF380  }
0x1e7: {  	[hbm4b:s31+s28] =	stream.strided.scatter [tilespmem:s2], [sflag:$0xB], $0xC80, s30, s28, $0x38;
	[tilespmem:$0x19700] =	vst v63  }
0x1e8: {  	s0 =	simm.s32 $0xDB80;
	s31 =	sadd.s32 $0xFFFFE780, s18  }
0x1e9: {  	[hbm4b:s31+s28] =	stream.strided.scatter [tilespmem:s0], [sflag:$0xB], $0xC80, s30, s28, $0x38;
	[tilespmem:$0x19700] =	vst v63  }
0x1ea: {  	s29 =	simm.s32 $0xE800;
	s31 =	sadd.s32 $0xFFFFEB00, s18  }
0x1eb: {  	[hbm4b:s31+s28] =	stream.strided.scatter [tilespmem:s29], [sflag:$0xB], $0xC80, s30, s28, $0x38;
	[tilespmem:$0x19700] =	vst v63  }
0x1ec: {  	s21 =	simm.s32 $0xF480;
	s31 =	sadd.s32 $0xFFFFEE80, s18  }
0x1ed: {  	[hbm4b:s31+s28] =	stream.strided.scatter [tilespmem:s21], [sflag:$0xB], $0xC80, s30, s28, $0x38;
	[tilespmem:$0x19700] =	vst v63  }
0x1ee: {  	s17 =	simm.s32 $0x10100;
	s31 =	sadd.s32 $0xFFFFF200, s18  }
0x1ef: {  	[hbm4b:s31+s28] =	stream.strided.scatter [tilespmem:s17], [sflag:$0xB], $0xC80, s30, s28, $0x38;
	[tilespmem:$0x19700] =	vst v63  }
0x1f0: {  	s13 =	smov.u32 s6;
	s14 =	simm.s32 $0x10D80;
	s31 =	sadd.s32 $0xFFFFF580, s18  }
0x1f1: {  	[hbm4b:s31+s28] =	stream.strided.scatter [tilespmem:s14], [sflag:$0xB], $0xC80, s30, s28, $0x38;
	[tilespmem:$0x19700] =	vst v63  }
0x1f2: {  	s10 =	simm.s32 $0x11A00;
	s22 =	rddreg [dreg:$0x3];
	s31 =	sadd.s32 $0xFFFFF900, s18  }
0x1f3: {  	[hbm4b:s31+s28] =	stream.strided.scatter [tilespmem:s10], [sflag:$0xB], $0xC80, s30, s28, $0x38;
	[tilespmem:$0x19700] =	vst v63  }
0x1f4: {  	s9 =	simm.s32 $0x12680;
	s13 =	sadd.s32 s13, s22;
	s31 =	sadd.s32 $0xFFFFFC80, s18  }
0x1f5: {  	[hbm4b:s31+s28] =	stream.strided.scatter [tilespmem:s9], [sflag:$0xB], $0xC80, s30, s28, $0x38;
	[tilespmem:$0x19700] =	vst v63  }
0x1f6: {  	s25 =	simm.s32 $0x0;
	s5 =	simm.s32 $0x380;
	s22 =	sadd.s32 $0x150, s13  }
0x1f7: {  	[tilespmem:s5], [sflag:$0x3] =	stream.linear.gather [hbm4b:s22+s25], $0x1C0, $0x38;
	[tilespmem:$0x19700] =	vst v63  }
0x1f8: {  	s22 =	simm.s32 $0xA  }
0x1f9: {  	_ =	swait.ge [sflag:s22], $0x6400  }
0x1fa: {  	[sflag:s22] =	ssyncset.done $0x0  }
0x1fb: {  	s8 =	simm.s32 $0x2;
	[sflag:s22] =	ssyncadd.s32 $0xFFFF9C00  }
0x1fc: {  	_ =	swait.ge [sflag:s8], $0x1C0  }
0x1fd: {  	[sflag:s8] =	ssyncset.done $0x0  }
0x1fe: {  	s25 =	simm.s32 $0x6B00;
	[sflag:s8] =	ssyncadd.s32 $0xFFFFFE40  }
0x1ff: {  	[tilespmem:s25], [sflag:$0x6] =	stream.indirect.gather [hbm4b:s3+s26], $0x40, s23, s26, $0xb8;
	[tilespmem:$0x19700] =	vst v63  }
0x200: {  	s7 =	simm.s32 $0x1F8;
	s8 =	simm.s32 $0x7780  }
0x201: {  	[tilespmem:s8], [sflag:$0x6] =	stream.indirect.gather [hbm4b:s3+s26], $0x40, s7, s26, $0xb8;
	[tilespmem:$0x19700] =	vst v63  }
0x202: {  	s11 =	simm.s32 $0x230;
	s12 =	simm.s32 $0x8400  }
0x203: {  	[tilespmem:s12], [sflag:$0x6] =	stream.indirect.gather [hbm4b:s3+s26], $0x40, s11, s26, $0xb8;
	[tilespmem:$0x19700] =	vst v63  }
0x204: {  	s15 =	simm.s32 $0x268;
	s16 =	simm.s32 $0x9080  }
0x205: {  	[tilespmem:s16], [sflag:$0x6] =	stream.indirect.gather [hbm4b:s3+s26], $0x40, s15, s26, $0xb8;
	[tilespmem:$0x19700] =	vst v63  }
0x206: {  	s23 =	simm.s32 $0x2A0;
	s25 =	simm.s32 $0x9D00  }
0x207: {  	[tilespmem:s25], [sflag:$0x6] =	stream.indirect.gather [hbm4b:s3+s26], $0x40, s23, s26, $0xb8;
	[tilespmem:$0x19700] =	vst v63  }
0x208: {  	s7 =	simm.s32 $0x2D8;
	s8 =	simm.s32 $0xA980  }
0x209: {  	[tilespmem:s8], [sflag:$0x6] =	stream.indirect.gather [hbm4b:s3+s26], $0x40, s7, s26, $0xb8;
	[tilespmem:$0x19700] =	vst v63  }
0x20a: {  	s11 =	simm.s32 $0x310;
	s12 =	simm.s32 $0xB600  }
0x20b: {  	[tilespmem:s12], [sflag:$0x6] =	stream.indirect.gather [hbm4b:s3+s26], $0x40, s11, s26, $0xb8;
	[tilespmem:$0x19700] =	vst v63  }
0x20c: {  	s15 =	simm.s32 $0x348;
	s16 =	simm.s32 $0xC280  }
0x20d: {  	[tilespmem:s16], [sflag:$0x6] =	stream.indirect.gather [hbm4b:s3+s26], $0x40, s15, s26, $0xb8;
	[tilespmem:$0x19700] =	vst v63  }
0x20e: {  	_ =	swait.ge [sflag:s20], $0xC80  }
0x20f: {  	[sflag:s20] =	ssyncset.done $0x0  }
0x210: {  	[sflag:s20] =	ssyncadd.s32 $0xFFFFF380  }
0x211: {  	_ =	swait.ge [sflag:s20], $0xC80  }
0x212: {  	[sflag:s20] =	ssyncset.done $0x0  }
0x213: {  	[sflag:s20] =	ssyncadd.s32 $0xFFFFF380  }
0x214: {  	_ =	swait.ge [sflag:s20], $0xC80  }
0x215: {  	[sflag:s20] =	ssyncset.done $0x0  }
0x216: {  	[sflag:s20] =	ssyncadd.s32 $0xFFFFF380  }
0x217: {  	_ =	swait.ge [sflag:s20], $0xC80  }
0x218: {  	[sflag:s20] =	ssyncset.done $0x0  }
0x219: {  	[sflag:s20] =	ssyncadd.s32 $0xFFFFF380  }
0x21a: {  	_ =	swait.ge [sflag:s20], $0xC80  }
0x21b: {  	[sflag:s20] =	ssyncset.done $0x0  }
0x21c: {  	[sflag:s20] =	ssyncadd.s32 $0xFFFFF380  }
0x21d: {  	_ =	swait.ge [sflag:s20], $0xC80  }
0x21e: {  	[sflag:s20] =	ssyncset.done $0x0  }
0x21f: {  	[sflag:s20] =	ssyncadd.s32 $0xFFFFF380  }
0x220: {  	_ =	swait.ge [sflag:s20], $0xC80  }
0x221: {  	[sflag:s20] =	ssyncset.done $0x0  }
0x222: {  	[sflag:s20] =	ssyncadd.s32 $0xFFFFF380  }
0x223: {  	_ =	swait.ge [sflag:s20], $0xC80  }
0x224: {  	[sflag:s20] =	ssyncset.done $0x0  }
0x225: {  	s25 =	simm.s32 $0x13300;
	[sflag:s20] =	ssyncadd.s32 $0xFFFFF380  }
0x226: {  	[hbm4b:s18+s28] =	stream.strided.scatter [tilespmem:s25], [sflag:$0xC], $0xC80, s30, s28, $0x38;
	[tilespmem:$0x19700] =	vst v63  }
0x227: {  	s23 =	sadd.s32 $0x380, s18;
	s16 =	simm.s32 $0x13F80  }
0x228: {  	[hbm4b:s23+s28] =	stream.strided.scatter [tilespmem:s16], [sflag:$0xC], $0xC80, s30, s28, $0x38;
	[tilespmem:$0x19700] =	vst v63  }
0x229: {  	s31 =	sadd.s32 $0x700, s18;
	s15 =	simm.s32 $0x14C00  }
0x22a: {  	[hbm4b:s31+s28] =	stream.strided.scatter [tilespmem:s15], [sflag:$0xC], $0xC80, s30, s28, $0x38;
	[tilespmem:$0x19700] =	vst v63  }
0x22b: {  	s4 =	sadd.s32 $0xA80, s18;
	s12 =	simm.s32 $0x15880  }
0x22c: {  	[hbm4b:s4+s28] =	stream.strided.scatter [tilespmem:s12], [sflag:$0xC], $0xC80, s30, s28, $0x38;
	[tilespmem:$0x19700] =	vst v63  }
0x22d: {  	s11 =	simm.s32 $0x16500;
	s31 =	sadd.s32 $0xE00, s18  }
0x22e: {  	[hbm4b:s31+s28] =	stream.strided.scatter [tilespmem:s11], [sflag:$0xC], $0xC80, s30, s28, $0x38;
	[tilespmem:$0x19700] =	vst v63  }
0x22f: {  	s7 =	sadd.s32 $0x1180, s18;
	s8 =	simm.s32 $0x17180  }
0x230: {  	[hbm4b:s7+s28] =	stream.strided.scatter [tilespmem:s8], [sflag:$0xC], $0xC80, s30, s28, $0x38;
	[tilespmem:$0x19700] =	vst v63  }
0x231: {  	s31 =	sadd.s32 $0x1500, s18;
	s7 =	simm.s32 $0x17E00  }
0x232: {  	[hbm4b:s31+s28] =	stream.strided.scatter [tilespmem:s7], [sflag:$0xC], $0xC80, s30, s28, $0x38;
	[tilespmem:$0x19700] =	vst v63  }
0x233: {  	s23 =	sadd.s32 $0x1880, s18;
	s4 =	simm.s32 $0x18A80  }
0x234: {  	[hbm4b:s23+s28] =	stream.strided.scatter [tilespmem:s4], [sflag:$0xC], $0xC80, s30, s28, $0x38;
	[tilespmem:$0x19700] =	vst v63  }
0x235: {  	s22 =	simm.s32 $0x0;
	s31 =	sadd.s32 $0x188, s13;
	s23 =	simm.s32 $0x540  }
0x236: {  	[tilespmem:s23], [sflag:$0x4] =	stream.linear.gather [hbm4b:s31+s22], $0x1C0, $0x38;
	[tilespmem:$0x19700] =	vst v63  }
0x237: {  	s22 =	simm.s32 $0xB  }
0x238: {  	_ =	swait.ge [sflag:s22], $0x6400  }
0x239: {  	[sflag:s22] =	ssyncset.done $0x0  }
0x23a: {  	[sflag:s22] =	ssyncadd.s32 $0xFFFF9C00;
	s22 =	simm.s32 $0x3  }
0x23b: {  	_ =	swait.ge [sflag:s22], $0x1C0  }
0x23c: {  	[sflag:s22] =	ssyncset.done $0x0  }
0x23d: {  	[sflag:s22] =	ssyncadd.s32 $0xFFFFFE40  }
0x23e: {  	[tilespmem:s2], [sflag:$0x7] =	stream.indirect.gather [hbm4b:s3+s26], $0x40, s5, s26, $0xb8;
	[tilespmem:$0x19700] =	vst v63  }
0x23f: {  	s5 =	simm.s32 $0x3B8  }
0x240: {  	[tilespmem:s0], [sflag:$0x7] =	stream.indirect.gather [hbm4b:s3+s26], $0x40, s5, s26, $0xb8;
	[tilespmem:$0x19700] =	vst v63  }
0x241: {  	s22 =	simm.s32 $0x3F0  }
0x242: {  	[tilespmem:s29], [sflag:$0x7] =	stream.indirect.gather [hbm4b:s3+s26], $0x40, s22, s26, $0xb8;
	[tilespmem:$0x19700] =	vst v63  }
0x243: {  	s29 =	simm.s32 $0x428  }
0x244: {  	[tilespmem:s21], [sflag:$0x7] =	stream.indirect.gather [hbm4b:s3+s26], $0x40, s29, s26, $0xb8;
	[tilespmem:$0x19700] =	vst v63  }
0x245: {  	s2 =	simm.s32 $0x460  }
0x246: {  	[tilespmem:s17], [sflag:$0x7] =	stream.indirect.gather [hbm4b:s3+s26], $0x40, s2, s26, $0xb8;
	[tilespmem:$0x19700] =	vst v63  }
0x247: {  	s5 =	simm.s32 $0x498  }
0x248: {  	[tilespmem:s14], [sflag:$0x7] =	stream.indirect.gather [hbm4b:s3+s26], $0x40, s5, s26, $0xb8;
	[tilespmem:$0x19700] =	vst v63  }
0x249: {  	s14 =	simm.s32 $0x4D0  }
0x24a: {  	[tilespmem:s10], [sflag:$0x7] =	stream.indirect.gather [hbm4b:s3+s26], $0x40, s14, s26, $0xb8;
	[tilespmem:$0x19700] =	vst v63  }
0x24b: {  	s17 =	simm.s32 $0x508  }
0x24c: {  	[tilespmem:s9], [sflag:$0x7] =	stream.indirect.gather [hbm4b:s3+s26], $0x40, s17, s26, $0xb8;
	[tilespmem:$0x19700] =	vst v63  }
0x24d: {  	_ =	swait.ge [sflag:s24], $0xC80  }
0x24e: {  	[sflag:s24] =	ssyncset.done $0x0  }
0x24f: {  	[sflag:s24] =	ssyncadd.s32 $0xFFFFF380  }
0x250: {  	_ =	swait.ge [sflag:s24], $0xC80  }
0x251: {  	[sflag:s24] =	ssyncset.done $0x0  }
0x252: {  	[sflag:s24] =	ssyncadd.s32 $0xFFFFF380  }
0x253: {  	_ =	swait.ge [sflag:s24], $0xC80  }
0x254: {  	[sflag:s24] =	ssyncset.done $0x0  }
0x255: {  	[sflag:s24] =	ssyncadd.s32 $0xFFFFF380  }
0x256: {  	_ =	swait.ge [sflag:s24], $0xC80  }
0x257: {  	[sflag:s24] =	ssyncset.done $0x0  }
0x258: {  	[sflag:s24] =	ssyncadd.s32 $0xFFFFF380  }
0x259: {  	_ =	swait.ge [sflag:s24], $0xC80  }
0x25a: {  	[sflag:s24] =	ssyncset.done $0x0  }
0x25b: {  	[sflag:s24] =	ssyncadd.s32 $0xFFFFF380  }
0x25c: {  	_ =	swait.ge [sflag:s24], $0xC80  }
0x25d: {  	[sflag:s24] =	ssyncset.done $0x0  }
0x25e: {  	[sflag:s24] =	ssyncadd.s32 $0xFFFFF380  }
0x25f: {  	_ =	swait.ge [sflag:s24], $0xC80  }
0x260: {  	[sflag:s24] =	ssyncset.done $0x0  }
0x261: {  	[sflag:s24] =	ssyncadd.s32 $0xFFFFF380  }
0x262: {  	_ =	swait.ge [sflag:s24], $0xC80  }
0x263: {  	[sflag:s24] =	ssyncset.done $0x0  }
0x264: {  	s21 =	sadd.s32 $0x1C00, s18;
	s29 =	simm.s32 $0x700;
	[sflag:s24] =	ssyncadd.s32 $0xFFFFF380  }
0x265: {  	[hbm4b:s21+s28] =	stream.strided.scatter [tilespmem:s29], [sflag:$0x9], $0xC80, s30, s28, $0x38;
	[tilespmem:$0x19700] =	vst v63  }
0x266: {  	s31 =	sadd.s32 $0x1F80, s18;
	s5 =	simm.s32 $0x1380  }
0x267: {  	[hbm4b:s31+s28] =	stream.strided.scatter [tilespmem:s5], [sflag:$0x9], $0xC80, s30, s28, $0x38;
	[tilespmem:$0x19700] =	vst v63  }
0x268: {  	s2 =	sadd.s32 $0x2300, s18;
	s9 =	simm.s32 $0x2000  }
0x269: {  	[hbm4b:s2+s28] =	stream.strided.scatter [tilespmem:s9], [sflag:$0x9], $0xC80, s30, s28, $0x38;
	[tilespmem:$0x19700] =	vst v63  }
0x26a: {  	s14 =	simm.s32 $0x2C80;
	s31 =	sadd.s32 $0x2680, s18  }
0x26b: {  	[hbm4b:s31+s28] =	stream.strided.scatter [tilespmem:s14], [sflag:$0x9], $0xC80, s30, s28, $0x38;
	[tilespmem:$0x19700] =	vst v63  }
0x26c: {  	s10 =	sadd.s32 $0x2A00, s18;
	s17 =	simm.s32 $0x3900  }
0x26d: {  	[hbm4b:s10+s28] =	stream.strided.scatter [tilespmem:s17], [sflag:$0x9], $0xC80, s30, s28, $0x38;
	[tilespmem:$0x19700] =	vst v63  }
0x26e: {  	s29 =	simm.s32 $0x4580;
	s31 =	sadd.s32 $0x2D80, s18  }
0x26f: {  	[hbm4b:s31+s28] =	stream.strided.scatter [tilespmem:s29], [sflag:$0x9], $0xC80, s30, s28, $0x38;
	[tilespmem:$0x19700] =	vst v63  }
0x270: {  	s21 =	sadd.s32 $0x3100, s18;
	s2 =	simm.s32 $0x5200  }
0x271: {  	[hbm4b:s21+s28] =	stream.strided.scatter [tilespmem:s2], [sflag:$0x9], $0xC80, s30, s28, $0x38;
	[tilespmem:$0x19700] =	vst v63  }
0x272: {  	s9 =	simm.s32 $0x5E80;
	s31 =	sadd.s32 $0x3480, s18  }
0x273: {  	[hbm4b:s31+s28] =	stream.strided.scatter [tilespmem:s9], [sflag:$0x9], $0xC80, s30, s28, $0x38;
	[tilespmem:$0x19700] =	vst v63  }
0x274: {  	s5 =	sadd.s32 $0x1C0, s13;
	s14 =	simm.s32 $0xC;
	s10 =	simm.s32 $0x0  }
0x275: {  	[tilespmem:s10], [sflag:$0x1] =	stream.linear.gather [hbm4b:s5+s10], $0x1C0, $0x38;
	[tilespmem:$0x19700] =	vst v63  }
0x276: {  	_ =	swait.ge [sflag:s14], $0x6400  }
0x277: {  	[sflag:s14] =	ssyncset.done $0x0  }
0x278: {  	s17 =	simm.s32 $0x4;
	[sflag:s14] =	ssyncadd.s32 $0xFFFF9C00  }
0x279: {  	_ =	swait.ge [sflag:s17], $0x1C0  }
0x27a: {  	[sflag:s17] =	ssyncset.done $0x0  }
0x27b: {  	[sflag:s17] =	ssyncadd.s32 $0xFFFFFE40  }
0x27c: {  	[tilespmem:s25], [sflag:$0x8] =	stream.indirect.gather [hbm4b:s3+s26], $0x40, s23, s26, $0xb8;
	[tilespmem:$0x19700] =	vst v63  }
0x27d: {  	s21 =	simm.s32 $0x578  }
0x27e: {  	[tilespmem:s16], [sflag:$0x8] =	stream.indirect.gather [hbm4b:s3+s26], $0x40, s21, s26, $0xb8;
	[tilespmem:$0x19700] =	vst v63  }
0x27f: {  	s22 =	simm.s32 $0x5B0  }
0x280: {  	[tilespmem:s15], [sflag:$0x8] =	stream.indirect.gather [hbm4b:s3+s26], $0x40, s22, s26, $0xb8;
	[tilespmem:$0x19700] =	vst v63  }
0x281: {  	s23 =	simm.s32 $0x5E8  }
0x282: {  	[tilespmem:s12], [sflag:$0x8] =	stream.indirect.gather [hbm4b:s3+s26], $0x40, s23, s26, $0xb8;
	[tilespmem:$0x19700] =	vst v63  }
0x283: {  	s25 =	simm.s32 $0x620  }
0x284: {  	[tilespmem:s11], [sflag:$0x8] =	stream.indirect.gather [hbm4b:s3+s26], $0x40, s25, s26, $0xb8;
	[tilespmem:$0x19700] =	vst v63  }
0x285: {  	s29 =	simm.s32 $0x658  }
0x286: {  	[tilespmem:s8], [sflag:$0x8] =	stream.indirect.gather [hbm4b:s3+s26], $0x40, s29, s26, $0xb8;
	[tilespmem:$0x19700] =	vst v63  }
0x287: {  	s2 =	simm.s32 $0x690  }
0x288: {  	[tilespmem:s7], [sflag:$0x8] =	stream.indirect.gather [hbm4b:s3+s26], $0x40, s2, s26, $0xb8;
	[tilespmem:$0x19700] =	vst v63  }
0x289: {  	s5 =	simm.s32 $0x6C8  }
0x28a: {  	[tilespmem:s4], [sflag:$0x8] =	stream.indirect.gather [hbm4b:s3+s26], $0x40, s5, s26, $0xb8;
	[tilespmem:$0x19700] =	vst v63  }
0x28b: {  	_ =	swait.ge [sflag:s19], $0xC80  }
0x28c: {  	[sflag:s19] =	ssyncset.done $0x0  }
0x28d: {  	[sflag:s19] =	ssyncadd.s32 $0xFFFFF380  }
0x28e: {  	_ =	swait.ge [sflag:s19], $0xC80  }
0x28f: {  	[sflag:s19] =	ssyncset.done $0x0  }
0x290: {  	[sflag:s19] =	ssyncadd.s32 $0xFFFFF380  }
0x291: {  	_ =	swait.ge [sflag:s19], $0xC80  }
0x292: {  	[sflag:s19] =	ssyncset.done $0x0  }
0x293: {  	[sflag:s19] =	ssyncadd.s32 $0xFFFFF380  }
0x294: {  	_ =	swait.ge [sflag:s19], $0xC80  }
0x295: {  	[sflag:s19] =	ssyncset.done $0x0  }
0x296: {  	[sflag:s19] =	ssyncadd.s32 $0xFFFFF380  }
0x297: {  	_ =	swait.ge [sflag:s19], $0xC80  }
0x298: {  	[sflag:s19] =	ssyncset.done $0x0  }
0x299: {  	[sflag:s19] =	ssyncadd.s32 $0xFFFFF380  }
0x29a: {  	_ =	swait.ge [sflag:s19], $0xC80  }
0x29b: {  	[sflag:s19] =	ssyncset.done $0x0  }
0x29c: {  	[sflag:s19] =	ssyncadd.s32 $0xFFFFF380  }
0x29d: {  	_ =	swait.ge [sflag:s19], $0xC80  }
0x29e: {  	[sflag:s19] =	ssyncset.done $0x0  }
0x29f: {  	[sflag:s19] =	ssyncadd.s32 $0xFFFFF380  }
0x2a0: {  	_ =	swait.ge [sflag:s19], $0xC80  }
0x2a1: {  	[sflag:s19] =	ssyncset.done $0x0  }
0x2a2: {  	s8 =	simm.s32 $0x6B00;
	s7 =	sadd.s32 $0x3800, s18;
	[sflag:s19] =	ssyncadd.s32 $0xFFFFF380  }
0x2a3: {  	[hbm4b:s7+s28] =	stream.strided.scatter [tilespmem:s8], [sflag:$0xA], $0xC80, s30, s28, $0x38;
	[tilespmem:$0x19700] =	vst v63  }
0x2a4: {  	s31 =	sadd.s32 $0x3B80, s18;
	s10 =	simm.s32 $0x7780  }
0x2a5: {  	[hbm4b:s31+s28] =	stream.strided.scatter [tilespmem:s10], [sflag:$0xA], $0xC80, s30, s28, $0x38;
	[tilespmem:$0x19700] =	vst v63  }
0x2a6: {  	s9 =	sadd.s32 $0x3F00, s18;
	s11 =	simm.s32 $0x8400  }
0x2a7: {  	[hbm4b:s9+s28] =	stream.strided.scatter [tilespmem:s11], [sflag:$0xA], $0xC80, s30, s28, $0x38;
	[tilespmem:$0x19700] =	vst v63  }
0x2a8: {  	s14 =	simm.s32 $0x9080;
	s31 =	sadd.s32 $0x4280, s18  }
0x2a9: {  	[hbm4b:s31+s28] =	stream.strided.scatter [tilespmem:s14], [sflag:$0xA], $0xC80, s30, s28, $0x38;
	[tilespmem:$0x19700] =	vst v63  }
0x2aa: {  	s15 =	simm.s32 $0x9D00;
	s12 =	sadd.s32 $0x4600, s18  }
0x2ab: {  	[hbm4b:s12+s28] =	stream.strided.scatter [tilespmem:s15], [sflag:$0xA], $0xC80, s30, s28, $0x38;
	[tilespmem:$0x19700] =	vst v63  }
0x2ac: {  	p0 =	sne.s32 s6, $0xB60;
	s17 =	simm.s32 $0xA980;
	s31 =	sadd.s32 $0x4980, s18  }
0x2ad: {  	[hbm4b:s31+s28] =	stream.strided.scatter [tilespmem:s17], [sflag:$0xA], $0xC80, s30, s28, $0x38;
	[tilespmem:$0x19700] =	vst v63  }
.Ltmp0:
0x2ae: {  	_ = 	snop;
	(pc) =	sbr.rel @p0 .LBB2_2-.Ltmp0, $4  }
0x2af: {  	s6 =	sadd.s32 $0xE0, s6;
	s16 =	sadd.s32 $0x4D00, s18;
	s25 =	simm.s32 $0xB600  }
0x2b0: {  	[hbm4b:s16+s28] =	stream.strided.scatter [tilespmem:s25], [sflag:$0xA], $0xC80, s30, s28, $0x38;
	[tilespmem:$0x19700] =	vst v63  }
0x2b1: {  	s21 =	sadd.s32 $0x5080, s18;
	s29 =	simm.s32 $0xC280;
	s31 =	sadd.s32 $0x1F8, s13  }
0x2b2: {  	[hbm4b:s21+s28] =	stream.strided.scatter [tilespmem:s29], [sflag:$0xA], $0xC80, s30, s28, $0x38;
	[tilespmem:$0x19700] =	vst v63  }
0x2b3: {  	s18 =	simm.s32 $0x1C0;
	s25 =	simm.s32 $0x0;
	s2 =	simm.s32 $0x9  }
0x2b4: {  	[tilespmem:s18], [sflag:$0x2] =	stream.linear.gather [hbm4b:s31+s25], $0x1C0, $0x38;
	[tilespmem:$0x19700] =	vst v63  }
0x2b5: {  	_ =	swait.ge [sflag:s2], $0x6400  }
0x2b6: {  	[sflag:s2] =	ssyncset.done $0x0  }
0x2b7: {  	s4 =	simm.s32 $0x1;
	[sflag:s2] =	ssyncadd.s32 $0xFFFF9C00  }
0x2b8: {  	_ =	swait.ge [sflag:s4], $0x1C0  }
0x2b9: {  	[sflag:s4] =	ssyncset.done $0x0  }
0x2ba: {  	s0 =	simm.s32 $0x700;
	[sflag:s4] =	ssyncadd.s32 $0xFFFFFE40  }
0x2bb: {  	[tilespmem:s0], [sflag:$0x5] =	stream.indirect.gather [hbm4b:s3+s26], $0x40, s25, s26, $0xb8;
	[tilespmem:$0x19700] =	vst v63  }
0x2bc: {  	s5 =	simm.s32 $0x38;
	s23 =	simm.s32 $0x1380  }
0x2bd: {  	[tilespmem:s23], [sflag:$0x5] =	stream.indirect.gather [hbm4b:s3+s26], $0x40, s5, s26, $0xb8;
	[tilespmem:$0x19700] =	vst v63  }
0x2be: {  	s29 =	simm.s32 $0x70;
	s31 =	simm.s32 $0x2000  }
0x2bf: {  	[tilespmem:s31], [sflag:$0x5] =	stream.indirect.gather [hbm4b:s3+s26], $0x40, s29, s26, $0xb8;
	[tilespmem:$0x19700] =	vst v63  }
0x2c0: {  	s6 =	simm.s32 $0x2C80;
	s4 =	simm.s32 $0xA8  }
0x2c1: {  	[tilespmem:s6], [sflag:$0x5] =	stream.indirect.gather [hbm4b:s3+s26], $0x40, s4, s26, $0xb8;
	[tilespmem:$0x19700] =	vst v63  }
0x2c2: {  	s7 =	simm.s32 $0xE0;
	s8 =	simm.s32 $0x3900  }
0x2c3: {  	[tilespmem:s8], [sflag:$0x5] =	stream.indirect.gather [hbm4b:s3+s26], $0x40, s7, s26, $0xb8;
	[tilespmem:$0x19700] =	vst v63  }
0x2c4: {  	s9 =	simm.s32 $0x118;
	s10 =	simm.s32 $0x4580  }
0x2c5: {  	[tilespmem:s10], [sflag:$0x5] =	stream.indirect.gather [hbm4b:s3+s26], $0x40, s9, s26, $0xb8;
	[tilespmem:$0x19700] =	vst v63  }
0x2c6: {  	s11 =	simm.s32 $0x150;
	s12 =	simm.s32 $0x5200  }
0x2c7: {  	[tilespmem:s12], [sflag:$0x5] =	stream.indirect.gather [hbm4b:s3+s26], $0x40, s11, s26, $0xb8;
	[tilespmem:$0x19700] =	vst v63  }
0x2c8: {  	s13 =	simm.s32 $0x188;
	s14 =	simm.s32 $0x5E80  }
0x2c9: {  	[tilespmem:s14], [sflag:$0x5] =	stream.indirect.gather [hbm4b:s3+s26], $0x40, s13, s26, $0xb8;
	[tilespmem:$0x19700] =	vst v63  }
0x2ca: {  	_ =	swait.ge [sflag:s1], $0xC80  }
0x2cb: {  	[sflag:s1] =	ssyncset.done $0x0  }
0x2cc: {  	[sflag:s1] =	ssyncadd.s32 $0xFFFFF380  }
0x2cd: {  	_ =	swait.ge [sflag:s1], $0xC80  }
0x2ce: {  	[sflag:s1] =	ssyncset.done $0x0  }
0x2cf: {  	[sflag:s1] =	ssyncadd.s32 $0xFFFFF380  }
0x2d0: {  	_ =	swait.ge [sflag:s1], $0xC80  }
0x2d1: {  	[sflag:s1] =	ssyncset.done $0x0  }
0x2d2: {  	[sflag:s1] =	ssyncadd.s32 $0xFFFFF380  }
0x2d3: {  	_ =	swait.ge [sflag:s1], $0xC80  }
0x2d4: {  	[sflag:s1] =	ssyncset.done $0x0  }
0x2d5: {  	[sflag:s1] =	ssyncadd.s32 $0xFFFFF380  }
0x2d6: {  	_ =	swait.ge [sflag:s1], $0xC80  }
0x2d7: {  	[sflag:s1] =	ssyncset.done $0x0  }
0x2d8: {  	[sflag:s1] =	ssyncadd.s32 $0xFFFFF380  }
0x2d9: {  	_ =	swait.ge [sflag:s1], $0xC80  }
0x2da: {  	[sflag:s1] =	ssyncset.done $0x0  }
0x2db: {  	[sflag:s1] =	ssyncadd.s32 $0xFFFFF380  }
0x2dc: {  	_ =	swait.ge [sflag:s1], $0xC80  }
0x2dd: {  	[sflag:s1] =	ssyncset.done $0x0  }
0x2de: {  	[sflag:s1] =	ssyncadd.s32 $0xFFFFF380  }
0x2df: {  	_ =	swait.ge [sflag:s1], $0xC80  }
0x2e0: {  	[sflag:s1] =	ssyncset.done $0x0  }
0x2e1: {  	s15 =	simm.s32 $0xCF00;
	s13 =	rddreg [dreg:$0xc];
	[sflag:s1] =	ssyncadd.s32 $0xFFFFF380  }
0x2e2: {  	[hbm4b:s13+s28] =	stream.strided.scatter [tilespmem:s15], [sflag:$0xB], $0xC80, s30, s28, $0x38;
	[tilespmem:$0x19700] =	vst v63  }
0x2e3: {  	s16 =	simm.s32 $0xDB80;
	s6 =	sadd.s32 $0x380, s13  }
0x2e4: {  	[hbm4b:s6+s28] =	stream.strided.scatter [tilespmem:s16], [sflag:$0xB], $0xC80, s30, s28, $0x38;
	[tilespmem:$0x19700] =	vst v63  }
0x2e5: {  	s21 =	simm.s32 $0xE800;
	s17 =	sadd.s32 $0x700, s13  }
0x2e6: {  	[hbm4b:s17+s28] =	stream.strided.scatter [tilespmem:s21], [sflag:$0xB], $0xC80, s30, s28, $0x38;
	[tilespmem:$0x19700] =	vst v63  }
0x2e7: {  	s23 =	simm.s32 $0xF480;
	s22 =	sadd.s32 $0xA80, s13  }
0x2e8: {  	[hbm4b:s22+s28] =	stream.strided.scatter [tilespmem:s23], [sflag:$0xB], $0xC80, s30, s28, $0x38;
	[tilespmem:$0x19700] =	vst v63  }
0x2e9: {  	s31 =	simm.s32 $0x10100;
	s29 =	sadd.s32 $0xE00, s13  }
0x2ea: {  	[hbm4b:s29+s28] =	stream.strided.scatter [tilespmem:s31], [sflag:$0xB], $0xC80, s30, s28, $0x38;
	[tilespmem:$0x19700] =	vst v63  }
0x2eb: {  	s5 =	simm.s32 $0x10D80;
	s4 =	sadd.s32 $0x1180, s13  }
0x2ec: {  	[hbm4b:s4+s28] =	stream.strided.scatter [tilespmem:s5], [sflag:$0xB], $0xC80, s30, s28, $0x38;
	[tilespmem:$0x19700] =	vst v63  }
0x2ed: {  	s7 =	sadd.s32 $0x1500, s13;
	s15 =	simm.s32 $0x11A00  }
0x2ee: {  	[hbm4b:s7+s28] =	stream.strided.scatter [tilespmem:s15], [sflag:$0xB], $0xC80, s30, s28, $0x38;
	[tilespmem:$0x19700] =	vst v63  }
0x2ef: {  	s16 =	sadd.s32 $0x1880, s13;
	s17 =	simm.s32 $0x12680  }
0x2f0: {  	[hbm4b:s16+s28] =	stream.strided.scatter [tilespmem:s17], [sflag:$0xB], $0xC80, s30, s28, $0x38;
	[tilespmem:$0x19700] =	vst v63  }
0x2f1: {  	s0 =	simm.s32 $0xA;
	s21 =	rddreg [dreg:$0xd];
	s5 =	simm.s32 $0x380  }
0x2f2: {  	[tilespmem:s5], [sflag:$0x3] =	stream.linear.gather [hbm4b:s21+s25], $0x1C0, $0x38;
	[tilespmem:$0x19700] =	vst v63  }
0x2f3: {  	_ =	swait.ge [sflag:s0], $0x6400  }
0x2f4: {  	[sflag:s0] =	ssyncset.done $0x0  }
0x2f5: {  	s22 =	simm.s32 $0x2;
	[sflag:s0] =	ssyncadd.s32 $0xFFFF9C00  }
0x2f6: {  	_ =	swait.ge [sflag:s22], $0x1C0  }
0x2f7: {  	[sflag:s22] =	ssyncset.done $0x0  }
0x2f8: {  	s23 =	simm.s32 $0x6B00;
	[sflag:s22] =	ssyncadd.s32 $0xFFFFFE40  }
0x2f9: {  	[tilespmem:s23], [sflag:$0x6] =	stream.indirect.gather [hbm4b:s3+s26], $0x40, s18, s26, $0xb8;
	[tilespmem:$0x19700] =	vst v63  }
0x2fa: {  	s29 =	simm.s32 $0x1F8;
	s31 =	simm.s32 $0x7780  }
0x2fb: {  	[tilespmem:s31], [sflag:$0x6] =	stream.indirect.gather [hbm4b:s3+s26], $0x40, s29, s26, $0xb8;
	[tilespmem:$0x19700] =	vst v63  }
0x2fc: {  	s13 =	simm.s32 $0x230;
	s15 =	simm.s32 $0x8400  }
0x2fd: {  	[tilespmem:s15], [sflag:$0x6] =	stream.indirect.gather [hbm4b:s3+s26], $0x40, s13, s26, $0xb8;
	[tilespmem:$0x19700] =	vst v63  }
0x2fe: {  	s16 =	simm.s32 $0x268;
	s17 =	simm.s32 $0x9080  }
0x2ff: {  	[tilespmem:s17], [sflag:$0x6] =	stream.indirect.gather [hbm4b:s3+s26], $0x40, s16, s26, $0xb8;
	[tilespmem:$0x19700] =	vst v63  }
0x300: {  	s21 =	simm.s32 $0x9D00;
	s18 =	simm.s32 $0x2A0  }
0x301: {  	[tilespmem:s21], [sflag:$0x6] =	stream.indirect.gather [hbm4b:s3+s26], $0x40, s18, s26, $0xb8;
	[tilespmem:$0x19700] =	vst v63  }
0x302: {  	s22 =	simm.s32 $0x2D8;
	s23 =	simm.s32 $0xA980  }
0x303: {  	[tilespmem:s23], [sflag:$0x6] =	stream.indirect.gather [hbm4b:s3+s26], $0x40, s22, s26, $0xb8;
	[tilespmem:$0x19700] =	vst v63  }
0x304: {  	s29 =	simm.s32 $0x310;
	s31 =	simm.s32 $0xB600  }
0x305: {  	[tilespmem:s31], [sflag:$0x6] =	stream.indirect.gather [hbm4b:s3+s26], $0x40, s29, s26, $0xb8;
	[tilespmem:$0x19700] =	vst v63  }
0x306: {  	s13 =	simm.s32 $0x348;
	s15 =	simm.s32 $0xC280  }
0x307: {  	[tilespmem:s15], [sflag:$0x6] =	stream.indirect.gather [hbm4b:s3+s26], $0x40, s13, s26, $0xb8;
	[tilespmem:$0x19700] =	vst v63  }
0x308: {  	_ =	swait.ge [sflag:s20], $0xC80  }
0x309: {  	[sflag:s20] =	ssyncset.done $0x0  }
0x30a: {  	[sflag:s20] =	ssyncadd.s32 $0xFFFFF380  }
0x30b: {  	_ =	swait.ge [sflag:s20], $0xC80  }
0x30c: {  	[sflag:s20] =	ssyncset.done $0x0  }
0x30d: {  	[sflag:s20] =	ssyncadd.s32 $0xFFFFF380  }
0x30e: {  	_ =	swait.ge [sflag:s20], $0xC80  }
0x30f: {  	[sflag:s20] =	ssyncset.done $0x0  }
0x310: {  	[sflag:s20] =	ssyncadd.s32 $0xFFFFF380  }
0x311: {  	_ =	swait.ge [sflag:s20], $0xC80  }
0x312: {  	[sflag:s20] =	ssyncset.done $0x0  }
0x313: {  	[sflag:s20] =	ssyncadd.s32 $0xFFFFF380  }
0x314: {  	_ =	swait.ge [sflag:s20], $0xC80  }
0x315: {  	[sflag:s20] =	ssyncset.done $0x0  }
0x316: {  	[sflag:s20] =	ssyncadd.s32 $0xFFFFF380  }
0x317: {  	_ =	swait.ge [sflag:s20], $0xC80  }
0x318: {  	[sflag:s20] =	ssyncset.done $0x0  }
0x319: {  	[sflag:s20] =	ssyncadd.s32 $0xFFFFF380  }
0x31a: {  	_ =	swait.ge [sflag:s20], $0xC80  }
0x31b: {  	[sflag:s20] =	ssyncset.done $0x0  }
0x31c: {  	[sflag:s20] =	ssyncadd.s32 $0xFFFFF380  }
0x31d: {  	_ =	swait.ge [sflag:s20], $0xC80  }
0x31e: {  	[sflag:s20] =	ssyncset.done $0x0  }
0x31f: {  	s15 =	simm.s32 $0x13300;
	s13 =	rddreg [dreg:$0xe];
	[sflag:s20] =	ssyncadd.s32 $0xFFFFF380  }
0x320: {  	[hbm4b:s13+s28] =	stream.strided.scatter [tilespmem:s15], [sflag:$0xC], $0xC80, s30, s28, $0x38;
	[tilespmem:$0x19700] =	vst v63  }
0x321: {  	s29 =	simm.s32 $0x13F80;
	s16 =	sadd.s32 $0x380, s13  }
0x322: {  	[hbm4b:s16+s28] =	stream.strided.scatter [tilespmem:s29], [sflag:$0xC], $0xC80, s30, s28, $0x38;
	[tilespmem:$0x19700] =	vst v63  }
0x323: {  	s31 =	simm.s32 $0x14C00;
	s17 =	sadd.s32 $0x700, s13  }
0x324: {  	[hbm4b:s17+s28] =	stream.strided.scatter [tilespmem:s31], [sflag:$0xC], $0xC80, s30, s28, $0x38;
	[tilespmem:$0x19700] =	vst v63  }
0x325: {  	s18 =	sadd.s32 $0xA80, s13;
	s16 =	simm.s32 $0x15880  }
0x326: {  	[hbm4b:s18+s28] =	stream.strided.scatter [tilespmem:s16], [sflag:$0xC], $0xC80, s30, s28, $0x38;
	[tilespmem:$0x19700] =	vst v63  }
0x327: {  	s21 =	sadd.s32 $0xE00, s13;
	s17 =	simm.s32 $0x16500  }
0x328: {  	[hbm4b:s21+s28] =	stream.strided.scatter [tilespmem:s17], [sflag:$0xC], $0xC80, s30, s28, $0x38;
	[tilespmem:$0x19700] =	vst v63  }
0x329: {  	s22 =	sadd.s32 $0x1180, s13;
	s21 =	simm.s32 $0x17180  }
0x32a: {  	[hbm4b:s22+s28] =	stream.strided.scatter [tilespmem:s21], [sflag:$0xC], $0xC80, s30, s28, $0x38;
	[tilespmem:$0x19700] =	vst v63  }
0x32b: {  	s23 =	sadd.s32 $0x1500, s13;
	s22 =	simm.s32 $0x17E00  }
0x32c: {  	[hbm4b:s23+s28] =	stream.strided.scatter [tilespmem:s22], [sflag:$0xC], $0xC80, s30, s28, $0x38;
	[tilespmem:$0x19700] =	vst v63  }
0x32d: {  	s18 =	sadd.s32 $0x1880, s13;
	s23 =	simm.s32 $0x18A80  }
0x32e: {  	[hbm4b:s18+s28] =	stream.strided.scatter [tilespmem:s23], [sflag:$0xC], $0xC80, s30, s28, $0x38;
	[tilespmem:$0x19700] =	vst v63  }
0x32f: {  	s13 =	rddreg [dreg:$0xf];
	s18 =	simm.s32 $0x540  }
0x330: {  	[tilespmem:s18], [sflag:$0x4] =	stream.linear.gather [hbm4b:s13+s25], $0x1C0, $0x38;
	[tilespmem:$0x19700] =	vst v63  }
0x331: {  	s25 =	simm.s32 $0xB  }
0x332: {  	_ =	swait.ge [sflag:s25], $0x6400  }
0x333: {  	[sflag:s25] =	ssyncset.done $0x0  }
0x334: {  	s13 =	simm.s32 $0x3;
	[sflag:s25] =	ssyncadd.s32 $0xFFFF9C00  }
0x335: {  	_ =	swait.ge [sflag:s13], $0x1C0  }
0x336: {  	[sflag:s13] =	ssyncset.done $0x0  }
0x337: {  	s14 =	simm.s32 $0xCF00;
	[sflag:s13] =	ssyncadd.s32 $0xFFFFFE40  }
0x338: {  	[tilespmem:s14], [sflag:$0x7] =	stream.indirect.gather [hbm4b:s3+s26], $0x40, s5, s26, $0xb8;
	[tilespmem:$0x19700] =	vst v63  }
0x339: {  	s12 =	simm.s32 $0xDB80;
	s14 =	simm.s32 $0x3B8  }
0x33a: {  	[tilespmem:s12], [sflag:$0x7] =	stream.indirect.gather [hbm4b:s3+s26], $0x40, s14, s26, $0xb8;
	[tilespmem:$0x19700] =	vst v63  }
0x33b: {  	s11 =	simm.s32 $0xE800;
	s6 =	simm.s32 $0x3F0  }
0x33c: {  	[tilespmem:s11], [sflag:$0x7] =	stream.indirect.gather [hbm4b:s3+s26], $0x40, s6, s26, $0xb8;
	[tilespmem:$0x19700] =	vst v63  }
0x33d: {  	s10 =	simm.s32 $0xF480;
	s11 =	simm.s32 $0x428  }
0x33e: {  	[tilespmem:s10], [sflag:$0x7] =	stream.indirect.gather [hbm4b:s3+s26], $0x40, s11, s26, $0xb8;
	[tilespmem:$0x19700] =	vst v63  }
0x33f: {  	s9 =	simm.s32 $0x10100;
	s13 =	simm.s32 $0x460  }
0x340: {  	[tilespmem:s9], [sflag:$0x7] =	stream.indirect.gather [hbm4b:s3+s26], $0x40, s13, s26, $0xb8;
	[tilespmem:$0x19700] =	vst v63  }
0x341: {  	s8 =	simm.s32 $0x10D80;
	s6 =	simm.s32 $0x498  }
0x342: {  	[tilespmem:s8], [sflag:$0x7] =	stream.indirect.gather [hbm4b:s3+s26], $0x40, s6, s26, $0xb8;
	[tilespmem:$0x19700] =	vst v63  }
0x343: {  	s7 =	simm.s32 $0x11A00;
	s8 =	simm.s32 $0x4D0  }
0x344: {  	[tilespmem:s7], [sflag:$0x7] =	stream.indirect.gather [hbm4b:s3+s26], $0x40, s8, s26, $0xb8;
	[tilespmem:$0x19700] =	vst v63  }
0x345: {  	s4 =	simm.s32 $0x12680;
	s13 =	simm.s32 $0x508  }
0x346: {  	[tilespmem:s4], [sflag:$0x7] =	stream.indirect.gather [hbm4b:s3+s26], $0x40, s13, s26, $0xb8;
	[tilespmem:$0x19700] =	vst v63  }
0x347: {  	_ =	swait.ge [sflag:s24], $0xC80  }
0x348: {  	[sflag:s24] =	ssyncset.done $0x0  }
0x349: {  	[sflag:s24] =	ssyncadd.s32 $0xFFFFF380  }
0x34a: {  	_ =	swait.ge [sflag:s24], $0xC80  }
0x34b: {  	[sflag:s24] =	ssyncset.done $0x0  }
0x34c: {  	[sflag:s24] =	ssyncadd.s32 $0xFFFFF380  }
0x34d: {  	_ =	swait.ge [sflag:s24], $0xC80  }
0x34e: {  	[sflag:s24] =	ssyncset.done $0x0  }
0x34f: {  	[sflag:s24] =	ssyncadd.s32 $0xFFFFF380  }
0x350: {  	_ =	swait.ge [sflag:s24], $0xC80  }
0x351: {  	[sflag:s24] =	ssyncset.done $0x0  }
0x352: {  	[sflag:s24] =	ssyncadd.s32 $0xFFFFF380  }
0x353: {  	_ =	swait.ge [sflag:s24], $0xC80  }
0x354: {  	[sflag:s24] =	ssyncset.done $0x0  }
0x355: {  	[sflag:s24] =	ssyncadd.s32 $0xFFFFF380  }
0x356: {  	_ =	swait.ge [sflag:s24], $0xC80  }
0x357: {  	[sflag:s24] =	ssyncset.done $0x0  }
0x358: {  	[sflag:s24] =	ssyncadd.s32 $0xFFFFF380  }
0x359: {  	_ =	swait.ge [sflag:s24], $0xC80  }
0x35a: {  	[sflag:s24] =	ssyncset.done $0x0  }
0x35b: {  	[sflag:s24] =	ssyncadd.s32 $0xFFFFF380  }
0x35c: {  	_ =	swait.ge [sflag:s24], $0xC80  }
0x35d: {  	[sflag:s24] =	ssyncset.done $0x0  }
0x35e: {  	s6 =	simm.s32 $0x700;
	s13 =	rddreg [dreg:$0x10];
	[sflag:s24] =	ssyncadd.s32 $0xFFFFF380  }
0x35f: {  	[hbm4b:s13+s28] =	stream.strided.scatter [tilespmem:s6], [sflag:$0x9], $0xC80, s30, s28, $0x38;
	[tilespmem:$0x19700] =	vst v63  }
0x360: {  	s5 =	simm.s32 $0x1380;
	s4 =	sadd.s32 $0x380, s13  }
0x361: {  	[hbm4b:s4+s28] =	stream.strided.scatter [tilespmem:s5], [sflag:$0x9], $0xC80, s30, s28, $0x38;
	[tilespmem:$0x19700] =	vst v63  }
0x362: {  	s4 =	sadd.s32 $0x700, s13;
	s5 =	simm.s32 $0x2000  }
0x363: {  	[hbm4b:s4+s28] =	stream.strided.scatter [tilespmem:s5], [sflag:$0x9], $0xC80, s30, s28, $0x38;
	[tilespmem:$0x19700] =	vst v63  }
0x364: {  	s4 =	sadd.s32 $0xA80, s13;
	s5 =	simm.s32 $0x2C80  }
0x365: {  	[hbm4b:s4+s28] =	stream.strided.scatter [tilespmem:s5], [sflag:$0x9], $0xC80, s30, s28, $0x38;
	[tilespmem:$0x19700] =	vst v63  }
0x366: {  	s4 =	sadd.s32 $0xE00, s13;
	s5 =	simm.s32 $0x3900  }
0x367: {  	[hbm4b:s4+s28] =	stream.strided.scatter [tilespmem:s5], [sflag:$0x9], $0xC80, s30, s28, $0x38;
	[tilespmem:$0x19700] =	vst v63  }
0x368: {  	s4 =	sadd.s32 $0x1180, s13;
	s5 =	simm.s32 $0x4580  }
0x369: {  	[hbm4b:s4+s28] =	stream.strided.scatter [tilespmem:s5], [sflag:$0x9], $0xC80, s30, s28, $0x38;
	[tilespmem:$0x19700] =	vst v63  }
0x36a: {  	s4 =	sadd.s32 $0x1500, s13;
	s5 =	simm.s32 $0x5200  }
0x36b: {  	[hbm4b:s4+s28] =	stream.strided.scatter [tilespmem:s5], [sflag:$0x9], $0xC80, s30, s28, $0x38;
	[tilespmem:$0x19700] =	vst v63  }
0x36c: {  	s4 =	sadd.s32 $0x1880, s13;
	s5 =	simm.s32 $0x5E80  }
0x36d: {  	[hbm4b:s4+s28] =	stream.strided.scatter [tilespmem:s5], [sflag:$0x9], $0xC80, s30, s28, $0x38;
	[tilespmem:$0x19700] =	vst v63  }
0x36e: {  	s5 =	simm.s32 $0xC  }
0x36f: {  	_ =	swait.ge [sflag:s5], $0x6400  }
0x370: {  	[sflag:s5] =	ssyncset.done $0x0  }
0x371: {  	s6 =	simm.s32 $0x4;
	[sflag:s5] =	ssyncadd.s32 $0xFFFF9C00  }
0x372: {  	_ =	swait.ge [sflag:s6], $0x1C0  }
0x373: {  	[sflag:s6] =	ssyncset.done $0x0  }
0x374: {  	[sflag:s6] =	ssyncadd.s32 $0xFFFFFE40  }
0x375: {  	[tilespmem:s15], [sflag:$0x8] =	stream.indirect.gather [hbm4b:s3+s26], $0x40, s18, s26, $0xb8;
	[tilespmem:$0x19700] =	vst v63  }
0x376: {  	s13 =	simm.s32 $0x578  }
0x377: {  	[tilespmem:s29], [sflag:$0x8] =	stream.indirect.gather [hbm4b:s3+s26], $0x40, s13, s26, $0xb8;
	[tilespmem:$0x19700] =	vst v63  }
0x378: {  	s18 =	simm.s32 $0x5B0  }
0x379: {  	[tilespmem:s31], [sflag:$0x8] =	stream.indirect.gather [hbm4b:s3+s26], $0x40, s18, s26, $0xb8;
	[tilespmem:$0x19700] =	vst v63  }
0x37a: {  	s6 =	simm.s32 $0x5E8  }
0x37b: {  	[tilespmem:s16], [sflag:$0x8] =	stream.indirect.gather [hbm4b:s3+s26], $0x40, s6, s26, $0xb8;
	[tilespmem:$0x19700] =	vst v63  }
0x37c: {  	s13 =	simm.s32 $0x620  }
0x37d: {  	[tilespmem:s17], [sflag:$0x8] =	stream.indirect.gather [hbm4b:s3+s26], $0x40, s13, s26, $0xb8;
	[tilespmem:$0x19700] =	vst v63  }
0x37e: {  	s18 =	simm.s32 $0x658  }
0x37f: {  	[tilespmem:s21], [sflag:$0x8] =	stream.indirect.gather [hbm4b:s3+s26], $0x40, s18, s26, $0xb8;
	[tilespmem:$0x19700] =	vst v63  }
0x380: {  	s6 =	simm.s32 $0x690  }
0x381: {  	[tilespmem:s22], [sflag:$0x8] =	stream.indirect.gather [hbm4b:s3+s26], $0x40, s6, s26, $0xb8;
	[tilespmem:$0x19700] =	vst v63  }
0x382: {  	s13 =	simm.s32 $0x6C8  }
0x383: {  	[tilespmem:s23], [sflag:$0x8] =	stream.indirect.gather [hbm4b:s3+s26], $0x40, s13, s26, $0xb8;
	[tilespmem:$0x19700] =	vst v63  }
0x384: {  	_ =	swait.ge [sflag:s19], $0xC80  }
0x385: {  	[sflag:s19] =	ssyncset.done $0x0  }
0x386: {  	[sflag:s19] =	ssyncadd.s32 $0xFFFFF380  }
0x387: {  	_ =	swait.ge [sflag:s19], $0xC80  }
0x388: {  	[sflag:s19] =	ssyncset.done $0x0  }
0x389: {  	[sflag:s19] =	ssyncadd.s32 $0xFFFFF380  }
0x38a: {  	_ =	swait.ge [sflag:s19], $0xC80  }
0x38b: {  	[sflag:s19] =	ssyncset.done $0x0  }
0x38c: {  	[sflag:s19] =	ssyncadd.s32 $0xFFFFF380  }
0x38d: {  	_ =	swait.ge [sflag:s19], $0xC80  }
0x38e: {  	[sflag:s19] =	ssyncset.done $0x0  }
0x38f: {  	[sflag:s19] =	ssyncadd.s32 $0xFFFFF380  }
0x390: {  	_ =	swait.ge [sflag:s19], $0xC80  }
0x391: {  	[sflag:s19] =	ssyncset.done $0x0  }
0x392: {  	[sflag:s19] =	ssyncadd.s32 $0xFFFFF380  }
0x393: {  	_ =	swait.ge [sflag:s19], $0xC80  }
0x394: {  	[sflag:s19] =	ssyncset.done $0x0  }
0x395: {  	[sflag:s19] =	ssyncadd.s32 $0xFFFFF380  }
0x396: {  	_ =	swait.ge [sflag:s19], $0xC80  }
0x397: {  	[sflag:s19] =	ssyncset.done $0x0  }
0x398: {  	[sflag:s19] =	ssyncadd.s32 $0xFFFFF380  }
0x399: {  	_ =	swait.ge [sflag:s19], $0xC80  }
0x39a: {  	[sflag:s19] =	ssyncset.done $0x0  }
0x39b: {  	s18 =	simm.s32 $0x6B00;
	s13 =	rddreg [dreg:$0x11];
	[sflag:s19] =	ssyncadd.s32 $0xFFFFF380  }
0x39c: {  	[hbm4b:s13+s28] =	stream.strided.scatter [tilespmem:s18], [sflag:$0xA], $0xC80, s30, s28, $0x38;
	[tilespmem:$0x19700] =	vst v63  }
0x39d: {  	s4 =	sadd.s32 $0x380, s13;
	s18 =	simm.s32 $0x7780  }
0x39e: {  	[hbm4b:s4+s28] =	stream.strided.scatter [tilespmem:s18], [sflag:$0xA], $0xC80, s30, s28, $0x38;
	[tilespmem:$0x19700] =	vst v63  }
0x39f: {  	s4 =	sadd.s32 $0x700, s13;
	s18 =	simm.s32 $0x8400  }
0x3a0: {  	[hbm4b:s4+s28] =	stream.strided.scatter [tilespmem:s18], [sflag:$0xA], $0xC80, s30, s28, $0x38;
	[tilespmem:$0x19700] =	vst v63  }
0x3a1: {  	s4 =	sadd.s32 $0xA80, s13;
	s18 =	simm.s32 $0x9080  }
0x3a2: {  	[hbm4b:s4+s28] =	stream.strided.scatter [tilespmem:s18], [sflag:$0xA], $0xC80, s30, s28, $0x38;
	[tilespmem:$0x19700] =	vst v63  }
0x3a3: {  	s4 =	sadd.s32 $0xE00, s13;
	s18 =	simm.s32 $0x9D00  }
0x3a4: {  	[hbm4b:s4+s28] =	stream.strided.scatter [tilespmem:s18], [sflag:$0xA], $0xC80, s30, s28, $0x38;
	[tilespmem:$0x19700] =	vst v63  }
0x3a5: {  	s4 =	sadd.s32 $0x1180, s13;
	s18 =	simm.s32 $0xA980  }
0x3a6: {  	[hbm4b:s4+s28] =	stream.strided.scatter [tilespmem:s18], [sflag:$0xA], $0xC80, s30, s28, $0x38;
	[tilespmem:$0x19700] =	vst v63  }
0x3a7: {  	s4 =	sadd.s32 $0x1500, s13;
	s18 =	simm.s32 $0xB600  }
0x3a8: {  	[hbm4b:s4+s28] =	stream.strided.scatter [tilespmem:s18], [sflag:$0xA], $0xC80, s30, s28, $0x38;
	[tilespmem:$0x19700] =	vst v63  }
0x3a9: {  	s13 =	sadd.s32 $0x1880, s13;
	s18 =	simm.s32 $0xC280  }
0x3aa: {  	[hbm4b:s13+s28] =	stream.strided.scatter [tilespmem:s18], [sflag:$0xA], $0xC80, s30, s28, $0x38;
	[tilespmem:$0x19700] =	vst v63  }
0x3ab: {  	_ =	swait.ge [sflag:s1], $0xC80  }
0x3ac: {  	[sflag:s1] =	ssyncset.done $0x0  }
0x3ad: {  	[sflag:s1] =	ssyncadd.s32 $0xFFFFF380  }
0x3ae: {  	_ =	swait.ge [sflag:s1], $0xC80  }
0x3af: {  	[sflag:s1] =	ssyncset.done $0x0  }
0x3b0: {  	[sflag:s1] =	ssyncadd.s32 $0xFFFFF380  }
0x3b1: {  	_ =	swait.ge [sflag:s1], $0xC80  }
0x3b2: {  	[sflag:s1] =	ssyncset.done $0x0  }
0x3b3: {  	[sflag:s1] =	ssyncadd.s32 $0xFFFFF380  }
0x3b4: {  	_ =	swait.ge [sflag:s1], $0xC80  }
0x3b5: {  	[sflag:s1] =	ssyncset.done $0x0  }
0x3b6: {  	[sflag:s1] =	ssyncadd.s32 $0xFFFFF380  }
0x3b7: {  	_ =	swait.ge [sflag:s1], $0xC80  }
0x3b8: {  	[sflag:s1] =	ssyncset.done $0x0  }
0x3b9: {  	[sflag:s1] =	ssyncadd.s32 $0xFFFFF380  }
0x3ba: {  	_ =	swait.ge [sflag:s1], $0xC80  }
0x3bb: {  	[sflag:s1] =	ssyncset.done $0x0  }
0x3bc: {  	[sflag:s1] =	ssyncadd.s32 $0xFFFFF380  }
0x3bd: {  	_ =	swait.ge [sflag:s1], $0xC80  }
0x3be: {  	[sflag:s1] =	ssyncset.done $0x0  }
0x3bf: {  	[sflag:s1] =	ssyncadd.s32 $0xFFFFF380  }
0x3c0: {  	_ =	swait.ge [sflag:s1], $0xC80  }
0x3c1: {  	[sflag:s1] =	ssyncset.done $0x0  }
0x3c2: {  	s6 =	simm.s32 $0xCF00;
	s13 =	rddreg [dreg:$0x12];
	[sflag:s1] =	ssyncadd.s32 $0xFFFFF380  }
0x3c3: {  	[hbm4b:s13+s28] =	stream.strided.scatter [tilespmem:s6], [sflag:$0xB], $0xC80, s30, s28, $0x38;
	[tilespmem:$0x19700] =	vst v63  }
0x3c4: {  	s14 =	simm.s32 $0xDB80;
	s18 =	sadd.s32 $0x380, s13  }
0x3c5: {  	[hbm4b:s18+s28] =	stream.strided.scatter [tilespmem:s14], [sflag:$0xB], $0xC80, s30, s28, $0x38;
	[tilespmem:$0x19700] =	vst v63  }
0x3c6: {  	s12 =	simm.s32 $0xE800;
	s4 =	sadd.s32 $0x700, s13  }
0x3c7: {  	[hbm4b:s4+s28] =	stream.strided.scatter [tilespmem:s12], [sflag:$0xB], $0xC80, s30, s28, $0x38;
	[tilespmem:$0x19700] =	vst v63  }
0x3c8: {  	s10 =	simm.s32 $0xF480;
	s14 =	sadd.s32 $0xA80, s13  }
0x3c9: {  	[hbm4b:s14+s28] =	stream.strided.scatter [tilespmem:s10], [sflag:$0xB], $0xC80, s30, s28, $0x38;
	[tilespmem:$0x19700] =	vst v63  }
0x3ca: {  	s11 =	simm.s32 $0x10100;
	s18 =	sadd.s32 $0xE00, s13  }
0x3cb: {  	[hbm4b:s18+s28] =	stream.strided.scatter [tilespmem:s11], [sflag:$0xB], $0xC80, s30, s28, $0x38;
	[tilespmem:$0x19700] =	vst v63  }
0x3cc: {  	s9 =	simm.s32 $0x10D80;
	s4 =	sadd.s32 $0x1180, s13  }
0x3cd: {  	[hbm4b:s4+s28] =	stream.strided.scatter [tilespmem:s9], [sflag:$0xB], $0xC80, s30, s28, $0x38;
	[tilespmem:$0x19700] =	vst v63  }
0x3ce: {  	s8 =	simm.s32 $0x11A00;
	s9 =	sadd.s32 $0x1500, s13  }
0x3cf: {  	[hbm4b:s9+s28] =	stream.strided.scatter [tilespmem:s8], [sflag:$0xB], $0xC80, s30, s28, $0x38;
	[tilespmem:$0x19700] =	vst v63  }
0x3d0: {  	s7 =	simm.s32 $0x12680;
	s10 =	sadd.s32 $0x1880, s13  }
0x3d1: {  	[hbm4b:s10+s28] =	stream.strided.scatter [tilespmem:s7], [sflag:$0xB], $0xC80, s30, s28, $0x38;
	[tilespmem:$0x19700] =	vst v63  }
0x3d2: {  	_ =	swait.ge [sflag:s20], $0xC80  }
0x3d3: {  	[sflag:s20] =	ssyncset.done $0x0  }
0x3d4: {  	[sflag:s20] =	ssyncadd.s32 $0xFFFFF380  }
0x3d5: {  	_ =	swait.ge [sflag:s20], $0xC80  }
0x3d6: {  	[sflag:s20] =	ssyncset.done $0x0  }
0x3d7: {  	[sflag:s20] =	ssyncadd.s32 $0xFFFFF380  }
0x3d8: {  	_ =	swait.ge [sflag:s20], $0xC80  }
0x3d9: {  	[sflag:s20] =	ssyncset.done $0x0  }
0x3da: {  	[sflag:s20] =	ssyncadd.s32 $0xFFFFF380  }
0x3db: {  	_ =	swait.ge [sflag:s20], $0xC80  }
0x3dc: {  	[sflag:s20] =	ssyncset.done $0x0  }
0x3dd: {  	[sflag:s20] =	ssyncadd.s32 $0xFFFFF380  }
0x3de: {  	_ =	swait.ge [sflag:s20], $0xC80  }
0x3df: {  	[sflag:s20] =	ssyncset.done $0x0  }
0x3e0: {  	[sflag:s20] =	ssyncadd.s32 $0xFFFFF380  }
0x3e1: {  	_ =	swait.ge [sflag:s20], $0xC80  }
0x3e2: {  	[sflag:s20] =	ssyncset.done $0x0  }
0x3e3: {  	[sflag:s20] =	ssyncadd.s32 $0xFFFFF380  }
0x3e4: {  	_ =	swait.ge [sflag:s20], $0xC80  }
0x3e5: {  	[sflag:s20] =	ssyncset.done $0x0  }
0x3e6: {  	[sflag:s20] =	ssyncadd.s32 $0xFFFFF380  }
0x3e7: {  	_ =	swait.ge [sflag:s20], $0xC80  }
0x3e8: {  	[sflag:s20] =	ssyncset.done $0x0  }
0x3e9: {  	s11 =	rddreg [dreg:$0x13];
	[sflag:s20] =	ssyncadd.s32 $0xFFFFF380  }
0x3ea: {  	[hbm4b:s11+s28] =	stream.strided.scatter [tilespmem:s15], [sflag:$0xC], $0xC80, s30, s28, $0x38;
	[tilespmem:$0x19700] =	vst v63  }
0x3eb: {  	s12 =	sadd.s32 $0x380, s11  }
0x3ec: {  	[hbm4b:s12+s28] =	stream.strided.scatter [tilespmem:s29], [sflag:$0xC], $0xC80, s30, s28, $0x38;
	[tilespmem:$0x19700] =	vst v63  }
0x3ed: {  	s14 =	sadd.s32 $0x700, s11  }
0x3ee: {  	[hbm4b:s14+s28] =	stream.strided.scatter [tilespmem:s31], [sflag:$0xC], $0xC80, s30, s28, $0x38;
	[tilespmem:$0x19700] =	vst v63  }
0x3ef: {  	s15 =	sadd.s32 $0xA80, s11  }
0x3f0: {  	[hbm4b:s15+s28] =	stream.strided.scatter [tilespmem:s16], [sflag:$0xC], $0xC80, s30, s28, $0x38;
	[tilespmem:$0x19700] =	vst v63  }
0x3f1: {  	s16 =	sadd.s32 $0xE00, s11  }
0x3f2: {  	[hbm4b:s16+s28] =	stream.strided.scatter [tilespmem:s17], [sflag:$0xC], $0xC80, s30, s28, $0x38;
	[tilespmem:$0x19700] =	vst v63  }
0x3f3: {  	s18 =	sadd.s32 $0x1180, s11  }
0x3f4: {  	[hbm4b:s18+s28] =	stream.strided.scatter [tilespmem:s21], [sflag:$0xC], $0xC80, s30, s28, $0x38;
	[tilespmem:$0x19700] =	vst v63  }
0x3f5: {  	s21 =	sadd.s32 $0x1500, s11  }
0x3f6: {  	[hbm4b:s21+s28] =	stream.strided.scatter [tilespmem:s22], [sflag:$0xC], $0xC80, s30, s28, $0x38;
	[tilespmem:$0x19700] =	vst v63  }
0x3f7: {  	s22 =	sadd.s32 $0x1880, s11  }
0x3f8: {  	[hbm4b:s22+s28] =	stream.strided.scatter [tilespmem:s23], [sflag:$0xC], $0xC80, s30, s28, $0x38;
	[tilespmem:$0x19700] =	vst v63  }
0x3f9: {  	_ =	swait.ge [sflag:s2], $0x6400  }
0x3fa: {  	[sflag:s2] =	ssyncset.done $0x0  }
0x3fb: {  	[sflag:s2] =	ssyncadd.s32 $0xFFFF9C00  }
0x3fc: {  	_ =	swait.ge [sflag:s0], $0x6400  }
0x3fd: {  	[sflag:s0] =	ssyncset.done $0x0  }
0x3fe: {  	[sflag:s0] =	ssyncadd.s32 $0xFFFF9C00  }
0x3ff: {  	_ =	swait.ge [sflag:s25], $0x6400  }
0x400: {  	[sflag:s25] =	ssyncset.done $0x0  }
0x401: {  	[sflag:s25] =	ssyncadd.s32 $0xFFFF9C00  }
0x402: {  	_ =	swait.ge [sflag:s5], $0x6400  }
0x403: {  	s29 =	rddreg [dreg:$0x16]  }
0x404: {  	s31 =	rddreg [dreg:$0x14];
	s0 =	sadd.s32 $0x1, s29  }
0x405: {  	p0 =	sne.s32 s0, s31  }
.Ltmp1:
0x406: {  	_ = 	snop;
	(pc) =	sbr.rel @p0 .LBB2_1-.Ltmp1, $3  }
0x407: {  	_ =	sdelay $0x1  }
0x408: {  	[sflag:s5] =	ssyncset.done $0x0  }
0x409: {  	[sflag:s5] =	ssyncadd.s32 $0xFFFF9C00  }
0x40a: {  	_ =	sfence.sel $0x180000  }
0x40b: {  	[bflag:$0x0] =	sbarrier.arrive $0xFFFF  }
0x40c: {  	_ =	strace $0x90000047  }
0x40d: {  	s0 =	stileid.u32;
	[bflag:$0x2] =	sbarrier.arrive $0xFFFF  }
0x40e: {  	p0 =	sne.s32 s0, $0x0;
	s0 =	rddreg [dreg:$0x2]  }
0x40f: {  	s0 =	sadd.s32 @!p0 $0x100000, s0  }
0x410: {  	[sflag:s0] =	ssyncadd.tile.s32 @!p0 $0x1;
	_ =	shalt  }
.Lfunc_end2:
_tile_overlayer_lowered:
.L_overlay_start_2:
0x411: {  	(tag) =	ssettag $0x2  }
0x412: {  	s0 =	rddreg [dreg:$0x0];
	s2 =	stileid.u32  }
0x413: {  	s1 =	rddreg [dreg:$0x1];
	p0 =	sne.s32 s2, $0x0  }
0x414: {  	s3 =	rddreg [dreg:$0x2];
	[bflag:$0x3] =	sbarrier.arrive $0xFFFF;
	s2 =	simm.s32 @!p0 $0x1C0D  }
0x415: {  	[timem:s3], [sflag:s2] =	dma.local @!p0 [hbm:s0], s1  }
0x416: {  	s0 =	simm.s32 @!p0 $0xD  }
0x417: {  	_ =	swait.ge @!p0 [sflag:s0], s1  }
0x418: {  	s1 =	ssub.s32 @!p0 $0x0, s1;
	[sflag:s0] =	ssyncset.done @!p0 $0x0  }
0x419: {  	[sflag:s0] =	ssyncadd.s32 @!p0 s1  }
0x41a: {  	[bflag:$0x3] =	sbarrier.arrive $0xFFFF  }
0x41b: {  	_ =	shalt  }

</sc_bundles>
